<compile_context>
chip_gen: v7x
topology: tpu7x:2x2x1
jax: 0.10.2.dev20260603
libtpu: 0.0.44.dev20260713+nightly
codegen_flags: <defaults>
</compile_context>

<pallas_src>
import functools

import jax
import jax.numpy as jnp
from jax import lax
from jax.experimental import pallas as pl
from jax.experimental.pallas import tpu as pltpu
from jax.experimental.pallas import tpu_sc as plsc

N = 10000
NP = 10240
E = 320000
EP = 327680
D = 128
NC = 2
NS = 16
NW = NC * NS
EPW = EP // NW
CH = 64
NCH = EPW // CH
NBUF = 4
RPS = NP // NS
BLK = 2000
NBLK = N // BLK


def _make_sc_segment_sum(width, with_cnt, nbuf=NBUF):
  mesh = plsc.VectorSubcoreMesh(core_axis_name="c", subcore_axis_name="s")
  out_type = [jax.ShapeDtypeStruct((NC, NP, D), jnp.float32)]
  scratch = [
      pltpu.VMEM((nbuf, CH), jnp.int32),
      pltpu.VMEM((nbuf, CH), jnp.int32),
      pltpu.VMEM((nbuf, CH, width), jnp.float32),
      pltpu.VMEM_SHARED((NP, width), jnp.float32),
  ] + [pltpu.SemaphoreType.DMA] * (4 * nbuf)
  if with_cnt:
    out_type.append(jax.ShapeDtypeStruct((NC, NP, 16), jnp.float32))

  @functools.partial(
      pl.kernel,
      out_type=out_type,
      mesh=mesh,
      scratch_types=scratch,
      compiler_params=pltpu.CompilerParams(use_tc_tiling_on_sc=False),
  )
  def seg_sum(x_hbm, e_hbm, *rest):
    if with_cnt:
      feat_hbm, cnt_hbm, srcb, dstb, rows, acc = rest[:6]
      sems = rest[6:]
    else:
      feat_hbm, srcb, dstb, rows, acc = rest[:5]
      sems = rest[5:]
      cnt_hbm = None
    gsem = sems[0:nbuf]
    ssem = sems[nbuf:2 * nbuf]
    sfsem = sems[2 * nbuf:3 * nbuf]
    dfsem = sems[3 * nbuf:4 * nbuf]
    c = lax.axis_index("c")
    s = lax.axis_index("s")
    wid = s * NC + c
    cbase = wid * NCH

    @pl.loop(0, CH)
    def _(r):
      for k in range(width // 16):
        rows[0, r, pl.ds(k * 16, 16)] = jnp.zeros((16,), jnp.float32)

    for t in range(RPS // CH):
      pltpu.sync_copy(rows.at[0], acc.at[pl.ds(s * RPS + t * CH, CH)])
    plsc.subcore_barrier()

    def src_fetch(j, b):
      pltpu.async_copy(e_hbm.at[0, cbase + j], srcb.at[b], sfsem[b])

    def src_wait(j, b):
      pltpu.make_async_copy(e_hbm.at[0, cbase + j], srcb.at[b],
                            sfsem[b]).wait()

    def dst_fetch(j, b):
      pltpu.async_copy(e_hbm.at[1, cbase + j], dstb.at[b], dfsem[b])

    def dst_wait(j, b):
      pltpu.make_async_copy(e_hbm.at[1, cbase + j], dstb.at[b],
                            dfsem[b]).wait()

    def gather_start(b):
      pltpu.async_copy(x_hbm.at[srcb.at[b]], rows.at[b], gsem[b])

    def gather_wait(b):
      pltpu.make_async_copy(x_hbm.at[srcb.at[b]], rows.at[b],
                            gsem[b]).wait()

    def scatter_start(b):
      pltpu.async_copy(rows.at[b], acc.at[dstb.at[b]], ssem[b], add=True)

    def scatter_wait(b):
      pltpu.make_async_copy(rows.at[b], acc.at[dstb.at[b]],
                            ssem[b]).wait()

    ng = 3
    nsc = nbuf - ng
    for t in range(ng):
      pltpu.sync_copy(e_hbm.at[0, cbase + t], srcb.at[t])
    for t in range(2):
      pltpu.sync_copy(e_hbm.at[1, cbase + t], dstb.at[t])
    for t in range(ng):
      gather_start(t)
    src_fetch(ng, ng)
    for t in range(2, nbuf):
      dst_fetch(t, t)

    @pl.loop(0, NCH, step=nbuf)
    def _(j):
      for u in range(nbuf):
        jj = j + u
        b = u
        bg = (u + ng) % nbuf
        bs = (u + ng + 1) % nbuf
        gather_wait(b)

        @pl.when(jj >= 2)
        def _():
          dst_wait(jj, b)

        scatter_start(b)

        @pl.when(jj >= nsc)
        def _():
          scatter_wait(bg)
          @pl.when(jj < NCH - ng)
          def _():
            dst_fetch(jj + ng, bg)

        @pl.when(jj < NCH - ng)
        def _():
          src_wait(jj + ng, bg)
          gather_start(bg)

        @pl.when(jj < NCH - ng - 1)
        def _():
          src_fetch(jj + ng + 1, bs)

    for t in range(nsc):
      scatter_wait((NCH - nsc + t) % nbuf)
    plsc.subcore_barrier()
    if with_cnt:
      pltpu.sync_copy(acc.at[pl.ds(s * RPS, RPS), pl.ds(0, D)],
                      feat_hbm.at[c, pl.ds(s * RPS, RPS)])
      pltpu.sync_copy(acc.at[pl.ds(s * RPS, RPS), pl.ds(D, 16)],
                      cnt_hbm.at[c, pl.ds(s * RPS, RPS)])
    else:
      pltpu.sync_copy(acc.at[pl.ds(s * RPS, RPS)],
                      feat_hbm.at[c, pl.ds(s * RPS, RPS)])

  return seg_sum


_seg_sum_cnt = _make_sc_segment_sum(D + 16, with_cnt=True, nbuf=4)
_seg_sum_plain = _make_sc_segment_sum(D, with_cnt=False, nbuf=5)


def _tc_layer0(p, cntp, x, wl_t, wr_t, b):
  def body(p0_ref, p1_ref, c0_ref, c1_ref, x_ref, wl_ref, wr_ref, b_ref,
           h_ref, inv_ref):
    feat = p0_ref[0] + p1_ref[0]
    cnt = (c0_ref[0] + c1_ref[0])[:, 0:1]
    inv = 1.0 / jnp.maximum(cnt, 1.0)
    h = (jnp.dot(feat * inv, wl_ref[...], preferred_element_type=jnp.float32,
                 precision=lax.Precision.HIGHEST)
         + b_ref[...]
         + jnp.dot(x_ref[...], wr_ref[...], preferred_element_type=jnp.float32,
                   precision=lax.Precision.HIGHEST))
    h_ref[...] = jnp.maximum(h, 0.0)
    inv_ref[...] = jnp.broadcast_to(inv, (BLK, 8))

  return pl.pallas_call(
      body,
      grid=(NBLK,),
      in_specs=[
          pl.BlockSpec((1, BLK, D), lambda i: (0, i, 0)),
          pl.BlockSpec((1, BLK, D), lambda i: (1, i, 0)),
          pl.BlockSpec((1, BLK, 16), lambda i: (0, i, 0)),
          pl.BlockSpec((1, BLK, 16), lambda i: (1, i, 0)),
          pl.BlockSpec((BLK, D), lambda i: (i, 0)),
          pl.BlockSpec((D, D), lambda i: (0, 0)),
          pl.BlockSpec((D, D), lambda i: (0, 0)),
          pl.BlockSpec((1, D), lambda i: (0, 0)),
      ],
      out_specs=[
          pl.BlockSpec((BLK, D), lambda i: (i, 0)),
          pl.BlockSpec((BLK, 8), lambda i: (i, 0)),
      ],
      out_shape=[
          jax.ShapeDtypeStruct((N, D), jnp.float32),
          jax.ShapeDtypeStruct((N, 8), jnp.float32),
      ],
  )(p, p, cntp, cntp, x, wl_t, wr_t, b)


def _tc_layer1(q, h0, inv8, wl_t, wr_t, b):
  def body(q0_ref, q1_ref, h_ref, inv_ref, wl_ref, wr_ref, b_ref, o_ref):
    qa = q0_ref[0] + q1_ref[0]
    inv = inv_ref[...][:, 0:1]
    o = (jnp.dot(qa * inv, wl_ref[...], preferred_element_type=jnp.float32,
                 precision=lax.Precision.HIGHEST)
         + b_ref[...]
         + jnp.dot(h_ref[...], wr_ref[...], preferred_element_type=jnp.float32,
                   precision=lax.Precision.HIGHEST))
    o_ref[...] = jnp.maximum(o, 0.0)

  return pl.pallas_call(
      body,
      grid=(NBLK,),
      in_specs=[
          pl.BlockSpec((1, BLK, D), lambda i: (0, i, 0)),
          pl.BlockSpec((1, BLK, D), lambda i: (1, i, 0)),
          pl.BlockSpec((BLK, D), lambda i: (i, 0)),
          pl.BlockSpec((BLK, 8), lambda i: (i, 0)),
          pl.BlockSpec((D, D), lambda i: (0, 0)),
          pl.BlockSpec((D, D), lambda i: (0, 0)),
          pl.BlockSpec((1, D), lambda i: (0, 0)),
      ],
      out_specs=pl.BlockSpec((BLK, D), lambda i: (i, 0)),
      out_shape=jax.ShapeDtypeStruct((N, D), jnp.float32),
  )(q, q, h0, inv8, wl_t, wr_t, b)


def kernel(in_feat, edge_index, W0l, b0, W0r, W1l, b1, W1r):
  x_aug = jnp.concatenate(
      [in_feat,
       jnp.ones((N, 1), jnp.float32),
       jnp.zeros((N, 15), jnp.float32)], axis=1)
  pad_src = jnp.arange(EP - E, dtype=jnp.int32) % N
  pad_dst = N + (jnp.arange(EP - E, dtype=jnp.int32) % (NP - N))
  e_pad = jnp.concatenate(
      [edge_index, jnp.stack([pad_src, pad_dst])], axis=1)
  e_pad = e_pad.reshape(2, EP // CH, CH)
  p, cntp = _seg_sum_cnt(x_aug, e_pad)
  h0, inv8 = _tc_layer0(p, cntp, in_feat, W0l.T, W0r.T, b0.reshape(1, D))
  (q,) = _seg_sum_plain(h0, e_pad)
  return _tc_layer1(q, h0, inv8, W1l.T, W1r.T, b1.reshape(1, D))

# --- scband reference (transcript-rebuilt; emitter-appended) ---
"""Pipeline reference for scband-gnnconv-78005196030165 (READ-ONLY COPY).

The authoritative reference and input builder live on the scoring server;
editing this copy changes nothing except your own understanding.
"""

import jax, jax.numpy as jnp
import numpy as np

N = 10000
E = 320000
D = 128


def setup_inputs(seed: int = 0) -> dict:
    key = jax.random.key(seed)
    ks = jax.random.split(key, 10)
    in_feat = jax.random.normal(ks[0], (N, D), dtype=jnp.float32)
    edge_index = jax.random.randint(ks[1], (2, E), 0, N, dtype=jnp.int32)
    s = 1.0 / np.sqrt(D)
    W0l = jax.random.normal(ks[2], (D, D), dtype=jnp.float32) * s
    b0 = jax.random.normal(ks[3], (D,), dtype=jnp.float32) * s
    W0r = jax.random.normal(ks[4], (D, D), dtype=jnp.float32) * s
    W1l = jax.random.normal(ks[5], (D, D), dtype=jnp.float32) * s
    b1 = jax.random.normal(ks[6], (D,), dtype=jnp.float32) * s
    W1r = jax.random.normal(ks[7], (D, D), dtype=jnp.float32) * s
    return {"in_feat": in_feat, "edge_index": edge_index, "W0l": W0l, "b0": b0, "W0r": W0r, "W1l": W1l, "b1": b1, "W1r": W1r}


def _sage_conv(x, src, dst, Wl, bl, Wr):
    # SAGEConv with mean aggregation:
    #   out = lin_l(mean_{j in N(i)} x_j) + lin_r(x_i)
    msg = x[src]                                              # gather source features
    agg = jax.ops.segment_sum(msg, dst, num_segments=N)       # scatter-add by dst
    cnt = jax.ops.segment_sum(jnp.ones((src.shape[0],), x.dtype), dst, num_segments=N)
    agg = agg / jnp.maximum(cnt, 1.0)[:, None]                # mean (0 for isolated nodes)
    return agg @ Wl.T + bl + x @ Wr.T


def reference(in_feat, edge_index, W0l, b0, W0r, W1l, b1, W1r):
    src = edge_index[0]
    dst = edge_index[1]
    # layer 0 + activate (ReLU; no layernorm, dropout=0 -> identity)
    h = jax.nn.relu(_sage_conv(in_feat, src, dst, W0l, b0, W0r))
    # final layer (called without edge_attr in original) + activate
    h = jax.nn.relu(_sage_conv(h, src, dst, W1l, b1, W1r))
    return h

if __name__ == "__main__":
    import jax
    _d = setup_inputs()
    print(jax.jit(kernel)(*tuple(_d.values())))

</pallas_src>

<mosaic_0001>
#map = affine_map<(d0, d1) -> (0, 0)>
#map1 = affine_map<(d0, d1) -> (0, 0, 0)>
module attributes {stable_mosaic.version = 14 : i64} {
  func.func @seg_sum(%arg0: i32, %arg1: i32, %arg2: memref<10000x144xf32, #tpu.memory_space<hbm>>, %arg3: memref<2x5120x64xi32, #tpu.memory_space<hbm>>, %arg4: memref<2x10240x128xf32, #tpu.memory_space<hbm>>, %arg5: memref<2x10240x16xf32, #tpu.memory_space<hbm>>, %arg6: memref<4x64xi32, #tpu.memory_space<vmem>>, %arg7: memref<4x64xi32, #tpu.memory_space<vmem>>, %arg8: memref<4x64x144xf32, #tpu.memory_space<vmem>>, %arg9: memref<10240x144xf32, #tpu.memory_space<vmem_shared>>, %arg10: memref<!tpu.dma_semaphore, #tpu.memory_space<semaphore_mem>>, %arg11: memref<!tpu.dma_semaphore, #tpu.memory_space<semaphore_mem>>, %arg12: memref<!tpu.dma_semaphore, #tpu.memory_space<semaphore_mem>>, %arg13: memref<!tpu.dma_semaphore, #tpu.memory_space<semaphore_mem>>, %arg14: memref<!tpu.dma_semaphore, #tpu.memory_space<semaphore_mem>>, %arg15: memref<!tpu.dma_semaphore, #tpu.memory_space<semaphore_mem>>, %arg16: memref<!tpu.dma_semaphore, #tpu.memory_space<semaphore_mem>>, %arg17: memref<!tpu.dma_semaphore, #tpu.memory_space<semaphore_mem>>, %arg18: memref<!tpu.dma_semaphore, #tpu.memory_space<semaphore_mem>>, %arg19: memref<!tpu.dma_semaphore, #tpu.memory_space<semaphore_mem>>, %arg20: memref<!tpu.dma_semaphore, #tpu.memory_space<semaphore_mem>>, %arg21: memref<!tpu.dma_semaphore, #tpu.memory_space<semaphore_mem>>, %arg22: memref<!tpu.dma_semaphore, #tpu.memory_space<semaphore_mem>>, %arg23: memref<!tpu.dma_semaphore, #tpu.memory_space<semaphore_mem>>, %arg24: memref<!tpu.dma_semaphore, #tpu.memory_space<semaphore_mem>>, %arg25: memref<!tpu.dma_semaphore, #tpu.memory_space<semaphore_mem>>) attributes {dimension_semantics = [#tpu.dimension_semantics<core_parallel>, #tpu.dimension_semantics<subcore_parallel>], iteration_bounds = array<i64: 2, 16>, scalar_prefetch = 0 : i64, scratch_operands = 20 : i64, tpu.core_type = #tpu.core_type<sc_vector_subcore>, window_params = [{transform_indices = #map}, {transform_indices = #map1}, {transform_indices = #map1}, {transform_indices = #map1}]} {
    %mul3A = arith.constant 2 : i32
    %mul3A_0 = arith.muli %arg1, %mul3A : i32
    %add3A = arith.addi %mul3A_0, %arg0 : i32
    %mul3A_1 = arith.constant 160 : i32
    %mul3A_2 = arith.muli %add3A, %mul3A_1 : i32
    %scan3A = arith.constant 0 : i32
    %scan3A_3 = arith.constant 64 : i32
    %scan3A_4 = arith.addi %scan3A, %scan3A_3 : i32
    %scan3A_5 = arith.constant 1 : i32
    scf.for %scan3A_184 = %scan3A to %scan3A_4 step %scan3A_5  : i32 {
      %mul3A_185 = arith.constant 1 : i32
      %mul3A_186 = arith.muli %scan3A_184, %mul3A_185 : i32
      %add3A_187 = arith.constant 0 : i32
      %add3A_188 = arith.addi %add3A_187, %mul3A_186 : i32
      %broadcast_in_dim3A = arith.constant 0.000000e+00 : f32
      %broadcast_in_dim3A_189 = vector.broadcast %broadcast_in_dim3A : f32 to vector<16xf32>
      %swap3A = arith.constant 0 : i32
      %swap3A_190 = arith.index_cast %swap3A : i32 to index
      %swap3A_191 = arith.index_cast %add3A_188 : i32 to index
      %swap3A_192 = arith.constant 0 : index
      %swap3A_193 = tpu.vector_load %arg8[%swap3A_190, %swap3A_191, %swap3A_192] {strides = array<i32>} : memref<4x64x144xf32, #tpu.memory_space<vmem>>, vector<1x1x16xf32>,
      %swap3A_194 = vector.shape_cast %swap3A_193 : vector<1x1x16xf32> to vector<16xf32>
      %swap3A_195 = vector.shape_cast %broadcast_in_dim3A_189 : vector<16xf32> to vector<1x1x16xf32>
      tpu.vector_store %arg8[%swap3A_190, %swap3A_191, %swap3A_192], %swap3A_195 {strides = array<i32>} : memref<4x64x144xf32, #tpu.memory_space<vmem>>, vector<1x1x16xf32>,
      %broadcast_in_dim3A_196 = arith.constant 0.000000e+00 : f32
      %broadcast_in_dim3A_197 = vector.broadcast %broadcast_in_dim3A_196 : f32 to vector<16xf32>
      %swap3A_198 = arith.constant 0 : i32
      %swap3A_199 = arith.index_cast %swap3A_198 : i32 to index
      %swap3A_200 = arith.index_cast %add3A_188 : i32 to index
      %swap3A_201 = arith.constant 16 : index
      %swap3A_202 = tpu.vector_load %arg8[%swap3A_199, %swap3A_200, %swap3A_201] {strides = array<i32>} : memref<4x64x144xf32, #tpu.memory_space<vmem>>, vector<1x1x16xf32>,
      %swap3A_203 = vector.shape_cast %swap3A_202 : vector<1x1x16xf32> to vector<16xf32>
      %swap3A_204 = vector.shape_cast %broadcast_in_dim3A_197 : vector<16xf32> to vector<1x1x16xf32>
      tpu.vector_store %arg8[%swap3A_199, %swap3A_200, %swap3A_201], %swap3A_204 {strides = array<i32>} : memref<4x64x144xf32, #tpu.memory_space<vmem>>, vector<1x1x16xf32>,
      %broadcast_in_dim3A_205 = arith.constant 0.000000e+00 : f32
      %broadcast_in_dim3A_206 = vector.broadcast %broadcast_in_dim3A_205 : f32 to vector<16xf32>
      %swap3A_207 = arith.constant 0 : i32
      %swap3A_208 = arith.index_cast %swap3A_207 : i32 to index
      %swap3A_209 = arith.index_cast %add3A_188 : i32 to index
      %swap3A_210 = arith.constant 32 : index
      %swap3A_211 = tpu.vector_load %arg8[%swap3A_208, %swap3A_209, %swap3A_210] {strides = array<i32>} : memref<4x64x144xf32, #tpu.memory_space<vmem>>, vector<1x1x16xf32>,
      %swap3A_212 = vector.shape_cast %swap3A_211 : vector<1x1x16xf32> to vector<16xf32>
      %swap3A_213 = vector.shape_cast %broadcast_in_dim3A_206 : vector<16xf32> to vector<1x1x16xf32>
      tpu.vector_store %arg8[%swap3A_208, %swap3A_209, %swap3A_210], %swap3A_213 {strides = array<i32>} : memref<4x64x144xf32, #tpu.memory_space<vmem>>, vector<1x1x16xf32>,
      %broadcast_in_dim3A_214 = arith.constant 0.000000e+00 : f32
      %broadcast_in_dim3A_215 = vector.broadcast %broadcast_in_dim3A_214 : f32 to vector<16xf32>
      %swap3A_216 = arith.constant 0 : i32
      %swap3A_217 = arith.index_cast %swap3A_216 : i32 to index
      %swap3A_218 = arith.index_cast %add3A_188 : i32 to index
      %swap3A_219 = arith.constant 48 : index
      %swap3A_220 = tpu.vector_load %arg8[%swap3A_217, %swap3A_218, %swap3A_219] {strides = array<i32>} : memref<4x64x144xf32, #tpu.memory_space<vmem>>, vector<1x1x16xf32>,
      %swap3A_221 = vector.shape_cast %swap3A_220 : vector<1x1x16xf32> to vector<16xf32>
      %swap3A_222 = vector.shape_cast %broadcast_in_dim3A_215 : vector<16xf32> to vector<1x1x16xf32>
      tpu.vector_store %arg8[%swap3A_217, %swap3A_218, %swap3A_219], %swap3A_222 {strides = array<i32>} : memref<4x64x144xf32, #tpu.memory_space<vmem>>, vector<1x1x16xf32>,
      %broadcast_in_dim3A_223 = arith.constant 0.000000e+00 : f32
      %broadcast_in_dim3A_224 = vector.broadcast %broadcast_in_dim3A_223 : f32 to vector<16xf32>
      %swap3A_225 = arith.constant 0 : i32
      %swap3A_226 = arith.index_cast %swap3A_225 : i32 to index
      %swap3A_227 = arith.index_cast %add3A_188 : i32 to index
      %swap3A_228 = arith.constant 64 : index
      %swap3A_229 = tpu.vector_load %arg8[%swap3A_226, %swap3A_227, %swap3A_228] {strides = array<i32>} : memref<4x64x144xf32, #tpu.memory_space<vmem>>, vector<1x1x16xf32>,
      %swap3A_230 = vector.shape_cast %swap3A_229 : vector<1x1x16xf32> to vector<16xf32>
      %swap3A_231 = vector.shape_cast %broadcast_in_dim3A_224 : vector<16xf32> to vector<1x1x16xf32>
      tpu.vector_store %arg8[%swap3A_226, %swap3A_227, %swap3A_228], %swap3A_231 {strides = array<i32>} : memref<4x64x144xf32, #tpu.memory_space<vmem>>, vector<1x1x16xf32>,
      %broadcast_in_dim3A_232 = arith.constant 0.000000e+00 : f32
      %broadcast_in_dim3A_233 = vector.broadcast %broadcast_in_dim3A_232 : f32 to vector<16xf32>
      %swap3A_234 = arith.constant 0 : i32
      %swap3A_235 = arith.index_cast %swap3A_234 : i32 to index
      %swap3A_236 = arith.index_cast %add3A_188 : i32 to index
      %swap3A_237 = arith.constant 80 : index
      %swap3A_238 = tpu.vector_load %arg8[%swap3A_235, %swap3A_236, %swap3A_237] {strides = array<i32>} : memref<4x64x144xf32, #tpu.memory_space<vmem>>, vector<1x1x16xf32>,
      %swap3A_239 = vector.shape_cast %swap3A_238 : vector<1x1x16xf32> to vector<16xf32>
      %swap3A_240 = vector.shape_cast %broadcast_in_dim3A_233 : vector<16xf32> to vector<1x1x16xf32>
      tpu.vector_store %arg8[%swap3A_235, %swap3A_236, %swap3A_237], %swap3A_240 {strides = array<i32>} : memref<4x64x144xf32, #tpu.memory_space<vmem>>, vector<1x1x16xf32>,
      %broadcast_in_dim3A_241 = arith.constant 0.000000e+00 : f32
      %broadcast_in_dim3A_242 = vector.broadcast %broadcast_in_dim3A_241 : f32 to vector<16xf32>
      %swap3A_243 = arith.constant 0 : i32
      %swap3A_244 = arith.index_cast %swap3A_243 : i32 to index
      %swap3A_245 = arith.index_cast %add3A_188 : i32 to index
      %swap3A_246 = arith.constant 96 : index
      %swap3A_247 = tpu.vector_load %arg8[%swap3A_244, %swap3A_245, %swap3A_246] {strides = array<i32>} : memref<4x64x144xf32, #tpu.memory_space<vmem>>, vector<1x1x16xf32>,
      %swap3A_248 = vector.shape_cast %swap3A_247 : vector<1x1x16xf32> to vector<16xf32>
      %swap3A_249 = vector.shape_cast %broadcast_in_dim3A_242 : vector<16xf32> to vector<1x1x16xf32>
      tpu.vector_store %arg8[%swap3A_244, %swap3A_245, %swap3A_246], %swap3A_249 {strides = array<i32>} : memref<4x64x144xf32, #tpu.memory_space<vmem>>, vector<1x1x16xf32>,
      %broadcast_in_dim3A_250 = arith.constant 0.000000e+00 : f32
      %broadcast_in_dim3A_251 = vector.broadcast %broadcast_in_dim3A_250 : f32 to vector<16xf32>
      %swap3A_252 = arith.constant 0 : i32
      %swap3A_253 = arith.index_cast %swap3A_252 : i32 to index
      %swap3A_254 = arith.index_cast %add3A_188 : i32 to index
      %swap3A_255 = arith.constant 112 : index
      %swap3A_256 = tpu.vector_load %arg8[%swap3A_253, %swap3A_254, %swap3A_255] {strides = array<i32>} : memref<4x64x144xf32, #tpu.memory_space<vmem>>, vector<1x1x16xf32>,
      %swap3A_257 = vector.shape_cast %swap3A_256 : vector<1x1x16xf32> to vector<16xf32>
      %swap3A_258 = vector.shape_cast %broadcast_in_dim3A_251 : vector<16xf32> to vector<1x1x16xf32>
      tpu.vector_store %arg8[%swap3A_253, %swap3A_254, %swap3A_255], %swap3A_258 {strides = array<i32>} : memref<4x64x144xf32, #tpu.memory_space<vmem>>, vector<1x1x16xf32>,
      %broadcast_in_dim3A_259 = arith.constant 0.000000e+00 : f32
      %broadcast_in_dim3A_260 = vector.broadcast %broadcast_in_dim3A_259 : f32 to vector<16xf32>
      %swap3A_261 = arith.constant 0 : i32
      %swap3A_262 = arith.index_cast %swap3A_261 : i32 to index
      %swap3A_263 = arith.index_cast %add3A_188 : i32 to index
      %swap3A_264 = arith.constant 128 : index
      %swap3A_265 = tpu.vector_load %arg8[%swap3A_262, %swap3A_263, %swap3A_264] {strides = array<i32>} : memref<4x64x144xf32, #tpu.memory_space<vmem>>, vector<1x1x16xf32>,
      %swap3A_266 = vector.shape_cast %swap3A_265 : vector<1x1x16xf32> to vector<16xf32>
      %swap3A_267 = vector.shape_cast %broadcast_in_dim3A_260 : vector<16xf32> to vector<1x1x16xf32>
      tpu.vector_store %arg8[%swap3A_262, %swap3A_263, %swap3A_264], %swap3A_267 {strides = array<i32>} : memref<4x64x144xf32, #tpu.memory_space<vmem>>, vector<1x1x16xf32>,
    }
    %scan3A_6 = arith.constant 64 : i32
    %mul3A_7 = arith.constant 640 : i32
    %mul3A_8 = arith.muli %arg1, %mul3A_7 : i32
    %add3A_9 = arith.constant 0 : i32
    %add3A_10 = arith.addi %mul3A_8, %add3A_9 : i32
    %run_scoped3A = arith.constant 0 : i32
    "tpu.region"() ({
      %run_scoped3A_184 = tpu.sem_alloc : memref<!tpu.dma_semaphore, #tpu.memory_space<semaphore_mem>>
      %dma_start3A_185 = arith.constant 0 : i32
      %dma_start3A_186 = arith.constant 0 : i32
      %dma_start3A_187 = tpu.memref_slice %arg8[%run_scoped3A, %dma_start3A_185, %dma_start3A_186] : memref<4x64x144xf32, #tpu.memory_space<vmem>> -> memref<1x64x144xf32, #tpu.memory_space<vmem>>
      %dma_start3A_188 = tpu.memref_squeeze %dma_start3A_187 : memref<1x64x144xf32, #tpu.memory_space<vmem>> -> memref<64x144xf32, #tpu.memory_space<vmem>>
      %dma_start3A_189 = arith.constant 0 : i32
      %dma_start3A_190 = tpu.memref_slice %arg9[%add3A_10, %dma_start3A_189] : memref<10240x144xf32, #tpu.memory_space<vmem_shared>> -> memref<64x144xf32, #tpu.memory_space<vmem_shared>>
      %dma_start3A_191 = arith.constant 0 : i32
      %dma_start3A_192 = tpu.memref_slice %arg9[%add3A_10, %dma_start3A_191] : memref<10240x144xf32, #tpu.memory_space<vmem_shared>> -> memref<64x144xf32, #tpu.memory_space<vmem_shared>>
      %dma_start3A_193 = arith.constant 0 : i32
      %dma_start3A_194 = arith.constant 0 : i32
      %dma_start3A_195 = tpu.memref_slice %arg8[%run_scoped3A, %dma_start3A_193, %dma_start3A_194] : memref<4x64x144xf32, #tpu.memory_space<vmem>> -> memref<1x64x144xf32, #tpu.memory_space<vmem>>
      %dma_start3A_196 = tpu.memref_squeeze %dma_start3A_195 : memref<1x64x144xf32, #tpu.memory_space<vmem>> -> memref<64x144xf32, #tpu.memory_space<vmem>>
      tpu.enqueue_dma source(%dma_start3A_196 : memref<64x144xf32, #tpu.memory_space<vmem>>) target(%dma_start3A_192 : memref<64x144xf32, #tpu.memory_space<vmem_shared>>) target_semaphore(%run_scoped3A_184 : memref<!tpu.dma_semaphore, #tpu.memory_space<semaphore_mem>>)
      %dma_wait3A_197 = arith.constant 0 : i32
      %dma_wait3A_198 = arith.constant 0 : i32
      %dma_wait3A_199 = tpu.memref_slice %arg8[%run_scoped3A, %dma_wait3A_197, %dma_wait3A_198] : memref<4x64x144xf32, #tpu.memory_space<vmem>> -> memref<1x64x144xf32, #tpu.memory_space<vmem>>
      %dma_wait3A_200 = tpu.memref_squeeze %dma_wait3A_199 : memref<1x64x144xf32, #tpu.memory_space<vmem>> -> memref<64x144xf32, #tpu.memory_space<vmem>>
      %dma_wait3A_201 = arith.constant 0 : i32
      %dma_wait3A_202 = tpu.memref_slice %arg9[%add3A_10, %dma_wait3A_201] : memref<10240x144xf32, #tpu.memory_space<vmem_shared>> -> memref<64x144xf32, #tpu.memory_space<vmem_shared>>
      %dma_wait3A_203 = arith.constant 0 : i32
      %dma_wait3A_204 = tpu.memref_slice %arg9[%add3A_10, %dma_wait3A_203] : memref<10240x144xf32, #tpu.memory_space<vmem_shared>> -> memref<64x144xf32, #tpu.memory_space<vmem_shared>>
      %dma_wait3A_205 = arith.constant 0 : i32
      %dma_wait3A_206 = arith.constant 0 : i32
      %dma_wait3A_207 = tpu.memref_slice %arg8[%run_scoped3A, %dma_wait3A_205, %dma_wait3A_206] : memref<4x64x144xf32, #tpu.memory_space<vmem>> -> memref<1x64x144xf32, #tpu.memory_space<vmem>>
      %dma_wait3A_208 = tpu.memref_squeeze %dma_wait3A_207 : memref<1x64x144xf32, #tpu.memory_space<vmem>> -> memref<64x144xf32, #tpu.memory_space<vmem>>
      tpu.wait_dma2 semaphore(%run_scoped3A_184 : memref<!tpu.dma_semaphore, #tpu.memory_space<semaphore_mem>>) src(%dma_wait3A_208 : memref<64x144xf32, #tpu.memory_space<vmem>>) dst(%dma_wait3A_204 : memref<64x144xf32, #tpu.memory_space<vmem_shared>>)
      tpu.yield
    }) : () -> ()
    %mul3A_11 = arith.constant 640 : i32
    %mul3A_12 = arith.muli %arg1, %mul3A_11 : i32
    %add3A_13 = arith.constant 64 : i32
    %add3A_14 = arith.addi %mul3A_12, %add3A_13 : i32
    %run_scoped3A_15 = arith.constant 0 : i32
    "tpu.region"() ({
      %run_scoped3A_184 = tpu.sem_alloc : memref<!tpu.dma_semaphore, #tpu.memory_space<semaphore_mem>>
      %dma_start3A_185 = arith.constant 0 : i32
      %dma_start3A_186 = arith.constant 0 : i32
      %dma_start3A_187 = tpu.memref_slice %arg8[%run_scoped3A_15, %dma_start3A_185, %dma_start3A_186] : memref<4x64x144xf32, #tpu.memory_space<vmem>> -> memref<1x64x144xf32, #tpu.memory_space<vmem>>
      %dma_start3A_188 = tpu.memref_squeeze %dma_start3A_187 : memref<1x64x144xf32, #tpu.memory_space<vmem>> -> memref<64x144xf32, #tpu.memory_space<vmem>>
      %dma_start3A_189 = arith.constant 0 : i32
      %dma_start3A_190 = tpu.memref_slice %arg9[%add3A_14, %dma_start3A_189] : memref<10240x144xf32, #tpu.memory_space<vmem_shared>> -> memref<64x144xf32, #tpu.memory_space<vmem_shared>>
      %dma_start3A_191 = arith.constant 0 : i32
      %dma_start3A_192 = tpu.memref_slice %arg9[%add3A_14, %dma_start3A_191] : memref<10240x144xf32, #tpu.memory_space<vmem_shared>> -> memref<64x144xf32, #tpu.memory_space<vmem_shared>>
      %dma_start3A_193 = arith.constant 0 : i32
      %dma_start3A_194 = arith.constant 0 : i32
      %dma_start3A_195 = tpu.memref_slice %arg8[%run_scoped3A_15, %dma_start3A_193, %dma_start3A_194] : memref<4x64x144xf32, #tpu.memory_space<vmem>> -> memref<1x64x144xf32, #tpu.memory_space<vmem>>
      %dma_start3A_196 = tpu.memref_squeeze %dma_start3A_195 : memref<1x64x144xf32, #tpu.memory_space<vmem>> -> memref<64x144xf32, #tpu.memory_space<vmem>>
      tpu.enqueue_dma source(%dma_start3A_196 : memref<64x144xf32, #tpu.memory_space<vmem>>) target(%dma_start3A_192 : memref<64x144xf32, #tpu.memory_space<vmem_shared>>) target_semaphore(%run_scoped3A_184 : memref<!tpu.dma_semaphore, #tpu.memory_space<semaphore_mem>>)
      %dma_wait3A_197 = arith.constant 0 : i32
      %dma_wait3A_198 = arith.constant 0 : i32
      %dma_wait3A_199 = tpu.memref_slice %arg8[%run_scoped3A_15, %dma_wait3A_197, %dma_wait3A_198] : memref<4x64x144xf32, #tpu.memory_space<vmem>> -> memref<1x64x144xf32, #tpu.memory_space<vmem>>
      %dma_wait3A_200 = tpu.memref_squeeze %dma_wait3A_199 : memref<1x64x144xf32, #tpu.memory_space<vmem>> -> memref<64x144xf32, #tpu.memory_space<vmem>>
      %dma_wait3A_201 = arith.constant 0 : i32
      %dma_wait3A_202 = tpu.memref_slice %arg9[%add3A_14, %dma_wait3A_201] : memref<10240x144xf32, #tpu.memory_space<vmem_shared>> -> memref<64x144xf32, #tpu.memory_space<vmem_shared>>
      %dma_wait3A_203 = arith.constant 0 : i32
      %dma_wait3A_204 = tpu.memref_slice %arg9[%add3A_14, %dma_wait3A_203] : memref<10240x144xf32, #tpu.memory_space<vmem_shared>> -> memref<64x144xf32, #tpu.memory_space<vmem_shared>>
      %dma_wait3A_205 = arith.constant 0 : i32
      %dma_wait3A_206 = arith.constant 0 : i32
      %dma_wait3A_207 = tpu.memref_slice %arg8[%run_scoped3A_15, %dma_wait3A_205, %dma_wait3A_206] : memref<4x64x144xf32, #tpu.memory_space<vmem>> -> memref<1x64x144xf32, #tpu.memory_space<vmem>>
      %dma_wait3A_208 = tpu.memref_squeeze %dma_wait3A_207 : memref<1x64x144xf32, #tpu.memory_space<vmem>> -> memref<64x144xf32, #tpu.memory_space<vmem>>
      tpu.wait_dma2 semaphore(%run_scoped3A_184 : memref<!tpu.dma_semaphore, #tpu.memory_space<semaphore_mem>>) src(%dma_wait3A_208 : memref<64x144xf32, #tpu.memory_space<vmem>>) dst(%dma_wait3A_204 : memref<64x144xf32, #tpu.memory_space<vmem_shared>>)
      tpu.yield
    }) : () -> ()
    %mul3A_16 = arith.constant 640 : i32
    %mul3A_17 = arith.muli %arg1, %mul3A_16 : i32
    %add3A_18 = arith.constant 128 : i32
    %add3A_19 = arith.addi %mul3A_17, %add3A_18 : i32
    %run_scoped3A_20 = arith.constant 0 : i32
    "tpu.region"() ({
      %run_scoped3A_184 = tpu.sem_alloc : memref<!tpu.dma_semaphore, #tpu.memory_space<semaphore_mem>>
      %dma_start3A_185 = arith.constant 0 : i32
      %dma_start3A_186 = arith.constant 0 : i32
      %dma_start3A_187 = tpu.memref_slice %arg8[%run_scoped3A_20, %dma_start3A_185, %dma_start3A_186] : memref<4x64x144xf32, #tpu.memory_space<vmem>> -> memref<1x64x144xf32, #tpu.memory_space<vmem>>
      %dma_start3A_188 = tpu.memref_squeeze %dma_start3A_187 : memref<1x64x144xf32, #tpu.memory_space<vmem>> -> memref<64x144xf32, #tpu.memory_space<vmem>>
      %dma_start3A_189 = arith.constant 0 : i32
      %dma_start3A_190 = tpu.memref_slice %arg9[%add3A_19, %dma_start3A_189] : memref<10240x144xf32, #tpu.memory_space<vmem_shared>> -> memref<64x144xf32, #tpu.memory_space<vmem_shared>>
      %dma_start3A_191 = arith.constant 0 : i32
      %dma_start3A_192 = tpu.memref_slice %arg9[%add3A_19, %dma_start3A_191] : memref<10240x144xf32, #tpu.memory_space<vmem_shared>> -> memref<64x144xf32, #tpu.memory_space<vmem_shared>>
      %dma_start3A_193 = arith.constant 0 : i32
      %dma_start3A_194 = arith.constant 0 : i32
      %dma_start3A_195 = tpu.memref_slice %arg8[%run_scoped3A_20, %dma_start3A_193, %dma_start3A_194] : memref<4x64x144xf32, #tpu.memory_space<vmem>> -> memref<1x64x144xf32, #tpu.memory_space<vmem>>
      %dma_start3A_196 = tpu.memref_squeeze %dma_start3A_195 : memref<1x64x144xf32, #tpu.memory_space<vmem>> -> memref<64x144xf32, #tpu.memory_space<vmem>>
      tpu.enqueue_dma source(%dma_start3A_196 : memref<64x144xf32, #tpu.memory_space<vmem>>) target(%dma_start3A_192 : memref<64x144xf32, #tpu.memory_space<vmem_shared>>) target_semaphore(%run_scoped3A_184 : memref<!tpu.dma_semaphore, #tpu.memory_space<semaphore_mem>>)
      %dma_wait3A_197 = arith.constant 0 : i32
      %dma_wait3A_198 = arith.constant 0 : i32
      %dma_wait3A_199 = tpu.memref_slice %arg8[%run_scoped3A_20, %dma_wait3A_197, %dma_wait3A_198] : memref<4x64x144xf32, #tpu.memory_space<vmem>> -> memref<1x64x144xf32, #tpu.memory_space<vmem>>
      %dma_wait3A_200 = tpu.memref_squeeze %dma_wait3A_199 : memref<1x64x144xf32, #tpu.memory_space<vmem>> -> memref<64x144xf32, #tpu.memory_space<vmem>>
      %dma_wait3A_201 = arith.constant 0 : i32
      %dma_wait3A_202 = tpu.memref_slice %arg9[%add3A_19, %dma_wait3A_201] : memref<10240x144xf32, #tpu.memory_space<vmem_shared>> -> memref<64x144xf32, #tpu.memory_space<vmem_shared>>
      %dma_wait3A_203 = arith.constant 0 : i32
      %dma_wait3A_204 = tpu.memref_slice %arg9[%add3A_19, %dma_wait3A_203] : memref<10240x144xf32, #tpu.memory_space<vmem_shared>> -> memref<64x144xf32, #tpu.memory_space<vmem_shared>>
      %dma_wait3A_205 = arith.constant 0 : i32
      %dma_wait3A_206 = arith.constant 0 : i32
      %dma_wait3A_207 = tpu.memref_slice %arg8[%run_scoped3A_20, %dma_wait3A_205, %dma_wait3A_206] : memref<4x64x144xf32, #tpu.memory_space<vmem>> -> memref<1x64x144xf32, #tpu.memory_space<vmem>>
      %dma_wait3A_208 = tpu.memref_squeeze %dma_wait3A_207 : memref<1x64x144xf32, #tpu.memory_space<vmem>> -> memref<64x144xf32, #tpu.memory_space<vmem>>
      tpu.wait_dma2 semaphore(%run_scoped3A_184 : memref<!tpu.dma_semaphore, #tpu.memory_space<semaphore_mem>>) src(%dma_wait3A_208 : memref<64x144xf32, #tpu.memory_space<vmem>>) dst(%dma_wait3A_204 : memref<64x144xf32, #tpu.memory_space<vmem_shared>>)
      tpu.yield
    }) : () -> ()
    %mul3A_21 = arith.constant 640 : i32
    %mul3A_22 = arith.muli %arg1, %mul3A_21 : i32
    %add3A_23 = arith.constant 192 : i32
    %add3A_24 = arith.addi %mul3A_22, %add3A_23 : i32
    %run_scoped3A_25 = arith.constant 0 : i32
    "tpu.region"() ({
      %run_scoped3A_184 = tpu.sem_alloc : memref<!tpu.dma_semaphore, #tpu.memory_space<semaphore_mem>>
      %dma_start3A_185 = arith.constant 0 : i32
      %dma_start3A_186 = arith.constant 0 : i32
      %dma_start3A_187 = tpu.memref_slice %arg8[%run_scoped3A_25, %dma_start3A_185, %dma_start3A_186] : memref<4x64x144xf32, #tpu.memory_space<vmem>> -> memref<1x64x144xf32, #tpu.memory_space<vmem>>
      %dma_start3A_188 = tpu.memref_squeeze %dma_start3A_187 : memref<1x64x144xf32, #tpu.memory_space<vmem>> -> memref<64x144xf32, #tpu.memory_space<vmem>>
      %dma_start3A_189 = arith.constant 0 : i32
      %dma_start3A_190 = tpu.memref_slice %arg9[%add3A_24, %dma_start3A_189] : memref<10240x144xf32, #tpu.memory_space<vmem_shared>> -> memref<64x144xf32, #tpu.memory_space<vmem_shared>>
      %dma_start3A_191 = arith.constant 0 : i32
      %dma_start3A_192 = tpu.memref_slice %arg9[%add3A_24, %dma_start3A_191] : memref<10240x144xf32, #tpu.memory_space<vmem_shared>> -> memref<64x144xf32, #tpu.memory_space<vmem_shared>>
      %dma_start3A_193 = arith.constant 0 : i32
      %dma_start3A_194 = arith.constant 0 : i32
      %dma_start3A_195 = tpu.memref_slice %arg8[%run_scoped3A_25, %dma_start3A_193, %dma_start3A_194] : memref<4x64x144xf32, #tpu.memory_space<vmem>> -> memref<1x64x144xf32, #tpu.memory_space<vmem>>
      %dma_start3A_196 = tpu.memref_squeeze %dma_start3A_195 : memref<1x64x144xf32, #tpu.memory_space<vmem>> -> memref<64x144xf32, #tpu.memory_space<vmem>>
      tpu.enqueue_dma source(%dma_start3A_196 : memref<64x144xf32, #tpu.memory_space<vmem>>) target(%dma_start3A_192 : memref<64x144xf32, #tpu.memory_space<vmem_shared>>) target_semaphore(%run_scoped3A_184 : memref<!tpu.dma_semaphore, #tpu.memory_space<semaphore_mem>>)
      %dma_wait3A_197 = arith.constant 0 : i32
      %dma_wait3A_198 = arith.constant 0 : i32
      %dma_wait3A_199 = tpu.memref_slice %arg8[%run_scoped3A_25, %dma_wait3A_197, %dma_wait3A_198] : memref<4x64x144xf32, #tpu.memory_space<vmem>> -> memref<1x64x144xf32, #tpu.memory_space<vmem>>
      %dma_wait3A_200 = tpu.memref_squeeze %dma_wait3A_199 : memref<1x64x144xf32, #tpu.memory_space<vmem>> -> memref<64x144xf32, #tpu.memory_space<vmem>>
      %dma_wait3A_201 = arith.constant 0 : i32
      %dma_wait3A_202 = tpu.memref_slice %arg9[%add3A_24, %dma_wait3A_201] : memref<10240x144xf32, #tpu.memory_space<vmem_shared>> -> memref<64x144xf32, #tpu.memory_space<vmem_shared>>
      %dma_wait3A_203 = arith.constant 0 : i32
      %dma_wait3A_204 = tpu.memref_slice %arg9[%add3A_24, %dma_wait3A_203] : memref<10240x144xf32, #tpu.memory_space<vmem_shared>> -> memref<64x144xf32, #tpu.memory_space<vmem_shared>>
      %dma_wait3A_205 = arith.constant 0 : i32
      %dma_wait3A_206 = arith.constant 0 : i32
      %dma_wait3A_207 = tpu.memref_slice %arg8[%run_scoped3A_25, %dma_wait3A_205, %dma_wait3A_206] : memref<4x64x144xf32, #tpu.memory_space<vmem>> -> memref<1x64x144xf32, #tpu.memory_space<vmem>>
      %dma_wait3A_208 = tpu.memref_squeeze %dma_wait3A_207 : memref<1x64x144xf32, #tpu.memory_space<vmem>> -> memref<64x144xf32, #tpu.memory_space<vmem>>
      tpu.wait_dma2 semaphore(%run_scoped3A_184 : memref<!tpu.dma_semaphore, #tpu.memory_space<semaphore_mem>>) src(%dma_wait3A_208 : memref<64x144xf32, #tpu.memory_space<vmem>>) dst(%dma_wait3A_204 : memref<64x144xf32, #tpu.memory_space<vmem_shared>>)
      tpu.yield
    }) : () -> ()
    %mul3A_26 = arith.constant 640 : i32
    %mul3A_27 = arith.muli %arg1, %mul3A_26 : i32
    %add3A_28 = arith.constant 256 : i32
    %add3A_29 = arith.addi %mul3A_27, %add3A_28 : i32
    %run_scoped3A_30 = arith.constant 0 : i32
    "tpu.region"() ({
      %run_scoped3A_184 = tpu.sem_alloc : memref<!tpu.dma_semaphore, #tpu.memory_space<semaphore_mem>>
      %dma_start3A_185 = arith.constant 0 : i32
      %dma_start3A_186 = arith.constant 0 : i32
      %dma_start3A_187 = tpu.memref_slice %arg8[%run_scoped3A_30, %dma_start3A_185, %dma_start3A_186] : memref<4x64x144xf32, #tpu.memory_space<vmem>> -> memref<1x64x144xf32, #tpu.memory_space<vmem>>
      %dma_start3A_188 = tpu.memref_squeeze %dma_start3A_187 : memref<1x64x144xf32, #tpu.memory_space<vmem>> -> memref<64x144xf32, #tpu.memory_space<vmem>>
      %dma_start3A_189 = arith.constant 0 : i32
      %dma_start3A_190 = tpu.memref_slice %arg9[%add3A_29, %dma_start3A_189] : memref<10240x144xf32, #tpu.memory_space<vmem_shared>> -> memref<64x144xf32, #tpu.memory_space<vmem_shared>>
      %dma_start3A_191 = arith.constant 0 : i32
      %dma_start3A_192 = tpu.memref_slice %arg9[%add3A_29, %dma_start3A_191] : memref<10240x144xf32, #tpu.memory_space<vmem_shared>> -> memref<64x144xf32, #tpu.memory_space<vmem_shared>>
      %dma_start3A_193 = arith.constant 0 : i32
      %dma_start3A_194 = arith.constant 0 : i32
      %dma_start3A_195 = tpu.memref_slice %arg8[%run_scoped3A_30, %dma_start3A_193, %dma_start3A_194] : memref<4x64x144xf32, #tpu.memory_space<vmem>> -> memref<1x64x144xf32, #tpu.memory_space<vmem>>
      %dma_start3A_196 = tpu.memref_squeeze %dma_start3A_195 : memref<1x64x144xf32, #tpu.memory_space<vmem>> -> memref<64x144xf32, #tpu.memory_space<vmem>>
      tpu.enqueue_dma source(%dma_start3A_196 : memref<64x144xf32, #tpu.memory_space<vmem>>) target(%dma_start3A_192 : memref<64x144xf32, #tpu.memory_space<vmem_shared>>) target_semaphore(%run_scoped3A_184 : memref<!tpu.dma_semaphore, #tpu.memory_space<semaphore_mem>>)
      %dma_wait3A_197 = arith.constant 0 : i32
      %dma_wait3A_198 = arith.constant 0 : i32
      %dma_wait3A_199 = tpu.memref_slice %arg8[%run_scoped3A_30, %dma_wait3A_197, %dma_wait3A_198] : memref<4x64x144xf32, #tpu.memory_space<vmem>> -> memref<1x64x144xf32, #tpu.memory_space<vmem>>
      %dma_wait3A_200 = tpu.memref_squeeze %dma_wait3A_199 : memref<1x64x144xf32, #tpu.memory_space<vmem>> -> memref<64x144xf32, #tpu.memory_space<vmem>>
      %dma_wait3A_201 = arith.constant 0 : i32
      %dma_wait3A_202 = tpu.memref_slice %arg9[%add3A_29, %dma_wait3A_201] : memref<10240x144xf32, #tpu.memory_space<vmem_shared>> -> memref<64x144xf32, #tpu.memory_space<vmem_shared>>
      %dma_wait3A_203 = arith.constant 0 : i32
      %dma_wait3A_204 = tpu.memref_slice %arg9[%add3A_29, %dma_wait3A_203] : memref<10240x144xf32, #tpu.memory_space<vmem_shared>> -> memref<64x144xf32, #tpu.memory_space<vmem_shared>>
      %dma_wait3A_205 = arith.constant 0 : i32
      %dma_wait3A_206 = arith.constant 0 : i32
      %dma_wait3A_207 = tpu.memref_slice %arg8[%run_scoped3A_30, %dma_wait3A_205, %dma_wait3A_206] : memref<4x64x144xf32, #tpu.memory_space<vmem>> -> memref<1x64x144xf32, #tpu.memory_space<vmem>>
      %dma_wait3A_208 = tpu.memref_squeeze %dma_wait3A_207 : memref<1x64x144xf32, #tpu.memory_space<vmem>> -> memref<64x144xf32, #tpu.memory_space<vmem>>
      tpu.wait_dma2 semaphore(%run_scoped3A_184 : memref<!tpu.dma_semaphore, #tpu.memory_space<semaphore_mem>>) src(%dma_wait3A_208 : memref<64x144xf32, #tpu.memory_space<vmem>>) dst(%dma_wait3A_204 : memref<64x144xf32, #tpu.memory_space<vmem_shared>>)
      tpu.yield
    }) : () -> ()
    %mul3A_31 = arith.constant 640 : i32
    %mul3A_32 = arith.muli %arg1, %mul3A_31 : i32
    %add3A_33 = arith.constant 320 : i32
    %add3A_34 = arith.addi %mul3A_32, %add3A_33 : i32
    %run_scoped3A_35 = arith.constant 0 : i32
    "tpu.region"() ({
      %run_scoped3A_184 = tpu.sem_alloc : memref<!tpu.dma_semaphore, #tpu.memory_space<semaphore_mem>>
      %dma_start3A_185 = arith.constant 0 : i32
      %dma_start3A_186 = arith.constant 0 : i32
      %dma_start3A_187 = tpu.memref_slice %arg8[%run_scoped3A_35, %dma_start3A_185, %dma_start3A_186] : memref<4x64x144xf32, #tpu.memory_space<vmem>> -> memref<1x64x144xf32, #tpu.memory_space<vmem>>
      %dma_start3A_188 = tpu.memref_squeeze %dma_start3A_187 : memref<1x64x144xf32, #tpu.memory_space<vmem>> -> memref<64x144xf32, #tpu.memory_space<vmem>>
      %dma_start3A_189 = arith.constant 0 : i32
      %dma_start3A_190 = tpu.memref_slice %arg9[%add3A_34, %dma_start3A_189] : memref<10240x144xf32, #tpu.memory_space<vmem_shared>> -> memref<64x144xf32, #tpu.memory_space<vmem_shared>>
      %dma_start3A_191 = arith.constant 0 : i32
      %dma_start3A_192 = tpu.memref_slice %arg9[%add3A_34, %dma_start3A_191] : memref<10240x144xf32, #tpu.memory_space<vmem_shared>> -> memref<64x144xf32, #tpu.memory_space<vmem_shared>>
      %dma_start3A_193 = arith.constant 0 : i32
      %dma_start3A_194 = arith.constant 0 : i32
      %dma_start3A_195 = tpu.memref_slice %arg8[%run_scoped3A_35, %dma_start3A_193, %dma_start3A_194] : memref<4x64x144xf32, #tpu.memory_space<vmem>> -> memref<1x64x144xf32, #tpu.memory_space<vmem>>
      %dma_start3A_196 = tpu.memref_squeeze %dma_start3A_195 : memref<1x64x144xf32, #tpu.memory_space<vmem>> -> memref<64x144xf32, #tpu.memory_space<vmem>>
      tpu.enqueue_dma source(%dma_start3A_196 : memref<64x144xf32, #tpu.memory_space<vmem>>) target(%dma_start3A_192 : memref<64x144xf32, #tpu.memory_space<vmem_shared>>) target_semaphore(%run_scoped3A_184 : memref<!tpu.dma_semaphore, #tpu.memory_space<semaphore_mem>>)
      %dma_wait3A_197 = arith.constant 0 : i32
      %dma_wait3A_198 = arith.constant 0 : i32
      %dma_wait3A_199 = tpu.memref_slice %arg8[%run_scoped3A_35, %dma_wait3A_197, %dma_wait3A_198] : memref<4x64x144xf32, #tpu.memory_space<vmem>> -> memref<1x64x144xf32, #tpu.memory_space<vmem>>
      %dma_wait3A_200 = tpu.memref_squeeze %dma_wait3A_199 : memref<1x64x144xf32, #tpu.memory_space<vmem>> -> memref<64x144xf32, #tpu.memory_space<vmem>>
      %dma_wait3A_201 = arith.constant 0 : i32
      %dma_wait3A_202 = tpu.memref_slice %arg9[%add3A_34, %dma_wait3A_201] : memref<10240x144xf32, #tpu.memory_space<vmem_shared>> -> memref<64x144xf32, #tpu.memory_space<vmem_shared>>
      %dma_wait3A_203 = arith.constant 0 : i32
      %dma_wait3A_204 = tpu.memref_slice %arg9[%add3A_34, %dma_wait3A_203] : memref<10240x144xf32, #tpu.memory_space<vmem_shared>> -> memref<64x144xf32, #tpu.memory_space<vmem_shared>>
      %dma_wait3A_205 = arith.constant 0 : i32
      %dma_wait3A_206 = arith.constant 0 : i32
      %dma_wait3A_207 = tpu.memref_slice %arg8[%run_scoped3A_35, %dma_wait3A_205, %dma_wait3A_206] : memref<4x64x144xf32, #tpu.memory_space<vmem>> -> memref<1x64x144xf32, #tpu.memory_space<vmem>>
      %dma_wait3A_208 = tpu.memref_squeeze %dma_wait3A_207 : memref<1x64x144xf32, #tpu.memory_space<vmem>> -> memref<64x144xf32, #tpu.memory_space<vmem>>
      tpu.wait_dma2 semaphore(%run_scoped3A_184 : memref<!tpu.dma_semaphore, #tpu.memory_space<semaphore_mem>>) src(%dma_wait3A_208 : memref<64x144xf32, #tpu.memory_space<vmem>>) dst(%dma_wait3A_204 : memref<64x144xf32, #tpu.memory_space<vmem_shared>>)
      tpu.yield
    }) : () -> ()
    %mul3A_36 = arith.constant 640 : i32
    %mul3A_37 = arith.muli %arg1, %mul3A_36 : i32
    %add3A_38 = arith.constant 384 : i32
    %add3A_39 = arith.addi %mul3A_37, %add3A_38 : i32
    %run_scoped3A_40 = arith.constant 0 : i32
    "tpu.region"() ({
      %run_scoped3A_184 = tpu.sem_alloc : memref<!tpu.dma_semaphore, #tpu.memory_space<semaphore_mem>>
      %dma_start3A_185 = arith.constant 0 : i32
      %dma_start3A_186 = arith.constant 0 : i32
      %dma_start3A_187 = tpu.memref_slice %arg8[%run_scoped3A_40, %dma_start3A_185, %dma_start3A_186] : memref<4x64x144xf32, #tpu.memory_space<vmem>> -> memref<1x64x144xf32, #tpu.memory_space<vmem>>
      %dma_start3A_188 = tpu.memref_squeeze %dma_start3A_187 : memref<1x64x144xf32, #tpu.memory_space<vmem>> -> memref<64x144xf32, #tpu.memory_space<vmem>>
      %dma_start3A_189 = arith.constant 0 : i32
      %dma_start3A_190 = tpu.memref_slice %arg9[%add3A_39, %dma_start3A_189] : memref<10240x144xf32, #tpu.memory_space<vmem_shared>> -> memref<64x144xf32, #tpu.memory_space<vmem_shared>>
      %dma_start3A_191 = arith.constant 0 : i32
      %dma_start3A_192 = tpu.memref_slice %arg9[%add3A_39, %dma_start3A_191] : memref<10240x144xf32, #tpu.memory_space<vmem_shared>> -> memref<64x144xf32, #tpu.memory_space<vmem_shared>>
      %dma_start3A_193 = arith.constant 0 : i32
      %dma_start3A_194 = arith.constant 0 : i32
      %dma_start3A_195 = tpu.memref_slice %arg8[%run_scoped3A_40, %dma_start3A_193, %dma_start3A_194] : memref<4x64x144xf32, #tpu.memory_space<vmem>> -> memref<1x64x144xf32, #tpu.memory_space<vmem>>
      %dma_start3A_196 = tpu.memref_squeeze %dma_start3A_195 : memref<1x64x144xf32, #tpu.memory_space<vmem>> -> memref<64x144xf32, #tpu.memory_space<vmem>>
      tpu.enqueue_dma source(%dma_start3A_196 : memref<64x144xf32, #tpu.memory_space<vmem>>) target(%dma_start3A_192 : memref<64x144xf32, #tpu.memory_space<vmem_shared>>) target_semaphore(%run_scoped3A_184 : memref<!tpu.dma_semaphore, #tpu.memory_space<semaphore_mem>>)
      %dma_wait3A_197 = arith.constant 0 : i32
      %dma_wait3A_198 = arith.constant 0 : i32
      %dma_wait3A_199 = tpu.memref_slice %arg8[%run_scoped3A_40, %dma_wait3A_197, %dma_wait3A_198] : memref<4x64x144xf32, #tpu.memory_space<vmem>> -> memref<1x64x144xf32, #tpu.memory_space<vmem>>
      %dma_wait3A_200 = tpu.memref_squeeze %dma_wait3A_199 : memref<1x64x144xf32, #tpu.memory_space<vmem>> -> memref<64x144xf32, #tpu.memory_space<vmem>>
      %dma_wait3A_201 = arith.constant 0 : i32
      %dma_wait3A_202 = tpu.memref_slice %arg9[%add3A_39, %dma_wait3A_201] : memref<10240x144xf32, #tpu.memory_space<vmem_shared>> -> memref<64x144xf32, #tpu.memory_space<vmem_shared>>
      %dma_wait3A_203 = arith.constant 0 : i32
      %dma_wait3A_204 = tpu.memref_slice %arg9[%add3A_39, %dma_wait3A_203] : memref<10240x144xf32, #tpu.memory_space<vmem_shared>> -> memref<64x144xf32, #tpu.memory_space<vmem_shared>>
      %dma_wait3A_205 = arith.constant 0 : i32
      %dma_wait3A_206 = arith.constant 0 : i32
      %dma_wait3A_207 = tpu.memref_slice %arg8[%run_scoped3A_40, %dma_wait3A_205, %dma_wait3A_206] : memref<4x64x144xf32, #tpu.memory_space<vmem>> -> memref<1x64x144xf32, #tpu.memory_space<vmem>>
      %dma_wait3A_208 = tpu.memref_squeeze %dma_wait3A_207 : memref<1x64x144xf32, #tpu.memory_space<vmem>> -> memref<64x144xf32, #tpu.memory_space<vmem>>
      tpu.wait_dma2 semaphore(%run_scoped3A_184 : memref<!tpu.dma_semaphore, #tpu.memory_space<semaphore_mem>>) src(%dma_wait3A_208 : memref<64x144xf32, #tpu.memory_space<vmem>>) dst(%dma_wait3A_204 : memref<64x144xf32, #tpu.memory_space<vmem_shared>>)
      tpu.yield
    }) : () -> ()
    %mul3A_41 = arith.constant 640 : i32
    %mul3A_42 = arith.muli %arg1, %mul3A_41 : i32
    %add3A_43 = arith.constant 448 : i32
    %add3A_44 = arith.addi %mul3A_42, %add3A_43 : i32
    %run_scoped3A_45 = arith.constant 0 : i32
    "tpu.region"() ({
      %run_scoped3A_184 = tpu.sem_alloc : memref<!tpu.dma_semaphore, #tpu.memory_space<semaphore_mem>>
      %dma_start3A_185 = arith.constant 0 : i32
      %dma_start3A_186 = arith.constant 0 : i32
      %dma_start3A_187 = tpu.memref_slice %arg8[%run_scoped3A_45, %dma_start3A_185, %dma_start3A_186] : memref<4x64x144xf32, #tpu.memory_space<vmem>> -> memref<1x64x144xf32, #tpu.memory_space<vmem>>
      %dma_start3A_188 = tpu.memref_squeeze %dma_start3A_187 : memref<1x64x144xf32, #tpu.memory_space<vmem>> -> memref<64x144xf32, #tpu.memory_space<vmem>>
      %dma_start3A_189 = arith.constant 0 : i32
      %dma_start3A_190 = tpu.memref_slice %arg9[%add3A_44, %dma_start3A_189] : memref<10240x144xf32, #tpu.memory_space<vmem_shared>> -> memref<64x144xf32, #tpu.memory_space<vmem_shared>>
      %dma_start3A_191 = arith.constant 0 : i32
      %dma_start3A_192 = tpu.memref_slice %arg9[%add3A_44, %dma_start3A_191] : memref<10240x144xf32, #tpu.memory_space<vmem_shared>> -> memref<64x144xf32, #tpu.memory_space<vmem_shared>>
      %dma_start3A_193 = arith.constant 0 : i32
      %dma_start3A_194 = arith.constant 0 : i32
      %dma_start3A_195 = tpu.memref_slice %arg8[%run_scoped3A_45, %dma_start3A_193, %dma_start3A_194] : memref<4x64x144xf32, #tpu.memory_space<vmem>> -> memref<1x64x144xf32, #tpu.memory_space<vmem>>
      %dma_start3A_196 = tpu.memref_squeeze %dma_start3A_195 : memref<1x64x144xf32, #tpu.memory_space<vmem>> -> memref<64x144xf32, #tpu.memory_space<vmem>>
      tpu.enqueue_dma source(%dma_start3A_196 : memref<64x144xf32, #tpu.memory_space<vmem>>) target(%dma_start3A_192 : memref<64x144xf32, #tpu.memory_space<vmem_shared>>) target_semaphore(%run_scoped3A_184 : memref<!tpu.dma_semaphore, #tpu.memory_space<semaphore_mem>>)
      %dma_wait3A_197 = arith.constant 0 : i32
      %dma_wait3A_198 = arith.constant 0 : i32
      %dma_wait3A_199 = tpu.memref_slice %arg8[%run_scoped3A_45, %dma_wait3A_197, %dma_wait3A_198] : memref<4x64x144xf32, #tpu.memory_space<vmem>> -> memref<1x64x144xf32, #tpu.memory_space<vmem>>
      %dma_wait3A_200 = tpu.memref_squeeze %dma_wait3A_199 : memref<1x64x144xf32, #tpu.memory_space<vmem>> -> memref<64x144xf32, #tpu.memory_space<vmem>>
      %dma_wait3A_201 = arith.constant 0 : i32
      %dma_wait3A_202 = tpu.memref_slice %arg9[%add3A_44, %dma_wait3A_201] : memref<10240x144xf32, #tpu.memory_space<vmem_shared>> -> memref<64x144xf32, #tpu.memory_space<vmem_shared>>
      %dma_wait3A_203 = arith.constant 0 : i32
      %dma_wait3A_204 = tpu.memref_slice %arg9[%add3A_44, %dma_wait3A_203] : memref<10240x144xf32, #tpu.memory_space<vmem_shared>> -> memref<64x144xf32, #tpu.memory_space<vmem_shared>>
      %dma_wait3A_205 = arith.constant 0 : i32
      %dma_wait3A_206 = arith.constant 0 : i32
      %dma_wait3A_207 = tpu.memref_slice %arg8[%run_scoped3A_45, %dma_wait3A_205, %dma_wait3A_206] : memref<4x64x144xf32, #tpu.memory_space<vmem>> -> memref<1x64x144xf32, #tpu.memory_space<vmem>>
      %dma_wait3A_208 = tpu.memref_squeeze %dma_wait3A_207 : memref<1x64x144xf32, #tpu.memory_space<vmem>> -> memref<64x144xf32, #tpu.memory_space<vmem>>
      tpu.wait_dma2 semaphore(%run_scoped3A_184 : memref<!tpu.dma_semaphore, #tpu.memory_space<semaphore_mem>>) src(%dma_wait3A_208 : memref<64x144xf32, #tpu.memory_space<vmem>>) dst(%dma_wait3A_204 : memref<64x144xf32, #tpu.memory_space<vmem_shared>>)
      tpu.yield
    }) : () -> ()
    %mul3A_46 = arith.constant 640 : i32
    %mul3A_47 = arith.muli %arg1, %mul3A_46 : i32
    %add3A_48 = arith.constant 512 : i32
    %add3A_49 = arith.addi %mul3A_47, %add3A_48 : i32
    %run_scoped3A_50 = arith.constant 0 : i32
    "tpu.region"() ({
      %run_scoped3A_184 = tpu.sem_alloc : memref<!tpu.dma_semaphore, #tpu.memory_space<semaphore_mem>>
      %dma_start3A_185 = arith.constant 0 : i32
      %dma_start3A_186 = arith.constant 0 : i32
      %dma_start3A_187 = tpu.memref_slice %arg8[%run_scoped3A_50, %dma_start3A_185, %dma_start3A_186] : memref<4x64x144xf32, #tpu.memory_space<vmem>> -> memref<1x64x144xf32, #tpu.memory_space<vmem>>
      %dma_start3A_188 = tpu.memref_squeeze %dma_start3A_187 : memref<1x64x144xf32, #tpu.memory_space<vmem>> -> memref<64x144xf32, #tpu.memory_space<vmem>>
      %dma_start3A_189 = arith.constant 0 : i32
      %dma_start3A_190 = tpu.memref_slice %arg9[%add3A_49, %dma_start3A_189] : memref<10240x144xf32, #tpu.memory_space<vmem_shared>> -> memref<64x144xf32, #tpu.memory_space<vmem_shared>>
      %dma_start3A_191 = arith.constant 0 : i32
      %dma_start3A_192 = tpu.memref_slice %arg9[%add3A_49, %dma_start3A_191] : memref<10240x144xf32, #tpu.memory_space<vmem_shared>> -> memref<64x144xf32, #tpu.memory_space<vmem_shared>>
      %dma_start3A_193 = arith.constant 0 : i32
      %dma_start3A_194 = arith.constant 0 : i32
      %dma_start3A_195 = tpu.memref_slice %arg8[%run_scoped3A_50, %dma_start3A_193, %dma_start3A_194] : memref<4x64x144xf32, #tpu.memory_space<vmem>> -> memref<1x64x144xf32, #tpu.memory_space<vmem>>
      %dma_start3A_196 = tpu.memref_squeeze %dma_start3A_195 : memref<1x64x144xf32, #tpu.memory_space<vmem>> -> memref<64x144xf32, #tpu.memory_space<vmem>>
      tpu.enqueue_dma source(%dma_start3A_196 : memref<64x144xf32, #tpu.memory_space<vmem>>) target(%dma_start3A_192 : memref<64x144xf32, #tpu.memory_space<vmem_shared>>) target_semaphore(%run_scoped3A_184 : memref<!tpu.dma_semaphore, #tpu.memory_space<semaphore_mem>>)
      %dma_wait3A_197 = arith.constant 0 : i32
      %dma_wait3A_198 = arith.constant 0 : i32
      %dma_wait3A_199 = tpu.memref_slice %arg8[%run_scoped3A_50, %dma_wait3A_197, %dma_wait3A_198] : memref<4x64x144xf32, #tpu.memory_space<vmem>> -> memref<1x64x144xf32, #tpu.memory_space<vmem>>
      %dma_wait3A_200 = tpu.memref_squeeze %dma_wait3A_199 : memref<1x64x144xf32, #tpu.memory_space<vmem>> -> memref<64x144xf32, #tpu.memory_space<vmem>>
      %dma_wait3A_201 = arith.constant 0 : i32
      %dma_wait3A_202 = tpu.memref_slice %arg9[%add3A_49, %dma_wait3A_201] : memref<10240x144xf32, #tpu.memory_space<vmem_shared>> -> memref<64x144xf32, #tpu.memory_space<vmem_shared>>
      %dma_wait3A_203 = arith.constant 0 : i32
      %dma_wait3A_204 = tpu.memref_slice %arg9[%add3A_49, %dma_wait3A_203] : memref<10240x144xf32, #tpu.memory_space<vmem_shared>> -> memref<64x144xf32, #tpu.memory_space<vmem_shared>>
      %dma_wait3A_205 = arith.constant 0 : i32
      %dma_wait3A_206 = arith.constant 0 : i32
      %dma_wait3A_207 = tpu.memref_slice %arg8[%run_scoped3A_50, %dma_wait3A_205, %dma_wait3A_206] : memref<4x64x144xf32, #tpu.memory_space<vmem>> -> memref<1x64x144xf32, #tpu.memory_space<vmem>>
      %dma_wait3A_208 = tpu.memref_squeeze %dma_wait3A_207 : memref<1x64x144xf32, #tpu.memory_space<vmem>> -> memref<64x144xf32, #tpu.memory_space<vmem>>
      tpu.wait_dma2 semaphore(%run_scoped3A_184 : memref<!tpu.dma_semaphore, #tpu.memory_space<semaphore_mem>>) src(%dma_wait3A_208 : memref<64x144xf32, #tpu.memory_space<vmem>>) dst(%dma_wait3A_204 : memref<64x144xf32, #tpu.memory_space<vmem_shared>>)
      tpu.yield
    }) : () -> ()
    %mul3A_51 = arith.constant 640 : i32
    %mul3A_52 = arith.muli %arg1, %mul3A_51 : i32
    %add3A_53 = arith.constant 576 : i32
    %add3A_54 = arith.addi %mul3A_52, %add3A_53 : i32
    %run_scoped3A_55 = arith.constant 0 : i32
    "tpu.region"() ({
      %run_scoped3A_184 = tpu.sem_alloc : memref<!tpu.dma_semaphore, #tpu.memory_space<semaphore_mem>>
      %dma_start3A_185 = arith.constant 0 : i32
      %dma_start3A_186 = arith.constant 0 : i32
      %dma_start3A_187 = tpu.memref_slice %arg8[%run_scoped3A_55, %dma_start3A_185, %dma_start3A_186] : memref<4x64x144xf32, #tpu.memory_space<vmem>> -> memref<1x64x144xf32, #tpu.memory_space<vmem>>
      %dma_start3A_188 = tpu.memref_squeeze %dma_start3A_187 : memref<1x64x144xf32, #tpu.memory_space<vmem>> -> memref<64x144xf32, #tpu.memory_space<vmem>>
      %dma_start3A_189 = arith.constant 0 : i32
      %dma_start3A_190 = tpu.memref_slice %arg9[%add3A_54, %dma_start3A_189] : memref<10240x144xf32, #tpu.memory_space<vmem_shared>> -> memref<64x144xf32, #tpu.memory_space<vmem_shared>>
      %dma_start3A_191 = arith.constant 0 : i32
      %dma_start3A_192 = tpu.memref_slice %arg9[%add3A_54, %dma_start3A_191] : memref<10240x144xf32, #tpu.memory_space<vmem_shared>> -> memref<64x144xf32, #tpu.memory_space<vmem_shared>>
      %dma_start3A_193 = arith.constant 0 : i32
      %dma_start3A_194 = arith.constant 0 : i32
      %dma_start3A_195 = tpu.memref_slice %arg8[%run_scoped3A_55, %dma_start3A_193, %dma_start3A_194] : memref<4x64x144xf32, #tpu.memory_space<vmem>> -> memref<1x64x144xf32, #tpu.memory_space<vmem>>
      %dma_start3A_196 = tpu.memref_squeeze %dma_start3A_195 : memref<1x64x144xf32, #tpu.memory_space<vmem>> -> memref<64x144xf32, #tpu.memory_space<vmem>>
      tpu.enqueue_dma source(%dma_start3A_196 : memref<64x144xf32, #tpu.memory_space<vmem>>) target(%dma_start3A_192 : memref<64x144xf32, #tpu.memory_space<vmem_shared>>) target_semaphore(%run_scoped3A_184 : memref<!tpu.dma_semaphore, #tpu.memory_space<semaphore_mem>>)
      %dma_wait3A_197 = arith.constant 0 : i32
      %dma_wait3A_198 = arith.constant 0 : i32
      %dma_wait3A_199 = tpu.memref_slice %arg8[%run_scoped3A_55, %dma_wait3A_197, %dma_wait3A_198] : memref<4x64x144xf32, #tpu.memory_space<vmem>> -> memref<1x64x144xf32, #tpu.memory_space<vmem>>
      %dma_wait3A_200 = tpu.memref_squeeze %dma_wait3A_199 : memref<1x64x144xf32, #tpu.memory_space<vmem>> -> memref<64x144xf32, #tpu.memory_space<vmem>>
      %dma_wait3A_201 = arith.constant 0 : i32
      %dma_wait3A_202 = tpu.memref_slice %arg9[%add3A_54, %dma_wait3A_201] : memref<10240x144xf32, #tpu.memory_space<vmem_shared>> -> memref<64x144xf32, #tpu.memory_space<vmem_shared>>
      %dma_wait3A_203 = arith.constant 0 : i32
      %dma_wait3A_204 = tpu.memref_slice %arg9[%add3A_54, %dma_wait3A_203] : memref<10240x144xf32, #tpu.memory_space<vmem_shared>> -> memref<64x144xf32, #tpu.memory_space<vmem_shared>>
      %dma_wait3A_205 = arith.constant 0 : i32
      %dma_wait3A_206 = arith.constant 0 : i32
      %dma_wait3A_207 = tpu.memref_slice %arg8[%run_scoped3A_55, %dma_wait3A_205, %dma_wait3A_206] : memref<4x64x144xf32, #tpu.memory_space<vmem>> -> memref<1x64x144xf32, #tpu.memory_space<vmem>>
      %dma_wait3A_208 = tpu.memref_squeeze %dma_wait3A_207 : memref<1x64x144xf32, #tpu.memory_space<vmem>> -> memref<64x144xf32, #tpu.memory_space<vmem>>
      tpu.wait_dma2 semaphore(%run_scoped3A_184 : memref<!tpu.dma_semaphore, #tpu.memory_space<semaphore_mem>>) src(%dma_wait3A_208 : memref<64x144xf32, #tpu.memory_space<vmem>>) dst(%dma_wait3A_204 : memref<64x144xf32, #tpu.memory_space<vmem_shared>>)
      tpu.yield
    }) : () -> ()
    %barrier3A = arith.constant 0 : index
    tpu.barrier barrier_id(%barrier3A)
    %add3A_56 = arith.constant 0 : i32
    %add3A_57 = arith.addi %mul3A_2, %add3A_56 : i32
    %run_scoped3A_58 = arith.constant 0 : i32
    %run_scoped3A_59 = arith.constant 0 : i32
    "tpu.region"() ({
      %run_scoped3A_184 = tpu.sem_alloc : memref<!tpu.dma_semaphore, #tpu.memory_space<semaphore_mem>>
      %dma_start3A_185 = arith.constant 0 : i32
      %dma_start3A_186 = tpu.memref_slice %arg6[%run_scoped3A_59, %dma_start3A_185] : memref<4x64xi32, #tpu.memory_space<vmem>> -> memref<1x64xi32, #tpu.memory_space<vmem>>
      %dma_start3A_187 = tpu.memref_squeeze %dma_start3A_186 : memref<1x64xi32, #tpu.memory_space<vmem>> -> memref<64xi32, #tpu.memory_space<vmem>>
      %dma_start3A_188 = arith.constant 0 : i32
      %dma_start3A_189 = tpu.memref_slice %arg3[%run_scoped3A_58, %add3A_57, %dma_start3A_188] : memref<2x5120x64xi32, #tpu.memory_space<hbm>> -> memref<1x1x64xi32, #tpu.memory_space<hbm>>
      %dma_start3A_190 = tpu.memref_squeeze %dma_start3A_189 : memref<1x1x64xi32, #tpu.memory_space<hbm>> -> memref<64xi32, #tpu.memory_space<hbm>>
      %dma_start3A_191 = arith.constant 0 : i32
      %dma_start3A_192 = tpu.memref_slice %arg6[%run_scoped3A_59, %dma_start3A_191] : memref<4x64xi32, #tpu.memory_space<vmem>> -> memref<1x64xi32, #tpu.memory_space<vmem>>
      %dma_start3A_193 = tpu.memref_squeeze %dma_start3A_192 : memref<1x64xi32, #tpu.memory_space<vmem>> -> memref<64xi32, #tpu.memory_space<vmem>>
      %dma_start3A_194 = arith.constant 0 : i32
      %dma_start3A_195 = tpu.memref_slice %arg3[%run_scoped3A_58, %add3A_57, %dma_start3A_194] : memref<2x5120x64xi32, #tpu.memory_space<hbm>> -> memref<1x1x64xi32, #tpu.memory_space<hbm>>
      %dma_start3A_196 = tpu.memref_squeeze %dma_start3A_195 : memref<1x1x64xi32, #tpu.memory_space<hbm>> -> memref<64xi32, #tpu.memory_space<hbm>>
      tpu.enqueue_dma source(%dma_start3A_196 : memref<64xi32, #tpu.memory_space<hbm>>) target(%dma_start3A_193 : memref<64xi32, #tpu.memory_space<vmem>>) target_semaphore(%run_scoped3A_184 : memref<!tpu.dma_semaphore, #tpu.memory_space<semaphore_mem>>)
      %dma_wait3A_197 = arith.constant 0 : i32
      %dma_wait3A_198 = tpu.memref_slice %arg6[%run_scoped3A_59, %dma_wait3A_197] : memref<4x64xi32, #tpu.memory_space<vmem>> -> memref<1x64xi32, #tpu.memory_space<vmem>>
      %dma_wait3A_199 = tpu.memref_squeeze %dma_wait3A_198 : memref<1x64xi32, #tpu.memory_space<vmem>> -> memref<64xi32, #tpu.memory_space<vmem>>
      %dma_wait3A_200 = arith.constant 0 : i32
      %dma_wait3A_201 = tpu.memref_slice %arg3[%run_scoped3A_58, %add3A_57, %dma_wait3A_200] : memref<2x5120x64xi32, #tpu.memory_space<hbm>> -> memref<1x1x64xi32, #tpu.memory_space<hbm>>
      %dma_wait3A_202 = tpu.memref_squeeze %dma_wait3A_201 : memref<1x1x64xi32, #tpu.memory_space<hbm>> -> memref<64xi32, #tpu.memory_space<hbm>>
      %dma_wait3A_203 = arith.constant 0 : i32
      %dma_wait3A_204 = tpu.memref_slice %arg6[%run_scoped3A_59, %dma_wait3A_203] : memref<4x64xi32, #tpu.memory_space<vmem>> -> memref<1x64xi32, #tpu.memory_space<vmem>>
      %dma_wait3A_205 = tpu.memref_squeeze %dma_wait3A_204 : memref<1x64xi32, #tpu.memory_space<vmem>> -> memref<64xi32, #tpu.memory_space<vmem>>
      %dma_wait3A_206 = arith.constant 0 : i32
      %dma_wait3A_207 = tpu.memref_slice %arg3[%run_scoped3A_58, %add3A_57, %dma_wait3A_206] : memref<2x5120x64xi32, #tpu.memory_space<hbm>> -> memref<1x1x64xi32, #tpu.memory_space<hbm>>
      %dma_wait3A_208 = tpu.memref_squeeze %dma_wait3A_207 : memref<1x1x64xi32, #tpu.memory_space<hbm>> -> memref<64xi32, #tpu.memory_space<hbm>>
      tpu.wait_dma2 semaphore(%run_scoped3A_184 : memref<!tpu.dma_semaphore, #tpu.memory_space<semaphore_mem>>) src(%dma_wait3A_208 : memref<64xi32, #tpu.memory_space<hbm>>) dst(%dma_wait3A_205 : memref<64xi32, #tpu.memory_space<vmem>>)
      tpu.yield
    }) : () -> ()
    %add3A_60 = arith.constant 1 : i32
    %add3A_61 = arith.addi %mul3A_2, %add3A_60 : i32
    %run_scoped3A_62 = arith.constant 0 : i32
    %run_scoped3A_63 = arith.constant 1 : i32
    "tpu.region"() ({
      %run_scoped3A_184 = tpu.sem_alloc : memref<!tpu.dma_semaphore, #tpu.memory_space<semaphore_mem>>
      %dma_start3A_185 = arith.constant 0 : i32
      %dma_start3A_186 = tpu.memref_slice %arg6[%run_scoped3A_63, %dma_start3A_185] : memref<4x64xi32, #tpu.memory_space<vmem>> -> memref<1x64xi32, #tpu.memory_space<vmem>>
      %dma_start3A_187 = tpu.memref_squeeze %dma_start3A_186 : memref<1x64xi32, #tpu.memory_space<vmem>> -> memref<64xi32, #tpu.memory_space<vmem>>
      %dma_start3A_188 = arith.constant 0 : i32
      %dma_start3A_189 = tpu.memref_slice %arg3[%run_scoped3A_62, %add3A_61, %dma_start3A_188] : memref<2x5120x64xi32, #tpu.memory_space<hbm>> -> memref<1x1x64xi32, #tpu.memory_space<hbm>>
      %dma_start3A_190 = tpu.memref_squeeze %dma_start3A_189 : memref<1x1x64xi32, #tpu.memory_space<hbm>> -> memref<64xi32, #tpu.memory_space<hbm>>
      %dma_start3A_191 = arith.constant 0 : i32
      %dma_start3A_192 = tpu.memref_slice %arg6[%run_scoped3A_63, %dma_start3A_191] : memref<4x64xi32, #tpu.memory_space<vmem>> -> memref<1x64xi32, #tpu.memory_space<vmem>>
      %dma_start3A_193 = tpu.memref_squeeze %dma_start3A_192 : memref<1x64xi32, #tpu.memory_space<vmem>> -> memref<64xi32, #tpu.memory_space<vmem>>
      %dma_start3A_194 = arith.constant 0 : i32
      %dma_start3A_195 = tpu.memref_slice %arg3[%run_scoped3A_62, %add3A_61, %dma_start3A_194] : memref<2x5120x64xi32, #tpu.memory_space<hbm>> -> memref<1x1x64xi32, #tpu.memory_space<hbm>>
      %dma_start3A_196 = tpu.memref_squeeze %dma_start3A_195 : memref<1x1x64xi32, #tpu.memory_space<hbm>> -> memref<64xi32, #tpu.memory_space<hbm>>
      tpu.enqueue_dma source(%dma_start3A_196 : memref<64xi32, #tpu.memory_space<hbm>>) target(%dma_start3A_193 : memref<64xi32, #tpu.memory_space<vmem>>) target_semaphore(%run_scoped3A_184 : memref<!tpu.dma_semaphore, #tpu.memory_space<semaphore_mem>>)
      %dma_wait3A_197 = arith.constant 0 : i32
      %dma_wait3A_198 = tpu.memref_slice %arg6[%run_scoped3A_63, %dma_wait3A_197] : memref<4x64xi32, #tpu.memory_space<vmem>> -> memref<1x64xi32, #tpu.memory_space<vmem>>
      %dma_wait3A_199 = tpu.memref_squeeze %dma_wait3A_198 : memref<1x64xi32, #tpu.memory_space<vmem>> -> memref<64xi32, #tpu.memory_space<vmem>>
      %dma_wait3A_200 = arith.constant 0 : i32
      %dma_wait3A_201 = tpu.memref_slice %arg3[%run_scoped3A_62, %add3A_61, %dma_wait3A_200] : memref<2x5120x64xi32, #tpu.memory_space<hbm>> -> memref<1x1x64xi32, #tpu.memory_space<hbm>>
      %dma_wait3A_202 = tpu.memref_squeeze %dma_wait3A_201 : memref<1x1x64xi32, #tpu.memory_space<hbm>> -> memref<64xi32, #tpu.memory_space<hbm>>
      %dma_wait3A_203 = arith.constant 0 : i32
      %dma_wait3A_204 = tpu.memref_slice %arg6[%run_scoped3A_63, %dma_wait3A_203] : memref<4x64xi32, #tpu.memory_space<vmem>> -> memref<1x64xi32, #tpu.memory_space<vmem>>
      %dma_wait3A_205 = tpu.memref_squeeze %dma_wait3A_204 : memref<1x64xi32, #tpu.memory_space<vmem>> -> memref<64xi32, #tpu.memory_space<vmem>>
      %dma_wait3A_206 = arith.constant 0 : i32
      %dma_wait3A_207 = tpu.memref_slice %arg3[%run_scoped3A_62, %add3A_61, %dma_wait3A_206] : memref<2x5120x64xi32, #tpu.memory_space<hbm>> -> memref<1x1x64xi32, #tpu.memory_space<hbm>>
      %dma_wait3A_208 = tpu.memref_squeeze %dma_wait3A_207 : memref<1x1x64xi32, #tpu.memory_space<hbm>> -> memref<64xi32, #tpu.memory_space<hbm>>
      tpu.wait_dma2 semaphore(%run_scoped3A_184 : memref<!tpu.dma_semaphore, #tpu.memory_space<semaphore_mem>>) src(%dma_wait3A_208 : memref<64xi32, #tpu.memory_space<hbm>>) dst(%dma_wait3A_205 : memref<64xi32, #tpu.memory_space<vmem>>)
      tpu.yield
    }) : () -> ()
    %add3A_64 = arith.constant 2 : i32
    %add3A_65 = arith.addi %mul3A_2, %add3A_64 : i32
    %run_scoped3A_66 = arith.constant 0 : i32
    %run_scoped3A_67 = arith.constant 2 : i32
    "tpu.region"() ({
      %run_scoped3A_184 = tpu.sem_alloc : memref<!tpu.dma_semaphore, #tpu.memory_space<semaphore_mem>>
      %dma_start3A_185 = arith.constant 0 : i32
      %dma_start3A_186 = tpu.memref_slice %arg6[%run_scoped3A_67, %dma_start3A_185] : memref<4x64xi32, #tpu.memory_space<vmem>> -> memref<1x64xi32, #tpu.memory_space<vmem>>
      %dma_start3A_187 = tpu.memref_squeeze %dma_start3A_186 : memref<1x64xi32, #tpu.memory_space<vmem>> -> memref<64xi32, #tpu.memory_space<vmem>>
      %dma_start3A_188 = arith.constant 0 : i32
      %dma_start3A_189 = tpu.memref_slice %arg3[%run_scoped3A_66, %add3A_65, %dma_start3A_188] : memref<2x5120x64xi32, #tpu.memory_space<hbm>> -> memref<1x1x64xi32, #tpu.memory_space<hbm>>
      %dma_start3A_190 = tpu.memref_squeeze %dma_start3A_189 : memref<1x1x64xi32, #tpu.memory_space<hbm>> -> memref<64xi32, #tpu.memory_space<hbm>>
      %dma_start3A_191 = arith.constant 0 : i32
      %dma_start3A_192 = tpu.memref_slice %arg6[%run_scoped3A_67, %dma_start3A_191] : memref<4x64xi32, #tpu.memory_space<vmem>> -> memref<1x64xi32, #tpu.memory_space<vmem>>
      %dma_start3A_193 = tpu.memref_squeeze %dma_start3A_192 : memref<1x64xi32, #tpu.memory_space<vmem>> -> memref<64xi32, #tpu.memory_space<vmem>>
      %dma_start3A_194 = arith.constant 0 : i32
      %dma_start3A_195 = tpu.memref_slice %arg3[%run_scoped3A_66, %add3A_65, %dma_start3A_194] : memref<2x5120x64xi32, #tpu.memory_space<hbm>> -> memref<1x1x64xi32, #tpu.memory_space<hbm>>
      %dma_start3A_196 = tpu.memref_squeeze %dma_start3A_195 : memref<1x1x64xi32, #tpu.memory_space<hbm>> -> memref<64xi32, #tpu.memory_space<hbm>>
      tpu.enqueue_dma source(%dma_start3A_196 : memref<64xi32, #tpu.memory_space<hbm>>) target(%dma_start3A_193 : memref<64xi32, #tpu.memory_space<vmem>>) target_semaphore(%run_scoped3A_184 : memref<!tpu.dma_semaphore, #tpu.memory_space<semaphore_mem>>)
      %dma_wait3A_197 = arith.constant 0 : i32
      %dma_wait3A_198 = tpu.memref_slice %arg6[%run_scoped3A_67, %dma_wait3A_197] : memref<4x64xi32, #tpu.memory_space<vmem>> -> memref<1x64xi32, #tpu.memory_space<vmem>>
      %dma_wait3A_199 = tpu.memref_squeeze %dma_wait3A_198 : memref<1x64xi32, #tpu.memory_space<vmem>> -> memref<64xi32, #tpu.memory_space<vmem>>
      %dma_wait3A_200 = arith.constant 0 : i32
      %dma_wait3A_201 = tpu.memref_slice %arg3[%run_scoped3A_66, %add3A_65, %dma_wait3A_200] : memref<2x5120x64xi32, #tpu.memory_space<hbm>> -> memref<1x1x64xi32, #tpu.memory_space<hbm>>
      %dma_wait3A_202 = tpu.memref_squeeze %dma_wait3A_201 : memref<1x1x64xi32, #tpu.memory_space<hbm>> -> memref<64xi32, #tpu.memory_space<hbm>>
      %dma_wait3A_203 = arith.constant 0 : i32
      %dma_wait3A_204 = tpu.memref_slice %arg6[%run_scoped3A_67, %dma_wait3A_203] : memref<4x64xi32, #tpu.memory_space<vmem>> -> memref<1x64xi32, #tpu.memory_space<vmem>>
      %dma_wait3A_205 = tpu.memref_squeeze %dma_wait3A_204 : memref<1x64xi32, #tpu.memory_space<vmem>> -> memref<64xi32, #tpu.memory_space<vmem>>
      %dma_wait3A_206 = arith.constant 0 : i32
      %dma_wait3A_207 = tpu.memref_slice %arg3[%run_scoped3A_66, %add3A_65, %dma_wait3A_206] : memref<2x5120x64xi32, #tpu.memory_space<hbm>> -> memref<1x1x64xi32, #tpu.memory_space<hbm>>
      %dma_wait3A_208 = tpu.memref_squeeze %dma_wait3A_207 : memref<1x1x64xi32, #tpu.memory_space<hbm>> -> memref<64xi32, #tpu.memory_space<hbm>>
      tpu.wait_dma2 semaphore(%run_scoped3A_184 : memref<!tpu.dma_semaphore, #tpu.memory_space<semaphore_mem>>) src(%dma_wait3A_208 : memref<64xi32, #tpu.memory_space<hbm>>) dst(%dma_wait3A_205 : memref<64xi32, #tpu.memory_space<vmem>>)
      tpu.yield
    }) : () -> ()
    %add3A_68 = arith.constant 0 : i32
    %add3A_69 = arith.addi %mul3A_2, %add3A_68 : i32
    %run_scoped3A_70 = arith.constant 1 : i32
    %run_scoped3A_71 = arith.constant 0 : i32
    "tpu.region"() ({
      %run_scoped3A_184 = tpu.sem_alloc : memref<!tpu.dma_semaphore, #tpu.memory_space<semaphore_mem>>
      %dma_start3A_185 = arith.constant 0 : i32
      %dma_start3A_186 = tpu.memref_slice %arg7[%run_scoped3A_71, %dma_start3A_185] : memref<4x64xi32, #tpu.memory_space<vmem>> -> memref<1x64xi32, #tpu.memory_space<vmem>>
      %dma_start3A_187 = tpu.memref_squeeze %dma_start3A_186 : memref<1x64xi32, #tpu.memory_space<vmem>> -> memref<64xi32, #tpu.memory_space<vmem>>
      %dma_start3A_188 = arith.constant 0 : i32
      %dma_start3A_189 = tpu.memref_slice %arg3[%run_scoped3A_70, %add3A_69, %dma_start3A_188] : memref<2x5120x64xi32, #tpu.memory_space<hbm>> -> memref<1x1x64xi32, #tpu.memory_space<hbm>>
      %dma_start3A_190 = tpu.memref_squeeze %dma_start3A_189 : memref<1x1x64xi32, #tpu.memory_space<hbm>> -> memref<64xi32, #tpu.memory_space<hbm>>
      %dma_start3A_191 = arith.constant 0 : i32
      %dma_start3A_192 = tpu.memref_slice %arg7[%run_scoped3A_71, %dma_start3A_191] : memref<4x64xi32, #tpu.memory_space<vmem>> -> memref<1x64xi32, #tpu.memory_space<vmem>>
      %dma_start3A_193 = tpu.memref_squeeze %dma_start3A_192 : memref<1x64xi32, #tpu.memory_space<vmem>> -> memref<64xi32, #tpu.memory_space<vmem>>
      %dma_start3A_194 = arith.constant 0 : i32
      %dma_start3A_195 = tpu.memref_slice %arg3[%run_scoped3A_70, %add3A_69, %dma_start3A_194] : memref<2x5120x64xi32, #tpu.memory_space<hbm>> -> memref<1x1x64xi32, #tpu.memory_space<hbm>>
      %dma_start3A_196 = tpu.memref_squeeze %dma_start3A_195 : memref<1x1x64xi32, #tpu.memory_space<hbm>> -> memref<64xi32, #tpu.memory_space<hbm>>
      tpu.enqueue_dma source(%dma_start3A_196 : memref<64xi32, #tpu.memory_space<hbm>>) target(%dma_start3A_193 : memref<64xi32, #tpu.memory_space<vmem>>) target_semaphore(%run_scoped3A_184 : memref<!tpu.dma_semaphore, #tpu.memory_space<semaphore_mem>>)
      %dma_wait3A_197 = arith.constant 0 : i32
      %dma_wait3A_198 = tpu.memref_slice %arg7[%run_scoped3A_71, %dma_wait3A_197] : memref<4x64xi32, #tpu.memory_space<vmem>> -> memref<1x64xi32, #tpu.memory_space<vmem>>
      %dma_wait3A_199 = tpu.memref_squeeze %dma_wait3A_198 : memref<1x64xi32, #tpu.memory_space<vmem>> -> memref<64xi32, #tpu.memory_space<vmem>>
      %dma_wait3A_200 = arith.constant 0 : i32
      %dma_wait3A_201 = tpu.memref_slice %arg3[%run_scoped3A_70, %add3A_69, %dma_wait3A_200] : memref<2x5120x64xi32, #tpu.memory_space<hbm>> -> memref<1x1x64xi32, #tpu.memory_space<hbm>>
      %dma_wait3A_202 = tpu.memref_squeeze %dma_wait3A_201 : memref<1x1x64xi32, #tpu.memory_space<hbm>> -> memref<64xi32, #tpu.memory_space<hbm>>
      %dma_wait3A_203 = arith.constant 0 : i32
      %dma_wait3A_204 = tpu.memref_slice %arg7[%run_scoped3A_71, %dma_wait3A_203] : memref<4x64xi32, #tpu.memory_space<vmem>> -> memref<1x64xi32, #tpu.memory_space<vmem>>
      %dma_wait3A_205 = tpu.memref_squeeze %dma_wait3A_204 : memref<1x64xi32, #tpu.memory_space<vmem>> -> memref<64xi32, #tpu.memory_space<vmem>>
      %dma_wait3A_206 = arith.constant 0 : i32
      %dma_wait3A_207 = tpu.memref_slice %arg3[%run_scoped3A_70, %add3A_69, %dma_wait3A_206] : memref<2x5120x64xi32, #tpu.memory_space<hbm>> -> memref<1x1x64xi32, #tpu.memory_space<hbm>>
      %dma_wait3A_208 = tpu.memref_squeeze %dma_wait3A_207 : memref<1x1x64xi32, #tpu.memory_space<hbm>> -> memref<64xi32, #tpu.memory_space<hbm>>
      tpu.wait_dma2 semaphore(%run_scoped3A_184 : memref<!tpu.dma_semaphore, #tpu.memory_space<semaphore_mem>>) src(%dma_wait3A_208 : memref<64xi32, #tpu.memory_space<hbm>>) dst(%dma_wait3A_205 : memref<64xi32, #tpu.memory_space<vmem>>)
      tpu.yield
    }) : () -> ()
    %add3A_72 = arith.constant 1 : i32
    %add3A_73 = arith.addi %mul3A_2, %add3A_72 : i32
    %run_scoped3A_74 = arith.constant 1 : i32
    %run_scoped3A_75 = arith.constant 1 : i32
    "tpu.region"() ({
      %run_scoped3A_184 = tpu.sem_alloc : memref<!tpu.dma_semaphore, #tpu.memory_space<semaphore_mem>>
      %dma_start3A_185 = arith.constant 0 : i32
      %dma_start3A_186 = tpu.memref_slice %arg7[%run_scoped3A_75, %dma_start3A_185] : memref<4x64xi32, #tpu.memory_space<vmem>> -> memref<1x64xi32, #tpu.memory_space<vmem>>
      %dma_start3A_187 = tpu.memref_squeeze %dma_start3A_186 : memref<1x64xi32, #tpu.memory_space<vmem>> -> memref<64xi32, #tpu.memory_space<vmem>>
      %dma_start3A_188 = arith.constant 0 : i32
      %dma_start3A_189 = tpu.memref_slice %arg3[%run_scoped3A_74, %add3A_73, %dma_start3A_188] : memref<2x5120x64xi32, #tpu.memory_space<hbm>> -> memref<1x1x64xi32, #tpu.memory_space<hbm>>
      %dma_start3A_190 = tpu.memref_squeeze %dma_start3A_189 : memref<1x1x64xi32, #tpu.memory_space<hbm>> -> memref<64xi32, #tpu.memory_space<hbm>>
      %dma_start3A_191 = arith.constant 0 : i32
      %dma_start3A_192 = tpu.memref_slice %arg7[%run_scoped3A_75, %dma_start3A_191] : memref<4x64xi32, #tpu.memory_space<vmem>> -> memref<1x64xi32, #tpu.memory_space<vmem>>
      %dma_start3A_193 = tpu.memref_squeeze %dma_start3A_192 : memref<1x64xi32, #tpu.memory_space<vmem>> -> memref<64xi32, #tpu.memory_space<vmem>>
      %dma_start3A_194 = arith.constant 0 : i32
      %dma_start3A_195 = tpu.memref_slice %arg3[%run_scoped3A_74, %add3A_73, %dma_start3A_194] : memref<2x5120x64xi32, #tpu.memory_space<hbm>> -> memref<1x1x64xi32, #tpu.memory_space<hbm>>
      %dma_start3A_196 = tpu.memref_squeeze %dma_start3A_195 : memref<1x1x64xi32, #tpu.memory_space<hbm>> -> memref<64xi32, #tpu.memory_space<hbm>>
      tpu.enqueue_dma source(%dma_start3A_196 : memref<64xi32, #tpu.memory_space<hbm>>) target(%dma_start3A_193 : memref<64xi32, #tpu.memory_space<vmem>>) target_semaphore(%run_scoped3A_184 : memref<!tpu.dma_semaphore, #tpu.memory_space<semaphore_mem>>)
      %dma_wait3A_197 = arith.constant 0 : i32
      %dma_wait3A_198 = tpu.memref_slice %arg7[%run_scoped3A_75, %dma_wait3A_197] : memref<4x64xi32, #tpu.memory_space<vmem>> -> memref<1x64xi32, #tpu.memory_space<vmem>>
      %dma_wait3A_199 = tpu.memref_squeeze %dma_wait3A_198 : memref<1x64xi32, #tpu.memory_space<vmem>> -> memref<64xi32, #tpu.memory_space<vmem>>
      %dma_wait3A_200 = arith.constant 0 : i32
      %dma_wait3A_201 = tpu.memref_slice %arg3[%run_scoped3A_74, %add3A_73, %dma_wait3A_200] : memref<2x5120x64xi32, #tpu.memory_space<hbm>> -> memref<1x1x64xi32, #tpu.memory_space<hbm>>
      %dma_wait3A_202 = tpu.memref_squeeze %dma_wait3A_201 : memref<1x1x64xi32, #tpu.memory_space<hbm>> -> memref<64xi32, #tpu.memory_space<hbm>>
      %dma_wait3A_203 = arith.constant 0 : i32
      %dma_wait3A_204 = tpu.memref_slice %arg7[%run_scoped3A_75, %dma_wait3A_203] : memref<4x64xi32, #tpu.memory_space<vmem>> -> memref<1x64xi32, #tpu.memory_space<vmem>>
      %dma_wait3A_205 = tpu.memref_squeeze %dma_wait3A_204 : memref<1x64xi32, #tpu.memory_space<vmem>> -> memref<64xi32, #tpu.memory_space<vmem>>
      %dma_wait3A_206 = arith.constant 0 : i32
      %dma_wait3A_207 = tpu.memref_slice %arg3[%run_scoped3A_74, %add3A_73, %dma_wait3A_206] : memref<2x5120x64xi32, #tpu.memory_space<hbm>> -> memref<1x1x64xi32, #tpu.memory_space<hbm>>
      %dma_wait3A_208 = tpu.memref_squeeze %dma_wait3A_207 : memref<1x1x64xi32, #tpu.memory_space<hbm>> -> memref<64xi32, #tpu.memory_space<hbm>>
      tpu.wait_dma2 semaphore(%run_scoped3A_184 : memref<!tpu.dma_semaphore, #tpu.memory_space<semaphore_mem>>) src(%dma_wait3A_208 : memref<64xi32, #tpu.memory_space<hbm>>) dst(%dma_wait3A_205 : memref<64xi32, #tpu.memory_space<vmem>>)
      tpu.yield
    }) : () -> ()
    %dma_start3A = arith.constant 0 : i32
    %dma_start3A_76 = arith.constant 0 : i32
    %dma_start3A_77 = arith.constant 0 : i32
    %dma_start3A_78 = arith.constant 0 : i32
    %dma_start3A_79 = tpu.memref_slice %arg8[%dma_start3A_76, %dma_start3A_77, %dma_start3A_78] : memref<4x64x144xf32, #tpu.memory_space<vmem>> -> memref<1x64x144xf32, #tpu.memory_space<vmem>>
    %dma_start3A_80 = tpu.memref_squeeze %dma_start3A_79 : memref<1x64x144xf32, #tpu.memory_space<vmem>> -> memref<64x144xf32, #tpu.memory_space<vmem>>
    %dma_start3A_81 = arith.constant 0 : i32
    %dma_start3A_82 = tpu.memref_slice %arg6[%dma_start3A, %dma_start3A_81] : memref<4x64xi32, #tpu.memory_space<vmem>> -> memref<1x64xi32, #tpu.memory_space<vmem>>
    %dma_start3A_83 = tpu.memref_squeeze %dma_start3A_82 : memref<1x64xi32, #tpu.memory_space<vmem>> -> memref<64xi32, #tpu.memory_space<vmem>>
    %dma_start3A_84 = arith.constant 0 : i32
    %dma_start3A_85 = arith.constant 0 : i32
    %dma_start3A_86 = tpu.memref_slice %arg2[%dma_start3A_84, %dma_start3A_85] : memref<10000x144xf32, #tpu.memory_space<hbm>> -> memref<10000x144xf32, #tpu.memory_space<hbm>>
    tpu.enqueue_indirect_dma source(%dma_start3A_86 : memref<10000x144xf32, #tpu.memory_space<hbm>>) target(%dma_start3A_80 : memref<64x144xf32, #tpu.memory_space<vmem>>) offsets(%dma_start3A_83 : memref<64xi32, #tpu.memory_space<vmem>>) semaphore(%arg10 : memref<!tpu.dma_semaphore, #tpu.memory_space<semaphore_mem>>)
    %dma_start3A_87 = arith.constant 1 : i32
    %dma_start3A_88 = arith.constant 1 : i32
    %dma_start3A_89 = arith.constant 0 : i32
    %dma_start3A_90 = arith.constant 0 : i32
    %dma_start3A_91 = tpu.memref_slice %arg8[%dma_start3A_88, %dma_start3A_89, %dma_start3A_90] : memref<4x64x144xf32, #tpu.memory_space<vmem>> -> memref<1x64x144xf32, #tpu.memory_space<vmem>>
    %dma_start3A_92 = tpu.memref_squeeze %dma_start3A_91 : memref<1x64x144xf32, #tpu.memory_space<vmem>> -> memref<64x144xf32, #tpu.memory_space<vmem>>
    %dma_start3A_93 = arith.constant 0 : i32
    %dma_start3A_94 = tpu.memref_slice %arg6[%dma_start3A_87, %dma_start3A_93] : memref<4x64xi32, #tpu.memory_space<vmem>> -> memref<1x64xi32, #tpu.memory_space<vmem>>
    %dma_start3A_95 = tpu.memref_squeeze %dma_start3A_94 : memref<1x64xi32, #tpu.memory_space<vmem>> -> memref<64xi32, #tpu.memory_space<vmem>>
    %dma_start3A_96 = arith.constant 0 : i32
    %dma_start3A_97 = arith.constant 0 : i32
    %dma_start3A_98 = tpu.memref_slice %arg2[%dma_start3A_96, %dma_start3A_97] : memref<10000x144xf32, #tpu.memory_space<hbm>> -> memref<10000x144xf32, #tpu.memory_space<hbm>>
    tpu.enqueue_indirect_dma source(%dma_start3A_98 : memref<10000x144xf32, #tpu.memory_space<hbm>>) target(%dma_start3A_92 : memref<64x144xf32, #tpu.memory_space<vmem>>) offsets(%dma_start3A_95 : memref<64xi32, #tpu.memory_space<vmem>>) semaphore(%arg11 : memref<!tpu.dma_semaphore, #tpu.memory_space<semaphore_mem>>)
    %dma_start3A_99 = arith.constant 2 : i32
    %dma_start3A_100 = arith.constant 2 : i32
    %dma_start3A_101 = arith.constant 0 : i32
    %dma_start3A_102 = arith.constant 0 : i32
    %dma_start3A_103 = tpu.memref_slice %arg8[%dma_start3A_100, %dma_start3A_101, %dma_start3A_102] : memref<4x64x144xf32, #tpu.memory_space<vmem>> -> memref<1x64x144xf32, #tpu.memory_space<vmem>>
    %dma_start3A_104 = tpu.memref_squeeze %dma_start3A_103 : memref<1x64x144xf32, #tpu.memory_space<vmem>> -> memref<64x144xf32, #tpu.memory_space<vmem>>
    %dma_start3A_105 = arith.constant 0 : i32
    %dma_start3A_106 = tpu.memref_slice %arg6[%dma_start3A_99, %dma_start3A_105] : memref<4x64xi32, #tpu.memory_space<vmem>> -> memref<1x64xi32, #tpu.memory_space<vmem>>
    %dma_start3A_107 = tpu.memref_squeeze %dma_start3A_106 : memref<1x64xi32, #tpu.memory_space<vmem>> -> memref<64xi32, #tpu.memory_space<vmem>>
    %dma_start3A_108 = arith.constant 0 : i32
    %dma_start3A_109 = arith.constant 0 : i32
    %dma_start3A_110 = tpu.memref_slice %arg2[%dma_start3A_108, %dma_start3A_109] : memref<10000x144xf32, #tpu.memory_space<hbm>> -> memref<10000x144xf32, #tpu.memory_space<hbm>>
    tpu.enqueue_indirect_dma source(%dma_start3A_110 : memref<10000x144xf32, #tpu.memory_space<hbm>>) target(%dma_start3A_104 : memref<64x144xf32, #tpu.memory_space<vmem>>) offsets(%dma_start3A_107 : memref<64xi32, #tpu.memory_space<vmem>>) semaphore(%arg12 : memref<!tpu.dma_semaphore, #tpu.memory_space<semaphore_mem>>)
    %add3A_111 = arith.constant 3 : i32
    %add3A_112 = arith.addi %mul3A_2, %add3A_111 : i32
    %dma_start3A_113 = arith.constant 0 : i32
    %dma_start3A_114 = arith.constant 3 : i32
    %dma_start3A_115 = arith.constant 0 : i32
    %dma_start3A_116 = tpu.memref_slice %arg6[%dma_start3A_114, %dma_start3A_115] : memref<4x64xi32, #tpu.memory_space<vmem>> -> memref<1x64xi32, #tpu.memory_space<vmem>>
    %dma_start3A_117 = tpu.memref_squeeze %dma_start3A_116 : memref<1x64xi32, #tpu.memory_space<vmem>> -> memref<64xi32, #tpu.memory_space<vmem>>
    %dma_start3A_118 = arith.constant 0 : i32
    %dma_start3A_119 = tpu.memref_slice %arg3[%dma_start3A_113, %add3A_112, %dma_start3A_118] : memref<2x5120x64xi32, #tpu.memory_space<hbm>> -> memref<1x1x64xi32, #tpu.memory_space<hbm>>
    %dma_start3A_120 = tpu.memref_squeeze %dma_start3A_119 : memref<1x1x64xi32, #tpu.memory_space<hbm>> -> memref<64xi32, #tpu.memory_space<hbm>>
    %dma_start3A_121 = arith.constant 0 : i32
    %dma_start3A_122 = tpu.memref_slice %arg6[%dma_start3A_114, %dma_start3A_121] : memref<4x64xi32, #tpu.memory_space<vmem>> -> memref<1x64xi32, #tpu.memory_space<vmem>>
    %dma_start3A_123 = tpu.memref_squeeze %dma_start3A_122 : memref<1x64xi32, #tpu.memory_space<vmem>> -> memref<64xi32, #tpu.memory_space<vmem>>
    %dma_start3A_124 = arith.constant 0 : i32
    %dma_start3A_125 = tpu.memref_slice %arg3[%dma_start3A_113, %add3A_112, %dma_start3A_124] : memref<2x5120x64xi32, #tpu.memory_space<hbm>> -> memref<1x1x64xi32, #tpu.memory_space<hbm>>
    %dma_start3A_126 = tpu.memref_squeeze %dma_start3A_125 : memref<1x1x64xi32, #tpu.memory_space<hbm>> -> memref<64xi32, #tpu.memory_space<hbm>>
    tpu.enqueue_dma source(%dma_start3A_126 : memref<64xi32, #tpu.memory_space<hbm>>) target(%dma_start3A_123 : memref<64xi32, #tpu.memory_space<vmem>>) target_semaphore(%arg21 : memref<!tpu.dma_semaphore, #tpu.memory_space<semaphore_mem>>)
    %add3A_127 = arith.constant 2 : i32
    %add3A_128 = arith.addi %mul3A_2, %add3A_127 : i32
    %dma_start3A_129 = arith.constant 1 : i32
    %dma_start3A_130 = arith.constant 2 : i32
    %dma_start3A_131 = arith.constant 0 : i32
    %dma_start3A_132 = tpu.memref_slice %arg7[%dma_start3A_130, %dma_start3A_131] : memref<4x64xi32, #tpu.memory_space<vmem>> -> memref<1x64xi32, #tpu.memory_space<vmem>>
    %dma_start3A_133 = tpu.memref_squeeze %dma_start3A_132 : memref<1x64xi32, #tpu.memory_space<vmem>> -> memref<64xi32, #tpu.memory_space<vmem>>
    %dma_start3A_134 = arith.constant 0 : i32
    %dma_start3A_135 = tpu.memref_slice %arg3[%dma_start3A_129, %add3A_128, %dma_start3A_134] : memref<2x5120x64xi32, #tpu.memory_space<hbm>> -> memref<1x1x64xi32, #tpu.memory_space<hbm>>
    %dma_start3A_136 = tpu.memref_squeeze %dma_start3A_135 : memref<1x1x64xi32, #tpu.memory_space<hbm>> -> memref<64xi32, #tpu.memory_space<hbm>>
    %dma_start3A_137 = arith.constant 0 : i32
    %dma_start3A_138 = tpu.memref_slice %arg7[%dma_start3A_130, %dma_start3A_137] : memref<4x64xi32, #tpu.memory_space<vmem>> -> memref<1x64xi32, #tpu.memory_space<vmem>>
    %dma_start3A_139 = tpu.memref_squeeze %dma_start3A_138 : memref<1x64xi32, #tpu.memory_space<vmem>> -> memref<64xi32, #tpu.memory_space<vmem>>
    %dma_start3A_140 = arith.constant 0 : i32
    %dma_start3A_141 = tpu.memref_slice %arg3[%dma_start3A_129, %add3A_128, %dma_start3A_140] : memref<2x5120x64xi32, #tpu.memory_space<hbm>> -> memref<1x1x64xi32, #tpu.memory_space<hbm>>
    %dma_start3A_142 = tpu.memref_squeeze %dma_start3A_141 : memref<1x1x64xi32, #tpu.memory_space<hbm>> -> memref<64xi32, #tpu.memory_space<hbm>>
    tpu.enqueue_dma source(%dma_start3A_142 : memref<64xi32, #tpu.memory_space<hbm>>) target(%dma_start3A_139 : memref<64xi32, #tpu.memory_space<vmem>>) target_semaphore(%arg24 : memref<!tpu.dma_semaphore, #tpu.memory_space<semaphore_mem>>)
    %add3A_143 = arith.constant 3 : i32
    %add3A_144 = arith.addi %mul3A_2, %add3A_143 : i32
    %dma_start3A_145 = arith.constant 1 : i32
    %dma_start3A_146 = arith.constant 3 : i32
    %dma_start3A_147 = arith.constant 0 : i32
    %dma_start3A_148 = tpu.memref_slice %arg7[%dma_start3A_146, %dma_start3A_147] : memref<4x64xi32, #tpu.memory_space<vmem>> -> memref<1x64xi32, #tpu.memory_space<vmem>>
    %dma_start3A_149 = tpu.memref_squeeze %dma_start3A_148 : memref<1x64xi32, #tpu.memory_space<vmem>> -> memref<64xi32, #tpu.memory_space<vmem>>
    %dma_start3A_150 = arith.constant 0 : i32
    %dma_start3A_151 = tpu.memref_slice %arg3[%dma_start3A_145, %add3A_144, %dma_start3A_150] : memref<2x5120x64xi32, #tpu.memory_space<hbm>> -> memref<1x1x64xi32, #tpu.memory_space<hbm>>
    %dma_start3A_152 = tpu.memref_squeeze %dma_start3A_151 : memref<1x1x64xi32, #tpu.memory_space<hbm>> -> memref<64xi32, #tpu.memory_space<hbm>>
    %dma_start3A_153 = arith.constant 0 : i32
    %dma_start3A_154 = tpu.memref_slice %arg7[%dma_start3A_146, %dma_start3A_153] : memref<4x64xi32, #tpu.memory_space<vmem>> -> memref<1x64xi32, #tpu.memory_space<vmem>>
    %dma_start3A_155 = tpu.memref_squeeze %dma_start3A_154 : memref<1x64xi32, #tpu.memory_space<vmem>> -> memref<64xi32, #tpu.memory_space<vmem>>
    %dma_start3A_156 = arith.constant 0 : i32
    %dma_start3A_157 = tpu.memref_slice %arg3[%dma_start3A_145, %add3A_144, %dma_start3A_156] : memref<2x5120x64xi32, #tpu.memory_space<hbm>> -> memref<1x1x64xi32, #tpu.memory_space<hbm>>
    %dma_start3A_158 = tpu.memref_squeeze %dma_start3A_157 : memref<1x1x64xi32, #tpu.memory_space<hbm>> -> memref<64xi32, #tpu.memory_space<hbm>>
    tpu.enqueue_dma source(%dma_start3A_158 : memref<64xi32, #tpu.memory_space<hbm>>) target(%dma_start3A_155 : memref<64xi32, #tpu.memory_space<vmem>>) target_semaphore(%arg25 : memref<!tpu.dma_semaphore, #tpu.memory_space<semaphore_mem>>)
    %scan3A_159 = arith.constant 0 : i32
    %scan3A_160 = arith.constant 40 : i32
    %scan3A_161 = arith.addi %scan3A_159, %scan3A_160 : i32
    %scan3A_162 = arith.constant 1 : i32
    scf.for %scan3A_184 = %scan3A_159 to %scan3A_161 step %scan3A_162  : i32 {
      %mul3A_185 = arith.constant 4 : i32
      %mul3A_186 = arith.muli %scan3A_184, %mul3A_185 : i32
      %add3A_187 = arith.constant 0 : i32
      %add3A_188 = arith.addi %add3A_187, %mul3A_186 : i32
      %add3A_189 = arith.constant 0 : i32
      %add3A_190 = arith.addi %add3A_188, %add3A_189 : i32
      %dma_wait3A_191 = arith.constant 0 : i32
      %dma_wait3A_192 = arith.constant 0 : i32
      %dma_wait3A_193 = arith.constant 0 : i32
      %dma_wait3A_194 = arith.constant 0 : i32
      %dma_wait3A_195 = tpu.memref_slice %arg8[%dma_wait3A_192, %dma_wait3A_193, %dma_wait3A_194] : memref<4x64x144xf32, #tpu.memory_space<vmem>> -> memref<1x64x144xf32, #tpu.memory_space<vmem>>
      %dma_wait3A_196 = tpu.memref_squeeze %dma_wait3A_195 : memref<1x64x144xf32, #tpu.memory_space<vmem>> -> memref<64x144xf32, #tpu.memory_space<vmem>>
      %dma_wait3A_197 = arith.constant 0 : i32
      %dma_wait3A_198 = tpu.memref_slice %arg6[%dma_wait3A_191, %dma_wait3A_197] : memref<4x64xi32, #tpu.memory_space<vmem>> -> memref<1x64xi32, #tpu.memory_space<vmem>>
      %dma_wait3A_199 = tpu.memref_squeeze %dma_wait3A_198 : memref<1x64xi32, #tpu.memory_space<vmem>> -> memref<64xi32, #tpu.memory_space<vmem>>
      %dma_wait3A_200 = arith.constant 0 : i32
      %dma_wait3A_201 = arith.constant 0 : i32
      %dma_wait3A_202 = tpu.memref_slice %arg2[%dma_wait3A_200, %dma_wait3A_201] : memref<10000x144xf32, #tpu.memory_space<hbm>> -> memref<10000x144xf32, #tpu.memory_space<hbm>>
      tpu.wait_indirect_dma semaphore(%arg10 : memref<!tpu.dma_semaphore, #tpu.memory_space<semaphore_mem>>) src(%dma_wait3A_202 : memref<10000x144xf32, #tpu.memory_space<hbm>>) dst(%dma_wait3A_196 : memref<64x144xf32, #tpu.memory_space<vmem>>)
      %ge3A = arith.constant 2 : i32
      %ge3A_203 = arith.cmpi sge, %add3A_190, %ge3A : i32
      %convert_element_type3A = arith.extui %ge3A_203 : i1 to i32
      %cond3A = arith.constant 0 : i32
      %cond3A_204 = arith.cmpi ne, %convert_element_type3A, %cond3A : i32
      scf.if %cond3A_204 {
        %add3A_369 = arith.addi %mul3A_2, %add3A_190 : i32
        %dma_wait3A_370 = arith.constant 1 : i32
        %dma_wait3A_371 = arith.constant 0 : i32
        %dma_wait3A_372 = arith.constant 0 : i32
        %dma_wait3A_373 = tpu.memref_slice %arg7[%dma_wait3A_371, %dma_wait3A_372] : memref<4x64xi32, #tpu.memory_space<vmem>> -> memref<1x64xi32, #tpu.memory_space<vmem>>
        %dma_wait3A_374 = tpu.memref_squeeze %dma_wait3A_373 : memref<1x64xi32, #tpu.memory_space<vmem>> -> memref<64xi32, #tpu.memory_space<vmem>>
        %dma_wait3A_375 = arith.constant 0 : i32
        %dma_wait3A_376 = tpu.memref_slice %arg3[%dma_wait3A_370, %add3A_369, %dma_wait3A_375] : memref<2x5120x64xi32, #tpu.memory_space<hbm>> -> memref<1x1x64xi32, #tpu.memory_space<hbm>>
        %dma_wait3A_377 = tpu.memref_squeeze %dma_wait3A_376 : memref<1x1x64xi32, #tpu.memory_space<hbm>> -> memref<64xi32, #tpu.memory_space<hbm>>
        %dma_wait3A_378 = arith.constant 0 : i32
        %dma_wait3A_379 = tpu.memref_slice %arg7[%dma_wait3A_371, %dma_wait3A_378] : memref<4x64xi32, #tpu.memory_space<vmem>> -> memref<1x64xi32, #tpu.memory_space<vmem>>
        %dma_wait3A_380 = tpu.memref_squeeze %dma_wait3A_379 : memref<1x64xi32, #tpu.memory_space<vmem>> -> memref<64xi32, #tpu.memory_space<vmem>>
        %dma_wait3A_381 = arith.constant 0 : i32
        %dma_wait3A_382 = tpu.memref_slice %arg3[%dma_wait3A_370, %add3A_369, %dma_wait3A_381] : memref<2x5120x64xi32, #tpu.memory_space<hbm>> -> memref<1x1x64xi32, #tpu.memory_space<hbm>>
        %dma_wait3A_383 = tpu.memref_squeeze %dma_wait3A_382 : memref<1x1x64xi32, #tpu.memory_space<hbm>> -> memref<64xi32, #tpu.memory_space<hbm>>
        tpu.wait_dma2 semaphore(%arg22 : memref<!tpu.dma_semaphore, #tpu.memory_space<semaphore_mem>>) src(%dma_wait3A_383 : memref<64xi32, #tpu.memory_space<hbm>>) dst(%dma_wait3A_380 : memref<64xi32, #tpu.memory_space<vmem>>)
      } else {
      }
      %dma_start3A_205 = arith.constant 0 : i32
      %dma_start3A_206 = arith.constant 0 : i32
      %dma_start3A_207 = arith.constant 0 : i32
      %dma_start3A_208 = arith.constant 0 : i32
      %dma_start3A_209 = tpu.memref_slice %arg8[%dma_start3A_205, %dma_start3A_207, %dma_start3A_208] : memref<4x64x144xf32, #tpu.memory_space<vmem>> -> memref<1x64x144xf32, #tpu.memory_space<vmem>>
      %dma_start3A_210 = tpu.memref_squeeze %dma_start3A_209 : memref<1x64x144xf32, #tpu.memory_space<vmem>> -> memref<64x144xf32, #tpu.memory_space<vmem>>
      %dma_start3A_211 = arith.constant 0 : i32
      %dma_start3A_212 = tpu.memref_slice %arg7[%dma_start3A_206, %dma_start3A_211] : memref<4x64xi32, #tpu.memory_space<vmem>> -> memref<1x64xi32, #tpu.memory_space<vmem>>
      %dma_start3A_213 = tpu.memref_squeeze %dma_start3A_212 : memref<1x64xi32, #tpu.memory_space<vmem>> -> memref<64xi32, #tpu.memory_space<vmem>>
      %dma_start3A_214 = arith.constant 0 : i32
      %dma_start3A_215 = arith.constant 0 : i32
      %dma_start3A_216 = tpu.memref_slice %arg9[%dma_start3A_214, %dma_start3A_215] : memref<10240x144xf32, #tpu.memory_space<vmem_shared>> -> memref<10240x144xf32, #tpu.memory_space<vmem_shared>>
      tpu.enqueue_indirect_dma source(%dma_start3A_210 : memref<64x144xf32, #tpu.memory_space<vmem>>) target(%dma_start3A_216 : memref<10240x144xf32, #tpu.memory_space<vmem_shared>>) offsets(%dma_start3A_213 : memref<64xi32, #tpu.memory_space<vmem>>) semaphore(%arg14 : memref<!tpu.dma_semaphore, #tpu.memory_space<semaphore_mem>>) {add = true}
      %ge3A_217 = arith.constant 1 : i32
      %ge3A_218 = arith.cmpi sge, %add3A_190, %ge3A_217 : i32
      %convert_element_type3A_219 = arith.extui %ge3A_218 : i1 to i32
      %cond3A_220 = arith.constant 0 : i32
      %cond3A_221 = arith.cmpi ne, %convert_element_type3A_219, %cond3A_220 : i32
      scf.if %cond3A_221 {
        %dma_wait3A_369 = arith.constant 3 : i32
        %dma_wait3A_370 = arith.constant 3 : i32
        %dma_wait3A_371 = arith.constant 0 : i32
        %dma_wait3A_372 = arith.constant 0 : i32
        %dma_wait3A_373 = tpu.memref_slice %arg8[%dma_wait3A_369, %dma_wait3A_371, %dma_wait3A_372] : memref<4x64x144xf32, #tpu.memory_space<vmem>> -> memref<1x64x144xf32, #tpu.memory_space<vmem>>
        %dma_wait3A_374 = tpu.memref_squeeze %dma_wait3A_373 : memref<1x64x144xf32, #tpu.memory_space<vmem>> -> memref<64x144xf32, #tpu.memory_space<vmem>>
        %dma_wait3A_375 = arith.constant 0 : i32
        %dma_wait3A_376 = tpu.memref_slice %arg7[%dma_wait3A_370, %dma_wait3A_375] : memref<4x64xi32, #tpu.memory_space<vmem>> -> memref<1x64xi32, #tpu.memory_space<vmem>>
        %dma_wait3A_377 = tpu.memref_squeeze %dma_wait3A_376 : memref<1x64xi32, #tpu.memory_space<vmem>> -> memref<64xi32, #tpu.memory_space<vmem>>
        %dma_wait3A_378 = arith.constant 0 : i32
        %dma_wait3A_379 = arith.constant 0 : i32
        %dma_wait3A_380 = tpu.memref_slice %arg9[%dma_wait3A_378, %dma_wait3A_379] : memref<10240x144xf32, #tpu.memory_space<vmem_shared>> -> memref<10240x144xf32, #tpu.memory_space<vmem_shared>>
        tpu.wait_indirect_dma semaphore(%arg17 : memref<!tpu.dma_semaphore, #tpu.memory_space<semaphore_mem>>) src(%dma_wait3A_374 : memref<64x144xf32, #tpu.memory_space<vmem>>) dst(%dma_wait3A_380 : memref<10240x144xf32, #tpu.memory_space<vmem_shared>>)
        %lt3A_381 = arith.constant 157 : i32
        %lt3A_382 = arith.cmpi slt, %add3A_190, %lt3A_381 : i32
        %convert_element_type3A_383 = arith.extui %lt3A_382 : i1 to i32
        %cond3A_384 = arith.constant 0 : i32
        %cond3A_385 = arith.cmpi ne, %convert_element_type3A_383, %cond3A_384 : i32
        scf.if %cond3A_385 {
          %add3A_386 = arith.constant 3 : i32
          %add3A_387 = arith.addi %add3A_190, %add3A_386 : i32
          %add3A_388 = arith.addi %mul3A_2, %add3A_387 : i32
          %dma_start3A_389 = arith.constant 1 : i32
          %dma_start3A_390 = arith.constant 3 : i32
          %dma_start3A_391 = arith.constant 0 : i32
          %dma_start3A_392 = tpu.memref_slice %arg7[%dma_start3A_390, %dma_start3A_391] : memref<4x64xi32, #tpu.memory_space<vmem>> -> memref<1x64xi32, #tpu.memory_space<vmem>>
          %dma_start3A_393 = tpu.memref_squeeze %dma_start3A_392 : memref<1x64xi32, #tpu.memory_space<vmem>> -> memref<64xi32, #tpu.memory_space<vmem>>
          %dma_start3A_394 = arith.constant 0 : i32
          %dma_start3A_395 = tpu.memref_slice %arg3[%dma_start3A_389, %add3A_388, %dma_start3A_394] : memref<2x5120x64xi32, #tpu.memory_space<hbm>> -> memref<1x1x64xi32, #tpu.memory_space<hbm>>
          %dma_start3A_396 = tpu.memref_squeeze %dma_start3A_395 : memref<1x1x64xi32, #tpu.memory_space<hbm>> -> memref<64xi32, #tpu.memory_space<hbm>>
          %dma_start3A_397 = arith.constant 0 : i32
          %dma_start3A_398 = tpu.memref_slice %arg7[%dma_start3A_390, %dma_start3A_397] : memref<4x64xi32, #tpu.memory_space<vmem>> -> memref<1x64xi32, #tpu.memory_space<vmem>>
          %dma_start3A_399 = tpu.memref_squeeze %dma_start3A_398 : memref<1x64xi32, #tpu.memory_space<vmem>> -> memref<64xi32, #tpu.memory_space<vmem>>
          %dma_start3A_400 = arith.constant 0 : i32
          %dma_start3A_401 = tpu.memref_slice %arg3[%dma_start3A_389, %add3A_388, %dma_start3A_400] : memref<2x5120x64xi32, #tpu.memory_space<hbm>> -> memref<1x1x64xi32, #tpu.memory_space<hbm>>
          %dma_start3A_402 = tpu.memref_squeeze %dma_start3A_401 : memref<1x1x64xi32, #tpu.memory_space<hbm>> -> memref<64xi32, #tpu.memory_space<hbm>>
          tpu.enqueue_dma source(%dma_start3A_402 : memref<64xi32, #tpu.memory_space<hbm>>) target(%dma_start3A_399 : memref<64xi32, #tpu.memory_space<vmem>>) target_semaphore(%arg25 : memref<!tpu.dma_semaphore, #tpu.memory_space<semaphore_mem>>)
        } else {
        }
      } else {
      }
      %lt3A = arith.constant 157 : i32
      %lt3A_222 = arith.cmpi slt, %add3A_190, %lt3A : i32
      %convert_element_type3A_223 = arith.extui %lt3A_222 : i1 to i32
      %cond3A_224 = arith.constant 0 : i32
      %cond3A_225 = arith.cmpi ne, %convert_element_type3A_223, %cond3A_224 : i32
      scf.if %cond3A_225 {
        %add3A_369 = arith.constant 3 : i32
        %add3A_370 = arith.addi %add3A_190, %add3A_369 : i32
        %add3A_371 = arith.addi %mul3A_2, %add3A_370 : i32
        %dma_wait3A_372 = arith.constant 0 : i32
        %dma_wait3A_373 = arith.constant 3 : i32
        %dma_wait3A_374 = arith.constant 0 : i32
        %dma_wait3A_375 = tpu.memref_slice %arg6[%dma_wait3A_373, %dma_wait3A_374] : memref<4x64xi32, #tpu.memory_space<vmem>> -> memref<1x64xi32, #tpu.memory_space<vmem>>
        %dma_wait3A_376 = tpu.memref_squeeze %dma_wait3A_375 : memref<1x64xi32, #tpu.memory_space<vmem>> -> memref<64xi32, #tpu.memory_space<vmem>>
        %dma_wait3A_377 = arith.constant 0 : i32
        %dma_wait3A_378 = tpu.memref_slice %arg3[%dma_wait3A_372, %add3A_371, %dma_wait3A_377] : memref<2x5120x64xi32, #tpu.memory_space<hbm>> -> memref<1x1x64xi32, #tpu.memory_space<hbm>>
        %dma_wait3A_379 = tpu.memref_squeeze %dma_wait3A_378 : memref<1x1x64xi32, #tpu.memory_space<hbm>> -> memref<64xi32, #tpu.memory_space<hbm>>
        %dma_wait3A_380 = arith.constant 0 : i32
        %dma_wait3A_381 = tpu.memref_slice %arg6[%dma_wait3A_373, %dma_wait3A_380] : memref<4x64xi32, #tpu.memory_space<vmem>> -> memref<1x64xi32, #tpu.memory_space<vmem>>
        %dma_wait3A_382 = tpu.memref_squeeze %dma_wait3A_381 : memref<1x64xi32, #tpu.memory_space<vmem>> -> memref<64xi32, #tpu.memory_space<vmem>>
        %dma_wait3A_383 = arith.constant 0 : i32
        %dma_wait3A_384 = tpu.memref_slice %arg3[%dma_wait3A_372, %add3A_371, %dma_wait3A_383] : memref<2x5120x64xi32, #tpu.memory_space<hbm>> -> memref<1x1x64xi32, #tpu.memory_space<hbm>>
        %dma_wait3A_385 = tpu.memref_squeeze %dma_wait3A_384 : memref<1x1x64xi32, #tpu.memory_space<hbm>> -> memref<64xi32, #tpu.memory_space<hbm>>
        tpu.wait_dma2 semaphore(%arg21 : memref<!tpu.dma_semaphore, #tpu.memory_space<semaphore_mem>>) src(%dma_wait3A_385 : memref<64xi32, #tpu.memory_space<hbm>>) dst(%dma_wait3A_382 : memref<64xi32, #tpu.memory_space<vmem>>)
        %dma_start3A_386 = arith.constant 3 : i32
        %dma_start3A_387 = arith.constant 3 : i32
        %dma_start3A_388 = arith.constant 0 : i32
        %dma_start3A_389 = arith.constant 0 : i32
        %dma_start3A_390 = tpu.memref_slice %arg8[%dma_start3A_387, %dma_start3A_388, %dma_start3A_389] : memref<4x64x144xf32, #tpu.memory_space<vmem>> -> memref<1x64x144xf32, #tpu.memory_space<vmem>>
        %dma_start3A_391 = tpu.memref_squeeze %dma_start3A_390 : memref<1x64x144xf32, #tpu.memory_space<vmem>> -> memref<64x144xf32, #tpu.memory_space<vmem>>
        %dma_start3A_392 = arith.constant 0 : i32
        %dma_start3A_393 = tpu.memref_slice %arg6[%dma_start3A_386, %dma_start3A_392] : memref<4x64xi32, #tpu.memory_space<vmem>> -> memref<1x64xi32, #tpu.memory_space<vmem>>
        %dma_start3A_394 = tpu.memref_squeeze %dma_start3A_393 : memref<1x64xi32, #tpu.memory_space<vmem>> -> memref<64xi32, #tpu.memory_space<vmem>>
        %dma_start3A_395 = arith.constant 0 : i32
        %dma_start3A_396 = arith.constant 0 : i32
        %dma_start3A_397 = tpu.memref_slice %arg2[%dma_start3A_395, %dma_start3A_396] : memref<10000x144xf32, #tpu.memory_space<hbm>> -> memref<10000x144xf32, #tpu.memory_space<hbm>>
        tpu.enqueue_indirect_dma source(%dma_start3A_397 : memref<10000x144xf32, #tpu.memory_space<hbm>>) target(%dma_start3A_391 : memref<64x144xf32, #tpu.memory_space<vmem>>) offsets(%dma_start3A_394 : memref<64xi32, #tpu.memory_space<vmem>>) semaphore(%arg13 : memref<!tpu.dma_semaphore, #tpu.memory_space<semaphore_mem>>)
      } else {
      }
      %lt3A_226 = arith.constant 156 : i32
      %lt3A_227 = arith.cmpi slt, %add3A_190, %lt3A_226 : i32
      %convert_element_type3A_228 = arith.extui %lt3A_227 : i1 to i32
      %cond3A_229 = arith.constant 0 : i32
      %cond3A_230 = arith.cmpi ne, %convert_element_type3A_228, %cond3A_229 : i32
      scf.if %cond3A_230 {
        %add3A_369 = arith.constant 3 : i32
        %add3A_370 = arith.addi %add3A_190, %add3A_369 : i32
        %add3A_371 = arith.constant 1 : i32
        %add3A_372 = arith.addi %add3A_370, %add3A_371 : i32
        %add3A_373 = arith.addi %mul3A_2, %add3A_372 : i32
        %dma_start3A_374 = arith.constant 0 : i32
        %dma_start3A_375 = arith.constant 0 : i32
        %dma_start3A_376 = arith.constant 0 : i32
        %dma_start3A_377 = tpu.memref_slice %arg6[%dma_start3A_375, %dma_start3A_376] : memref<4x64xi32, #tpu.memory_space<vmem>> -> memref<1x64xi32, #tpu.memory_space<vmem>>
        %dma_start3A_378 = tpu.memref_squeeze %dma_start3A_377 : memref<1x64xi32, #tpu.memory_space<vmem>> -> memref<64xi32, #tpu.memory_space<vmem>>
        %dma_start3A_379 = arith.constant 0 : i32
        %dma_start3A_380 = tpu.memref_slice %arg3[%dma_start3A_374, %add3A_373, %dma_start3A_379] : memref<2x5120x64xi32, #tpu.memory_space<hbm>> -> memref<1x1x64xi32, #tpu.memory_space<hbm>>
        %dma_start3A_381 = tpu.memref_squeeze %dma_start3A_380 : memref<1x1x64xi32, #tpu.memory_space<hbm>> -> memref<64xi32, #tpu.memory_space<hbm>>
        %dma_start3A_382 = arith.constant 0 : i32
        %dma_start3A_383 = tpu.memref_slice %arg6[%dma_start3A_375, %dma_start3A_382] : memref<4x64xi32, #tpu.memory_space<vmem>> -> memref<1x64xi32, #tpu.memory_space<vmem>>
        %dma_start3A_384 = tpu.memref_squeeze %dma_start3A_383 : memref<1x64xi32, #tpu.memory_space<vmem>> -> memref<64xi32, #tpu.memory_space<vmem>>
        %dma_start3A_385 = arith.constant 0 : i32
        %dma_start3A_386 = tpu.memref_slice %arg3[%dma_start3A_374, %add3A_373, %dma_start3A_385] : memref<2x5120x64xi32, #tpu.memory_space<hbm>> -> memref<1x1x64xi32, #tpu.memory_space<hbm>>
        %dma_start3A_387 = tpu.memref_squeeze %dma_start3A_386 : memref<1x1x64xi32, #tpu.memory_space<hbm>> -> memref<64xi32, #tpu.memory_space<hbm>>
        tpu.enqueue_dma source(%dma_start3A_387 : memref<64xi32, #tpu.memory_space<hbm>>) target(%dma_start3A_384 : memref<64xi32, #tpu.memory_space<vmem>>) target_semaphore(%arg18 : memref<!tpu.dma_semaphore, #tpu.memory_space<semaphore_mem>>)
      } else {
      }
      %add3A_231 = arith.constant 1 : i32
      %add3A_232 = arith.addi %add3A_188, %add3A_231 : i32
      %dma_wait3A_233 = arith.constant 1 : i32
      %dma_wait3A_234 = arith.constant 1 : i32
      %dma_wait3A_235 = arith.constant 0 : i32
      %dma_wait3A_236 = arith.constant 0 : i32
      %dma_wait3A_237 = tpu.memref_slice %arg8[%dma_wait3A_234, %dma_wait3A_235, %dma_wait3A_236] : memref<4x64x144xf32, #tpu.memory_space<vmem>> -> memref<1x64x144xf32, #tpu.memory_space<vmem>>
      %dma_wait3A_238 = tpu.memref_squeeze %dma_wait3A_237 : memref<1x64x144xf32, #tpu.memory_space<vmem>> -> memref<64x144xf32, #tpu.memory_space<vmem>>
      %dma_wait3A_239 = arith.constant 0 : i32
      %dma_wait3A_240 = tpu.memref_slice %arg6[%dma_wait3A_233, %dma_wait3A_239] : memref<4x64xi32, #tpu.memory_space<vmem>> -> memref<1x64xi32, #tpu.memory_space<vmem>>
      %dma_wait3A_241 = tpu.memref_squeeze %dma_wait3A_240 : memref<1x64xi32, #tpu.memory_space<vmem>> -> memref<64xi32, #tpu.memory_space<vmem>>
      %dma_wait3A_242 = arith.constant 0 : i32
      %dma_wait3A_243 = arith.constant 0 : i32
      %dma_wait3A_244 = tpu.memref_slice %arg2[%dma_wait3A_242, %dma_wait3A_243] : memref<10000x144xf32, #tpu.memory_space<hbm>> -> memref<10000x144xf32, #tpu.memory_space<hbm>>
      tpu.wait_indirect_dma semaphore(%arg11 : memref<!tpu.dma_semaphore, #tpu.memory_space<semaphore_mem>>) src(%dma_wait3A_244 : memref<10000x144xf32, #tpu.memory_space<hbm>>) dst(%dma_wait3A_238 : memref<64x144xf32, #tpu.memory_space<vmem>>)
      %ge3A_245 = arith.constant 2 : i32
      %ge3A_246 = arith.cmpi sge, %add3A_232, %ge3A_245 : i32
      %convert_element_type3A_247 = arith.extui %ge3A_246 : i1 to i32
      %cond3A_248 = arith.constant 0 : i32
      %cond3A_249 = arith.cmpi ne, %convert_element_type3A_247, %cond3A_248 : i32
      scf.if %cond3A_249 {
        %add3A_369 = arith.addi %mul3A_2, %add3A_232 : i32
        %dma_wait3A_370 = arith.constant 1 : i32
        %dma_wait3A_371 = arith.constant 1 : i32
        %dma_wait3A_372 = arith.constant 0 : i32
        %dma_wait3A_373 = tpu.memref_slice %arg7[%dma_wait3A_371, %dma_wait3A_372] : memref<4x64xi32, #tpu.memory_space<vmem>> -> memref<1x64xi32, #tpu.memory_space<vmem>>
        %dma_wait3A_374 = tpu.memref_squeeze %dma_wait3A_373 : memref<1x64xi32, #tpu.memory_space<vmem>> -> memref<64xi32, #tpu.memory_space<vmem>>
        %dma_wait3A_375 = arith.constant 0 : i32
        %dma_wait3A_376 = tpu.memref_slice %arg3[%dma_wait3A_370, %add3A_369, %dma_wait3A_375] : memref<2x5120x64xi32, #tpu.memory_space<hbm>> -> memref<1x1x64xi32, #tpu.memory_space<hbm>>
        %dma_wait3A_377 = tpu.memref_squeeze %dma_wait3A_376 : memref<1x1x64xi32, #tpu.memory_space<hbm>> -> memref<64xi32, #tpu.memory_space<hbm>>
        %dma_wait3A_378 = arith.constant 0 : i32
        %dma_wait3A_379 = tpu.memref_slice %arg7[%dma_wait3A_371, %dma_wait3A_378] : memref<4x64xi32, #tpu.memory_space<vmem>> -> memref<1x64xi32, #tpu.memory_space<vmem>>
        %dma_wait3A_380 = tpu.memref_squeeze %dma_wait3A_379 : memref<1x64xi32, #tpu.memory_space<vmem>> -> memref<64xi32, #tpu.memory_space<vmem>>
        %dma_wait3A_381 = arith.constant 0 : i32
        %dma_wait3A_382 = tpu.memref_slice %arg3[%dma_wait3A_370, %add3A_369, %dma_wait3A_381] : memref<2x5120x64xi32, #tpu.memory_space<hbm>> -> memref<1x1x64xi32, #tpu.memory_space<hbm>>
        %dma_wait3A_383 = tpu.memref_squeeze %dma_wait3A_382 : memref<1x1x64xi32, #tpu.memory_space<hbm>> -> memref<64xi32, #tpu.memory_space<hbm>>
        tpu.wait_dma2 semaphore(%arg23 : memref<!tpu.dma_semaphore, #tpu.memory_space<semaphore_mem>>) src(%dma_wait3A_383 : memref<64xi32, #tpu.memory_space<hbm>>) dst(%dma_wait3A_380 : memref<64xi32, #tpu.memory_space<vmem>>)
      } else {
      }
      %dma_start3A_250 = arith.constant 1 : i32
      %dma_start3A_251 = arith.constant 1 : i32
      %dma_start3A_252 = arith.constant 0 : i32
      %dma_start3A_253 = arith.constant 0 : i32
      %dma_start3A_254 = tpu.memref_slice %arg8[%dma_start3A_250, %dma_start3A_252, %dma_start3A_253] : memref<4x64x144xf32, #tpu.memory_space<vmem>> -> memref<1x64x144xf32, #tpu.memory_space<vmem>>
      %dma_start3A_255 = tpu.memref_squeeze %dma_start3A_254 : memref<1x64x144xf32, #tpu.memory_space<vmem>> -> memref<64x144xf32, #tpu.memory_space<vmem>>
      %dma_start3A_256 = arith.constant 0 : i32
      %dma_start3A_257 = tpu.memref_slice %arg7[%dma_start3A_251, %dma_start3A_256] : memref<4x64xi32, #tpu.memory_space<vmem>> -> memref<1x64xi32, #tpu.memory_space<vmem>>
      %dma_start3A_258 = tpu.memref_squeeze %dma_start3A_257 : memref<1x64xi32, #tpu.memory_space<vmem>> -> memref<64xi32, #tpu.memory_space<vmem>>
      %dma_start3A_259 = arith.constant 0 : i32
      %dma_start3A_260 = arith.constant 0 : i32
      %dma_start3A_261 = tpu.memref_slice %arg9[%dma_start3A_259, %dma_start3A_260] : memref<10240x144xf32, #tpu.memory_space<vmem_shared>> -> memref<10240x144xf32, #tpu.memory_space<vmem_shared>>
      tpu.enqueue_indirect_dma source(%dma_start3A_255 : memref<64x144xf32, #tpu.memory_space<vmem>>) target(%dma_start3A_261 : memref<10240x144xf32, #tpu.memory_space<vmem_shared>>) offsets(%dma_start3A_258 : memref<64xi32, #tpu.memory_space<vmem>>) semaphore(%arg15 : memref<!tpu.dma_semaphore, #tpu.memory_space<semaphore_mem>>) {add = true}
      %ge3A_262 = arith.constant 1 : i32
      %ge3A_263 = arith.cmpi sge, %add3A_232, %ge3A_262 : i32
      %convert_element_type3A_264 = arith.extui %ge3A_263 : i1 to i32
      %cond3A_265 = arith.constant 0 : i32
      %cond3A_266 = arith.cmpi ne, %convert_element_type3A_264, %cond3A_265 : i32
      scf.if %cond3A_266 {
        %dma_wait3A_369 = arith.constant 0 : i32
        %dma_wait3A_370 = arith.constant 0 : i32
        %dma_wait3A_371 = arith.constant 0 : i32
        %dma_wait3A_372 = arith.constant 0 : i32
        %dma_wait3A_373 = tpu.memref_slice %arg8[%dma_wait3A_369, %dma_wait3A_371, %dma_wait3A_372] : memref<4x64x144xf32, #tpu.memory_space<vmem>> -> memref<1x64x144xf32, #tpu.memory_space<vmem>>
        %dma_wait3A_374 = tpu.memref_squeeze %dma_wait3A_373 : memref<1x64x144xf32, #tpu.memory_space<vmem>> -> memref<64x144xf32, #tpu.memory_space<vmem>>
        %dma_wait3A_375 = arith.constant 0 : i32
        %dma_wait3A_376 = tpu.memref_slice %arg7[%dma_wait3A_370, %dma_wait3A_375] : memref<4x64xi32, #tpu.memory_space<vmem>> -> memref<1x64xi32, #tpu.memory_space<vmem>>
        %dma_wait3A_377 = tpu.memref_squeeze %dma_wait3A_376 : memref<1x64xi32, #tpu.memory_space<vmem>> -> memref<64xi32, #tpu.memory_space<vmem>>
        %dma_wait3A_378 = arith.constant 0 : i32
        %dma_wait3A_379 = arith.constant 0 : i32
        %dma_wait3A_380 = tpu.memref_slice %arg9[%dma_wait3A_378, %dma_wait3A_379] : memref<10240x144xf32, #tpu.memory_space<vmem_shared>> -> memref<10240x144xf32, #tpu.memory_space<vmem_shared>>
        tpu.wait_indirect_dma semaphore(%arg14 : memref<!tpu.dma_semaphore, #tpu.memory_space<semaphore_mem>>) src(%dma_wait3A_374 : memref<64x144xf32, #tpu.memory_space<vmem>>) dst(%dma_wait3A_380 : memref<10240x144xf32, #tpu.memory_space<vmem_shared>>)
        %lt3A_381 = arith.constant 157 : i32
        %lt3A_382 = arith.cmpi slt, %add3A_232, %lt3A_381 : i32
        %convert_element_type3A_383 = arith.extui %lt3A_382 : i1 to i32
        %cond3A_384 = arith.constant 0 : i32
        %cond3A_385 = arith.cmpi ne, %convert_element_type3A_383, %cond3A_384 : i32
        scf.if %cond3A_385 {
          %add3A_386 = arith.constant 3 : i32
          %add3A_387 = arith.addi %add3A_232, %add3A_386 : i32
          %add3A_388 = arith.addi %mul3A_2, %add3A_387 : i32
          %dma_start3A_389 = arith.constant 1 : i32
          %dma_start3A_390 = arith.constant 0 : i32
          %dma_start3A_391 = arith.constant 0 : i32
          %dma_start3A_392 = tpu.memref_slice %arg7[%dma_start3A_390, %dma_start3A_391] : memref<4x64xi32, #tpu.memory_space<vmem>> -> memref<1x64xi32, #tpu.memory_space<vmem>>
          %dma_start3A_393 = tpu.memref_squeeze %dma_start3A_392 : memref<1x64xi32, #tpu.memory_space<vmem>> -> memref<64xi32, #tpu.memory_space<vmem>>
          %dma_start3A_394 = arith.constant 0 : i32
          %dma_start3A_395 = tpu.memref_slice %arg3[%dma_start3A_389, %add3A_388, %dma_start3A_394] : memref<2x5120x64xi32, #tpu.memory_space<hbm>> -> memref<1x1x64xi32, #tpu.memory_space<hbm>>
          %dma_start3A_396 = tpu.memref_squeeze %dma_start3A_395 : memref<1x1x64xi32, #tpu.memory_space<hbm>> -> memref<64xi32, #tpu.memory_space<hbm>>
          %dma_start3A_397 = arith.constant 0 : i32
          %dma_start3A_398 = tpu.memref_slice %arg7[%dma_start3A_390, %dma_start3A_397] : memref<4x64xi32, #tpu.memory_space<vmem>> -> memref<1x64xi32, #tpu.memory_space<vmem>>
          %dma_start3A_399 = tpu.memref_squeeze %dma_start3A_398 : memref<1x64xi32, #tpu.memory_space<vmem>> -> memref<64xi32, #tpu.memory_space<vmem>>
          %dma_start3A_400 = arith.constant 0 : i32
          %dma_start3A_401 = tpu.memref_slice %arg3[%dma_start3A_389, %add3A_388, %dma_start3A_400] : memref<2x5120x64xi32, #tpu.memory_space<hbm>> -> memref<1x1x64xi32, #tpu.memory_space<hbm>>
          %dma_start3A_402 = tpu.memref_squeeze %dma_start3A_401 : memref<1x1x64xi32, #tpu.memory_space<hbm>> -> memref<64xi32, #tpu.memory_space<hbm>>
          tpu.enqueue_dma source(%dma_start3A_402 : memref<64xi32, #tpu.memory_space<hbm>>) target(%dma_start3A_399 : memref<64xi32, #tpu.memory_space<vmem>>) target_semaphore(%arg22 : memref<!tpu.dma_semaphore, #tpu.memory_space<semaphore_mem>>)
        } else {
        }
      } else {
      }
      %lt3A_267 = arith.constant 157 : i32
      %lt3A_268 = arith.cmpi slt, %add3A_232, %lt3A_267 : i32
      %convert_element_type3A_269 = arith.extui %lt3A_268 : i1 to i32
      %cond3A_270 = arith.constant 0 : i32
      %cond3A_271 = arith.cmpi ne, %convert_element_type3A_269, %cond3A_270 : i32
      scf.if %cond3A_271 {
        %add3A_369 = arith.constant 3 : i32
        %add3A_370 = arith.addi %add3A_232, %add3A_369 : i32
        %add3A_371 = arith.addi %mul3A_2, %add3A_370 : i32
        %dma_wait3A_372 = arith.constant 0 : i32
        %dma_wait3A_373 = arith.constant 0 : i32
        %dma_wait3A_374 = arith.constant 0 : i32
        %dma_wait3A_375 = tpu.memref_slice %arg6[%dma_wait3A_373, %dma_wait3A_374] : memref<4x64xi32, #tpu.memory_space<vmem>> -> memref<1x64xi32, #tpu.memory_space<vmem>>
        %dma_wait3A_376 = tpu.memref_squeeze %dma_wait3A_375 : memref<1x64xi32, #tpu.memory_space<vmem>> -> memref<64xi32, #tpu.memory_space<vmem>>
        %dma_wait3A_377 = arith.constant 0 : i32
        %dma_wait3A_378 = tpu.memref_slice %arg3[%dma_wait3A_372, %add3A_371, %dma_wait3A_377] : memref<2x5120x64xi32, #tpu.memory_space<hbm>> -> memref<1x1x64xi32, #tpu.memory_space<hbm>>
        %dma_wait3A_379 = tpu.memref_squeeze %dma_wait3A_378 : memref<1x1x64xi32, #tpu.memory_space<hbm>> -> memref<64xi32, #tpu.memory_space<hbm>>
        %dma_wait3A_380 = arith.constant 0 : i32
        %dma_wait3A_381 = tpu.memref_slice %arg6[%dma_wait3A_373, %dma_wait3A_380] : memref<4x64xi32, #tpu.memory_space<vmem>> -> memref<1x64xi32, #tpu.memory_space<vmem>>
        %dma_wait3A_382 = tpu.memref_squeeze %dma_wait3A_381 : memref<1x64xi32, #tpu.memory_space<vmem>> -> memref<64xi32, #tpu.memory_space<vmem>>
        %dma_wait3A_383 = arith.constant 0 : i32
        %dma_wait3A_384 = tpu.memref_slice %arg3[%dma_wait3A_372, %add3A_371, %dma_wait3A_383] : memref<2x5120x64xi32, #tpu.memory_space<hbm>> -> memref<1x1x64xi32, #tpu.memory_space<hbm>>
        %dma_wait3A_385 = tpu.memref_squeeze %dma_wait3A_384 : memref<1x1x64xi32, #tpu.memory_space<hbm>> -> memref<64xi32, #tpu.memory_space<hbm>>
        tpu.wait_dma2 semaphore(%arg18 : memref<!tpu.dma_semaphore, #tpu.memory_space<semaphore_mem>>) src(%dma_wait3A_385 : memref<64xi32, #tpu.memory_space<hbm>>) dst(%dma_wait3A_382 : memref<64xi32, #tpu.memory_space<vmem>>)
        %dma_start3A_386 = arith.constant 0 : i32
        %dma_start3A_387 = arith.constant 0 : i32
        %dma_start3A_388 = arith.constant 0 : i32
        %dma_start3A_389 = arith.constant 0 : i32
        %dma_start3A_390 = tpu.memref_slice %arg8[%dma_start3A_387, %dma_start3A_388, %dma_start3A_389] : memref<4x64x144xf32, #tpu.memory_space<vmem>> -> memref<1x64x144xf32, #tpu.memory_space<vmem>>
        %dma_start3A_391 = tpu.memref_squeeze %dma_start3A_390 : memref<1x64x144xf32, #tpu.memory_space<vmem>> -> memref<64x144xf32, #tpu.memory_space<vmem>>
        %dma_start3A_392 = arith.constant 0 : i32
        %dma_start3A_393 = tpu.memref_slice %arg6[%dma_start3A_386, %dma_start3A_392] : memref<4x64xi32, #tpu.memory_space<vmem>> -> memref<1x64xi32, #tpu.memory_space<vmem>>
        %dma_start3A_394 = tpu.memref_squeeze %dma_start3A_393 : memref<1x64xi32, #tpu.memory_space<vmem>> -> memref<64xi32, #tpu.memory_space<vmem>>
        %dma_start3A_395 = arith.constant 0 : i32
        %dma_start3A_396 = arith.constant 0 : i32
        %dma_start3A_397 = tpu.memref_slice %arg2[%dma_start3A_395, %dma_start3A_396] : memref<10000x144xf32, #tpu.memory_space<hbm>> -> memref<10000x144xf32, #tpu.memory_space<hbm>>
        tpu.enqueue_indirect_dma source(%dma_start3A_397 : memref<10000x144xf32, #tpu.memory_space<hbm>>) target(%dma_start3A_391 : memref<64x144xf32, #tpu.memory_space<vmem>>) offsets(%dma_start3A_394 : memref<64xi32, #tpu.memory_space<vmem>>) semaphore(%arg10 : memref<!tpu.dma_semaphore, #tpu.memory_space<semaphore_mem>>)
      } else {
      }
      %lt3A_272 = arith.constant 156 : i32
      %lt3A_273 = arith.cmpi slt, %add3A_232, %lt3A_272 : i32
      %convert_element_type3A_274 = arith.extui %lt3A_273 : i1 to i32
      %cond3A_275 = arith.constant 0 : i32
      %cond3A_276 = arith.cmpi ne, %convert_element_type3A_274, %cond3A_275 : i32
      scf.if %cond3A_276 {
        %add3A_369 = arith.constant 3 : i32
        %add3A_370 = arith.addi %add3A_232, %add3A_369 : i32
        %add3A_371 = arith.constant 1 : i32
        %add3A_372 = arith.addi %add3A_370, %add3A_371 : i32
        %add3A_373 = arith.addi %mul3A_2, %add3A_372 : i32
        %dma_start3A_374 = arith.constant 0 : i32
        %dma_start3A_375 = arith.constant 1 : i32
        %dma_start3A_376 = arith.constant 0 : i32
        %dma_start3A_377 = tpu.memref_slice %arg6[%dma_start3A_375, %dma_start3A_376] : memref<4x64xi32, #tpu.memory_space<vmem>> -> memref<1x64xi32, #tpu.memory_space<vmem>>
        %dma_start3A_378 = tpu.memref_squeeze %dma_start3A_377 : memref<1x64xi32, #tpu.memory_space<vmem>> -> memref<64xi32, #tpu.memory_space<vmem>>
        %dma_start3A_379 = arith.constant 0 : i32
        %dma_start3A_380 = tpu.memref_slice %arg3[%dma_start3A_374, %add3A_373, %dma_start3A_379] : memref<2x5120x64xi32, #tpu.memory_space<hbm>> -> memref<1x1x64xi32, #tpu.memory_space<hbm>>
        %dma_start3A_381 = tpu.memref_squeeze %dma_start3A_380 : memref<1x1x64xi32, #tpu.memory_space<hbm>> -> memref<64xi32, #tpu.memory_space<hbm>>
        %dma_start3A_382 = arith.constant 0 : i32
        %dma_start3A_383 = tpu.memref_slice %arg6[%dma_start3A_375, %dma_start3A_382] : memref<4x64xi32, #tpu.memory_space<vmem>> -> memref<1x64xi32, #tpu.memory_space<vmem>>
        %dma_start3A_384 = tpu.memref_squeeze %dma_start3A_383 : memref<1x64xi32, #tpu.memory_space<vmem>> -> memref<64xi32, #tpu.memory_space<vmem>>
        %dma_start3A_385 = arith.constant 0 : i32
        %dma_start3A_386 = tpu.memref_slice %arg3[%dma_start3A_374, %add3A_373, %dma_start3A_385] : memref<2x5120x64xi32, #tpu.memory_space<hbm>> -> memref<1x1x64xi32, #tpu.memory_space<hbm>>
        %dma_start3A_387 = tpu.memref_squeeze %dma_start3A_386 : memref<1x1x64xi32, #tpu.memory_space<hbm>> -> memref<64xi32, #tpu.memory_space<hbm>>
        tpu.enqueue_dma source(%dma_start3A_387 : memref<64xi32, #tpu.memory_space<hbm>>) target(%dma_start3A_384 : memref<64xi32, #tpu.memory_space<vmem>>) target_semaphore(%arg19 : memref<!tpu.dma_semaphore, #tpu.memory_space<semaphore_mem>>)
      } else {
      }
      %add3A_277 = arith.constant 2 : i32
      %add3A_278 = arith.addi %add3A_188, %add3A_277 : i32
      %dma_wait3A_279 = arith.constant 2 : i32
      %dma_wait3A_280 = arith.constant 2 : i32
      %dma_wait3A_281 = arith.constant 0 : i32
      %dma_wait3A_282 = arith.constant 0 : i32
      %dma_wait3A_283 = tpu.memref_slice %arg8[%dma_wait3A_280, %dma_wait3A_281, %dma_wait3A_282] : memref<4x64x144xf32, #tpu.memory_space<vmem>> -> memref<1x64x144xf32, #tpu.memory_space<vmem>>
      %dma_wait3A_284 = tpu.memref_squeeze %dma_wait3A_283 : memref<1x64x144xf32, #tpu.memory_space<vmem>> -> memref<64x144xf32, #tpu.memory_space<vmem>>
      %dma_wait3A_285 = arith.constant 0 : i32
      %dma_wait3A_286 = tpu.memref_slice %arg6[%dma_wait3A_279, %dma_wait3A_285] : memref<4x64xi32, #tpu.memory_space<vmem>> -> memref<1x64xi32, #tpu.memory_space<vmem>>
      %dma_wait3A_287 = tpu.memref_squeeze %dma_wait3A_286 : memref<1x64xi32, #tpu.memory_space<vmem>> -> memref<64xi32, #tpu.memory_space<vmem>>
      %dma_wait3A_288 = arith.constant 0 : i32
      %dma_wait3A_289 = arith.constant 0 : i32
      %dma_wait3A_290 = tpu.memref_slice %arg2[%dma_wait3A_288, %dma_wait3A_289] : memref<10000x144xf32, #tpu.memory_space<hbm>> -> memref<10000x144xf32, #tpu.memory_space<hbm>>
      tpu.wait_indirect_dma semaphore(%arg12 : memref<!tpu.dma_semaphore, #tpu.memory_space<semaphore_mem>>) src(%dma_wait3A_290 : memref<10000x144xf32, #tpu.memory_space<hbm>>) dst(%dma_wait3A_284 : memref<64x144xf32, #tpu.memory_space<vmem>>)
      %ge3A_291 = arith.constant 2 : i32
      %ge3A_292 = arith.cmpi sge, %add3A_278, %ge3A_291 : i32
      %convert_element_type3A_293 = arith.extui %ge3A_292 : i1 to i32
      %cond3A_294 = arith.constant 0 : i32
      %cond3A_295 = arith.cmpi ne, %convert_element_type3A_293, %cond3A_294 : i32
      scf.if %cond3A_295 {
        %add3A_369 = arith.addi %mul3A_2, %add3A_278 : i32
        %dma_wait3A_370 = arith.constant 1 : i32
        %dma_wait3A_371 = arith.constant 2 : i32
        %dma_wait3A_372 = arith.constant 0 : i32
        %dma_wait3A_373 = tpu.memref_slice %arg7[%dma_wait3A_371, %dma_wait3A_372] : memref<4x64xi32, #tpu.memory_space<vmem>> -> memref<1x64xi32, #tpu.memory_space<vmem>>
        %dma_wait3A_374 = tpu.memref_squeeze %dma_wait3A_373 : memref<1x64xi32, #tpu.memory_space<vmem>> -> memref<64xi32, #tpu.memory_space<vmem>>
        %dma_wait3A_375 = arith.constant 0 : i32
        %dma_wait3A_376 = tpu.memref_slice %arg3[%dma_wait3A_370, %add3A_369, %dma_wait3A_375] : memref<2x5120x64xi32, #tpu.memory_space<hbm>> -> memref<1x1x64xi32, #tpu.memory_space<hbm>>
        %dma_wait3A_377 = tpu.memref_squeeze %dma_wait3A_376 : memref<1x1x64xi32, #tpu.memory_space<hbm>> -> memref<64xi32, #tpu.memory_space<hbm>>
        %dma_wait3A_378 = arith.constant 0 : i32
        %dma_wait3A_379 = tpu.memref_slice %arg7[%dma_wait3A_371, %dma_wait3A_378] : memref<4x64xi32, #tpu.memory_space<vmem>> -> memref<1x64xi32, #tpu.memory_space<vmem>>
        %dma_wait3A_380 = tpu.memref_squeeze %dma_wait3A_379 : memref<1x64xi32, #tpu.memory_space<vmem>> -> memref<64xi32, #tpu.memory_space<vmem>>
        %dma_wait3A_381 = arith.constant 0 : i32
        %dma_wait3A_382 = tpu.memref_slice %arg3[%dma_wait3A_370, %add3A_369, %dma_wait3A_381] : memref<2x5120x64xi32, #tpu.memory_space<hbm>> -> memref<1x1x64xi32, #tpu.memory_space<hbm>>
        %dma_wait3A_383 = tpu.memref_squeeze %dma_wait3A_382 : memref<1x1x64xi32, #tpu.memory_space<hbm>> -> memref<64xi32, #tpu.memory_space<hbm>>
        tpu.wait_dma2 semaphore(%arg24 : memref<!tpu.dma_semaphore, #tpu.memory_space<semaphore_mem>>) src(%dma_wait3A_383 : memref<64xi32, #tpu.memory_space<hbm>>) dst(%dma_wait3A_380 : memref<64xi32, #tpu.memory_space<vmem>>)
      } else {
      }
      %dma_start3A_296 = arith.constant 2 : i32
      %dma_start3A_297 = arith.constant 2 : i32
      %dma_start3A_298 = arith.constant 0 : i32
      %dma_start3A_299 = arith.constant 0 : i32
      %dma_start3A_300 = tpu.memref_slice %arg8[%dma_start3A_296, %dma_start3A_298, %dma_start3A_299] : memref<4x64x144xf32, #tpu.memory_space<vmem>> -> memref<1x64x144xf32, #tpu.memory_space<vmem>>
      %dma_start3A_301 = tpu.memref_squeeze %dma_start3A_300 : memref<1x64x144xf32, #tpu.memory_space<vmem>> -> memref<64x144xf32, #tpu.memory_space<vmem>>
      %dma_start3A_302 = arith.constant 0 : i32
      %dma_start3A_303 = tpu.memref_slice %arg7[%dma_start3A_297, %dma_start3A_302] : memref<4x64xi32, #tpu.memory_space<vmem>> -> memref<1x64xi32, #tpu.memory_space<vmem>>
      %dma_start3A_304 = tpu.memref_squeeze %dma_start3A_303 : memref<1x64xi32, #tpu.memory_space<vmem>> -> memref<64xi32, #tpu.memory_space<vmem>>
      %dma_start3A_305 = arith.constant 0 : i32
      %dma_start3A_306 = arith.constant 0 : i32
      %dma_start3A_307 = tpu.memref_slice %arg9[%dma_start3A_305, %dma_start3A_306] : memref<10240x144xf32, #tpu.memory_space<vmem_shared>> -> memref<10240x144xf32, #tpu.memory_space<vmem_shared>>
      tpu.enqueue_indirect_dma source(%dma_start3A_301 : memref<64x144xf32, #tpu.memory_space<vmem>>) target(%dma_start3A_307 : memref<10240x144xf32, #tpu.memory_space<vmem_shared>>) offsets(%dma_start3A_304 : memref<64xi32, #tpu.memory_space<vmem>>) semaphore(%arg16 : memref<!tpu.dma_semaphore, #tpu.memory_space<semaphore_mem>>) {add = true}
      %ge3A_308 = arith.constant 1 : i32
      %ge3A_309 = arith.cmpi sge, %add3A_278, %ge3A_308 : i32
      %convert_element_type3A_310 = arith.extui %ge3A_309 : i1 to i32
      %cond3A_311 = arith.constant 0 : i32
      %cond3A_312 = arith.cmpi ne, %convert_element_type3A_310, %cond3A_311 : i32
      scf.if %cond3A_312 {
        %dma_wait3A_369 = arith.constant 1 : i32
        %dma_wait3A_370 = arith.constant 1 : i32
        %dma_wait3A_371 = arith.constant 0 : i32
        %dma_wait3A_372 = arith.constant 0 : i32
        %dma_wait3A_373 = tpu.memref_slice %arg8[%dma_wait3A_369, %dma_wait3A_371, %dma_wait3A_372] : memref<4x64x144xf32, #tpu.memory_space<vmem>> -> memref<1x64x144xf32, #tpu.memory_space<vmem>>
        %dma_wait3A_374 = tpu.memref_squeeze %dma_wait3A_373 : memref<1x64x144xf32, #tpu.memory_space<vmem>> -> memref<64x144xf32, #tpu.memory_space<vmem>>
        %dma_wait3A_375 = arith.constant 0 : i32
        %dma_wait3A_376 = tpu.memref_slice %arg7[%dma_wait3A_370, %dma_wait3A_375] : memref<4x64xi32, #tpu.memory_space<vmem>> -> memref<1x64xi32, #tpu.memory_space<vmem>>
        %dma_wait3A_377 = tpu.memref_squeeze %dma_wait3A_376 : memref<1x64xi32, #tpu.memory_space<vmem>> -> memref<64xi32, #tpu.memory_space<vmem>>
        %dma_wait3A_378 = arith.constant 0 : i32
        %dma_wait3A_379 = arith.constant 0 : i32
        %dma_wait3A_380 = tpu.memref_slice %arg9[%dma_wait3A_378, %dma_wait3A_379] : memref<10240x144xf32, #tpu.memory_space<vmem_shared>> -> memref<10240x144xf32, #tpu.memory_space<vmem_shared>>
        tpu.wait_indirect_dma semaphore(%arg15 : memref<!tpu.dma_semaphore, #tpu.memory_space<semaphore_mem>>) src(%dma_wait3A_374 : memref<64x144xf32, #tpu.memory_space<vmem>>) dst(%dma_wait3A_380 : memref<10240x144xf32, #tpu.memory_space<vmem_shared>>)
        %lt3A_381 = arith.constant 157 : i32
        %lt3A_382 = arith.cmpi slt, %add3A_278, %lt3A_381 : i32
        %convert_element_type3A_383 = arith.extui %lt3A_382 : i1 to i32
        %cond3A_384 = arith.constant 0 : i32
        %cond3A_385 = arith.cmpi ne, %convert_element_type3A_383, %cond3A_384 : i32
        scf.if %cond3A_385 {
          %add3A_386 = arith.constant 3 : i32
          %add3A_387 = arith.addi %add3A_278, %add3A_386 : i32
          %add3A_388 = arith.addi %mul3A_2, %add3A_387 : i32
          %dma_start3A_389 = arith.constant 1 : i32
          %dma_start3A_390 = arith.constant 1 : i32
          %dma_start3A_391 = arith.constant 0 : i32
          %dma_start3A_392 = tpu.memref_slice %arg7[%dma_start3A_390, %dma_start3A_391] : memref<4x64xi32, #tpu.memory_space<vmem>> -> memref<1x64xi32, #tpu.memory_space<vmem>>
          %dma_start3A_393 = tpu.memref_squeeze %dma_start3A_392 : memref<1x64xi32, #tpu.memory_space<vmem>> -> memref<64xi32, #tpu.memory_space<vmem>>
          %dma_start3A_394 = arith.constant 0 : i32
          %dma_start3A_395 = tpu.memref_slice %arg3[%dma_start3A_389, %add3A_388, %dma_start3A_394] : memref<2x5120x64xi32, #tpu.memory_space<hbm>> -> memref<1x1x64xi32, #tpu.memory_space<hbm>>
          %dma_start3A_396 = tpu.memref_squeeze %dma_start3A_395 : memref<1x1x64xi32, #tpu.memory_space<hbm>> -> memref<64xi32, #tpu.memory_space<hbm>>
          %dma_start3A_397 = arith.constant 0 : i32
          %dma_start3A_398 = tpu.memref_slice %arg7[%dma_start3A_390, %dma_start3A_397] : memref<4x64xi32, #tpu.memory_space<vmem>> -> memref<1x64xi32, #tpu.memory_space<vmem>>
          %dma_start3A_399 = tpu.memref_squeeze %dma_start3A_398 : memref<1x64xi32, #tpu.memory_space<vmem>> -> memref<64xi32, #tpu.memory_space<vmem>>
          %dma_start3A_400 = arith.constant 0 : i32
          %dma_start3A_401 = tpu.memref_slice %arg3[%dma_start3A_389, %add3A_388, %dma_start3A_400] : memref<2x5120x64xi32, #tpu.memory_space<hbm>> -> memref<1x1x64xi32, #tpu.memory_space<hbm>>
          %dma_start3A_402 = tpu.memref_squeeze %dma_start3A_401 : memref<1x1x64xi32, #tpu.memory_space<hbm>> -> memref<64xi32, #tpu.memory_space<hbm>>
          tpu.enqueue_dma source(%dma_start3A_402 : memref<64xi32, #tpu.memory_space<hbm>>) target(%dma_start3A_399 : memref<64xi32, #tpu.memory_space<vmem>>) target_semaphore(%arg23 : memref<!tpu.dma_semaphore, #tpu.memory_space<semaphore_mem>>)
        } else {
        }
      } else {
      }
      %lt3A_313 = arith.constant 157 : i32
      %lt3A_314 = arith.cmpi slt, %add3A_278, %lt3A_313 : i32
      %convert_element_type3A_315 = arith.extui %lt3A_314 : i1 to i32
      %cond3A_316 = arith.constant 0 : i32
      %cond3A_317 = arith.cmpi ne, %convert_element_type3A_315, %cond3A_316 : i32
      scf.if %cond3A_317 {
        %add3A_369 = arith.constant 3 : i32
        %add3A_370 = arith.addi %add3A_278, %add3A_369 : i32
        %add3A_371 = arith.addi %mul3A_2, %add3A_370 : i32
        %dma_wait3A_372 = arith.constant 0 : i32
        %dma_wait3A_373 = arith.constant 1 : i32
        %dma_wait3A_374 = arith.constant 0 : i32
        %dma_wait3A_375 = tpu.memref_slice %arg6[%dma_wait3A_373, %dma_wait3A_374] : memref<4x64xi32, #tpu.memory_space<vmem>> -> memref<1x64xi32, #tpu.memory_space<vmem>>
        %dma_wait3A_376 = tpu.memref_squeeze %dma_wait3A_375 : memref<1x64xi32, #tpu.memory_space<vmem>> -> memref<64xi32, #tpu.memory_space<vmem>>
        %dma_wait3A_377 = arith.constant 0 : i32
        %dma_wait3A_378 = tpu.memref_slice %arg3[%dma_wait3A_372, %add3A_371, %dma_wait3A_377] : memref<2x5120x64xi32, #tpu.memory_space<hbm>> -> memref<1x1x64xi32, #tpu.memory_space<hbm>>
        %dma_wait3A_379 = tpu.memref_squeeze %dma_wait3A_378 : memref<1x1x64xi32, #tpu.memory_space<hbm>> -> memref<64xi32, #tpu.memory_space<hbm>>
        %dma_wait3A_380 = arith.constant 0 : i32
        %dma_wait3A_381 = tpu.memref_slice %arg6[%dma_wait3A_373, %dma_wait3A_380] : memref<4x64xi32, #tpu.memory_space<vmem>> -> memref<1x64xi32, #tpu.memory_space<vmem>>
        %dma_wait3A_382 = tpu.memref_squeeze %dma_wait3A_381 : memref<1x64xi32, #tpu.memory_space<vmem>> -> memref<64xi32, #tpu.memory_space<vmem>>
        %dma_wait3A_383 = arith.constant 0 : i32
        %dma_wait3A_384 = tpu.memref_slice %arg3[%dma_wait3A_372, %add3A_371, %dma_wait3A_383] : memref<2x5120x64xi32, #tpu.memory_space<hbm>> -> memref<1x1x64xi32, #tpu.memory_space<hbm>>
        %dma_wait3A_385 = tpu.memref_squeeze %dma_wait3A_384 : memref<1x1x64xi32, #tpu.memory_space<hbm>> -> memref<64xi32, #tpu.memory_space<hbm>>
        tpu.wait_dma2 semaphore(%arg19 : memref<!tpu.dma_semaphore, #tpu.memory_space<semaphore_mem>>) src(%dma_wait3A_385 : memref<64xi32, #tpu.memory_space<hbm>>) dst(%dma_wait3A_382 : memref<64xi32, #tpu.memory_space<vmem>>)
        %dma_start3A_386 = arith.constant 1 : i32
        %dma_start3A_387 = arith.constant 1 : i32
        %dma_start3A_388 = arith.constant 0 : i32
        %dma_start3A_389 = arith.constant 0 : i32
        %dma_start3A_390 = tpu.memref_slice %arg8[%dma_start3A_387, %dma_start3A_388, %dma_start3A_389] : memref<4x64x144xf32, #tpu.memory_space<vmem>> -> memref<1x64x144xf32, #tpu.memory_space<vmem>>
        %dma_start3A_391 = tpu.memref_squeeze %dma_start3A_390 : memref<1x64x144xf32, #tpu.memory_space<vmem>> -> memref<64x144xf32, #tpu.memory_space<vmem>>
        %dma_start3A_392 = arith.constant 0 : i32
        %dma_start3A_393 = tpu.memref_slice %arg6[%dma_start3A_386, %dma_start3A_392] : memref<4x64xi32, #tpu.memory_space<vmem>> -> memref<1x64xi32, #tpu.memory_space<vmem>>
        %dma_start3A_394 = tpu.memref_squeeze %dma_start3A_393 : memref<1x64xi32, #tpu.memory_space<vmem>> -> memref<64xi32, #tpu.memory_space<vmem>>
        %dma_start3A_395 = arith.constant 0 : i32
        %dma_start3A_396 = arith.constant 0 : i32
        %dma_start3A_397 = tpu.memref_slice %arg2[%dma_start3A_395, %dma_start3A_396] : memref<10000x144xf32, #tpu.memory_space<hbm>> -> memref<10000x144xf32, #tpu.memory_space<hbm>>
        tpu.enqueue_indirect_dma source(%dma_start3A_397 : memref<10000x144xf32, #tpu.memory_space<hbm>>) target(%dma_start3A_391 : memref<64x144xf32, #tpu.memory_space<vmem>>) offsets(%dma_start3A_394 : memref<64xi32, #tpu.memory_space<vmem>>) semaphore(%arg11 : memref<!tpu.dma_semaphore, #tpu.memory_space<semaphore_mem>>)
      } else {
      }
      %lt3A_318 = arith.constant 156 : i32
      %lt3A_319 = arith.cmpi slt, %add3A_278, %lt3A_318 : i32
      %convert_element_type3A_320 = arith.extui %lt3A_319 : i1 to i32
      %cond3A_321 = arith.constant 0 : i32
      %cond3A_322 = arith.cmpi ne, %convert_element_type3A_320, %cond3A_321 : i32
      scf.if %cond3A_322 {
        %add3A_369 = arith.constant 3 : i32
        %add3A_370 = arith.addi %add3A_278, %add3A_369 : i32
        %add3A_371 = arith.constant 1 : i32
        %add3A_372 = arith.addi %add3A_370, %add3A_371 : i32
        %add3A_373 = arith.addi %mul3A_2, %add3A_372 : i32
        %dma_start3A_374 = arith.constant 0 : i32
        %dma_start3A_375 = arith.constant 2 : i32
        %dma_start3A_376 = arith.constant 0 : i32
        %dma_start3A_377 = tpu.memref_slice %arg6[%dma_start3A_375, %dma_start3A_376] : memref<4x64xi32, #tpu.memory_space<vmem>> -> memref<1x64xi32, #tpu.memory_space<vmem>>
        %dma_start3A_378 = tpu.memref_squeeze %dma_start3A_377 : memref<1x64xi32, #tpu.memory_space<vmem>> -> memref<64xi32, #tpu.memory_space<vmem>>
        %dma_start3A_379 = arith.constant 0 : i32
        %dma_start3A_380 = tpu.memref_slice %arg3[%dma_start3A_374, %add3A_373, %dma_start3A_379] : memref<2x5120x64xi32, #tpu.memory_space<hbm>> -> memref<1x1x64xi32, #tpu.memory_space<hbm>>
        %dma_start3A_381 = tpu.memref_squeeze %dma_start3A_380 : memref<1x1x64xi32, #tpu.memory_space<hbm>> -> memref<64xi32, #tpu.memory_space<hbm>>
        %dma_start3A_382 = arith.constant 0 : i32
        %dma_start3A_383 = tpu.memref_slice %arg6[%dma_start3A_375, %dma_start3A_382] : memref<4x64xi32, #tpu.memory_space<vmem>> -> memref<1x64xi32, #tpu.memory_space<vmem>>
        %dma_start3A_384 = tpu.memref_squeeze %dma_start3A_383 : memref<1x64xi32, #tpu.memory_space<vmem>> -> memref<64xi32, #tpu.memory_space<vmem>>
        %dma_start3A_385 = arith.constant 0 : i32
        %dma_start3A_386 = tpu.memref_slice %arg3[%dma_start3A_374, %add3A_373, %dma_start3A_385] : memref<2x5120x64xi32, #tpu.memory_space<hbm>> -> memref<1x1x64xi32, #tpu.memory_space<hbm>>
        %dma_start3A_387 = tpu.memref_squeeze %dma_start3A_386 : memref<1x1x64xi32, #tpu.memory_space<hbm>> -> memref<64xi32, #tpu.memory_space<hbm>>
        tpu.enqueue_dma source(%dma_start3A_387 : memref<64xi32, #tpu.memory_space<hbm>>) target(%dma_start3A_384 : memref<64xi32, #tpu.memory_space<vmem>>) target_semaphore(%arg20 : memref<!tpu.dma_semaphore, #tpu.memory_space<semaphore_mem>>)
      } else {
      }
      %add3A_323 = arith.constant 3 : i32
      %add3A_324 = arith.addi %add3A_188, %add3A_323 : i32
      %dma_wait3A_325 = arith.constant 3 : i32
      %dma_wait3A_326 = arith.constant 3 : i32
      %dma_wait3A_327 = arith.constant 0 : i32
      %dma_wait3A_328 = arith.constant 0 : i32
      %dma_wait3A_329 = tpu.memref_slice %arg8[%dma_wait3A_326, %dma_wait3A_327, %dma_wait3A_328] : memref<4x64x144xf32, #tpu.memory_space<vmem>> -> memref<1x64x144xf32, #tpu.memory_space<vmem>>
      %dma_wait3A_330 = tpu.memref_squeeze %dma_wait3A_329 : memref<1x64x144xf32, #tpu.memory_space<vmem>> -> memref<64x144xf32, #tpu.memory_space<vmem>>
      %dma_wait3A_331 = arith.constant 0 : i32
      %dma_wait3A_332 = tpu.memref_slice %arg6[%dma_wait3A_325, %dma_wait3A_331] : memref<4x64xi32, #tpu.memory_space<vmem>> -> memref<1x64xi32, #tpu.memory_space<vmem>>
      %dma_wait3A_333 = tpu.memref_squeeze %dma_wait3A_332 : memref<1x64xi32, #tpu.memory_space<vmem>> -> memref<64xi32, #tpu.memory_space<vmem>>
      %dma_wait3A_334 = arith.constant 0 : i32
      %dma_wait3A_335 = arith.constant 0 : i32
      %dma_wait3A_336 = tpu.memref_slice %arg2[%dma_wait3A_334, %dma_wait3A_335] : memref<10000x144xf32, #tpu.memory_space<hbm>> -> memref<10000x144xf32, #tpu.memory_space<hbm>>
      tpu.wait_indirect_dma semaphore(%arg13 : memref<!tpu.dma_semaphore, #tpu.memory_space<semaphore_mem>>) src(%dma_wait3A_336 : memref<10000x144xf32, #tpu.memory_space<hbm>>) dst(%dma_wait3A_330 : memref<64x144xf32, #tpu.memory_space<vmem>>)
      %ge3A_337 = arith.constant 2 : i32
      %ge3A_338 = arith.cmpi sge, %add3A_324, %ge3A_337 : i32
      %convert_element_type3A_339 = arith.extui %ge3A_338 : i1 to i32
      %cond3A_340 = arith.constant 0 : i32
      %cond3A_341 = arith.cmpi ne, %convert_element_type3A_339, %cond3A_340 : i32
      scf.if %cond3A_341 {
        %add3A_369 = arith.addi %mul3A_2, %add3A_324 : i32
        %dma_wait3A_370 = arith.constant 1 : i32
        %dma_wait3A_371 = arith.constant 3 : i32
        %dma_wait3A_372 = arith.constant 0 : i32
        %dma_wait3A_373 = tpu.memref_slice %arg7[%dma_wait3A_371, %dma_wait3A_372] : memref<4x64xi32, #tpu.memory_space<vmem>> -> memref<1x64xi32, #tpu.memory_space<vmem>>
        %dma_wait3A_374 = tpu.memref_squeeze %dma_wait3A_373 : memref<1x64xi32, #tpu.memory_space<vmem>> -> memref<64xi32, #tpu.memory_space<vmem>>
        %dma_wait3A_375 = arith.constant 0 : i32
        %dma_wait3A_376 = tpu.memref_slice %arg3[%dma_wait3A_370, %add3A_369, %dma_wait3A_375] : memref<2x5120x64xi32, #tpu.memory_space<hbm>> -> memref<1x1x64xi32, #tpu.memory_space<hbm>>
        %dma_wait3A_377 = tpu.memref_squeeze %dma_wait3A_376 : memref<1x1x64xi32, #tpu.memory_space<hbm>> -> memref<64xi32, #tpu.memory_space<hbm>>
        %dma_wait3A_378 = arith.constant 0 : i32
        %dma_wait3A_379 = tpu.memref_slice %arg7[%dma_wait3A_371, %dma_wait3A_378] : memref<4x64xi32, #tpu.memory_space<vmem>> -> memref<1x64xi32, #tpu.memory_space<vmem>>
        %dma_wait3A_380 = tpu.memref_squeeze %dma_wait3A_379 : memref<1x64xi32, #tpu.memory_space<vmem>> -> memref<64xi32, #tpu.memory_space<vmem>>
        %dma_wait3A_381 = arith.constant 0 : i32
        %dma_wait3A_382 = tpu.memref_slice %arg3[%dma_wait3A_370, %add3A_369, %dma_wait3A_381] : memref<2x5120x64xi32, #tpu.memory_space<hbm>> -> memref<1x1x64xi32, #tpu.memory_space<hbm>>
        %dma_wait3A_383 = tpu.memref_squeeze %dma_wait3A_382 : memref<1x1x64xi32, #tpu.memory_space<hbm>> -> memref<64xi32, #tpu.memory_space<hbm>>
        tpu.wait_dma2 semaphore(%arg25 : memref<!tpu.dma_semaphore, #tpu.memory_space<semaphore_mem>>) src(%dma_wait3A_383 : memref<64xi32, #tpu.memory_space<hbm>>) dst(%dma_wait3A_380 : memref<64xi32, #tpu.memory_space<vmem>>)
      } else {
      }
      %dma_start3A_342 = arith.constant 3 : i32
      %dma_start3A_343 = arith.constant 3 : i32
      %dma_start3A_344 = arith.constant 0 : i32
      %dma_start3A_345 = arith.constant 0 : i32
      %dma_start3A_346 = tpu.memref_slice %arg8[%dma_start3A_342, %dma_start3A_344, %dma_start3A_345] : memref<4x64x144xf32, #tpu.memory_space<vmem>> -> memref<1x64x144xf32, #tpu.memory_space<vmem>>
      %dma_start3A_347 = tpu.memref_squeeze %dma_start3A_346 : memref<1x64x144xf32, #tpu.memory_space<vmem>> -> memref<64x144xf32, #tpu.memory_space<vmem>>
      %dma_start3A_348 = arith.constant 0 : i32
      %dma_start3A_349 = tpu.memref_slice %arg7[%dma_start3A_343, %dma_start3A_348] : memref<4x64xi32, #tpu.memory_space<vmem>> -> memref<1x64xi32, #tpu.memory_space<vmem>>
      %dma_start3A_350 = tpu.memref_squeeze %dma_start3A_349 : memref<1x64xi32, #tpu.memory_space<vmem>> -> memref<64xi32, #tpu.memory_space<vmem>>
      %dma_start3A_351 = arith.constant 0 : i32
      %dma_start3A_352 = arith.constant 0 : i32
      %dma_start3A_353 = tpu.memref_slice %arg9[%dma_start3A_351, %dma_start3A_352] : memref<10240x144xf32, #tpu.memory_space<vmem_shared>> -> memref<10240x144xf32, #tpu.memory_space<vmem_shared>>
      tpu.enqueue_indirect_dma source(%dma_start3A_347 : memref<64x144xf32, #tpu.memory_space<vmem>>) target(%dma_start3A_353 : memref<10240x144xf32, #tpu.memory_space<vmem_shared>>) offsets(%dma_start3A_350 : memref<64xi32, #tpu.memory_space<vmem>>) semaphore(%arg17 : memref<!tpu.dma_semaphore, #tpu.memory_space<semaphore_mem>>) {add = true}
      %ge3A_354 = arith.constant 1 : i32
      %ge3A_355 = arith.cmpi sge, %add3A_324, %ge3A_354 : i32
      %convert_element_type3A_356 = arith.extui %ge3A_355 : i1 to i32
      %cond3A_357 = arith.constant 0 : i32
      %cond3A_358 = arith.cmpi ne, %convert_element_type3A_356, %cond3A_357 : i32
      scf.if %cond3A_358 {
        %dma_wait3A_369 = arith.constant 2 : i32
        %dma_wait3A_370 = arith.constant 2 : i32
        %dma_wait3A_371 = arith.constant 0 : i32
        %dma_wait3A_372 = arith.constant 0 : i32
        %dma_wait3A_373 = tpu.memref_slice %arg8[%dma_wait3A_369, %dma_wait3A_371, %dma_wait3A_372] : memref<4x64x144xf32, #tpu.memory_space<vmem>> -> memref<1x64x144xf32, #tpu.memory_space<vmem>>
        %dma_wait3A_374 = tpu.memref_squeeze %dma_wait3A_373 : memref<1x64x144xf32, #tpu.memory_space<vmem>> -> memref<64x144xf32, #tpu.memory_space<vmem>>
        %dma_wait3A_375 = arith.constant 0 : i32
        %dma_wait3A_376 = tpu.memref_slice %arg7[%dma_wait3A_370, %dma_wait3A_375] : memref<4x64xi32, #tpu.memory_space<vmem>> -> memref<1x64xi32, #tpu.memory_space<vmem>>
        %dma_wait3A_377 = tpu.memref_squeeze %dma_wait3A_376 : memref<1x64xi32, #tpu.memory_space<vmem>> -> memref<64xi32, #tpu.memory_space<vmem>>
        %dma_wait3A_378 = arith.constant 0 : i32
        %dma_wait3A_379 = arith.constant 0 : i32
        %dma_wait3A_380 = tpu.memref_slice %arg9[%dma_wait3A_378, %dma_wait3A_379] : memref<10240x144xf32, #tpu.memory_space<vmem_shared>> -> memref<10240x144xf32, #tpu.memory_space<vmem_shared>>
        tpu.wait_indirect_dma semaphore(%arg16 : memref<!tpu.dma_semaphore, #tpu.memory_space<semaphore_mem>>) src(%dma_wait3A_374 : memref<64x144xf32, #tpu.memory_space<vmem>>) dst(%dma_wait3A_380 : memref<10240x144xf32, #tpu.memory_space<vmem_shared>>)
        %lt3A_381 = arith.constant 157 : i32
        %lt3A_382 = arith.cmpi slt, %add3A_324, %lt3A_381 : i32
        %convert_element_type3A_383 = arith.extui %lt3A_382 : i1 to i32
        %cond3A_384 = arith.constant 0 : i32
        %cond3A_385 = arith.cmpi ne, %convert_element_type3A_383, %cond3A_384 : i32
        scf.if %cond3A_385 {
          %add3A_386 = arith.constant 3 : i32
          %add3A_387 = arith.addi %add3A_324, %add3A_386 : i32
          %add3A_388 = arith.addi %mul3A_2, %add3A_387 : i32
          %dma_start3A_389 = arith.constant 1 : i32
          %dma_start3A_390 = arith.constant 2 : i32
          %dma_start3A_391 = arith.constant 0 : i32
          %dma_start3A_392 = tpu.memref_slice %arg7[%dma_start3A_390, %dma_start3A_391] : memref<4x64xi32, #tpu.memory_space<vmem>> -> memref<1x64xi32, #tpu.memory_space<vmem>>
          %dma_start3A_393 = tpu.memref_squeeze %dma_start3A_392 : memref<1x64xi32, #tpu.memory_space<vmem>> -> memref<64xi32, #tpu.memory_space<vmem>>
          %dma_start3A_394 = arith.constant 0 : i32
          %dma_start3A_395 = tpu.memref_slice %arg3[%dma_start3A_389, %add3A_388, %dma_start3A_394] : memref<2x5120x64xi32, #tpu.memory_space<hbm>> -> memref<1x1x64xi32, #tpu.memory_space<hbm>>
          %dma_start3A_396 = tpu.memref_squeeze %dma_start3A_395 : memref<1x1x64xi32, #tpu.memory_space<hbm>> -> memref<64xi32, #tpu.memory_space<hbm>>
          %dma_start3A_397 = arith.constant 0 : i32
          %dma_start3A_398 = tpu.memref_slice %arg7[%dma_start3A_390, %dma_start3A_397] : memref<4x64xi32, #tpu.memory_space<vmem>> -> memref<1x64xi32, #tpu.memory_space<vmem>>
          %dma_start3A_399 = tpu.memref_squeeze %dma_start3A_398 : memref<1x64xi32, #tpu.memory_space<vmem>> -> memref<64xi32, #tpu.memory_space<vmem>>
          %dma_start3A_400 = arith.constant 0 : i32
          %dma_start3A_401 = tpu.memref_slice %arg3[%dma_start3A_389, %add3A_388, %dma_start3A_400] : memref<2x5120x64xi32, #tpu.memory_space<hbm>> -> memref<1x1x64xi32, #tpu.memory_space<hbm>>
          %dma_start3A_402 = tpu.memref_squeeze %dma_start3A_401 : memref<1x1x64xi32, #tpu.memory_space<hbm>> -> memref<64xi32, #tpu.memory_space<hbm>>
          tpu.enqueue_dma source(%dma_start3A_402 : memref<64xi32, #tpu.memory_space<hbm>>) target(%dma_start3A_399 : memref<64xi32, #tpu.memory_space<vmem>>) target_semaphore(%arg24 : memref<!tpu.dma_semaphore, #tpu.memory_space<semaphore_mem>>)
        } else {
        }
      } else {
      }
      %lt3A_359 = arith.constant 157 : i32
      %lt3A_360 = arith.cmpi slt, %add3A_324, %lt3A_359 : i32
      %convert_element_type3A_361 = arith.extui %lt3A_360 : i1 to i32
      %cond3A_362 = arith.constant 0 : i32
      %cond3A_363 = arith.cmpi ne, %convert_element_type3A_361, %cond3A_362 : i32
      scf.if %cond3A_363 {
        %add3A_369 = arith.constant 3 : i32
        %add3A_370 = arith.addi %add3A_324, %add3A_369 : i32
        %add3A_371 = arith.addi %mul3A_2, %add3A_370 : i32
        %dma_wait3A_372 = arith.constant 0 : i32
        %dma_wait3A_373 = arith.constant 2 : i32
        %dma_wait3A_374 = arith.constant 0 : i32
        %dma_wait3A_375 = tpu.memref_slice %arg6[%dma_wait3A_373, %dma_wait3A_374] : memref<4x64xi32, #tpu.memory_space<vmem>> -> memref<1x64xi32, #tpu.memory_space<vmem>>
        %dma_wait3A_376 = tpu.memref_squeeze %dma_wait3A_375 : memref<1x64xi32, #tpu.memory_space<vmem>> -> memref<64xi32, #tpu.memory_space<vmem>>
        %dma_wait3A_377 = arith.constant 0 : i32
        %dma_wait3A_378 = tpu.memref_slice %arg3[%dma_wait3A_372, %add3A_371, %dma_wait3A_377] : memref<2x5120x64xi32, #tpu.memory_space<hbm>> -> memref<1x1x64xi32, #tpu.memory_space<hbm>>
        %dma_wait3A_379 = tpu.memref_squeeze %dma_wait3A_378 : memref<1x1x64xi32, #tpu.memory_space<hbm>> -> memref<64xi32, #tpu.memory_space<hbm>>
        %dma_wait3A_380 = arith.constant 0 : i32
        %dma_wait3A_381 = tpu.memref_slice %arg6[%dma_wait3A_373, %dma_wait3A_380] : memref<4x64xi32, #tpu.memory_space<vmem>> -> memref<1x64xi32, #tpu.memory_space<vmem>>
        %dma_wait3A_382 = tpu.memref_squeeze %dma_wait3A_381 : memref<1x64xi32, #tpu.memory_space<vmem>> -> memref<64xi32, #tpu.memory_space<vmem>>
        %dma_wait3A_383 = arith.constant 0 : i32
        %dma_wait3A_384 = tpu.memref_slice %arg3[%dma_wait3A_372, %add3A_371, %dma_wait3A_383] : memref<2x5120x64xi32, #tpu.memory_space<hbm>> -> memref<1x1x64xi32, #tpu.memory_space<hbm>>
        %dma_wait3A_385 = tpu.memref_squeeze %dma_wait3A_384 : memref<1x1x64xi32, #tpu.memory_space<hbm>> -> memref<64xi32, #tpu.memory_space<hbm>>
        tpu.wait_dma2 semaphore(%arg20 : memref<!tpu.dma_semaphore, #tpu.memory_space<semaphore_mem>>) src(%dma_wait3A_385 : memref<64xi32, #tpu.memory_space<hbm>>) dst(%dma_wait3A_382 : memref<64xi32, #tpu.memory_space<vmem>>)
        %dma_start3A_386 = arith.constant 2 : i32
        %dma_start3A_387 = arith.constant 2 : i32
        %dma_start3A_388 = arith.constant 0 : i32
        %dma_start3A_389 = arith.constant 0 : i32
        %dma_start3A_390 = tpu.memref_slice %arg8[%dma_start3A_387, %dma_start3A_388, %dma_start3A_389] : memref<4x64x144xf32, #tpu.memory_space<vmem>> -> memref<1x64x144xf32, #tpu.memory_space<vmem>>
        %dma_start3A_391 = tpu.memref_squeeze %dma_start3A_390 : memref<1x64x144xf32, #tpu.memory_space<vmem>> -> memref<64x144xf32, #tpu.memory_space<vmem>>
        %dma_start3A_392 = arith.constant 0 : i32
        %dma_start3A_393 = tpu.memref_slice %arg6[%dma_start3A_386, %dma_start3A_392] : memref<4x64xi32, #tpu.memory_space<vmem>> -> memref<1x64xi32, #tpu.memory_space<vmem>>
        %dma_start3A_394 = tpu.memref_squeeze %dma_start3A_393 : memref<1x64xi32, #tpu.memory_space<vmem>> -> memref<64xi32, #tpu.memory_space<vmem>>
        %dma_start3A_395 = arith.constant 0 : i32
        %dma_start3A_396 = arith.constant 0 : i32
        %dma_start3A_397 = tpu.memref_slice %arg2[%dma_start3A_395, %dma_start3A_396] : memref<10000x144xf32, #tpu.memory_space<hbm>> -> memref<10000x144xf32, #tpu.memory_space<hbm>>
        tpu.enqueue_indirect_dma source(%dma_start3A_397 : memref<10000x144xf32, #tpu.memory_space<hbm>>) target(%dma_start3A_391 : memref<64x144xf32, #tpu.memory_space<vmem>>) offsets(%dma_start3A_394 : memref<64xi32, #tpu.memory_space<vmem>>) semaphore(%arg12 : memref<!tpu.dma_semaphore, #tpu.memory_space<semaphore_mem>>)
      } else {
      }
      %lt3A_364 = arith.constant 156 : i32
      %lt3A_365 = arith.cmpi slt, %add3A_324, %lt3A_364 : i32
      %convert_element_type3A_366 = arith.extui %lt3A_365 : i1 to i32
      %cond3A_367 = arith.constant 0 : i32
      %cond3A_368 = arith.cmpi ne, %convert_element_type3A_366, %cond3A_367 : i32
      scf.if %cond3A_368 {
        %add3A_369 = arith.constant 3 : i32
        %add3A_370 = arith.addi %add3A_324, %add3A_369 : i32
        %add3A_371 = arith.constant 1 : i32
        %add3A_372 = arith.addi %add3A_370, %add3A_371 : i32
        %add3A_373 = arith.addi %mul3A_2, %add3A_372 : i32
        %dma_start3A_374 = arith.constant 0 : i32
        %dma_start3A_375 = arith.constant 3 : i32
        %dma_start3A_376 = arith.constant 0 : i32
        %dma_start3A_377 = tpu.memref_slice %arg6[%dma_start3A_375, %dma_start3A_376] : memref<4x64xi32, #tpu.memory_space<vmem>> -> memref<1x64xi32, #tpu.memory_space<vmem>>
        %dma_start3A_378 = tpu.memref_squeeze %dma_start3A_377 : memref<1x64xi32, #tpu.memory_space<vmem>> -> memref<64xi32, #tpu.memory_space<vmem>>
        %dma_start3A_379 = arith.constant 0 : i32
        %dma_start3A_380 = tpu.memref_slice %arg3[%dma_start3A_374, %add3A_373, %dma_start3A_379] : memref<2x5120x64xi32, #tpu.memory_space<hbm>> -> memref<1x1x64xi32, #tpu.memory_space<hbm>>
        %dma_start3A_381 = tpu.memref_squeeze %dma_start3A_380 : memref<1x1x64xi32, #tpu.memory_space<hbm>> -> memref<64xi32, #tpu.memory_space<hbm>>
        %dma_start3A_382 = arith.constant 0 : i32
        %dma_start3A_383 = tpu.memref_slice %arg6[%dma_start3A_375, %dma_start3A_382] : memref<4x64xi32, #tpu.memory_space<vmem>> -> memref<1x64xi32, #tpu.memory_space<vmem>>
        %dma_start3A_384 = tpu.memref_squeeze %dma_start3A_383 : memref<1x64xi32, #tpu.memory_space<vmem>> -> memref<64xi32, #tpu.memory_space<vmem>>
        %dma_start3A_385 = arith.constant 0 : i32
        %dma_start3A_386 = tpu.memref_slice %arg3[%dma_start3A_374, %add3A_373, %dma_start3A_385] : memref<2x5120x64xi32, #tpu.memory_space<hbm>> -> memref<1x1x64xi32, #tpu.memory_space<hbm>>
        %dma_start3A_387 = tpu.memref_squeeze %dma_start3A_386 : memref<1x1x64xi32, #tpu.memory_space<hbm>> -> memref<64xi32, #tpu.memory_space<hbm>>
        tpu.enqueue_dma source(%dma_start3A_387 : memref<64xi32, #tpu.memory_space<hbm>>) target(%dma_start3A_384 : memref<64xi32, #tpu.memory_space<vmem>>) target_semaphore(%arg21 : memref<!tpu.dma_semaphore, #tpu.memory_space<semaphore_mem>>)
      } else {
      }
    }
    %scan3A_163 = arith.constant 40 : i32
    %dma_wait3A = arith.constant 3 : i32
    %dma_wait3A_164 = arith.constant 3 : i32
    %dma_wait3A_165 = arith.constant 0 : i32
    %dma_wait3A_166 = arith.constant 0 : i32
    %dma_wait3A_167 = tpu.memref_slice %arg8[%dma_wait3A, %dma_wait3A_165, %dma_wait3A_166] : memref<4x64x144xf32, #tpu.memory_space<vmem>> -> memref<1x64x144xf32, #tpu.memory_space<vmem>>
    %dma_wait3A_168 = tpu.memref_squeeze %dma_wait3A_167 : memref<1x64x144xf32, #tpu.memory_space<vmem>> -> memref<64x144xf32, #tpu.memory_space<vmem>>
    %dma_wait3A_169 = arith.constant 0 : i32
    %dma_wait3A_170 = tpu.memref_slice %arg7[%dma_wait3A_164, %dma_wait3A_169] : memref<4x64xi32, #tpu.memory_space<vmem>> -> memref<1x64xi32, #tpu.memory_space<vmem>>
    %dma_wait3A_171 = tpu.memref_squeeze %dma_wait3A_170 : memref<1x64xi32, #tpu.memory_space<vmem>> -> memref<64xi32, #tpu.memory_space<vmem>>
    %dma_wait3A_172 = arith.constant 0 : i32
    %dma_wait3A_173 = arith.constant 0 : i32
    %dma_wait3A_174 = tpu.memref_slice %arg9[%dma_wait3A_172, %dma_wait3A_173] : memref<10240x144xf32, #tpu.memory_space<vmem_shared>> -> memref<10240x144xf32, #tpu.memory_space<vmem_shared>>
    tpu.wait_indirect_dma semaphore(%arg17 : memref<!tpu.dma_semaphore, #tpu.memory_space<semaphore_mem>>) src(%dma_wait3A_168 : memref<64x144xf32, #tpu.memory_space<vmem>>) dst(%dma_wait3A_174 : memref<10240x144xf32, #tpu.memory_space<vmem_shared>>)
    %barrier3A_175 = arith.constant 0 : index
    tpu.barrier barrier_id(%barrier3A_175)
    %mul3A_176 = arith.constant 640 : i32
    %mul3A_177 = arith.muli %arg1, %mul3A_176 : i32
    %mul3A_178 = arith.constant 640 : i32
    %mul3A_179 = arith.muli %arg1, %mul3A_178 : i32
    "tpu.region"() ({
      %run_scoped3A_184 = tpu.sem_alloc : memref<!tpu.dma_semaphore, #tpu.memory_space<semaphore_mem>>
      %dma_start3A_185 = arith.constant 0 : i32
      %dma_start3A_186 = tpu.memref_slice %arg4[%arg0, %mul3A_179, %dma_start3A_185] : memref<2x10240x128xf32, #tpu.memory_space<hbm>> -> memref<1x640x128xf32, #tpu.memory_space<hbm>>
      %dma_start3A_187 = tpu.memref_squeeze %dma_start3A_186 : memref<1x640x128xf32, #tpu.memory_space<hbm>> -> memref<640x128xf32, #tpu.memory_space<hbm>>
      %dma_start3A_188 = arith.constant 0 : i32
      %dma_start3A_189 = tpu.memref_slice %arg9[%mul3A_177, %dma_start3A_188] : memref<10240x144xf32, #tpu.memory_space<vmem_shared>> -> memref<640x128xf32, #tpu.memory_space<vmem_shared>>
      tpu.enqueue_dma source(%dma_start3A_189 : memref<640x128xf32, #tpu.memory_space<vmem_shared>>) target(%dma_start3A_187 : memref<640x128xf32, #tpu.memory_space<hbm>>) target_semaphore(%run_scoped3A_184 : memref<!tpu.dma_semaphore, #tpu.memory_space<semaphore_mem>>)
      %dma_wait3A_190 = arith.constant 0 : i32
      %dma_wait3A_191 = tpu.memref_slice %arg4[%arg0, %mul3A_179, %dma_wait3A_190] : memref<2x10240x128xf32, #tpu.memory_space<hbm>> -> memref<1x640x128xf32, #tpu.memory_space<hbm>>
      %dma_wait3A_192 = tpu.memref_squeeze %dma_wait3A_191 : memref<1x640x128xf32, #tpu.memory_space<hbm>> -> memref<640x128xf32, #tpu.memory_space<hbm>>
      %dma_wait3A_193 = arith.constant 0 : i32
      %dma_wait3A_194 = tpu.memref_slice %arg9[%mul3A_177, %dma_wait3A_193] : memref<10240x144xf32, #tpu.memory_space<vmem_shared>> -> memref<640x128xf32, #tpu.memory_space<vmem_shared>>
      tpu.wait_dma2 semaphore(%run_scoped3A_184 : memref<!tpu.dma_semaphore, #tpu.memory_space<semaphore_mem>>) src(%dma_wait3A_194 : memref<640x128xf32, #tpu.memory_space<vmem_shared>>) dst(%dma_wait3A_192 : memref<640x128xf32, #tpu.memory_space<hbm>>)
      tpu.yield
    }) : () -> ()
    %mul3A_180 = arith.constant 640 : i32
    %mul3A_181 = arith.muli %arg1, %mul3A_180 : i32
    %mul3A_182 = arith.constant 640 : i32
    %mul3A_183 = arith.muli %arg1, %mul3A_182 : i32
    "tpu.region"() ({
      %run_scoped3A_184 = tpu.sem_alloc : memref<!tpu.dma_semaphore, #tpu.memory_space<semaphore_mem>>
      %dma_start3A_185 = arith.constant 0 : i32
      %dma_start3A_186 = tpu.memref_slice %arg5[%arg0, %mul3A_183, %dma_start3A_185] : memref<2x10240x16xf32, #tpu.memory_space<hbm>> -> memref<1x640x16xf32, #tpu.memory_space<hbm>>
      %dma_start3A_187 = tpu.memref_squeeze %dma_start3A_186 : memref<1x640x16xf32, #tpu.memory_space<hbm>> -> memref<640x16xf32, #tpu.memory_space<hbm>>
      %dma_start3A_188 = arith.constant 128 : i32
      %dma_start3A_189 = tpu.memref_slice %arg9[%mul3A_181, %dma_start3A_188] : memref<10240x144xf32, #tpu.memory_space<vmem_shared>> -> memref<640x16xf32, #tpu.memory_space<vmem_shared>>
      tpu.enqueue_dma source(%dma_start3A_189 : memref<640x16xf32, #tpu.memory_space<vmem_shared>>) target(%dma_start3A_187 : memref<640x16xf32, #tpu.memory_space<hbm>>) target_semaphore(%run_scoped3A_184 : memref<!tpu.dma_semaphore, #tpu.memory_space<semaphore_mem>>)
      %dma_wait3A_190 = arith.constant 0 : i32
      %dma_wait3A_191 = tpu.memref_slice %arg5[%arg0, %mul3A_183, %dma_wait3A_190] : memref<2x10240x16xf32, #tpu.memory_space<hbm>> -> memref<1x640x16xf32, #tpu.memory_space<hbm>>
      %dma_wait3A_192 = tpu.memref_squeeze %dma_wait3A_191 : memref<1x640x16xf32, #tpu.memory_space<hbm>> -> memref<640x16xf32, #tpu.memory_space<hbm>>
      %dma_wait3A_193 = arith.constant 128 : i32
      %dma_wait3A_194 = tpu.memref_slice %arg9[%mul3A_181, %dma_wait3A_193] : memref<10240x144xf32, #tpu.memory_space<vmem_shared>> -> memref<640x16xf32, #tpu.memory_space<vmem_shared>>
      tpu.wait_dma2 semaphore(%run_scoped3A_184 : memref<!tpu.dma_semaphore, #tpu.memory_space<semaphore_mem>>) src(%dma_wait3A_194 : memref<640x16xf32, #tpu.memory_space<vmem_shared>>) dst(%dma_wait3A_192 : memref<640x16xf32, #tpu.memory_space<hbm>>)
      tpu.yield
    }) : () -> ()
    return
  }
}

#map = affine_map<(d0, d1) -> (0, 0)>
#map1 = affine_map<(d0, d1) -> (0, 0, 0)>
module attributes {stable_mosaic.version = 14 : i64} {
  func.func @seg_sum(%arg0: i32, %arg1: i32, %arg2: memref<10000x128xf32, #tpu.memory_space<hbm>>, %arg3: memref<2x5120x64xi32, #tpu.memory_space<hbm>>, %arg4: memref<2x10240x128xf32, #tpu.memory_space<hbm>>, %arg5: memref<5x64xi32, #tpu.memory_space<vmem>>, %arg6: memref<5x64xi32, #tpu.memory_space<vmem>>, %arg7: memref<5x64x128xf32, #tpu.memory_space<vmem>>, %arg8: memref<10240x128xf32, #tpu.memory_space<vmem_shared>>, %arg9: memref<!tpu.dma_semaphore, #tpu.memory_space<semaphore_mem>>, %arg10: memref<!tpu.dma_semaphore, #tpu.memory_space<semaphore_mem>>, %arg11: memref<!tpu.dma_semaphore, #tpu.memory_space<semaphore_mem>>, %arg12: memref<!tpu.dma_semaphore, #tpu.memory_space<semaphore_mem>>, %arg13: memref<!tpu.dma_semaphore, #tpu.memory_space<semaphore_mem>>, %arg14: memref<!tpu.dma_semaphore, #tpu.memory_space<semaphore_mem>>, %arg15: memref<!tpu.dma_semaphore, #tpu.memory_space<semaphore_mem>>, %arg16: memref<!tpu.dma_semaphore, #tpu.memory_space<semaphore_mem>>, %arg17: memref<!tpu.dma_semaphore, #tpu.memory_space<semaphore_mem>>, %arg18: memref<!tpu.dma_semaphore, #tpu.memory_space<semaphore_mem>>, %arg19: memref<!tpu.dma_semaphore, #tpu.memory_space<semaphore_mem>>, %arg20: memref<!tpu.dma_semaphore, #tpu.memory_space<semaphore_mem>>, %arg21: memref<!tpu.dma_semaphore, #tpu.memory_space<semaphore_mem>>, %arg22: memref<!tpu.dma_semaphore, #tpu.memory_space<semaphore_mem>>, %arg23: memref<!tpu.dma_semaphore, #tpu.memory_space<semaphore_mem>>, %arg24: memref<!tpu.dma_semaphore, #tpu.memory_space<semaphore_mem>>, %arg25: memref<!tpu.dma_semaphore, #tpu.memory_space<semaphore_mem>>, %arg26: memref<!tpu.dma_semaphore, #tpu.memory_space<semaphore_mem>>, %arg27: memref<!tpu.dma_semaphore, #tpu.memory_space<semaphore_mem>>, %arg28: memref<!tpu.dma_semaphore, #tpu.memory_space<semaphore_mem>>) attributes {dimension_semantics = [#tpu.dimension_semantics<core_parallel>, #tpu.dimension_semantics<subcore_parallel>], iteration_bounds = array<i64: 2, 16>, scalar_prefetch = 0 : i64, scratch_operands = 24 : i64, tpu.core_type = #tpu.core_type<sc_vector_subcore>, window_params = [{transform_indices = #map}, {transform_indices = #map1}, {transform_indices = #map1}]} {
    %mul3A = arith.constant 2 : i32
    %mul3A_0 = arith.muli %arg1, %mul3A : i32
    %add3A = arith.addi %mul3A_0, %arg0 : i32
    %mul3A_1 = arith.constant 160 : i32
    %mul3A_2 = arith.muli %add3A, %mul3A_1 : i32
    %scan3A = arith.constant 0 : i32
    %scan3A_3 = arith.constant 64 : i32
    %scan3A_4 = arith.addi %scan3A, %scan3A_3 : i32
    %scan3A_5 = arith.constant 1 : i32
    scf.for %scan3A_208 = %scan3A to %scan3A_4 step %scan3A_5  : i32 {
      %mul3A_209 = arith.constant 1 : i32
      %mul3A_210 = arith.muli %scan3A_208, %mul3A_209 : i32
      %add3A_211 = arith.constant 0 : i32
      %add3A_212 = arith.addi %add3A_211, %mul3A_210 : i32
      %broadcast_in_dim3A = arith.constant 0.000000e+00 : f32
      %broadcast_in_dim3A_213 = vector.broadcast %broadcast_in_dim3A : f32 to vector<16xf32>
      %swap3A = arith.constant 0 : i32
      %swap3A_214 = arith.index_cast %swap3A : i32 to index
      %swap3A_215 = arith.index_cast %add3A_212 : i32 to index
      %swap3A_216 = arith.constant 0 : index
      %swap3A_217 = tpu.vector_load %arg7[%swap3A_214, %swap3A_215, %swap3A_216] {strides = array<i32>} : memref<5x64x128xf32, #tpu.memory_space<vmem>>, vector<1x1x16xf32>,
      %swap3A_218 = vector.shape_cast %swap3A_217 : vector<1x1x16xf32> to vector<16xf32>
      %swap3A_219 = vector.shape_cast %broadcast_in_dim3A_213 : vector<16xf32> to vector<1x1x16xf32>
      tpu.vector_store %arg7[%swap3A_214, %swap3A_215, %swap3A_216], %swap3A_219 {strides = array<i32>} : memref<5x64x128xf32, #tpu.memory_space<vmem>>, vector<1x1x16xf32>,
      %broadcast_in_dim3A_220 = arith.constant 0.000000e+00 : f32
      %broadcast_in_dim3A_221 = vector.broadcast %broadcast_in_dim3A_220 : f32 to vector<16xf32>
      %swap3A_222 = arith.constant 0 : i32
      %swap3A_223 = arith.index_cast %swap3A_222 : i32 to index
      %swap3A_224 = arith.index_cast %add3A_212 : i32 to index
      %swap3A_225 = arith.constant 16 : index
      %swap3A_226 = tpu.vector_load %arg7[%swap3A_223, %swap3A_224, %swap3A_225] {strides = array<i32>} : memref<5x64x128xf32, #tpu.memory_space<vmem>>, vector<1x1x16xf32>,
      %swap3A_227 = vector.shape_cast %swap3A_226 : vector<1x1x16xf32> to vector<16xf32>
      %swap3A_228 = vector.shape_cast %broadcast_in_dim3A_221 : vector<16xf32> to vector<1x1x16xf32>
      tpu.vector_store %arg7[%swap3A_223, %swap3A_224, %swap3A_225], %swap3A_228 {strides = array<i32>} : memref<5x64x128xf32, #tpu.memory_space<vmem>>, vector<1x1x16xf32>,
      %broadcast_in_dim3A_229 = arith.constant 0.000000e+00 : f32
      %broadcast_in_dim3A_230 = vector.broadcast %broadcast_in_dim3A_229 : f32 to vector<16xf32>
      %swap3A_231 = arith.constant 0 : i32
      %swap3A_232 = arith.index_cast %swap3A_231 : i32 to index
      %swap3A_233 = arith.index_cast %add3A_212 : i32 to index
      %swap3A_234 = arith.constant 32 : index
      %swap3A_235 = tpu.vector_load %arg7[%swap3A_232, %swap3A_233, %swap3A_234] {strides = array<i32>} : memref<5x64x128xf32, #tpu.memory_space<vmem>>, vector<1x1x16xf32>,
      %swap3A_236 = vector.shape_cast %swap3A_235 : vector<1x1x16xf32> to vector<16xf32>
      %swap3A_237 = vector.shape_cast %broadcast_in_dim3A_230 : vector<16xf32> to vector<1x1x16xf32>
      tpu.vector_store %arg7[%swap3A_232, %swap3A_233, %swap3A_234], %swap3A_237 {strides = array<i32>} : memref<5x64x128xf32, #tpu.memory_space<vmem>>, vector<1x1x16xf32>,
      %broadcast_in_dim3A_238 = arith.constant 0.000000e+00 : f32
      %broadcast_in_dim3A_239 = vector.broadcast %broadcast_in_dim3A_238 : f32 to vector<16xf32>
      %swap3A_240 = arith.constant 0 : i32
      %swap3A_241 = arith.index_cast %swap3A_240 : i32 to index
      %swap3A_242 = arith.index_cast %add3A_212 : i32 to index
      %swap3A_243 = arith.constant 48 : index
      %swap3A_244 = tpu.vector_load %arg7[%swap3A_241, %swap3A_242, %swap3A_243] {strides = array<i32>} : memref<5x64x128xf32, #tpu.memory_space<vmem>>, vector<1x1x16xf32>,
      %swap3A_245 = vector.shape_cast %swap3A_244 : vector<1x1x16xf32> to vector<16xf32>
      %swap3A_246 = vector.shape_cast %broadcast_in_dim3A_239 : vector<16xf32> to vector<1x1x16xf32>
      tpu.vector_store %arg7[%swap3A_241, %swap3A_242, %swap3A_243], %swap3A_246 {strides = array<i32>} : memref<5x64x128xf32, #tpu.memory_space<vmem>>, vector<1x1x16xf32>,
      %broadcast_in_dim3A_247 = arith.constant 0.000000e+00 : f32
      %broadcast_in_dim3A_248 = vector.broadcast %broadcast_in_dim3A_247 : f32 to vector<16xf32>
      %swap3A_249 = arith.constant 0 : i32
      %swap3A_250 = arith.index_cast %swap3A_249 : i32 to index
      %swap3A_251 = arith.index_cast %add3A_212 : i32 to index
      %swap3A_252 = arith.constant 64 : index
      %swap3A_253 = tpu.vector_load %arg7[%swap3A_250, %swap3A_251, %swap3A_252] {strides = array<i32>} : memref<5x64x128xf32, #tpu.memory_space<vmem>>, vector<1x1x16xf32>,
      %swap3A_254 = vector.shape_cast %swap3A_253 : vector<1x1x16xf32> to vector<16xf32>
      %swap3A_255 = vector.shape_cast %broadcast_in_dim3A_248 : vector<16xf32> to vector<1x1x16xf32>
      tpu.vector_store %arg7[%swap3A_250, %swap3A_251, %swap3A_252], %swap3A_255 {strides = array<i32>} : memref<5x64x128xf32, #tpu.memory_space<vmem>>, vector<1x1x16xf32>,
      %broadcast_in_dim3A_256 = arith.constant 0.000000e+00 : f32
      %broadcast_in_dim3A_257 = vector.broadcast %broadcast_in_dim3A_256 : f32 to vector<16xf32>
      %swap3A_258 = arith.constant 0 : i32
      %swap3A_259 = arith.index_cast %swap3A_258 : i32 to index
      %swap3A_260 = arith.index_cast %add3A_212 : i32 to index
      %swap3A_261 = arith.constant 80 : index
      %swap3A_262 = tpu.vector_load %arg7[%swap3A_259, %swap3A_260, %swap3A_261] {strides = array<i32>} : memref<5x64x128xf32, #tpu.memory_space<vmem>>, vector<1x1x16xf32>,
      %swap3A_263 = vector.shape_cast %swap3A_262 : vector<1x1x16xf32> to vector<16xf32>
      %swap3A_264 = vector.shape_cast %broadcast_in_dim3A_257 : vector<16xf32> to vector<1x1x16xf32>
      tpu.vector_store %arg7[%swap3A_259, %swap3A_260, %swap3A_261], %swap3A_264 {strides = array<i32>} : memref<5x64x128xf32, #tpu.memory_space<vmem>>, vector<1x1x16xf32>,
      %broadcast_in_dim3A_265 = arith.constant 0.000000e+00 : f32
      %broadcast_in_dim3A_266 = vector.broadcast %broadcast_in_dim3A_265 : f32 to vector<16xf32>
      %swap3A_267 = arith.constant 0 : i32
      %swap3A_268 = arith.index_cast %swap3A_267 : i32 to index
      %swap3A_269 = arith.index_cast %add3A_212 : i32 to index
      %swap3A_270 = arith.constant 96 : index
      %swap3A_271 = tpu.vector_load %arg7[%swap3A_268, %swap3A_269, %swap3A_270] {strides = array<i32>} : memref<5x64x128xf32, #tpu.memory_space<vmem>>, vector<1x1x16xf32>,
      %swap3A_272 = vector.shape_cast %swap3A_271 : vector<1x1x16xf32> to vector<16xf32>
      %swap3A_273 = vector.shape_cast %broadcast_in_dim3A_266 : vector<16xf32> to vector<1x1x16xf32>
      tpu.vector_store %arg7[%swap3A_268, %swap3A_269, %swap3A_270], %swap3A_273 {strides = array<i32>} : memref<5x64x128xf32, #tpu.memory_space<vmem>>, vector<1x1x16xf32>,
      %broadcast_in_dim3A_274 = arith.constant 0.000000e+00 : f32
      %broadcast_in_dim3A_275 = vector.broadcast %broadcast_in_dim3A_274 : f32 to vector<16xf32>
      %swap3A_276 = arith.constant 0 : i32
      %swap3A_277 = arith.index_cast %swap3A_276 : i32 to index
      %swap3A_278 = arith.index_cast %add3A_212 : i32 to index
      %swap3A_279 = arith.constant 112 : index
      %swap3A_280 = tpu.vector_load %arg7[%swap3A_277, %swap3A_278, %swap3A_279] {strides = array<i32>} : memref<5x64x128xf32, #tpu.memory_space<vmem>>, vector<1x1x16xf32>,
      %swap3A_281 = vector.shape_cast %swap3A_280 : vector<1x1x16xf32> to vector<16xf32>
      %swap3A_282 = vector.shape_cast %broadcast_in_dim3A_275 : vector<16xf32> to vector<1x1x16xf32>
      tpu.vector_store %arg7[%swap3A_277, %swap3A_278, %swap3A_279], %swap3A_282 {strides = array<i32>} : memref<5x64x128xf32, #tpu.memory_space<vmem>>, vector<1x1x16xf32>,
    }
    %scan3A_6 = arith.constant 64 : i32
    %mul3A_7 = arith.constant 640 : i32
    %mul3A_8 = arith.muli %arg1, %mul3A_7 : i32
    %add3A_9 = arith.constant 0 : i32
    %add3A_10 = arith.addi %mul3A_8, %add3A_9 : i32
    %run_scoped3A = arith.constant 0 : i32
    "tpu.region"() ({
      %run_scoped3A_208 = tpu.sem_alloc : memref<!tpu.dma_semaphore, #tpu.memory_space<semaphore_mem>>
      %dma_start3A_209 = arith.constant 0 : i32
      %dma_start3A_210 = arith.constant 0 : i32
      %dma_start3A_211 = tpu.memref_slice %arg7[%run_scoped3A, %dma_start3A_209, %dma_start3A_210] : memref<5x64x128xf32, #tpu.memory_space<vmem>> -> memref<1x64x128xf32, #tpu.memory_space<vmem>>
      %dma_start3A_212 = tpu.memref_squeeze %dma_start3A_211 : memref<1x64x128xf32, #tpu.memory_space<vmem>> -> memref<64x128xf32, #tpu.memory_space<vmem>>
      %dma_start3A_213 = arith.constant 0 : i32
      %dma_start3A_214 = tpu.memref_slice %arg8[%add3A_10, %dma_start3A_213] : memref<10240x128xf32, #tpu.memory_space<vmem_shared>> -> memref<64x128xf32, #tpu.memory_space<vmem_shared>>
      %dma_start3A_215 = arith.constant 0 : i32
      %dma_start3A_216 = tpu.memref_slice %arg8[%add3A_10, %dma_start3A_215] : memref<10240x128xf32, #tpu.memory_space<vmem_shared>> -> memref<64x128xf32, #tpu.memory_space<vmem_shared>>
      %dma_start3A_217 = arith.constant 0 : i32
      %dma_start3A_218 = arith.constant 0 : i32
      %dma_start3A_219 = tpu.memref_slice %arg7[%run_scoped3A, %dma_start3A_217, %dma_start3A_218] : memref<5x64x128xf32, #tpu.memory_space<vmem>> -> memref<1x64x128xf32, #tpu.memory_space<vmem>>
      %dma_start3A_220 = tpu.memref_squeeze %dma_start3A_219 : memref<1x64x128xf32, #tpu.memory_space<vmem>> -> memref<64x128xf32, #tpu.memory_space<vmem>>
      tpu.enqueue_dma source(%dma_start3A_220 : memref<64x128xf32, #tpu.memory_space<vmem>>) target(%dma_start3A_216 : memref<64x128xf32, #tpu.memory_space<vmem_shared>>) target_semaphore(%run_scoped3A_208 : memref<!tpu.dma_semaphore, #tpu.memory_space<semaphore_mem>>)
      %dma_wait3A_221 = arith.constant 0 : i32
      %dma_wait3A_222 = arith.constant 0 : i32
      %dma_wait3A_223 = tpu.memref_slice %arg7[%run_scoped3A, %dma_wait3A_221, %dma_wait3A_222] : memref<5x64x128xf32, #tpu.memory_space<vmem>> -> memref<1x64x128xf32, #tpu.memory_space<vmem>>
      %dma_wait3A_224 = tpu.memref_squeeze %dma_wait3A_223 : memref<1x64x128xf32, #tpu.memory_space<vmem>> -> memref<64x128xf32, #tpu.memory_space<vmem>>
      %dma_wait3A_225 = arith.constant 0 : i32
      %dma_wait3A_226 = tpu.memref_slice %arg8[%add3A_10, %dma_wait3A_225] : memref<10240x128xf32, #tpu.memory_space<vmem_shared>> -> memref<64x128xf32, #tpu.memory_space<vmem_shared>>
      %dma_wait3A_227 = arith.constant 0 : i32
      %dma_wait3A_228 = tpu.memref_slice %arg8[%add3A_10, %dma_wait3A_227] : memref<10240x128xf32, #tpu.memory_space<vmem_shared>> -> memref<64x128xf32, #tpu.memory_space<vmem_shared>>
      %dma_wait3A_229 = arith.constant 0 : i32
      %dma_wait3A_230 = arith.constant 0 : i32
      %dma_wait3A_231 = tpu.memref_slice %arg7[%run_scoped3A, %dma_wait3A_229, %dma_wait3A_230] : memref<5x64x128xf32, #tpu.memory_space<vmem>> -> memref<1x64x128xf32, #tpu.memory_space<vmem>>
      %dma_wait3A_232 = tpu.memref_squeeze %dma_wait3A_231 : memref<1x64x128xf32, #tpu.memory_space<vmem>> -> memref<64x128xf32, #tpu.memory_space<vmem>>
      tpu.wait_dma2 semaphore(%run_scoped3A_208 : memref<!tpu.dma_semaphore, #tpu.memory_space<semaphore_mem>>) src(%dma_wait3A_232 : memref<64x128xf32, #tpu.memory_space<vmem>>) dst(%dma_wait3A_228 : memref<64x128xf32, #tpu.memory_space<vmem_shared>>)
      tpu.yield
    }) : () -> ()
    %mul3A_11 = arith.constant 640 : i32
    %mul3A_12 = arith.muli %arg1, %mul3A_11 : i32
    %add3A_13 = arith.constant 64 : i32
    %add3A_14 = arith.addi %mul3A_12, %add3A_13 : i32
    %run_scoped3A_15 = arith.constant 0 : i32
    "tpu.region"() ({
      %run_scoped3A_208 = tpu.sem_alloc : memref<!tpu.dma_semaphore, #tpu.memory_space<semaphore_mem>>
      %dma_start3A_209 = arith.constant 0 : i32
      %dma_start3A_210 = arith.constant 0 : i32
      %dma_start3A_211 = tpu.memref_slice %arg7[%run_scoped3A_15, %dma_start3A_209, %dma_start3A_210] : memref<5x64x128xf32, #tpu.memory_space<vmem>> -> memref<1x64x128xf32, #tpu.memory_space<vmem>>
      %dma_start3A_212 = tpu.memref_squeeze %dma_start3A_211 : memref<1x64x128xf32, #tpu.memory_space<vmem>> -> memref<64x128xf32, #tpu.memory_space<vmem>>
      %dma_start3A_213 = arith.constant 0 : i32
      %dma_start3A_214 = tpu.memref_slice %arg8[%add3A_14, %dma_start3A_213] : memref<10240x128xf32, #tpu.memory_space<vmem_shared>> -> memref<64x128xf32, #tpu.memory_space<vmem_shared>>
      %dma_start3A_215 = arith.constant 0 : i32
      %dma_start3A_216 = tpu.memref_slice %arg8[%add3A_14, %dma_start3A_215] : memref<10240x128xf32, #tpu.memory_space<vmem_shared>> -> memref<64x128xf32, #tpu.memory_space<vmem_shared>>
      %dma_start3A_217 = arith.constant 0 : i32
      %dma_start3A_218 = arith.constant 0 : i32
      %dma_start3A_219 = tpu.memref_slice %arg7[%run_scoped3A_15, %dma_start3A_217, %dma_start3A_218] : memref<5x64x128xf32, #tpu.memory_space<vmem>> -> memref<1x64x128xf32, #tpu.memory_space<vmem>>
      %dma_start3A_220 = tpu.memref_squeeze %dma_start3A_219 : memref<1x64x128xf32, #tpu.memory_space<vmem>> -> memref<64x128xf32, #tpu.memory_space<vmem>>
      tpu.enqueue_dma source(%dma_start3A_220 : memref<64x128xf32, #tpu.memory_space<vmem>>) target(%dma_start3A_216 : memref<64x128xf32, #tpu.memory_space<vmem_shared>>) target_semaphore(%run_scoped3A_208 : memref<!tpu.dma_semaphore, #tpu.memory_space<semaphore_mem>>)
      %dma_wait3A_221 = arith.constant 0 : i32
      %dma_wait3A_222 = arith.constant 0 : i32
      %dma_wait3A_223 = tpu.memref_slice %arg7[%run_scoped3A_15, %dma_wait3A_221, %dma_wait3A_222] : memref<5x64x128xf32, #tpu.memory_space<vmem>> -> memref<1x64x128xf32, #tpu.memory_space<vmem>>
      %dma_wait3A_224 = tpu.memref_squeeze %dma_wait3A_223 : memref<1x64x128xf32, #tpu.memory_space<vmem>> -> memref<64x128xf32, #tpu.memory_space<vmem>>
      %dma_wait3A_225 = arith.constant 0 : i32
      %dma_wait3A_226 = tpu.memref_slice %arg8[%add3A_14, %dma_wait3A_225] : memref<10240x128xf32, #tpu.memory_space<vmem_shared>> -> memref<64x128xf32, #tpu.memory_space<vmem_shared>>
      %dma_wait3A_227 = arith.constant 0 : i32
      %dma_wait3A_228 = tpu.memref_slice %arg8[%add3A_14, %dma_wait3A_227] : memref<10240x128xf32, #tpu.memory_space<vmem_shared>> -> memref<64x128xf32, #tpu.memory_space<vmem_shared>>
      %dma_wait3A_229 = arith.constant 0 : i32
      %dma_wait3A_230 = arith.constant 0 : i32
      %dma_wait3A_231 = tpu.memref_slice %arg7[%run_scoped3A_15, %dma_wait3A_229, %dma_wait3A_230] : memref<5x64x128xf32, #tpu.memory_space<vmem>> -> memref<1x64x128xf32, #tpu.memory_space<vmem>>
      %dma_wait3A_232 = tpu.memref_squeeze %dma_wait3A_231 : memref<1x64x128xf32, #tpu.memory_space<vmem>> -> memref<64x128xf32, #tpu.memory_space<vmem>>
      tpu.wait_dma2 semaphore(%run_scoped3A_208 : memref<!tpu.dma_semaphore, #tpu.memory_space<semaphore_mem>>) src(%dma_wait3A_232 : memref<64x128xf32, #tpu.memory_space<vmem>>) dst(%dma_wait3A_228 : memref<64x128xf32, #tpu.memory_space<vmem_shared>>)
      tpu.yield
    }) : () -> ()
    %mul3A_16 = arith.constant 640 : i32
    %mul3A_17 = arith.muli %arg1, %mul3A_16 : i32
    %add3A_18 = arith.constant 128 : i32
    %add3A_19 = arith.addi %mul3A_17, %add3A_18 : i32
    %run_scoped3A_20 = arith.constant 0 : i32
    "tpu.region"() ({
      %run_scoped3A_208 = tpu.sem_alloc : memref<!tpu.dma_semaphore, #tpu.memory_space<semaphore_mem>>
      %dma_start3A_209 = arith.constant 0 : i32
      %dma_start3A_210 = arith.constant 0 : i32
      %dma_start3A_211 = tpu.memref_slice %arg7[%run_scoped3A_20, %dma_start3A_209, %dma_start3A_210] : memref<5x64x128xf32, #tpu.memory_space<vmem>> -> memref<1x64x128xf32, #tpu.memory_space<vmem>>
      %dma_start3A_212 = tpu.memref_squeeze %dma_start3A_211 : memref<1x64x128xf32, #tpu.memory_space<vmem>> -> memref<64x128xf32, #tpu.memory_space<vmem>>
      %dma_start3A_213 = arith.constant 0 : i32
      %dma_start3A_214 = tpu.memref_slice %arg8[%add3A_19, %dma_start3A_213] : memref<10240x128xf32, #tpu.memory_space<vmem_shared>> -> memref<64x128xf32, #tpu.memory_space<vmem_shared>>
      %dma_start3A_215 = arith.constant 0 : i32
      %dma_start3A_216 = tpu.memref_slice %arg8[%add3A_19, %dma_start3A_215] : memref<10240x128xf32, #tpu.memory_space<vmem_shared>> -> memref<64x128xf32, #tpu.memory_space<vmem_shared>>
      %dma_start3A_217 = arith.constant 0 : i32
      %dma_start3A_218 = arith.constant 0 : i32
      %dma_start3A_219 = tpu.memref_slice %arg7[%run_scoped3A_20, %dma_start3A_217, %dma_start3A_218] : memref<5x64x128xf32, #tpu.memory_space<vmem>> -> memref<1x64x128xf32, #tpu.memory_space<vmem>>
      %dma_start3A_220 = tpu.memref_squeeze %dma_start3A_219 : memref<1x64x128xf32, #tpu.memory_space<vmem>> -> memref<64x128xf32, #tpu.memory_space<vmem>>
      tpu.enqueue_dma source(%dma_start3A_220 : memref<64x128xf32, #tpu.memory_space<vmem>>) target(%dma_start3A_216 : memref<64x128xf32, #tpu.memory_space<vmem_shared>>) target_semaphore(%run_scoped3A_208 : memref<!tpu.dma_semaphore, #tpu.memory_space<semaphore_mem>>)
      %dma_wait3A_221 = arith.constant 0 : i32
      %dma_wait3A_222 = arith.constant 0 : i32
      %dma_wait3A_223 = tpu.memref_slice %arg7[%run_scoped3A_20, %dma_wait3A_221, %dma_wait3A_222] : memref<5x64x128xf32, #tpu.memory_space<vmem>> -> memref<1x64x128xf32, #tpu.memory_space<vmem>>
      %dma_wait3A_224 = tpu.memref_squeeze %dma_wait3A_223 : memref<1x64x128xf32, #tpu.memory_space<vmem>> -> memref<64x128xf32, #tpu.memory_space<vmem>>
      %dma_wait3A_225 = arith.constant 0 : i32
      %dma_wait3A_226 = tpu.memref_slice %arg8[%add3A_19, %dma_wait3A_225] : memref<10240x128xf32, #tpu.memory_space<vmem_shared>> -> memref<64x128xf32, #tpu.memory_space<vmem_shared>>
      %dma_wait3A_227 = arith.constant 0 : i32
      %dma_wait3A_228 = tpu.memref_slice %arg8[%add3A_19, %dma_wait3A_227] : memref<10240x128xf32, #tpu.memory_space<vmem_shared>> -> memref<64x128xf32, #tpu.memory_space<vmem_shared>>
      %dma_wait3A_229 = arith.constant 0 : i32
      %dma_wait3A_230 = arith.constant 0 : i32
      %dma_wait3A_231 = tpu.memref_slice %arg7[%run_scoped3A_20, %dma_wait3A_229, %dma_wait3A_230] : memref<5x64x128xf32, #tpu.memory_space<vmem>> -> memref<1x64x128xf32, #tpu.memory_space<vmem>>
      %dma_wait3A_232 = tpu.memref_squeeze %dma_wait3A_231 : memref<1x64x128xf32, #tpu.memory_space<vmem>> -> memref<64x128xf32, #tpu.memory_space<vmem>>
      tpu.wait_dma2 semaphore(%run_scoped3A_208 : memref<!tpu.dma_semaphore, #tpu.memory_space<semaphore_mem>>) src(%dma_wait3A_232 : memref<64x128xf32, #tpu.memory_space<vmem>>) dst(%dma_wait3A_228 : memref<64x128xf32, #tpu.memory_space<vmem_shared>>)
      tpu.yield
    }) : () -> ()
    %mul3A_21 = arith.constant 640 : i32
    %mul3A_22 = arith.muli %arg1, %mul3A_21 : i32
    %add3A_23 = arith.constant 192 : i32
    %add3A_24 = arith.addi %mul3A_22, %add3A_23 : i32
    %run_scoped3A_25 = arith.constant 0 : i32
    "tpu.region"() ({
      %run_scoped3A_208 = tpu.sem_alloc : memref<!tpu.dma_semaphore, #tpu.memory_space<semaphore_mem>>
      %dma_start3A_209 = arith.constant 0 : i32
      %dma_start3A_210 = arith.constant 0 : i32
      %dma_start3A_211 = tpu.memref_slice %arg7[%run_scoped3A_25, %dma_start3A_209, %dma_start3A_210] : memref<5x64x128xf32, #tpu.memory_space<vmem>> -> memref<1x64x128xf32, #tpu.memory_space<vmem>>
      %dma_start3A_212 = tpu.memref_squeeze %dma_start3A_211 : memref<1x64x128xf32, #tpu.memory_space<vmem>> -> memref<64x128xf32, #tpu.memory_space<vmem>>
      %dma_start3A_213 = arith.constant 0 : i32
      %dma_start3A_214 = tpu.memref_slice %arg8[%add3A_24, %dma_start3A_213] : memref<10240x128xf32, #tpu.memory_space<vmem_shared>> -> memref<64x128xf32, #tpu.memory_space<vmem_shared>>
      %dma_start3A_215 = arith.constant 0 : i32
      %dma_start3A_216 = tpu.memref_slice %arg8[%add3A_24, %dma_start3A_215] : memref<10240x128xf32, #tpu.memory_space<vmem_shared>> -> memref<64x128xf32, #tpu.memory_space<vmem_shared>>
      %dma_start3A_217 = arith.constant 0 : i32
      %dma_start3A_218 = arith.constant 0 : i32
      %dma_start3A_219 = tpu.memref_slice %arg7[%run_scoped3A_25, %dma_start3A_217, %dma_start3A_218] : memref<5x64x128xf32, #tpu.memory_space<vmem>> -> memref<1x64x128xf32, #tpu.memory_space<vmem>>
      %dma_start3A_220 = tpu.memref_squeeze %dma_start3A_219 : memref<1x64x128xf32, #tpu.memory_space<vmem>> -> memref<64x128xf32, #tpu.memory_space<vmem>>
      tpu.enqueue_dma source(%dma_start3A_220 : memref<64x128xf32, #tpu.memory_space<vmem>>) target(%dma_start3A_216 : memref<64x128xf32, #tpu.memory_space<vmem_shared>>) target_semaphore(%run_scoped3A_208 : memref<!tpu.dma_semaphore, #tpu.memory_space<semaphore_mem>>)
      %dma_wait3A_221 = arith.constant 0 : i32
      %dma_wait3A_222 = arith.constant 0 : i32
      %dma_wait3A_223 = tpu.memref_slice %arg7[%run_scoped3A_25, %dma_wait3A_221, %dma_wait3A_222] : memref<5x64x128xf32, #tpu.memory_space<vmem>> -> memref<1x64x128xf32, #tpu.memory_space<vmem>>
      %dma_wait3A_224 = tpu.memref_squeeze %dma_wait3A_223 : memref<1x64x128xf32, #tpu.memory_space<vmem>> -> memref<64x128xf32, #tpu.memory_space<vmem>>
      %dma_wait3A_225 = arith.constant 0 : i32
      %dma_wait3A_226 = tpu.memref_slice %arg8[%add3A_24, %dma_wait3A_225] : memref<10240x128xf32, #tpu.memory_space<vmem_shared>> -> memref<64x128xf32, #tpu.memory_space<vmem_shared>>
      %dma_wait3A_227 = arith.constant 0 : i32
      %dma_wait3A_228 = tpu.memref_slice %arg8[%add3A_24, %dma_wait3A_227] : memref<10240x128xf32, #tpu.memory_space<vmem_shared>> -> memref<64x128xf32, #tpu.memory_space<vmem_shared>>
      %dma_wait3A_229 = arith.constant 0 : i32
      %dma_wait3A_230 = arith.constant 0 : i32
      %dma_wait3A_231 = tpu.memref_slice %arg7[%run_scoped3A_25, %dma_wait3A_229, %dma_wait3A_230] : memref<5x64x128xf32, #tpu.memory_space<vmem>> -> memref<1x64x128xf32, #tpu.memory_space<vmem>>
      %dma_wait3A_232 = tpu.memref_squeeze %dma_wait3A_231 : memref<1x64x128xf32, #tpu.memory_space<vmem>> -> memref<64x128xf32, #tpu.memory_space<vmem>>
      tpu.wait_dma2 semaphore(%run_scoped3A_208 : memref<!tpu.dma_semaphore, #tpu.memory_space<semaphore_mem>>) src(%dma_wait3A_232 : memref<64x128xf32, #tpu.memory_space<vmem>>) dst(%dma_wait3A_228 : memref<64x128xf32, #tpu.memory_space<vmem_shared>>)
      tpu.yield
    }) : () -> ()
    %mul3A_26 = arith.constant 640 : i32
    %mul3A_27 = arith.muli %arg1, %mul3A_26 : i32
    %add3A_28 = arith.constant 256 : i32
    %add3A_29 = arith.addi %mul3A_27, %add3A_28 : i32
    %run_scoped3A_30 = arith.constant 0 : i32
    "tpu.region"() ({
      %run_scoped3A_208 = tpu.sem_alloc : memref<!tpu.dma_semaphore, #tpu.memory_space<semaphore_mem>>
      %dma_start3A_209 = arith.constant 0 : i32
      %dma_start3A_210 = arith.constant 0 : i32
      %dma_start3A_211 = tpu.memref_slice %arg7[%run_scoped3A_30, %dma_start3A_209, %dma_start3A_210] : memref<5x64x128xf32, #tpu.memory_space<vmem>> -> memref<1x64x128xf32, #tpu.memory_space<vmem>>
      %dma_start3A_212 = tpu.memref_squeeze %dma_start3A_211 : memref<1x64x128xf32, #tpu.memory_space<vmem>> -> memref<64x128xf32, #tpu.memory_space<vmem>>
      %dma_start3A_213 = arith.constant 0 : i32
      %dma_start3A_214 = tpu.memref_slice %arg8[%add3A_29, %dma_start3A_213] : memref<10240x128xf32, #tpu.memory_space<vmem_shared>> -> memref<64x128xf32, #tpu.memory_space<vmem_shared>>
      %dma_start3A_215 = arith.constant 0 : i32
      %dma_start3A_216 = tpu.memref_slice %arg8[%add3A_29, %dma_start3A_215] : memref<10240x128xf32, #tpu.memory_space<vmem_shared>> -> memref<64x128xf32, #tpu.memory_space<vmem_shared>>
      %dma_start3A_217 = arith.constant 0 : i32
      %dma_start3A_218 = arith.constant 0 : i32
      %dma_start3A_219 = tpu.memref_slice %arg7[%run_scoped3A_30, %dma_start3A_217, %dma_start3A_218] : memref<5x64x128xf32, #tpu.memory_space<vmem>> -> memref<1x64x128xf32, #tpu.memory_space<vmem>>
      %dma_start3A_220 = tpu.memref_squeeze %dma_start3A_219 : memref<1x64x128xf32, #tpu.memory_space<vmem>> -> memref<64x128xf32, #tpu.memory_space<vmem>>
      tpu.enqueue_dma source(%dma_start3A_220 : memref<64x128xf32, #tpu.memory_space<vmem>>) target(%dma_start3A_216 : memref<64x128xf32, #tpu.memory_space<vmem_shared>>) target_semaphore(%run_scoped3A_208 : memref<!tpu.dma_semaphore, #tpu.memory_space<semaphore_mem>>)
      %dma_wait3A_221 = arith.constant 0 : i32
      %dma_wait3A_222 = arith.constant 0 : i32
      %dma_wait3A_223 = tpu.memref_slice %arg7[%run_scoped3A_30, %dma_wait3A_221, %dma_wait3A_222] : memref<5x64x128xf32, #tpu.memory_space<vmem>> -> memref<1x64x128xf32, #tpu.memory_space<vmem>>
      %dma_wait3A_224 = tpu.memref_squeeze %dma_wait3A_223 : memref<1x64x128xf32, #tpu.memory_space<vmem>> -> memref<64x128xf32, #tpu.memory_space<vmem>>
      %dma_wait3A_225 = arith.constant 0 : i32
      %dma_wait3A_226 = tpu.memref_slice %arg8[%add3A_29, %dma_wait3A_225] : memref<10240x128xf32, #tpu.memory_space<vmem_shared>> -> memref<64x128xf32, #tpu.memory_space<vmem_shared>>
      %dma_wait3A_227 = arith.constant 0 : i32
      %dma_wait3A_228 = tpu.memref_slice %arg8[%add3A_29, %dma_wait3A_227] : memref<10240x128xf32, #tpu.memory_space<vmem_shared>> -> memref<64x128xf32, #tpu.memory_space<vmem_shared>>
      %dma_wait3A_229 = arith.constant 0 : i32
      %dma_wait3A_230 = arith.constant 0 : i32
      %dma_wait3A_231 = tpu.memref_slice %arg7[%run_scoped3A_30, %dma_wait3A_229, %dma_wait3A_230] : memref<5x64x128xf32, #tpu.memory_space<vmem>> -> memref<1x64x128xf32, #tpu.memory_space<vmem>>
      %dma_wait3A_232 = tpu.memref_squeeze %dma_wait3A_231 : memref<1x64x128xf32, #tpu.memory_space<vmem>> -> memref<64x128xf32, #tpu.memory_space<vmem>>
      tpu.wait_dma2 semaphore(%run_scoped3A_208 : memref<!tpu.dma_semaphore, #tpu.memory_space<semaphore_mem>>) src(%dma_wait3A_232 : memref<64x128xf32, #tpu.memory_space<vmem>>) dst(%dma_wait3A_228 : memref<64x128xf32, #tpu.memory_space<vmem_shared>>)
      tpu.yield
    }) : () -> ()
    %mul3A_31 = arith.constant 640 : i32
    %mul3A_32 = arith.muli %arg1, %mul3A_31 : i32
    %add3A_33 = arith.constant 320 : i32
    %add3A_34 = arith.addi %mul3A_32, %add3A_33 : i32
    %run_scoped3A_35 = arith.constant 0 : i32
    "tpu.region"() ({
      %run_scoped3A_208 = tpu.sem_alloc : memref<!tpu.dma_semaphore, #tpu.memory_space<semaphore_mem>>
      %dma_start3A_209 = arith.constant 0 : i32
      %dma_start3A_210 = arith.constant 0 : i32
      %dma_start3A_211 = tpu.memref_slice %arg7[%run_scoped3A_35, %dma_start3A_209, %dma_start3A_210] : memref<5x64x128xf32, #tpu.memory_space<vmem>> -> memref<1x64x128xf32, #tpu.memory_space<vmem>>
      %dma_start3A_212 = tpu.memref_squeeze %dma_start3A_211 : memref<1x64x128xf32, #tpu.memory_space<vmem>> -> memref<64x128xf32, #tpu.memory_space<vmem>>
      %dma_start3A_213 = arith.constant 0 : i32
      %dma_start3A_214 = tpu.memref_slice %arg8[%add3A_34, %dma_start3A_213] : memref<10240x128xf32, #tpu.memory_space<vmem_shared>> -> memref<64x128xf32, #tpu.memory_space<vmem_shared>>
      %dma_start3A_215 = arith.constant 0 : i32
      %dma_start3A_216 = tpu.memref_slice %arg8[%add3A_34, %dma_start3A_215] : memref<10240x128xf32, #tpu.memory_space<vmem_shared>> -> memref<64x128xf32, #tpu.memory_space<vmem_shared>>
      %dma_start3A_217 = arith.constant 0 : i32
      %dma_start3A_218 = arith.constant 0 : i32
      %dma_start3A_219 = tpu.memref_slice %arg7[%run_scoped3A_35, %dma_start3A_217, %dma_start3A_218] : memref<5x64x128xf32, #tpu.memory_space<vmem>> -> memref<1x64x128xf32, #tpu.memory_space<vmem>>
      %dma_start3A_220 = tpu.memref_squeeze %dma_start3A_219 : memref<1x64x128xf32, #tpu.memory_space<vmem>> -> memref<64x128xf32, #tpu.memory_space<vmem>>
      tpu.enqueue_dma source(%dma_start3A_220 : memref<64x128xf32, #tpu.memory_space<vmem>>) target(%dma_start3A_216 : memref<64x128xf32, #tpu.memory_space<vmem_shared>>) target_semaphore(%run_scoped3A_208 : memref<!tpu.dma_semaphore, #tpu.memory_space<semaphore_mem>>)
      %dma_wait3A_221 = arith.constant 0 : i32
      %dma_wait3A_222 = arith.constant 0 : i32
      %dma_wait3A_223 = tpu.memref_slice %arg7[%run_scoped3A_35, %dma_wait3A_221, %dma_wait3A_222] : memref<5x64x128xf32, #tpu.memory_space<vmem>> -> memref<1x64x128xf32, #tpu.memory_space<vmem>>
      %dma_wait3A_224 = tpu.memref_squeeze %dma_wait3A_223 : memref<1x64x128xf32, #tpu.memory_space<vmem>> -> memref<64x128xf32, #tpu.memory_space<vmem>>
      %dma_wait3A_225 = arith.constant 0 : i32
      %dma_wait3A_226 = tpu.memref_slice %arg8[%add3A_34, %dma_wait3A_225] : memref<10240x128xf32, #tpu.memory_space<vmem_shared>> -> memref<64x128xf32, #tpu.memory_space<vmem_shared>>
      %dma_wait3A_227 = arith.constant 0 : i32
      %dma_wait3A_228 = tpu.memref_slice %arg8[%add3A_34, %dma_wait3A_227] : memref<10240x128xf32, #tpu.memory_space<vmem_shared>> -> memref<64x128xf32, #tpu.memory_space<vmem_shared>>
      %dma_wait3A_229 = arith.constant 0 : i32
      %dma_wait3A_230 = arith.constant 0 : i32
      %dma_wait3A_231 = tpu.memref_slice %arg7[%run_scoped3A_35, %dma_wait3A_229, %dma_wait3A_230] : memref<5x64x128xf32, #tpu.memory_space<vmem>> -> memref<1x64x128xf32, #tpu.memory_space<vmem>>
      %dma_wait3A_232 = tpu.memref_squeeze %dma_wait3A_231 : memref<1x64x128xf32, #tpu.memory_space<vmem>> -> memref<64x128xf32, #tpu.memory_space<vmem>>
      tpu.wait_dma2 semaphore(%run_scoped3A_208 : memref<!tpu.dma_semaphore, #tpu.memory_space<semaphore_mem>>) src(%dma_wait3A_232 : memref<64x128xf32, #tpu.memory_space<vmem>>) dst(%dma_wait3A_228 : memref<64x128xf32, #tpu.memory_space<vmem_shared>>)
      tpu.yield
    }) : () -> ()
    %mul3A_36 = arith.constant 640 : i32
    %mul3A_37 = arith.muli %arg1, %mul3A_36 : i32
    %add3A_38 = arith.constant 384 : i32
    %add3A_39 = arith.addi %mul3A_37, %add3A_38 : i32
    %run_scoped3A_40 = arith.constant 0 : i32
    "tpu.region"() ({
      %run_scoped3A_208 = tpu.sem_alloc : memref<!tpu.dma_semaphore, #tpu.memory_space<semaphore_mem>>
      %dma_start3A_209 = arith.constant 0 : i32
      %dma_start3A_210 = arith.constant 0 : i32
      %dma_start3A_211 = tpu.memref_slice %arg7[%run_scoped3A_40, %dma_start3A_209, %dma_start3A_210] : memref<5x64x128xf32, #tpu.memory_space<vmem>> -> memref<1x64x128xf32, #tpu.memory_space<vmem>>
      %dma_start3A_212 = tpu.memref_squeeze %dma_start3A_211 : memref<1x64x128xf32, #tpu.memory_space<vmem>> -> memref<64x128xf32, #tpu.memory_space<vmem>>
      %dma_start3A_213 = arith.constant 0 : i32
      %dma_start3A_214 = tpu.memref_slice %arg8[%add3A_39, %dma_start3A_213] : memref<10240x128xf32, #tpu.memory_space<vmem_shared>> -> memref<64x128xf32, #tpu.memory_space<vmem_shared>>
      %dma_start3A_215 = arith.constant 0 : i32
      %dma_start3A_216 = tpu.memref_slice %arg8[%add3A_39, %dma_start3A_215] : memref<10240x128xf32, #tpu.memory_space<vmem_shared>> -> memref<64x128xf32, #tpu.memory_space<vmem_shared>>
      %dma_start3A_217 = arith.constant 0 : i32
      %dma_start3A_218 = arith.constant 0 : i32
      %dma_start3A_219 = tpu.memref_slice %arg7[%run_scoped3A_40, %dma_start3A_217, %dma_start3A_218] : memref<5x64x128xf32, #tpu.memory_space<vmem>> -> memref<1x64x128xf32, #tpu.memory_space<vmem>>
      %dma_start3A_220 = tpu.memref_squeeze %dma_start3A_219 : memref<1x64x128xf32, #tpu.memory_space<vmem>> -> memref<64x128xf32, #tpu.memory_space<vmem>>
      tpu.enqueue_dma source(%dma_start3A_220 : memref<64x128xf32, #tpu.memory_space<vmem>>) target(%dma_start3A_216 : memref<64x128xf32, #tpu.memory_space<vmem_shared>>) target_semaphore(%run_scoped3A_208 : memref<!tpu.dma_semaphore, #tpu.memory_space<semaphore_mem>>)
      %dma_wait3A_221 = arith.constant 0 : i32
      %dma_wait3A_222 = arith.constant 0 : i32
      %dma_wait3A_223 = tpu.memref_slice %arg7[%run_scoped3A_40, %dma_wait3A_221, %dma_wait3A_222] : memref<5x64x128xf32, #tpu.memory_space<vmem>> -> memref<1x64x128xf32, #tpu.memory_space<vmem>>
      %dma_wait3A_224 = tpu.memref_squeeze %dma_wait3A_223 : memref<1x64x128xf32, #tpu.memory_space<vmem>> -> memref<64x128xf32, #tpu.memory_space<vmem>>
      %dma_wait3A_225 = arith.constant 0 : i32
      %dma_wait3A_226 = tpu.memref_slice %arg8[%add3A_39, %dma_wait3A_225] : memref<10240x128xf32, #tpu.memory_space<vmem_shared>> -> memref<64x128xf32, #tpu.memory_space<vmem_shared>>
      %dma_wait3A_227 = arith.constant 0 : i32
      %dma_wait3A_228 = tpu.memref_slice %arg8[%add3A_39, %dma_wait3A_227] : memref<10240x128xf32, #tpu.memory_space<vmem_shared>> -> memref<64x128xf32, #tpu.memory_space<vmem_shared>>
      %dma_wait3A_229 = arith.constant 0 : i32
      %dma_wait3A_230 = arith.constant 0 : i32
      %dma_wait3A_231 = tpu.memref_slice %arg7[%run_scoped3A_40, %dma_wait3A_229, %dma_wait3A_230] : memref<5x64x128xf32, #tpu.memory_space<vmem>> -> memref<1x64x128xf32, #tpu.memory_space<vmem>>
      %dma_wait3A_232 = tpu.memref_squeeze %dma_wait3A_231 : memref<1x64x128xf32, #tpu.memory_space<vmem>> -> memref<64x128xf32, #tpu.memory_space<vmem>>
      tpu.wait_dma2 semaphore(%run_scoped3A_208 : memref<!tpu.dma_semaphore, #tpu.memory_space<semaphore_mem>>) src(%dma_wait3A_232 : memref<64x128xf32, #tpu.memory_space<vmem>>) dst(%dma_wait3A_228 : memref<64x128xf32, #tpu.memory_space<vmem_shared>>)
      tpu.yield
    }) : () -> ()
    %mul3A_41 = arith.constant 640 : i32
    %mul3A_42 = arith.muli %arg1, %mul3A_41 : i32
    %add3A_43 = arith.constant 448 : i32
    %add3A_44 = arith.addi %mul3A_42, %add3A_43 : i32
    %run_scoped3A_45 = arith.constant 0 : i32
    "tpu.region"() ({
      %run_scoped3A_208 = tpu.sem_alloc : memref<!tpu.dma_semaphore, #tpu.memory_space<semaphore_mem>>
      %dma_start3A_209 = arith.constant 0 : i32
      %dma_start3A_210 = arith.constant 0 : i32
      %dma_start3A_211 = tpu.memref_slice %arg7[%run_scoped3A_45, %dma_start3A_209, %dma_start3A_210] : memref<5x64x128xf32, #tpu.memory_space<vmem>> -> memref<1x64x128xf32, #tpu.memory_space<vmem>>
      %dma_start3A_212 = tpu.memref_squeeze %dma_start3A_211 : memref<1x64x128xf32, #tpu.memory_space<vmem>> -> memref<64x128xf32, #tpu.memory_space<vmem>>
      %dma_start3A_213 = arith.constant 0 : i32
      %dma_start3A_214 = tpu.memref_slice %arg8[%add3A_44, %dma_start3A_213] : memref<10240x128xf32, #tpu.memory_space<vmem_shared>> -> memref<64x128xf32, #tpu.memory_space<vmem_shared>>
      %dma_start3A_215 = arith.constant 0 : i32
      %dma_start3A_216 = tpu.memref_slice %arg8[%add3A_44, %dma_start3A_215] : memref<10240x128xf32, #tpu.memory_space<vmem_shared>> -> memref<64x128xf32, #tpu.memory_space<vmem_shared>>
      %dma_start3A_217 = arith.constant 0 : i32
      %dma_start3A_218 = arith.constant 0 : i32
      %dma_start3A_219 = tpu.memref_slice %arg7[%run_scoped3A_45, %dma_start3A_217, %dma_start3A_218] : memref<5x64x128xf32, #tpu.memory_space<vmem>> -> memref<1x64x128xf32, #tpu.memory_space<vmem>>
      %dma_start3A_220 = tpu.memref_squeeze %dma_start3A_219 : memref<1x64x128xf32, #tpu.memory_space<vmem>> -> memref<64x128xf32, #tpu.memory_space<vmem>>
      tpu.enqueue_dma source(%dma_start3A_220 : memref<64x128xf32, #tpu.memory_space<vmem>>) target(%dma_start3A_216 : memref<64x128xf32, #tpu.memory_space<vmem_shared>>) target_semaphore(%run_scoped3A_208 : memref<!tpu.dma_semaphore, #tpu.memory_space<semaphore_mem>>)
      %dma_wait3A_221 = arith.constant 0 : i32
      %dma_wait3A_222 = arith.constant 0 : i32
      %dma_wait3A_223 = tpu.memref_slice %arg7[%run_scoped3A_45, %dma_wait3A_221, %dma_wait3A_222] : memref<5x64x128xf32, #tpu.memory_space<vmem>> -> memref<1x64x128xf32, #tpu.memory_space<vmem>>
      %dma_wait3A_224 = tpu.memref_squeeze %dma_wait3A_223 : memref<1x64x128xf32, #tpu.memory_space<vmem>> -> memref<64x128xf32, #tpu.memory_space<vmem>>
      %dma_wait3A_225 = arith.constant 0 : i32
      %dma_wait3A_226 = tpu.memref_slice %arg8[%add3A_44, %dma_wait3A_225] : memref<10240x128xf32, #tpu.memory_space<vmem_shared>> -> memref<64x128xf32, #tpu.memory_space<vmem_shared>>
      %dma_wait3A_227 = arith.constant 0 : i32
      %dma_wait3A_228 = tpu.memref_slice %arg8[%add3A_44, %dma_wait3A_227] : memref<10240x128xf32, #tpu.memory_space<vmem_shared>> -> memref<64x128xf32, #tpu.memory_space<vmem_shared>>
      %dma_wait3A_229 = arith.constant 0 : i32
      %dma_wait3A_230 = arith.constant 0 : i32
      %dma_wait3A_231 = tpu.memref_slice %arg7[%run_scoped3A_45, %dma_wait3A_229, %dma_wait3A_230] : memref<5x64x128xf32, #tpu.memory_space<vmem>> -> memref<1x64x128xf32, #tpu.memory_space<vmem>>
      %dma_wait3A_232 = tpu.memref_squeeze %dma_wait3A_231 : memref<1x64x128xf32, #tpu.memory_space<vmem>> -> memref<64x128xf32, #tpu.memory_space<vmem>>
      tpu.wait_dma2 semaphore(%run_scoped3A_208 : memref<!tpu.dma_semaphore, #tpu.memory_space<semaphore_mem>>) src(%dma_wait3A_232 : memref<64x128xf32, #tpu.memory_space<vmem>>) dst(%dma_wait3A_228 : memref<64x128xf32, #tpu.memory_space<vmem_shared>>)
      tpu.yield
    }) : () -> ()
    %mul3A_46 = arith.constant 640 : i32
    %mul3A_47 = arith.muli %arg1, %mul3A_46 : i32
    %add3A_48 = arith.constant 512 : i32
    %add3A_49 = arith.addi %mul3A_47, %add3A_48 : i32
    %run_scoped3A_50 = arith.constant 0 : i32
    "tpu.region"() ({
      %run_scoped3A_208 = tpu.sem_alloc : memref<!tpu.dma_semaphore, #tpu.memory_space<semaphore_mem>>
      %dma_start3A_209 = arith.constant 0 : i32
      %dma_start3A_210 = arith.constant 0 : i32
      %dma_start3A_211 = tpu.memref_slice %arg7[%run_scoped3A_50, %dma_start3A_209, %dma_start3A_210] : memref<5x64x128xf32, #tpu.memory_space<vmem>> -> memref<1x64x128xf32, #tpu.memory_space<vmem>>
      %dma_start3A_212 = tpu.memref_squeeze %dma_start3A_211 : memref<1x64x128xf32, #tpu.memory_space<vmem>> -> memref<64x128xf32, #tpu.memory_space<vmem>>
      %dma_start3A_213 = arith.constant 0 : i32
      %dma_start3A_214 = tpu.memref_slice %arg8[%add3A_49, %dma_start3A_213] : memref<10240x128xf32, #tpu.memory_space<vmem_shared>> -> memref<64x128xf32, #tpu.memory_space<vmem_shared>>
      %dma_start3A_215 = arith.constant 0 : i32
      %dma_start3A_216 = tpu.memref_slice %arg8[%add3A_49, %dma_start3A_215] : memref<10240x128xf32, #tpu.memory_space<vmem_shared>> -> memref<64x128xf32, #tpu.memory_space<vmem_shared>>
      %dma_start3A_217 = arith.constant 0 : i32
      %dma_start3A_218 = arith.constant 0 : i32
      %dma_start3A_219 = tpu.memref_slice %arg7[%run_scoped3A_50, %dma_start3A_217, %dma_start3A_218] : memref<5x64x128xf32, #tpu.memory_space<vmem>> -> memref<1x64x128xf32, #tpu.memory_space<vmem>>
      %dma_start3A_220 = tpu.memref_squeeze %dma_start3A_219 : memref<1x64x128xf32, #tpu.memory_space<vmem>> -> memref<64x128xf32, #tpu.memory_space<vmem>>
      tpu.enqueue_dma source(%dma_start3A_220 : memref<64x128xf32, #tpu.memory_space<vmem>>) target(%dma_start3A_216 : memref<64x128xf32, #tpu.memory_space<vmem_shared>>) target_semaphore(%run_scoped3A_208 : memref<!tpu.dma_semaphore, #tpu.memory_space<semaphore_mem>>)
      %dma_wait3A_221 = arith.constant 0 : i32
      %dma_wait3A_222 = arith.constant 0 : i32
      %dma_wait3A_223 = tpu.memref_slice %arg7[%run_scoped3A_50, %dma_wait3A_221, %dma_wait3A_222] : memref<5x64x128xf32, #tpu.memory_space<vmem>> -> memref<1x64x128xf32, #tpu.memory_space<vmem>>
      %dma_wait3A_224 = tpu.memref_squeeze %dma_wait3A_223 : memref<1x64x128xf32, #tpu.memory_space<vmem>> -> memref<64x128xf32, #tpu.memory_space<vmem>>
      %dma_wait3A_225 = arith.constant 0 : i32
      %dma_wait3A_226 = tpu.memref_slice %arg8[%add3A_49, %dma_wait3A_225] : memref<10240x128xf32, #tpu.memory_space<vmem_shared>> -> memref<64x128xf32, #tpu.memory_space<vmem_shared>>
      %dma_wait3A_227 = arith.constant 0 : i32
      %dma_wait3A_228 = tpu.memref_slice %arg8[%add3A_49, %dma_wait3A_227] : memref<10240x128xf32, #tpu.memory_space<vmem_shared>> -> memref<64x128xf32, #tpu.memory_space<vmem_shared>>
      %dma_wait3A_229 = arith.constant 0 : i32
      %dma_wait3A_230 = arith.constant 0 : i32
      %dma_wait3A_231 = tpu.memref_slice %arg7[%run_scoped3A_50, %dma_wait3A_229, %dma_wait3A_230] : memref<5x64x128xf32, #tpu.memory_space<vmem>> -> memref<1x64x128xf32, #tpu.memory_space<vmem>>
      %dma_wait3A_232 = tpu.memref_squeeze %dma_wait3A_231 : memref<1x64x128xf32, #tpu.memory_space<vmem>> -> memref<64x128xf32, #tpu.memory_space<vmem>>
      tpu.wait_dma2 semaphore(%run_scoped3A_208 : memref<!tpu.dma_semaphore, #tpu.memory_space<semaphore_mem>>) src(%dma_wait3A_232 : memref<64x128xf32, #tpu.memory_space<vmem>>) dst(%dma_wait3A_228 : memref<64x128xf32, #tpu.memory_space<vmem_shared>>)
      tpu.yield
    }) : () -> ()
    %mul3A_51 = arith.constant 640 : i32
    %mul3A_52 = arith.muli %arg1, %mul3A_51 : i32
    %add3A_53 = arith.constant 576 : i32
    %add3A_54 = arith.addi %mul3A_52, %add3A_53 : i32
    %run_scoped3A_55 = arith.constant 0 : i32
    "tpu.region"() ({
      %run_scoped3A_208 = tpu.sem_alloc : memref<!tpu.dma_semaphore, #tpu.memory_space<semaphore_mem>>
      %dma_start3A_209 = arith.constant 0 : i32
      %dma_start3A_210 = arith.constant 0 : i32
      %dma_start3A_211 = tpu.memref_slice %arg7[%run_scoped3A_55, %dma_start3A_209, %dma_start3A_210] : memref<5x64x128xf32, #tpu.memory_space<vmem>> -> memref<1x64x128xf32, #tpu.memory_space<vmem>>
      %dma_start3A_212 = tpu.memref_squeeze %dma_start3A_211 : memref<1x64x128xf32, #tpu.memory_space<vmem>> -> memref<64x128xf32, #tpu.memory_space<vmem>>
      %dma_start3A_213 = arith.constant 0 : i32
      %dma_start3A_214 = tpu.memref_slice %arg8[%add3A_54, %dma_start3A_213] : memref<10240x128xf32, #tpu.memory_space<vmem_shared>> -> memref<64x128xf32, #tpu.memory_space<vmem_shared>>
      %dma_start3A_215 = arith.constant 0 : i32
      %dma_start3A_216 = tpu.memref_slice %arg8[%add3A_54, %dma_start3A_215] : memref<10240x128xf32, #tpu.memory_space<vmem_shared>> -> memref<64x128xf32, #tpu.memory_space<vmem_shared>>
      %dma_start3A_217 = arith.constant 0 : i32
      %dma_start3A_218 = arith.constant 0 : i32
      %dma_start3A_219 = tpu.memref_slice %arg7[%run_scoped3A_55, %dma_start3A_217, %dma_start3A_218] : memref<5x64x128xf32, #tpu.memory_space<vmem>> -> memref<1x64x128xf32, #tpu.memory_space<vmem>>
      %dma_start3A_220 = tpu.memref_squeeze %dma_start3A_219 : memref<1x64x128xf32, #tpu.memory_space<vmem>> -> memref<64x128xf32, #tpu.memory_space<vmem>>
      tpu.enqueue_dma source(%dma_start3A_220 : memref<64x128xf32, #tpu.memory_space<vmem>>) target(%dma_start3A_216 : memref<64x128xf32, #tpu.memory_space<vmem_shared>>) target_semaphore(%run_scoped3A_208 : memref<!tpu.dma_semaphore, #tpu.memory_space<semaphore_mem>>)
      %dma_wait3A_221 = arith.constant 0 : i32
      %dma_wait3A_222 = arith.constant 0 : i32
      %dma_wait3A_223 = tpu.memref_slice %arg7[%run_scoped3A_55, %dma_wait3A_221, %dma_wait3A_222] : memref<5x64x128xf32, #tpu.memory_space<vmem>> -> memref<1x64x128xf32, #tpu.memory_space<vmem>>
      %dma_wait3A_224 = tpu.memref_squeeze %dma_wait3A_223 : memref<1x64x128xf32, #tpu.memory_space<vmem>> -> memref<64x128xf32, #tpu.memory_space<vmem>>
      %dma_wait3A_225 = arith.constant 0 : i32
      %dma_wait3A_226 = tpu.memref_slice %arg8[%add3A_54, %dma_wait3A_225] : memref<10240x128xf32, #tpu.memory_space<vmem_shared>> -> memref<64x128xf32, #tpu.memory_space<vmem_shared>>
      %dma_wait3A_227 = arith.constant 0 : i32
      %dma_wait3A_228 = tpu.memref_slice %arg8[%add3A_54, %dma_wait3A_227] : memref<10240x128xf32, #tpu.memory_space<vmem_shared>> -> memref<64x128xf32, #tpu.memory_space<vmem_shared>>
      %dma_wait3A_229 = arith.constant 0 : i32
      %dma_wait3A_230 = arith.constant 0 : i32
      %dma_wait3A_231 = tpu.memref_slice %arg7[%run_scoped3A_55, %dma_wait3A_229, %dma_wait3A_230] : memref<5x64x128xf32, #tpu.memory_space<vmem>> -> memref<1x64x128xf32, #tpu.memory_space<vmem>>
      %dma_wait3A_232 = tpu.memref_squeeze %dma_wait3A_231 : memref<1x64x128xf32, #tpu.memory_space<vmem>> -> memref<64x128xf32, #tpu.memory_space<vmem>>
      tpu.wait_dma2 semaphore(%run_scoped3A_208 : memref<!tpu.dma_semaphore, #tpu.memory_space<semaphore_mem>>) src(%dma_wait3A_232 : memref<64x128xf32, #tpu.memory_space<vmem>>) dst(%dma_wait3A_228 : memref<64x128xf32, #tpu.memory_space<vmem_shared>>)
      tpu.yield
    }) : () -> ()
    %barrier3A = arith.constant 0 : index
    tpu.barrier barrier_id(%barrier3A)
    %add3A_56 = arith.constant 0 : i32
    %add3A_57 = arith.addi %mul3A_2, %add3A_56 : i32
    %run_scoped3A_58 = arith.constant 0 : i32
    %run_scoped3A_59 = arith.constant 0 : i32
    "tpu.region"() ({
      %run_scoped3A_208 = tpu.sem_alloc : memref<!tpu.dma_semaphore, #tpu.memory_space<semaphore_mem>>
      %dma_start3A_209 = arith.constant 0 : i32
      %dma_start3A_210 = tpu.memref_slice %arg5[%run_scoped3A_59, %dma_start3A_209] : memref<5x64xi32, #tpu.memory_space<vmem>> -> memref<1x64xi32, #tpu.memory_space<vmem>>
      %dma_start3A_211 = tpu.memref_squeeze %dma_start3A_210 : memref<1x64xi32, #tpu.memory_space<vmem>> -> memref<64xi32, #tpu.memory_space<vmem>>
      %dma_start3A_212 = arith.constant 0 : i32
      %dma_start3A_213 = tpu.memref_slice %arg3[%run_scoped3A_58, %add3A_57, %dma_start3A_212] : memref<2x5120x64xi32, #tpu.memory_space<hbm>> -> memref<1x1x64xi32, #tpu.memory_space<hbm>>
      %dma_start3A_214 = tpu.memref_squeeze %dma_start3A_213 : memref<1x1x64xi32, #tpu.memory_space<hbm>> -> memref<64xi32, #tpu.memory_space<hbm>>
      %dma_start3A_215 = arith.constant 0 : i32
      %dma_start3A_216 = tpu.memref_slice %arg5[%run_scoped3A_59, %dma_start3A_215] : memref<5x64xi32, #tpu.memory_space<vmem>> -> memref<1x64xi32, #tpu.memory_space<vmem>>
      %dma_start3A_217 = tpu.memref_squeeze %dma_start3A_216 : memref<1x64xi32, #tpu.memory_space<vmem>> -> memref<64xi32, #tpu.memory_space<vmem>>
      %dma_start3A_218 = arith.constant 0 : i32
      %dma_start3A_219 = tpu.memref_slice %arg3[%run_scoped3A_58, %add3A_57, %dma_start3A_218] : memref<2x5120x64xi32, #tpu.memory_space<hbm>> -> memref<1x1x64xi32, #tpu.memory_space<hbm>>
      %dma_start3A_220 = tpu.memref_squeeze %dma_start3A_219 : memref<1x1x64xi32, #tpu.memory_space<hbm>> -> memref<64xi32, #tpu.memory_space<hbm>>
      tpu.enqueue_dma source(%dma_start3A_220 : memref<64xi32, #tpu.memory_space<hbm>>) target(%dma_start3A_217 : memref<64xi32, #tpu.memory_space<vmem>>) target_semaphore(%run_scoped3A_208 : memref<!tpu.dma_semaphore, #tpu.memory_space<semaphore_mem>>)
      %dma_wait3A_221 = arith.constant 0 : i32
      %dma_wait3A_222 = tpu.memref_slice %arg5[%run_scoped3A_59, %dma_wait3A_221] : memref<5x64xi32, #tpu.memory_space<vmem>> -> memref<1x64xi32, #tpu.memory_space<vmem>>
      %dma_wait3A_223 = tpu.memref_squeeze %dma_wait3A_222 : memref<1x64xi32, #tpu.memory_space<vmem>> -> memref<64xi32, #tpu.memory_space<vmem>>
      %dma_wait3A_224 = arith.constant 0 : i32
      %dma_wait3A_225 = tpu.memref_slice %arg3[%run_scoped3A_58, %add3A_57, %dma_wait3A_224] : memref<2x5120x64xi32, #tpu.memory_space<hbm>> -> memref<1x1x64xi32, #tpu.memory_space<hbm>>
      %dma_wait3A_226 = tpu.memref_squeeze %dma_wait3A_225 : memref<1x1x64xi32, #tpu.memory_space<hbm>> -> memref<64xi32, #tpu.memory_space<hbm>>
      %dma_wait3A_227 = arith.constant 0 : i32
      %dma_wait3A_228 = tpu.memref_slice %arg5[%run_scoped3A_59, %dma_wait3A_227] : memref<5x64xi32, #tpu.memory_space<vmem>> -> memref<1x64xi32, #tpu.memory_space<vmem>>
      %dma_wait3A_229 = tpu.memref_squeeze %dma_wait3A_228 : memref<1x64xi32, #tpu.memory_space<vmem>> -> memref<64xi32, #tpu.memory_space<vmem>>
      %dma_wait3A_230 = arith.constant 0 : i32
      %dma_wait3A_231 = tpu.memref_slice %arg3[%run_scoped3A_58, %add3A_57, %dma_wait3A_230] : memref<2x5120x64xi32, #tpu.memory_space<hbm>> -> memref<1x1x64xi32, #tpu.memory_space<hbm>>
      %dma_wait3A_232 = tpu.memref_squeeze %dma_wait3A_231 : memref<1x1x64xi32, #tpu.memory_space<hbm>> -> memref<64xi32, #tpu.memory_space<hbm>>
      tpu.wait_dma2 semaphore(%run_scoped3A_208 : memref<!tpu.dma_semaphore, #tpu.memory_space<semaphore_mem>>) src(%dma_wait3A_232 : memref<64xi32, #tpu.memory_space<hbm>>) dst(%dma_wait3A_229 : memref<64xi32, #tpu.memory_space<vmem>>)
      tpu.yield
    }) : () -> ()
    %add3A_60 = arith.constant 1 : i32
    %add3A_61 = arith.addi %mul3A_2, %add3A_60 : i32
    %run_scoped3A_62 = arith.constant 0 : i32
    %run_scoped3A_63 = arith.constant 1 : i32
    "tpu.region"() ({
      %run_scoped3A_208 = tpu.sem_alloc : memref<!tpu.dma_semaphore, #tpu.memory_space<semaphore_mem>>
      %dma_start3A_209 = arith.constant 0 : i32
      %dma_start3A_210 = tpu.memref_slice %arg5[%run_scoped3A_63, %dma_start3A_209] : memref<5x64xi32, #tpu.memory_space<vmem>> -> memref<1x64xi32, #tpu.memory_space<vmem>>
      %dma_start3A_211 = tpu.memref_squeeze %dma_start3A_210 : memref<1x64xi32, #tpu.memory_space<vmem>> -> memref<64xi32, #tpu.memory_space<vmem>>
      %dma_start3A_212 = arith.constant 0 : i32
      %dma_start3A_213 = tpu.memref_slice %arg3[%run_scoped3A_62, %add3A_61, %dma_start3A_212] : memref<2x5120x64xi32, #tpu.memory_space<hbm>> -> memref<1x1x64xi32, #tpu.memory_space<hbm>>
      %dma_start3A_214 = tpu.memref_squeeze %dma_start3A_213 : memref<1x1x64xi32, #tpu.memory_space<hbm>> -> memref<64xi32, #tpu.memory_space<hbm>>
      %dma_start3A_215 = arith.constant 0 : i32
      %dma_start3A_216 = tpu.memref_slice %arg5[%run_scoped3A_63, %dma_start3A_215] : memref<5x64xi32, #tpu.memory_space<vmem>> -> memref<1x64xi32, #tpu.memory_space<vmem>>
      %dma_start3A_217 = tpu.memref_squeeze %dma_start3A_216 : memref<1x64xi32, #tpu.memory_space<vmem>> -> memref<64xi32, #tpu.memory_space<vmem>>
      %dma_start3A_218 = arith.constant 0 : i32
      %dma_start3A_219 = tpu.memref_slice %arg3[%run_scoped3A_62, %add3A_61, %dma_start3A_218] : memref<2x5120x64xi32, #tpu.memory_space<hbm>> -> memref<1x1x64xi32, #tpu.memory_space<hbm>>
      %dma_start3A_220 = tpu.memref_squeeze %dma_start3A_219 : memref<1x1x64xi32, #tpu.memory_space<hbm>> -> memref<64xi32, #tpu.memory_space<hbm>>
      tpu.enqueue_dma source(%dma_start3A_220 : memref<64xi32, #tpu.memory_space<hbm>>) target(%dma_start3A_217 : memref<64xi32, #tpu.memory_space<vmem>>) target_semaphore(%run_scoped3A_208 : memref<!tpu.dma_semaphore, #tpu.memory_space<semaphore_mem>>)
      %dma_wait3A_221 = arith.constant 0 : i32
      %dma_wait3A_222 = tpu.memref_slice %arg5[%run_scoped3A_63, %dma_wait3A_221] : memref<5x64xi32, #tpu.memory_space<vmem>> -> memref<1x64xi32, #tpu.memory_space<vmem>>
      %dma_wait3A_223 = tpu.memref_squeeze %dma_wait3A_222 : memref<1x64xi32, #tpu.memory_space<vmem>> -> memref<64xi32, #tpu.memory_space<vmem>>
      %dma_wait3A_224 = arith.constant 0 : i32
      %dma_wait3A_225 = tpu.memref_slice %arg3[%run_scoped3A_62, %add3A_61, %dma_wait3A_224] : memref<2x5120x64xi32, #tpu.memory_space<hbm>> -> memref<1x1x64xi32, #tpu.memory_space<hbm>>
      %dma_wait3A_226 = tpu.memref_squeeze %dma_wait3A_225 : memref<1x1x64xi32, #tpu.memory_space<hbm>> -> memref<64xi32, #tpu.memory_space<hbm>>
      %dma_wait3A_227 = arith.constant 0 : i32
      %dma_wait3A_228 = tpu.memref_slice %arg5[%run_scoped3A_63, %dma_wait3A_227] : memref<5x64xi32, #tpu.memory_space<vmem>> -> memref<1x64xi32, #tpu.memory_space<vmem>>
      %dma_wait3A_229 = tpu.memref_squeeze %dma_wait3A_228 : memref<1x64xi32, #tpu.memory_space<vmem>> -> memref<64xi32, #tpu.memory_space<vmem>>
      %dma_wait3A_230 = arith.constant 0 : i32
      %dma_wait3A_231 = tpu.memref_slice %arg3[%run_scoped3A_62, %add3A_61, %dma_wait3A_230] : memref<2x5120x64xi32, #tpu.memory_space<hbm>> -> memref<1x1x64xi32, #tpu.memory_space<hbm>>
      %dma_wait3A_232 = tpu.memref_squeeze %dma_wait3A_231 : memref<1x1x64xi32, #tpu.memory_space<hbm>> -> memref<64xi32, #tpu.memory_space<hbm>>
      tpu.wait_dma2 semaphore(%run_scoped3A_208 : memref<!tpu.dma_semaphore, #tpu.memory_space<semaphore_mem>>) src(%dma_wait3A_232 : memref<64xi32, #tpu.memory_space<hbm>>) dst(%dma_wait3A_229 : memref<64xi32, #tpu.memory_space<vmem>>)
      tpu.yield
    }) : () -> ()
    %add3A_64 = arith.constant 2 : i32
    %add3A_65 = arith.addi %mul3A_2, %add3A_64 : i32
    %run_scoped3A_66 = arith.constant 0 : i32
    %run_scoped3A_67 = arith.constant 2 : i32
    "tpu.region"() ({
      %run_scoped3A_208 = tpu.sem_alloc : memref<!tpu.dma_semaphore, #tpu.memory_space<semaphore_mem>>
      %dma_start3A_209 = arith.constant 0 : i32
      %dma_start3A_210 = tpu.memref_slice %arg5[%run_scoped3A_67, %dma_start3A_209] : memref<5x64xi32, #tpu.memory_space<vmem>> -> memref<1x64xi32, #tpu.memory_space<vmem>>
      %dma_start3A_211 = tpu.memref_squeeze %dma_start3A_210 : memref<1x64xi32, #tpu.memory_space<vmem>> -> memref<64xi32, #tpu.memory_space<vmem>>
      %dma_start3A_212 = arith.constant 0 : i32
      %dma_start3A_213 = tpu.memref_slice %arg3[%run_scoped3A_66, %add3A_65, %dma_start3A_212] : memref<2x5120x64xi32, #tpu.memory_space<hbm>> -> memref<1x1x64xi32, #tpu.memory_space<hbm>>
      %dma_start3A_214 = tpu.memref_squeeze %dma_start3A_213 : memref<1x1x64xi32, #tpu.memory_space<hbm>> -> memref<64xi32, #tpu.memory_space<hbm>>
      %dma_start3A_215 = arith.constant 0 : i32
      %dma_start3A_216 = tpu.memref_slice %arg5[%run_scoped3A_67, %dma_start3A_215] : memref<5x64xi32, #tpu.memory_space<vmem>> -> memref<1x64xi32, #tpu.memory_space<vmem>>
      %dma_start3A_217 = tpu.memref_squeeze %dma_start3A_216 : memref<1x64xi32, #tpu.memory_space<vmem>> -> memref<64xi32, #tpu.memory_space<vmem>>
      %dma_start3A_218 = arith.constant 0 : i32
      %dma_start3A_219 = tpu.memref_slice %arg3[%run_scoped3A_66, %add3A_65, %dma_start3A_218] : memref<2x5120x64xi32, #tpu.memory_space<hbm>> -> memref<1x1x64xi32, #tpu.memory_space<hbm>>
      %dma_start3A_220 = tpu.memref_squeeze %dma_start3A_219 : memref<1x1x64xi32, #tpu.memory_space<hbm>> -> memref<64xi32, #tpu.memory_space<hbm>>
      tpu.enqueue_dma source(%dma_start3A_220 : memref<64xi32, #tpu.memory_space<hbm>>) target(%dma_start3A_217 : memref<64xi32, #tpu.memory_space<vmem>>) target_semaphore(%run_scoped3A_208 : memref<!tpu.dma_semaphore, #tpu.memory_space<semaphore_mem>>)
      %dma_wait3A_221 = arith.constant 0 : i32
      %dma_wait3A_222 = tpu.memref_slice %arg5[%run_scoped3A_67, %dma_wait3A_221] : memref<5x64xi32, #tpu.memory_space<vmem>> -> memref<1x64xi32, #tpu.memory_space<vmem>>
      %dma_wait3A_223 = tpu.memref_squeeze %dma_wait3A_222 : memref<1x64xi32, #tpu.memory_space<vmem>> -> memref<64xi32, #tpu.memory_space<vmem>>
      %dma_wait3A_224 = arith.constant 0 : i32
      %dma_wait3A_225 = tpu.memref_slice %arg3[%run_scoped3A_66, %add3A_65, %dma_wait3A_224] : memref<2x5120x64xi32, #tpu.memory_space<hbm>> -> memref<1x1x64xi32, #tpu.memory_space<hbm>>
      %dma_wait3A_226 = tpu.memref_squeeze %dma_wait3A_225 : memref<1x1x64xi32, #tpu.memory_space<hbm>> -> memref<64xi32, #tpu.memory_space<hbm>>
      %dma_wait3A_227 = arith.constant 0 : i32
      %dma_wait3A_228 = tpu.memref_slice %arg5[%run_scoped3A_67, %dma_wait3A_227] : memref<5x64xi32, #tpu.memory_space<vmem>> -> memref<1x64xi32, #tpu.memory_space<vmem>>
      %dma_wait3A_229 = tpu.memref_squeeze %dma_wait3A_228 : memref<1x64xi32, #tpu.memory_space<vmem>> -> memref<64xi32, #tpu.memory_space<vmem>>
      %dma_wait3A_230 = arith.constant 0 : i32
      %dma_wait3A_231 = tpu.memref_slice %arg3[%run_scoped3A_66, %add3A_65, %dma_wait3A_230] : memref<2x5120x64xi32, #tpu.memory_space<hbm>> -> memref<1x1x64xi32, #tpu.memory_space<hbm>>
      %dma_wait3A_232 = tpu.memref_squeeze %dma_wait3A_231 : memref<1x1x64xi32, #tpu.memory_space<hbm>> -> memref<64xi32, #tpu.memory_space<hbm>>
      tpu.wait_dma2 semaphore(%run_scoped3A_208 : memref<!tpu.dma_semaphore, #tpu.memory_space<semaphore_mem>>) src(%dma_wait3A_232 : memref<64xi32, #tpu.memory_space<hbm>>) dst(%dma_wait3A_229 : memref<64xi32, #tpu.memory_space<vmem>>)
      tpu.yield
    }) : () -> ()
    %add3A_68 = arith.constant 0 : i32
    %add3A_69 = arith.addi %mul3A_2, %add3A_68 : i32
    %run_scoped3A_70 = arith.constant 1 : i32
    %run_scoped3A_71 = arith.constant 0 : i32
    "tpu.region"() ({
      %run_scoped3A_208 = tpu.sem_alloc : memref<!tpu.dma_semaphore, #tpu.memory_space<semaphore_mem>>
      %dma_start3A_209 = arith.constant 0 : i32
      %dma_start3A_210 = tpu.memref_slice %arg6[%run_scoped3A_71, %dma_start3A_209] : memref<5x64xi32, #tpu.memory_space<vmem>> -> memref<1x64xi32, #tpu.memory_space<vmem>>
      %dma_start3A_211 = tpu.memref_squeeze %dma_start3A_210 : memref<1x64xi32, #tpu.memory_space<vmem>> -> memref<64xi32, #tpu.memory_space<vmem>>
      %dma_start3A_212 = arith.constant 0 : i32
      %dma_start3A_213 = tpu.memref_slice %arg3[%run_scoped3A_70, %add3A_69, %dma_start3A_212] : memref<2x5120x64xi32, #tpu.memory_space<hbm>> -> memref<1x1x64xi32, #tpu.memory_space<hbm>>
      %dma_start3A_214 = tpu.memref_squeeze %dma_start3A_213 : memref<1x1x64xi32, #tpu.memory_space<hbm>> -> memref<64xi32, #tpu.memory_space<hbm>>
      %dma_start3A_215 = arith.constant 0 : i32
      %dma_start3A_216 = tpu.memref_slice %arg6[%run_scoped3A_71, %dma_start3A_215] : memref<5x64xi32, #tpu.memory_space<vmem>> -> memref<1x64xi32, #tpu.memory_space<vmem>>
      %dma_start3A_217 = tpu.memref_squeeze %dma_start3A_216 : memref<1x64xi32, #tpu.memory_space<vmem>> -> memref<64xi32, #tpu.memory_space<vmem>>
      %dma_start3A_218 = arith.constant 0 : i32
      %dma_start3A_219 = tpu.memref_slice %arg3[%run_scoped3A_70, %add3A_69, %dma_start3A_218] : memref<2x5120x64xi32, #tpu.memory_space<hbm>> -> memref<1x1x64xi32, #tpu.memory_space<hbm>>
      %dma_start3A_220 = tpu.memref_squeeze %dma_start3A_219 : memref<1x1x64xi32, #tpu.memory_space<hbm>> -> memref<64xi32, #tpu.memory_space<hbm>>
      tpu.enqueue_dma source(%dma_start3A_220 : memref<64xi32, #tpu.memory_space<hbm>>) target(%dma_start3A_217 : memref<64xi32, #tpu.memory_space<vmem>>) target_semaphore(%run_scoped3A_208 : memref<!tpu.dma_semaphore, #tpu.memory_space<semaphore_mem>>)
      %dma_wait3A_221 = arith.constant 0 : i32
      %dma_wait3A_222 = tpu.memref_slice %arg6[%run_scoped3A_71, %dma_wait3A_221] : memref<5x64xi32, #tpu.memory_space<vmem>> -> memref<1x64xi32, #tpu.memory_space<vmem>>
      %dma_wait3A_223 = tpu.memref_squeeze %dma_wait3A_222 : memref<1x64xi32, #tpu.memory_space<vmem>> -> memref<64xi32, #tpu.memory_space<vmem>>
      %dma_wait3A_224 = arith.constant 0 : i32
      %dma_wait3A_225 = tpu.memref_slice %arg3[%run_scoped3A_70, %add3A_69, %dma_wait3A_224] : memref<2x5120x64xi32, #tpu.memory_space<hbm>> -> memref<1x1x64xi32, #tpu.memory_space<hbm>>
      %dma_wait3A_226 = tpu.memref_squeeze %dma_wait3A_225 : memref<1x1x64xi32, #tpu.memory_space<hbm>> -> memref<64xi32, #tpu.memory_space<hbm>>
      %dma_wait3A_227 = arith.constant 0 : i32
      %dma_wait3A_228 = tpu.memref_slice %arg6[%run_scoped3A_71, %dma_wait3A_227] : memref<5x64xi32, #tpu.memory_space<vmem>> -> memref<1x64xi32, #tpu.memory_space<vmem>>
      %dma_wait3A_229 = tpu.memref_squeeze %dma_wait3A_228 : memref<1x64xi32, #tpu.memory_space<vmem>> -> memref<64xi32, #tpu.memory_space<vmem>>
      %dma_wait3A_230 = arith.constant 0 : i32
      %dma_wait3A_231 = tpu.memref_slice %arg3[%run_scoped3A_70, %add3A_69, %dma_wait3A_230] : memref<2x5120x64xi32, #tpu.memory_space<hbm>> -> memref<1x1x64xi32, #tpu.memory_space<hbm>>
      %dma_wait3A_232 = tpu.memref_squeeze %dma_wait3A_231 : memref<1x1x64xi32, #tpu.memory_space<hbm>> -> memref<64xi32, #tpu.memory_space<hbm>>
      tpu.wait_dma2 semaphore(%run_scoped3A_208 : memref<!tpu.dma_semaphore, #tpu.memory_space<semaphore_mem>>) src(%dma_wait3A_232 : memref<64xi32, #tpu.memory_space<hbm>>) dst(%dma_wait3A_229 : memref<64xi32, #tpu.memory_space<vmem>>)
      tpu.yield
    }) : () -> ()
    %add3A_72 = arith.constant 1 : i32
    %add3A_73 = arith.addi %mul3A_2, %add3A_72 : i32
    %run_scoped3A_74 = arith.constant 1 : i32
    %run_scoped3A_75 = arith.constant 1 : i32
    "tpu.region"() ({
      %run_scoped3A_208 = tpu.sem_alloc : memref<!tpu.dma_semaphore, #tpu.memory_space<semaphore_mem>>
      %dma_start3A_209 = arith.constant 0 : i32
      %dma_start3A_210 = tpu.memref_slice %arg6[%run_scoped3A_75, %dma_start3A_209] : memref<5x64xi32, #tpu.memory_space<vmem>> -> memref<1x64xi32, #tpu.memory_space<vmem>>
      %dma_start3A_211 = tpu.memref_squeeze %dma_start3A_210 : memref<1x64xi32, #tpu.memory_space<vmem>> -> memref<64xi32, #tpu.memory_space<vmem>>
      %dma_start3A_212 = arith.constant 0 : i32
      %dma_start3A_213 = tpu.memref_slice %arg3[%run_scoped3A_74, %add3A_73, %dma_start3A_212] : memref<2x5120x64xi32, #tpu.memory_space<hbm>> -> memref<1x1x64xi32, #tpu.memory_space<hbm>>
      %dma_start3A_214 = tpu.memref_squeeze %dma_start3A_213 : memref<1x1x64xi32, #tpu.memory_space<hbm>> -> memref<64xi32, #tpu.memory_space<hbm>>
      %dma_start3A_215 = arith.constant 0 : i32
      %dma_start3A_216 = tpu.memref_slice %arg6[%run_scoped3A_75, %dma_start3A_215] : memref<5x64xi32, #tpu.memory_space<vmem>> -> memref<1x64xi32, #tpu.memory_space<vmem>>
      %dma_start3A_217 = tpu.memref_squeeze %dma_start3A_216 : memref<1x64xi32, #tpu.memory_space<vmem>> -> memref<64xi32, #tpu.memory_space<vmem>>
      %dma_start3A_218 = arith.constant 0 : i32
      %dma_start3A_219 = tpu.memref_slice %arg3[%run_scoped3A_74, %add3A_73, %dma_start3A_218] : memref<2x5120x64xi32, #tpu.memory_space<hbm>> -> memref<1x1x64xi32, #tpu.memory_space<hbm>>
      %dma_start3A_220 = tpu.memref_squeeze %dma_start3A_219 : memref<1x1x64xi32, #tpu.memory_space<hbm>> -> memref<64xi32, #tpu.memory_space<hbm>>
      tpu.enqueue_dma source(%dma_start3A_220 : memref<64xi32, #tpu.memory_space<hbm>>) target(%dma_start3A_217 : memref<64xi32, #tpu.memory_space<vmem>>) target_semaphore(%run_scoped3A_208 : memref<!tpu.dma_semaphore, #tpu.memory_space<semaphore_mem>>)
      %dma_wait3A_221 = arith.constant 0 : i32
      %dma_wait3A_222 = tpu.memref_slice %arg6[%run_scoped3A_75, %dma_wait3A_221] : memref<5x64xi32, #tpu.memory_space<vmem>> -> memref<1x64xi32, #tpu.memory_space<vmem>>
      %dma_wait3A_223 = tpu.memref_squeeze %dma_wait3A_222 : memref<1x64xi32, #tpu.memory_space<vmem>> -> memref<64xi32, #tpu.memory_space<vmem>>
      %dma_wait3A_224 = arith.constant 0 : i32
      %dma_wait3A_225 = tpu.memref_slice %arg3[%run_scoped3A_74, %add3A_73, %dma_wait3A_224] : memref<2x5120x64xi32, #tpu.memory_space<hbm>> -> memref<1x1x64xi32, #tpu.memory_space<hbm>>
      %dma_wait3A_226 = tpu.memref_squeeze %dma_wait3A_225 : memref<1x1x64xi32, #tpu.memory_space<hbm>> -> memref<64xi32, #tpu.memory_space<hbm>>
      %dma_wait3A_227 = arith.constant 0 : i32
      %dma_wait3A_228 = tpu.memref_slice %arg6[%run_scoped3A_75, %dma_wait3A_227] : memref<5x64xi32, #tpu.memory_space<vmem>> -> memref<1x64xi32, #tpu.memory_space<vmem>>
      %dma_wait3A_229 = tpu.memref_squeeze %dma_wait3A_228 : memref<1x64xi32, #tpu.memory_space<vmem>> -> memref<64xi32, #tpu.memory_space<vmem>>
      %dma_wait3A_230 = arith.constant 0 : i32
      %dma_wait3A_231 = tpu.memref_slice %arg3[%run_scoped3A_74, %add3A_73, %dma_wait3A_230] : memref<2x5120x64xi32, #tpu.memory_space<hbm>> -> memref<1x1x64xi32, #tpu.memory_space<hbm>>
      %dma_wait3A_232 = tpu.memref_squeeze %dma_wait3A_231 : memref<1x1x64xi32, #tpu.memory_space<hbm>> -> memref<64xi32, #tpu.memory_space<hbm>>
      tpu.wait_dma2 semaphore(%run_scoped3A_208 : memref<!tpu.dma_semaphore, #tpu.memory_space<semaphore_mem>>) src(%dma_wait3A_232 : memref<64xi32, #tpu.memory_space<hbm>>) dst(%dma_wait3A_229 : memref<64xi32, #tpu.memory_space<vmem>>)
      tpu.yield
    }) : () -> ()
    %dma_start3A = arith.constant 0 : i32
    %dma_start3A_76 = arith.constant 0 : i32
    %dma_start3A_77 = arith.constant 0 : i32
    %dma_start3A_78 = arith.constant 0 : i32
    %dma_start3A_79 = tpu.memref_slice %arg7[%dma_start3A_76, %dma_start3A_77, %dma_start3A_78] : memref<5x64x128xf32, #tpu.memory_space<vmem>> -> memref<1x64x128xf32, #tpu.memory_space<vmem>>
    %dma_start3A_80 = tpu.memref_squeeze %dma_start3A_79 : memref<1x64x128xf32, #tpu.memory_space<vmem>> -> memref<64x128xf32, #tpu.memory_space<vmem>>
    %dma_start3A_81 = arith.constant 0 : i32
    %dma_start3A_82 = tpu.memref_slice %arg5[%dma_start3A, %dma_start3A_81] : memref<5x64xi32, #tpu.memory_space<vmem>> -> memref<1x64xi32, #tpu.memory_space<vmem>>
    %dma_start3A_83 = tpu.memref_squeeze %dma_start3A_82 : memref<1x64xi32, #tpu.memory_space<vmem>> -> memref<64xi32, #tpu.memory_space<vmem>>
    %dma_start3A_84 = arith.constant 0 : i32
    %dma_start3A_85 = arith.constant 0 : i32
    %dma_start3A_86 = tpu.memref_slice %arg2[%dma_start3A_84, %dma_start3A_85] : memref<10000x128xf32, #tpu.memory_space<hbm>> -> memref<10000x128xf32, #tpu.memory_space<hbm>>
    tpu.enqueue_indirect_dma source(%dma_start3A_86 : memref<10000x128xf32, #tpu.memory_space<hbm>>) target(%dma_start3A_80 : memref<64x128xf32, #tpu.memory_space<vmem>>) offsets(%dma_start3A_83 : memref<64xi32, #tpu.memory_space<vmem>>) semaphore(%arg9 : memref<!tpu.dma_semaphore, #tpu.memory_space<semaphore_mem>>)
    %dma_start3A_87 = arith.constant 1 : i32
    %dma_start3A_88 = arith.constant 1 : i32
    %dma_start3A_89 = arith.constant 0 : i32
    %dma_start3A_90 = arith.constant 0 : i32
    %dma_start3A_91 = tpu.memref_slice %arg7[%dma_start3A_88, %dma_start3A_89, %dma_start3A_90] : memref<5x64x128xf32, #tpu.memory_space<vmem>> -> memref<1x64x128xf32, #tpu.memory_space<vmem>>
    %dma_start3A_92 = tpu.memref_squeeze %dma_start3A_91 : memref<1x64x128xf32, #tpu.memory_space<vmem>> -> memref<64x128xf32, #tpu.memory_space<vmem>>
    %dma_start3A_93 = arith.constant 0 : i32
    %dma_start3A_94 = tpu.memref_slice %arg5[%dma_start3A_87, %dma_start3A_93] : memref<5x64xi32, #tpu.memory_space<vmem>> -> memref<1x64xi32, #tpu.memory_space<vmem>>
    %dma_start3A_95 = tpu.memref_squeeze %dma_start3A_94 : memref<1x64xi32, #tpu.memory_space<vmem>> -> memref<64xi32, #tpu.memory_space<vmem>>
    %dma_start3A_96 = arith.constant 0 : i32
    %dma_start3A_97 = arith.constant 0 : i32
    %dma_start3A_98 = tpu.memref_slice %arg2[%dma_start3A_96, %dma_start3A_97] : memref<10000x128xf32, #tpu.memory_space<hbm>> -> memref<10000x128xf32, #tpu.memory_space<hbm>>
    tpu.enqueue_indirect_dma source(%dma_start3A_98 : memref<10000x128xf32, #tpu.memory_space<hbm>>) target(%dma_start3A_92 : memref<64x128xf32, #tpu.memory_space<vmem>>) offsets(%dma_start3A_95 : memref<64xi32, #tpu.memory_space<vmem>>) semaphore(%arg10 : memref<!tpu.dma_semaphore, #tpu.memory_space<semaphore_mem>>)
    %dma_start3A_99 = arith.constant 2 : i32
    %dma_start3A_100 = arith.constant 2 : i32
    %dma_start3A_101 = arith.constant 0 : i32
    %dma_start3A_102 = arith.constant 0 : i32
    %dma_start3A_103 = tpu.memref_slice %arg7[%dma_start3A_100, %dma_start3A_101, %dma_start3A_102] : memref<5x64x128xf32, #tpu.memory_space<vmem>> -> memref<1x64x128xf32, #tpu.memory_space<vmem>>
    %dma_start3A_104 = tpu.memref_squeeze %dma_start3A_103 : memref<1x64x128xf32, #tpu.memory_space<vmem>> -> memref<64x128xf32, #tpu.memory_space<vmem>>
    %dma_start3A_105 = arith.constant 0 : i32
    %dma_start3A_106 = tpu.memref_slice %arg5[%dma_start3A_99, %dma_start3A_105] : memref<5x64xi32, #tpu.memory_space<vmem>> -> memref<1x64xi32, #tpu.memory_space<vmem>>
    %dma_start3A_107 = tpu.memref_squeeze %dma_start3A_106 : memref<1x64xi32, #tpu.memory_space<vmem>> -> memref<64xi32, #tpu.memory_space<vmem>>
    %dma_start3A_108 = arith.constant 0 : i32
    %dma_start3A_109 = arith.constant 0 : i32
    %dma_start3A_110 = tpu.memref_slice %arg2[%dma_start3A_108, %dma_start3A_109] : memref<10000x128xf32, #tpu.memory_space<hbm>> -> memref<10000x128xf32, #tpu.memory_space<hbm>>
    tpu.enqueue_indirect_dma source(%dma_start3A_110 : memref<10000x128xf32, #tpu.memory_space<hbm>>) target(%dma_start3A_104 : memref<64x128xf32, #tpu.memory_space<vmem>>) offsets(%dma_start3A_107 : memref<64xi32, #tpu.memory_space<vmem>>) semaphore(%arg11 : memref<!tpu.dma_semaphore, #tpu.memory_space<semaphore_mem>>)
    %add3A_111 = arith.constant 3 : i32
    %add3A_112 = arith.addi %mul3A_2, %add3A_111 : i32
    %dma_start3A_113 = arith.constant 0 : i32
    %dma_start3A_114 = arith.constant 3 : i32
    %dma_start3A_115 = arith.constant 0 : i32
    %dma_start3A_116 = tpu.memref_slice %arg5[%dma_start3A_114, %dma_start3A_115] : memref<5x64xi32, #tpu.memory_space<vmem>> -> memref<1x64xi32, #tpu.memory_space<vmem>>
    %dma_start3A_117 = tpu.memref_squeeze %dma_start3A_116 : memref<1x64xi32, #tpu.memory_space<vmem>> -> memref<64xi32, #tpu.memory_space<vmem>>
    %dma_start3A_118 = arith.constant 0 : i32
    %dma_start3A_119 = tpu.memref_slice %arg3[%dma_start3A_113, %add3A_112, %dma_start3A_118] : memref<2x5120x64xi32, #tpu.memory_space<hbm>> -> memref<1x1x64xi32, #tpu.memory_space<hbm>>
    %dma_start3A_120 = tpu.memref_squeeze %dma_start3A_119 : memref<1x1x64xi32, #tpu.memory_space<hbm>> -> memref<64xi32, #tpu.memory_space<hbm>>
    %dma_start3A_121 = arith.constant 0 : i32
    %dma_start3A_122 = tpu.memref_slice %arg5[%dma_start3A_114, %dma_start3A_121] : memref<5x64xi32, #tpu.memory_space<vmem>> -> memref<1x64xi32, #tpu.memory_space<vmem>>
    %dma_start3A_123 = tpu.memref_squeeze %dma_start3A_122 : memref<1x64xi32, #tpu.memory_space<vmem>> -> memref<64xi32, #tpu.memory_space<vmem>>
    %dma_start3A_124 = arith.constant 0 : i32
    %dma_start3A_125 = tpu.memref_slice %arg3[%dma_start3A_113, %add3A_112, %dma_start3A_124] : memref<2x5120x64xi32, #tpu.memory_space<hbm>> -> memref<1x1x64xi32, #tpu.memory_space<hbm>>
    %dma_start3A_126 = tpu.memref_squeeze %dma_start3A_125 : memref<1x1x64xi32, #tpu.memory_space<hbm>> -> memref<64xi32, #tpu.memory_space<hbm>>
    tpu.enqueue_dma source(%dma_start3A_126 : memref<64xi32, #tpu.memory_space<hbm>>) target(%dma_start3A_123 : memref<64xi32, #tpu.memory_space<vmem>>) target_semaphore(%arg22 : memref<!tpu.dma_semaphore, #tpu.memory_space<semaphore_mem>>)
    %add3A_127 = arith.constant 2 : i32
    %add3A_128 = arith.addi %mul3A_2, %add3A_127 : i32
    %dma_start3A_129 = arith.constant 1 : i32
    %dma_start3A_130 = arith.constant 2 : i32
    %dma_start3A_131 = arith.constant 0 : i32
    %dma_start3A_132 = tpu.memref_slice %arg6[%dma_start3A_130, %dma_start3A_131] : memref<5x64xi32, #tpu.memory_space<vmem>> -> memref<1x64xi32, #tpu.memory_space<vmem>>
    %dma_start3A_133 = tpu.memref_squeeze %dma_start3A_132 : memref<1x64xi32, #tpu.memory_space<vmem>> -> memref<64xi32, #tpu.memory_space<vmem>>
    %dma_start3A_134 = arith.constant 0 : i32
    %dma_start3A_135 = tpu.memref_slice %arg3[%dma_start3A_129, %add3A_128, %dma_start3A_134] : memref<2x5120x64xi32, #tpu.memory_space<hbm>> -> memref<1x1x64xi32, #tpu.memory_space<hbm>>
    %dma_start3A_136 = tpu.memref_squeeze %dma_start3A_135 : memref<1x1x64xi32, #tpu.memory_space<hbm>> -> memref<64xi32, #tpu.memory_space<hbm>>
    %dma_start3A_137 = arith.constant 0 : i32
    %dma_start3A_138 = tpu.memref_slice %arg6[%dma_start3A_130, %dma_start3A_137] : memref<5x64xi32, #tpu.memory_space<vmem>> -> memref<1x64xi32, #tpu.memory_space<vmem>>
    %dma_start3A_139 = tpu.memref_squeeze %dma_start3A_138 : memref<1x64xi32, #tpu.memory_space<vmem>> -> memref<64xi32, #tpu.memory_space<vmem>>
    %dma_start3A_140 = arith.constant 0 : i32
    %dma_start3A_141 = tpu.memref_slice %arg3[%dma_start3A_129, %add3A_128, %dma_start3A_140] : memref<2x5120x64xi32, #tpu.memory_space<hbm>> -> memref<1x1x64xi32, #tpu.memory_space<hbm>>
    %dma_start3A_142 = tpu.memref_squeeze %dma_start3A_141 : memref<1x1x64xi32, #tpu.memory_space<hbm>> -> memref<64xi32, #tpu.memory_space<hbm>>
    tpu.enqueue_dma source(%dma_start3A_142 : memref<64xi32, #tpu.memory_space<hbm>>) target(%dma_start3A_139 : memref<64xi32, #tpu.memory_space<vmem>>) target_semaphore(%arg26 : memref<!tpu.dma_semaphore, #tpu.memory_space<semaphore_mem>>)
    %add3A_143 = arith.constant 3 : i32
    %add3A_144 = arith.addi %mul3A_2, %add3A_143 : i32
    %dma_start3A_145 = arith.constant 1 : i32
    %dma_start3A_146 = arith.constant 3 : i32
    %dma_start3A_147 = arith.constant 0 : i32
    %dma_start3A_148 = tpu.memref_slice %arg6[%dma_start3A_146, %dma_start3A_147] : memref<5x64xi32, #tpu.memory_space<vmem>> -> memref<1x64xi32, #tpu.memory_space<vmem>>
    %dma_start3A_149 = tpu.memref_squeeze %dma_start3A_148 : memref<1x64xi32, #tpu.memory_space<vmem>> -> memref<64xi32, #tpu.memory_space<vmem>>
    %dma_start3A_150 = arith.constant 0 : i32
    %dma_start3A_151 = tpu.memref_slice %arg3[%dma_start3A_145, %add3A_144, %dma_start3A_150] : memref<2x5120x64xi32, #tpu.memory_space<hbm>> -> memref<1x1x64xi32, #tpu.memory_space<hbm>>
    %dma_start3A_152 = tpu.memref_squeeze %dma_start3A_151 : memref<1x1x64xi32, #tpu.memory_space<hbm>> -> memref<64xi32, #tpu.memory_space<hbm>>
    %dma_start3A_153 = arith.constant 0 : i32
    %dma_start3A_154 = tpu.memref_slice %arg6[%dma_start3A_146, %dma_start3A_153] : memref<5x64xi32, #tpu.memory_space<vmem>> -> memref<1x64xi32, #tpu.memory_space<vmem>>
    %dma_start3A_155 = tpu.memref_squeeze %dma_start3A_154 : memref<1x64xi32, #tpu.memory_space<vmem>> -> memref<64xi32, #tpu.memory_space<vmem>>
    %dma_start3A_156 = arith.constant 0 : i32
    %dma_start3A_157 = tpu.memref_slice %arg3[%dma_start3A_145, %add3A_144, %dma_start3A_156] : memref<2x5120x64xi32, #tpu.memory_space<hbm>> -> memref<1x1x64xi32, #tpu.memory_space<hbm>>
    %dma_start3A_158 = tpu.memref_squeeze %dma_start3A_157 : memref<1x1x64xi32, #tpu.memory_space<hbm>> -> memref<64xi32, #tpu.memory_space<hbm>>
    tpu.enqueue_dma source(%dma_start3A_158 : memref<64xi32, #tpu.memory_space<hbm>>) target(%dma_start3A_155 : memref<64xi32, #tpu.memory_space<vmem>>) target_semaphore(%arg27 : memref<!tpu.dma_semaphore, #tpu.memory_space<semaphore_mem>>)
    %add3A_159 = arith.constant 4 : i32
    %add3A_160 = arith.addi %mul3A_2, %add3A_159 : i32
    %dma_start3A_161 = arith.constant 1 : i32
    %dma_start3A_162 = arith.constant 4 : i32
    %dma_start3A_163 = arith.constant 0 : i32
    %dma_start3A_164 = tpu.memref_slice %arg6[%dma_start3A_162, %dma_start3A_163] : memref<5x64xi32, #tpu.memory_space<vmem>> -> memref<1x64xi32, #tpu.memory_space<vmem>>
    %dma_start3A_165 = tpu.memref_squeeze %dma_start3A_164 : memref<1x64xi32, #tpu.memory_space<vmem>> -> memref<64xi32, #tpu.memory_space<vmem>>
    %dma_start3A_166 = arith.constant 0 : i32
    %dma_start3A_167 = tpu.memref_slice %arg3[%dma_start3A_161, %add3A_160, %dma_start3A_166] : memref<2x5120x64xi32, #tpu.memory_space<hbm>> -> memref<1x1x64xi32, #tpu.memory_space<hbm>>
    %dma_start3A_168 = tpu.memref_squeeze %dma_start3A_167 : memref<1x1x64xi32, #tpu.memory_space<hbm>> -> memref<64xi32, #tpu.memory_space<hbm>>
    %dma_start3A_169 = arith.constant 0 : i32
    %dma_start3A_170 = tpu.memref_slice %arg6[%dma_start3A_162, %dma_start3A_169] : memref<5x64xi32, #tpu.memory_space<vmem>> -> memref<1x64xi32, #tpu.memory_space<vmem>>
    %dma_start3A_171 = tpu.memref_squeeze %dma_start3A_170 : memref<1x64xi32, #tpu.memory_space<vmem>> -> memref<64xi32, #tpu.memory_space<vmem>>
    %dma_start3A_172 = arith.constant 0 : i32
    %dma_start3A_173 = tpu.memref_slice %arg3[%dma_start3A_161, %add3A_160, %dma_start3A_172] : memref<2x5120x64xi32, #tpu.memory_space<hbm>> -> memref<1x1x64xi32, #tpu.memory_space<hbm>>
    %dma_start3A_174 = tpu.memref_squeeze %dma_start3A_173 : memref<1x1x64xi32, #tpu.memory_space<hbm>> -> memref<64xi32, #tpu.memory_space<hbm>>
    tpu.enqueue_dma source(%dma_start3A_174 : memref<64xi32, #tpu.memory_space<hbm>>) target(%dma_start3A_171 : memref<64xi32, #tpu.memory_space<vmem>>) target_semaphore(%arg28 : memref<!tpu.dma_semaphore, #tpu.memory_space<semaphore_mem>>)
    %scan3A_175 = arith.constant 0 : i32
    %scan3A_176 = arith.constant 32 : i32
    %scan3A_177 = arith.addi %scan3A_175, %scan3A_176 : i32
    %scan3A_178 = arith.constant 1 : i32
    scf.for %scan3A_208 = %scan3A_175 to %scan3A_177 step %scan3A_178  : i32 {
      %mul3A_209 = arith.constant 5 : i32
      %mul3A_210 = arith.muli %scan3A_208, %mul3A_209 : i32
      %add3A_211 = arith.constant 0 : i32
      %add3A_212 = arith.addi %add3A_211, %mul3A_210 : i32
      %add3A_213 = arith.constant 0 : i32
      %add3A_214 = arith.addi %add3A_212, %add3A_213 : i32
      %dma_wait3A_215 = arith.constant 0 : i32
      %dma_wait3A_216 = arith.constant 0 : i32
      %dma_wait3A_217 = arith.constant 0 : i32
      %dma_wait3A_218 = arith.constant 0 : i32
      %dma_wait3A_219 = tpu.memref_slice %arg7[%dma_wait3A_216, %dma_wait3A_217, %dma_wait3A_218] : memref<5x64x128xf32, #tpu.memory_space<vmem>> -> memref<1x64x128xf32, #tpu.memory_space<vmem>>
      %dma_wait3A_220 = tpu.memref_squeeze %dma_wait3A_219 : memref<1x64x128xf32, #tpu.memory_space<vmem>> -> memref<64x128xf32, #tpu.memory_space<vmem>>
      %dma_wait3A_221 = arith.constant 0 : i32
      %dma_wait3A_222 = tpu.memref_slice %arg5[%dma_wait3A_215, %dma_wait3A_221] : memref<5x64xi32, #tpu.memory_space<vmem>> -> memref<1x64xi32, #tpu.memory_space<vmem>>
      %dma_wait3A_223 = tpu.memref_squeeze %dma_wait3A_222 : memref<1x64xi32, #tpu.memory_space<vmem>> -> memref<64xi32, #tpu.memory_space<vmem>>
      %dma_wait3A_224 = arith.constant 0 : i32
      %dma_wait3A_225 = arith.constant 0 : i32
      %dma_wait3A_226 = tpu.memref_slice %arg2[%dma_wait3A_224, %dma_wait3A_225] : memref<10000x128xf32, #tpu.memory_space<hbm>> -> memref<10000x128xf32, #tpu.memory_space<hbm>>
      tpu.wait_indirect_dma semaphore(%arg9 : memref<!tpu.dma_semaphore, #tpu.memory_space<semaphore_mem>>) src(%dma_wait3A_226 : memref<10000x128xf32, #tpu.memory_space<hbm>>) dst(%dma_wait3A_220 : memref<64x128xf32, #tpu.memory_space<vmem>>)
      %ge3A = arith.constant 2 : i32
      %ge3A_227 = arith.cmpi sge, %add3A_214, %ge3A : i32
      %convert_element_type3A = arith.extui %ge3A_227 : i1 to i32
      %cond3A = arith.constant 0 : i32
      %cond3A_228 = arith.cmpi ne, %convert_element_type3A, %cond3A : i32
      scf.if %cond3A_228 {
        %add3A_439 = arith.addi %mul3A_2, %add3A_214 : i32
        %dma_wait3A_440 = arith.constant 1 : i32
        %dma_wait3A_441 = arith.constant 0 : i32
        %dma_wait3A_442 = arith.constant 0 : i32
        %dma_wait3A_443 = tpu.memref_slice %arg6[%dma_wait3A_441, %dma_wait3A_442] : memref<5x64xi32, #tpu.memory_space<vmem>> -> memref<1x64xi32, #tpu.memory_space<vmem>>
        %dma_wait3A_444 = tpu.memref_squeeze %dma_wait3A_443 : memref<1x64xi32, #tpu.memory_space<vmem>> -> memref<64xi32, #tpu.memory_space<vmem>>
        %dma_wait3A_445 = arith.constant 0 : i32
        %dma_wait3A_446 = tpu.memref_slice %arg3[%dma_wait3A_440, %add3A_439, %dma_wait3A_445] : memref<2x5120x64xi32, #tpu.memory_space<hbm>> -> memref<1x1x64xi32, #tpu.memory_space<hbm>>
        %dma_wait3A_447 = tpu.memref_squeeze %dma_wait3A_446 : memref<1x1x64xi32, #tpu.memory_space<hbm>> -> memref<64xi32, #tpu.memory_space<hbm>>
        %dma_wait3A_448 = arith.constant 0 : i32
        %dma_wait3A_449 = tpu.memref_slice %arg6[%dma_wait3A_441, %dma_wait3A_448] : memref<5x64xi32, #tpu.memory_space<vmem>> -> memref<1x64xi32, #tpu.memory_space<vmem>>
        %dma_wait3A_450 = tpu.memref_squeeze %dma_wait3A_449 : memref<1x64xi32, #tpu.memory_space<vmem>> -> memref<64xi32, #tpu.memory_space<vmem>>
        %dma_wait3A_451 = arith.constant 0 : i32
        %dma_wait3A_452 = tpu.memref_slice %arg3[%dma_wait3A_440, %add3A_439, %dma_wait3A_451] : memref<2x5120x64xi32, #tpu.memory_space<hbm>> -> memref<1x1x64xi32, #tpu.memory_space<hbm>>
        %dma_wait3A_453 = tpu.memref_squeeze %dma_wait3A_452 : memref<1x1x64xi32, #tpu.memory_space<hbm>> -> memref<64xi32, #tpu.memory_space<hbm>>
        tpu.wait_dma2 semaphore(%arg24 : memref<!tpu.dma_semaphore, #tpu.memory_space<semaphore_mem>>) src(%dma_wait3A_453 : memref<64xi32, #tpu.memory_space<hbm>>) dst(%dma_wait3A_450 : memref<64xi32, #tpu.memory_space<vmem>>)
      } else {
      }
      %dma_start3A_229 = arith.constant 0 : i32
      %dma_start3A_230 = arith.constant 0 : i32
      %dma_start3A_231 = arith.constant 0 : i32
      %dma_start3A_232 = arith.constant 0 : i32
      %dma_start3A_233 = tpu.memref_slice %arg7[%dma_start3A_229, %dma_start3A_231, %dma_start3A_232] : memref<5x64x128xf32, #tpu.memory_space<vmem>> -> memref<1x64x128xf32, #tpu.memory_space<vmem>>
      %dma_start3A_234 = tpu.memref_squeeze %dma_start3A_233 : memref<1x64x128xf32, #tpu.memory_space<vmem>> -> memref<64x128xf32, #tpu.memory_space<vmem>>
      %dma_start3A_235 = arith.constant 0 : i32
      %dma_start3A_236 = tpu.memref_slice %arg6[%dma_start3A_230, %dma_start3A_235] : memref<5x64xi32, #tpu.memory_space<vmem>> -> memref<1x64xi32, #tpu.memory_space<vmem>>
      %dma_start3A_237 = tpu.memref_squeeze %dma_start3A_236 : memref<1x64xi32, #tpu.memory_space<vmem>> -> memref<64xi32, #tpu.memory_space<vmem>>
      %dma_start3A_238 = arith.constant 0 : i32
      %dma_start3A_239 = arith.constant 0 : i32
      %dma_start3A_240 = tpu.memref_slice %arg8[%dma_start3A_238, %dma_start3A_239] : memref<10240x128xf32, #tpu.memory_space<vmem_shared>> -> memref<10240x128xf32, #tpu.memory_space<vmem_shared>>
      tpu.enqueue_indirect_dma source(%dma_start3A_234 : memref<64x128xf32, #tpu.memory_space<vmem>>) target(%dma_start3A_240 : memref<10240x128xf32, #tpu.memory_space<vmem_shared>>) offsets(%dma_start3A_237 : memref<64xi32, #tpu.memory_space<vmem>>) semaphore(%arg14 : memref<!tpu.dma_semaphore, #tpu.memory_space<semaphore_mem>>) {add = true}
      %ge3A_241 = arith.constant 2 : i32
      %ge3A_242 = arith.cmpi sge, %add3A_214, %ge3A_241 : i32
      %convert_element_type3A_243 = arith.extui %ge3A_242 : i1 to i32
      %cond3A_244 = arith.constant 0 : i32
      %cond3A_245 = arith.cmpi ne, %convert_element_type3A_243, %cond3A_244 : i32
      scf.if %cond3A_245 {
        %dma_wait3A_439 = arith.constant 3 : i32
        %dma_wait3A_440 = arith.constant 3 : i32
        %dma_wait3A_441 = arith.constant 0 : i32
        %dma_wait3A_442 = arith.constant 0 : i32
        %dma_wait3A_443 = tpu.memref_slice %arg7[%dma_wait3A_439, %dma_wait3A_441, %dma_wait3A_442] : memref<5x64x128xf32, #tpu.memory_space<vmem>> -> memref<1x64x128xf32, #tpu.memory_space<vmem>>
        %dma_wait3A_444 = tpu.memref_squeeze %dma_wait3A_443 : memref<1x64x128xf32, #tpu.memory_space<vmem>> -> memref<64x128xf32, #tpu.memory_space<vmem>>
        %dma_wait3A_445 = arith.constant 0 : i32
        %dma_wait3A_446 = tpu.memref_slice %arg6[%dma_wait3A_440, %dma_wait3A_445] : memref<5x64xi32, #tpu.memory_space<vmem>> -> memref<1x64xi32, #tpu.memory_space<vmem>>
        %dma_wait3A_447 = tpu.memref_squeeze %dma_wait3A_446 : memref<1x64xi32, #tpu.memory_space<vmem>> -> memref<64xi32, #tpu.memory_space<vmem>>
        %dma_wait3A_448 = arith.constant 0 : i32
        %dma_wait3A_449 = arith.constant 0 : i32
        %dma_wait3A_450 = tpu.memref_slice %arg8[%dma_wait3A_448, %dma_wait3A_449] : memref<10240x128xf32, #tpu.memory_space<vmem_shared>> -> memref<10240x128xf32, #tpu.memory_space<vmem_shared>>
        tpu.wait_indirect_dma semaphore(%arg17 : memref<!tpu.dma_semaphore, #tpu.memory_space<semaphore_mem>>) src(%dma_wait3A_444 : memref<64x128xf32, #tpu.memory_space<vmem>>) dst(%dma_wait3A_450 : memref<10240x128xf32, #tpu.memory_space<vmem_shared>>)
        %lt3A_451 = arith.constant 157 : i32
        %lt3A_452 = arith.cmpi slt, %add3A_214, %lt3A_451 : i32
        %convert_element_type3A_453 = arith.extui %lt3A_452 : i1 to i32
        %cond3A_454 = arith.constant 0 : i32
        %cond3A_455 = arith.cmpi ne, %convert_element_type3A_453, %cond3A_454 : i32
        scf.if %cond3A_455 {
          %add3A_456 = arith.constant 3 : i32
          %add3A_457 = arith.addi %add3A_214, %add3A_456 : i32
          %add3A_458 = arith.addi %mul3A_2, %add3A_457 : i32
          %dma_start3A_459 = arith.constant 1 : i32
          %dma_start3A_460 = arith.constant 3 : i32
          %dma_start3A_461 = arith.constant 0 : i32
          %dma_start3A_462 = tpu.memref_slice %arg6[%dma_start3A_460, %dma_start3A_461] : memref<5x64xi32, #tpu.memory_space<vmem>> -> memref<1x64xi32, #tpu.memory_space<vmem>>
          %dma_start3A_463 = tpu.memref_squeeze %dma_start3A_462 : memref<1x64xi32, #tpu.memory_space<vmem>> -> memref<64xi32, #tpu.memory_space<vmem>>
          %dma_start3A_464 = arith.constant 0 : i32
          %dma_start3A_465 = tpu.memref_slice %arg3[%dma_start3A_459, %add3A_458, %dma_start3A_464] : memref<2x5120x64xi32, #tpu.memory_space<hbm>> -> memref<1x1x64xi32, #tpu.memory_space<hbm>>
          %dma_start3A_466 = tpu.memref_squeeze %dma_start3A_465 : memref<1x1x64xi32, #tpu.memory_space<hbm>> -> memref<64xi32, #tpu.memory_space<hbm>>
          %dma_start3A_467 = arith.constant 0 : i32
          %dma_start3A_468 = tpu.memref_slice %arg6[%dma_start3A_460, %dma_start3A_467] : memref<5x64xi32, #tpu.memory_space<vmem>> -> memref<1x64xi32, #tpu.memory_space<vmem>>
          %dma_start3A_469 = tpu.memref_squeeze %dma_start3A_468 : memref<1x64xi32, #tpu.memory_space<vmem>> -> memref<64xi32, #tpu.memory_space<vmem>>
          %dma_start3A_470 = arith.constant 0 : i32
          %dma_start3A_471 = tpu.memref_slice %arg3[%dma_start3A_459, %add3A_458, %dma_start3A_470] : memref<2x5120x64xi32, #tpu.memory_space<hbm>> -> memref<1x1x64xi32, #tpu.memory_space<hbm>>
          %dma_start3A_472 = tpu.memref_squeeze %dma_start3A_471 : memref<1x1x64xi32, #tpu.memory_space<hbm>> -> memref<64xi32, #tpu.memory_space<hbm>>
          tpu.enqueue_dma source(%dma_start3A_472 : memref<64xi32, #tpu.memory_space<hbm>>) target(%dma_start3A_469 : memref<64xi32, #tpu.memory_space<vmem>>) target_semaphore(%arg27 : memref<!tpu.dma_semaphore, #tpu.memory_space<semaphore_mem>>)
        } else {
        }
      } else {
      }
      %lt3A = arith.constant 157 : i32
      %lt3A_246 = arith.cmpi slt, %add3A_214, %lt3A : i32
      %convert_element_type3A_247 = arith.extui %lt3A_246 : i1 to i32
      %cond3A_248 = arith.constant 0 : i32
      %cond3A_249 = arith.cmpi ne, %convert_element_type3A_247, %cond3A_248 : i32
      scf.if %cond3A_249 {
        %add3A_439 = arith.constant 3 : i32
        %add3A_440 = arith.addi %add3A_214, %add3A_439 : i32
        %add3A_441 = arith.addi %mul3A_2, %add3A_440 : i32
        %dma_wait3A_442 = arith.constant 0 : i32
        %dma_wait3A_443 = arith.constant 3 : i32
        %dma_wait3A_444 = arith.constant 0 : i32
        %dma_wait3A_445 = tpu.memref_slice %arg5[%dma_wait3A_443, %dma_wait3A_444] : memref<5x64xi32, #tpu.memory_space<vmem>> -> memref<1x64xi32, #tpu.memory_space<vmem>>
        %dma_wait3A_446 = tpu.memref_squeeze %dma_wait3A_445 : memref<1x64xi32, #tpu.memory_space<vmem>> -> memref<64xi32, #tpu.memory_space<vmem>>
        %dma_wait3A_447 = arith.constant 0 : i32
        %dma_wait3A_448 = tpu.memref_slice %arg3[%dma_wait3A_442, %add3A_441, %dma_wait3A_447] : memref<2x5120x64xi32, #tpu.memory_space<hbm>> -> memref<1x1x64xi32, #tpu.memory_space<hbm>>
        %dma_wait3A_449 = tpu.memref_squeeze %dma_wait3A_448 : memref<1x1x64xi32, #tpu.memory_space<hbm>> -> memref<64xi32, #tpu.memory_space<hbm>>
        %dma_wait3A_450 = arith.constant 0 : i32
        %dma_wait3A_451 = tpu.memref_slice %arg5[%dma_wait3A_443, %dma_wait3A_450] : memref<5x64xi32, #tpu.memory_space<vmem>> -> memref<1x64xi32, #tpu.memory_space<vmem>>
        %dma_wait3A_452 = tpu.memref_squeeze %dma_wait3A_451 : memref<1x64xi32, #tpu.memory_space<vmem>> -> memref<64xi32, #tpu.memory_space<vmem>>
        %dma_wait3A_453 = arith.constant 0 : i32
        %dma_wait3A_454 = tpu.memref_slice %arg3[%dma_wait3A_442, %add3A_441, %dma_wait3A_453] : memref<2x5120x64xi32, #tpu.memory_space<hbm>> -> memref<1x1x64xi32, #tpu.memory_space<hbm>>
        %dma_wait3A_455 = tpu.memref_squeeze %dma_wait3A_454 : memref<1x1x64xi32, #tpu.memory_space<hbm>> -> memref<64xi32, #tpu.memory_space<hbm>>
        tpu.wait_dma2 semaphore(%arg22 : memref<!tpu.dma_semaphore, #tpu.memory_space<semaphore_mem>>) src(%dma_wait3A_455 : memref<64xi32, #tpu.memory_space<hbm>>) dst(%dma_wait3A_452 : memref<64xi32, #tpu.memory_space<vmem>>)
        %dma_start3A_456 = arith.constant 3 : i32
        %dma_start3A_457 = arith.constant 3 : i32
        %dma_start3A_458 = arith.constant 0 : i32
        %dma_start3A_459 = arith.constant 0 : i32
        %dma_start3A_460 = tpu.memref_slice %arg7[%dma_start3A_457, %dma_start3A_458, %dma_start3A_459] : memref<5x64x128xf32, #tpu.memory_space<vmem>> -> memref<1x64x128xf32, #tpu.memory_space<vmem>>
        %dma_start3A_461 = tpu.memref_squeeze %dma_start3A_460 : memref<1x64x128xf32, #tpu.memory_space<vmem>> -> memref<64x128xf32, #tpu.memory_space<vmem>>
        %dma_start3A_462 = arith.constant 0 : i32
        %dma_start3A_463 = tpu.memref_slice %arg5[%dma_start3A_456, %dma_start3A_462] : memref<5x64xi32, #tpu.memory_space<vmem>> -> memref<1x64xi32, #tpu.memory_space<vmem>>
        %dma_start3A_464 = tpu.memref_squeeze %dma_start3A_463 : memref<1x64xi32, #tpu.memory_space<vmem>> -> memref<64xi32, #tpu.memory_space<vmem>>
        %dma_start3A_465 = arith.constant 0 : i32
        %dma_start3A_466 = arith.constant 0 : i32
        %dma_start3A_467 = tpu.memref_slice %arg2[%dma_start3A_465, %dma_start3A_466] : memref<10000x128xf32, #tpu.memory_space<hbm>> -> memref<10000x128xf32, #tpu.memory_space<hbm>>
        tpu.enqueue_indirect_dma source(%dma_start3A_467 : memref<10000x128xf32, #tpu.memory_space<hbm>>) target(%dma_start3A_461 : memref<64x128xf32, #tpu.memory_space<vmem>>) offsets(%dma_start3A_464 : memref<64xi32, #tpu.memory_space<vmem>>) semaphore(%arg12 : memref<!tpu.dma_semaphore, #tpu.memory_space<semaphore_mem>>)
      } else {
      }
      %lt3A_250 = arith.constant 156 : i32
      %lt3A_251 = arith.cmpi slt, %add3A_214, %lt3A_250 : i32
      %convert_element_type3A_252 = arith.extui %lt3A_251 : i1 to i32
      %cond3A_253 = arith.constant 0 : i32
      %cond3A_254 = arith.cmpi ne, %convert_element_type3A_252, %cond3A_253 : i32
      scf.if %cond3A_254 {
        %add3A_439 = arith.constant 3 : i32
        %add3A_440 = arith.addi %add3A_214, %add3A_439 : i32
        %add3A_441 = arith.constant 1 : i32
        %add3A_442 = arith.addi %add3A_440, %add3A_441 : i32
        %add3A_443 = arith.addi %mul3A_2, %add3A_442 : i32
        %dma_start3A_444 = arith.constant 0 : i32
        %dma_start3A_445 = arith.constant 4 : i32
        %dma_start3A_446 = arith.constant 0 : i32
        %dma_start3A_447 = tpu.memref_slice %arg5[%dma_start3A_445, %dma_start3A_446] : memref<5x64xi32, #tpu.memory_space<vmem>> -> memref<1x64xi32, #tpu.memory_space<vmem>>
        %dma_start3A_448 = tpu.memref_squeeze %dma_start3A_447 : memref<1x64xi32, #tpu.memory_space<vmem>> -> memref<64xi32, #tpu.memory_space<vmem>>
        %dma_start3A_449 = arith.constant 0 : i32
        %dma_start3A_450 = tpu.memref_slice %arg3[%dma_start3A_444, %add3A_443, %dma_start3A_449] : memref<2x5120x64xi32, #tpu.memory_space<hbm>> -> memref<1x1x64xi32, #tpu.memory_space<hbm>>
        %dma_start3A_451 = tpu.memref_squeeze %dma_start3A_450 : memref<1x1x64xi32, #tpu.memory_space<hbm>> -> memref<64xi32, #tpu.memory_space<hbm>>
        %dma_start3A_452 = arith.constant 0 : i32
        %dma_start3A_453 = tpu.memref_slice %arg5[%dma_start3A_445, %dma_start3A_452] : memref<5x64xi32, #tpu.memory_space<vmem>> -> memref<1x64xi32, #tpu.memory_space<vmem>>
        %dma_start3A_454 = tpu.memref_squeeze %dma_start3A_453 : memref<1x64xi32, #tpu.memory_space<vmem>> -> memref<64xi32, #tpu.memory_space<vmem>>
        %dma_start3A_455 = arith.constant 0 : i32
        %dma_start3A_456 = tpu.memref_slice %arg3[%dma_start3A_444, %add3A_443, %dma_start3A_455] : memref<2x5120x64xi32, #tpu.memory_space<hbm>> -> memref<1x1x64xi32, #tpu.memory_space<hbm>>
        %dma_start3A_457 = tpu.memref_squeeze %dma_start3A_456 : memref<1x1x64xi32, #tpu.memory_space<hbm>> -> memref<64xi32, #tpu.memory_space<hbm>>
        tpu.enqueue_dma source(%dma_start3A_457 : memref<64xi32, #tpu.memory_space<hbm>>) target(%dma_start3A_454 : memref<64xi32, #tpu.memory_space<vmem>>) target_semaphore(%arg23 : memref<!tpu.dma_semaphore, #tpu.memory_space<semaphore_mem>>)
      } else {
      }
      %add3A_255 = arith.constant 1 : i32
      %add3A_256 = arith.addi %add3A_212, %add3A_255 : i32
      %dma_wait3A_257 = arith.constant 1 : i32
      %dma_wait3A_258 = arith.constant 1 : i32
      %dma_wait3A_259 = arith.constant 0 : i32
      %dma_wait3A_260 = arith.constant 0 : i32
      %dma_wait3A_261 = tpu.memref_slice %arg7[%dma_wait3A_258, %dma_wait3A_259, %dma_wait3A_260] : memref<5x64x128xf32, #tpu.memory_space<vmem>> -> memref<1x64x128xf32, #tpu.memory_space<vmem>>
      %dma_wait3A_262 = tpu.memref_squeeze %dma_wait3A_261 : memref<1x64x128xf32, #tpu.memory_space<vmem>> -> memref<64x128xf32, #tpu.memory_space<vmem>>
      %dma_wait3A_263 = arith.constant 0 : i32
      %dma_wait3A_264 = tpu.memref_slice %arg5[%dma_wait3A_257, %dma_wait3A_263] : memref<5x64xi32, #tpu.memory_space<vmem>> -> memref<1x64xi32, #tpu.memory_space<vmem>>
      %dma_wait3A_265 = tpu.memref_squeeze %dma_wait3A_264 : memref<1x64xi32, #tpu.memory_space<vmem>> -> memref<64xi32, #tpu.memory_space<vmem>>
      %dma_wait3A_266 = arith.constant 0 : i32
      %dma_wait3A_267 = arith.constant 0 : i32
      %dma_wait3A_268 = tpu.memref_slice %arg2[%dma_wait3A_266, %dma_wait3A_267] : memref<10000x128xf32, #tpu.memory_space<hbm>> -> memref<10000x128xf32, #tpu.memory_space<hbm>>
      tpu.wait_indirect_dma semaphore(%arg10 : memref<!tpu.dma_semaphore, #tpu.memory_space<semaphore_mem>>) src(%dma_wait3A_268 : memref<10000x128xf32, #tpu.memory_space<hbm>>) dst(%dma_wait3A_262 : memref<64x128xf32, #tpu.memory_space<vmem>>)
      %ge3A_269 = arith.constant 2 : i32
      %ge3A_270 = arith.cmpi sge, %add3A_256, %ge3A_269 : i32
      %convert_element_type3A_271 = arith.extui %ge3A_270 : i1 to i32
      %cond3A_272 = arith.constant 0 : i32
      %cond3A_273 = arith.cmpi ne, %convert_element_type3A_271, %cond3A_272 : i32
      scf.if %cond3A_273 {
        %add3A_439 = arith.addi %mul3A_2, %add3A_256 : i32
        %dma_wait3A_440 = arith.constant 1 : i32
        %dma_wait3A_441 = arith.constant 1 : i32
        %dma_wait3A_442 = arith.constant 0 : i32
        %dma_wait3A_443 = tpu.memref_slice %arg6[%dma_wait3A_441, %dma_wait3A_442] : memref<5x64xi32, #tpu.memory_space<vmem>> -> memref<1x64xi32, #tpu.memory_space<vmem>>
        %dma_wait3A_444 = tpu.memref_squeeze %dma_wait3A_443 : memref<1x64xi32, #tpu.memory_space<vmem>> -> memref<64xi32, #tpu.memory_space<vmem>>
        %dma_wait3A_445 = arith.constant 0 : i32
        %dma_wait3A_446 = tpu.memref_slice %arg3[%dma_wait3A_440, %add3A_439, %dma_wait3A_445] : memref<2x5120x64xi32, #tpu.memory_space<hbm>> -> memref<1x1x64xi32, #tpu.memory_space<hbm>>
        %dma_wait3A_447 = tpu.memref_squeeze %dma_wait3A_446 : memref<1x1x64xi32, #tpu.memory_space<hbm>> -> memref<64xi32, #tpu.memory_space<hbm>>
        %dma_wait3A_448 = arith.constant 0 : i32
        %dma_wait3A_449 = tpu.memref_slice %arg6[%dma_wait3A_441, %dma_wait3A_448] : memref<5x64xi32, #tpu.memory_space<vmem>> -> memref<1x64xi32, #tpu.memory_space<vmem>>
        %dma_wait3A_450 = tpu.memref_squeeze %dma_wait3A_449 : memref<1x64xi32, #tpu.memory_space<vmem>> -> memref<64xi32, #tpu.memory_space<vmem>>
        %dma_wait3A_451 = arith.constant 0 : i32
        %dma_wait3A_452 = tpu.memref_slice %arg3[%dma_wait3A_440, %add3A_439, %dma_wait3A_451] : memref<2x5120x64xi32, #tpu.memory_space<hbm>> -> memref<1x1x64xi32, #tpu.memory_space<hbm>>
        %dma_wait3A_453 = tpu.memref_squeeze %dma_wait3A_452 : memref<1x1x64xi32, #tpu.memory_space<hbm>> -> memref<64xi32, #tpu.memory_space<hbm>>
        tpu.wait_dma2 semaphore(%arg25 : memref<!tpu.dma_semaphore, #tpu.memory_space<semaphore_mem>>) src(%dma_wait3A_453 : memref<64xi32, #tpu.memory_space<hbm>>) dst(%dma_wait3A_450 : memref<64xi32, #tpu.memory_space<vmem>>)
      } else {
      }
      %dma_start3A_274 = arith.constant 1 : i32
      %dma_start3A_275 = arith.constant 1 : i32
      %dma_start3A_276 = arith.constant 0 : i32
      %dma_start3A_277 = arith.constant 0 : i32
      %dma_start3A_278 = tpu.memref_slice %arg7[%dma_start3A_274, %dma_start3A_276, %dma_start3A_277] : memref<5x64x128xf32, #tpu.memory_space<vmem>> -> memref<1x64x128xf32, #tpu.memory_space<vmem>>
      %dma_start3A_279 = tpu.memref_squeeze %dma_start3A_278 : memref<1x64x128xf32, #tpu.memory_space<vmem>> -> memref<64x128xf32, #tpu.memory_space<vmem>>
      %dma_start3A_280 = arith.constant 0 : i32
      %dma_start3A_281 = tpu.memref_slice %arg6[%dma_start3A_275, %dma_start3A_280] : memref<5x64xi32, #tpu.memory_space<vmem>> -> memref<1x64xi32, #tpu.memory_space<vmem>>
      %dma_start3A_282 = tpu.memref_squeeze %dma_start3A_281 : memref<1x64xi32, #tpu.memory_space<vmem>> -> memref<64xi32, #tpu.memory_space<vmem>>
      %dma_start3A_283 = arith.constant 0 : i32
      %dma_start3A_284 = arith.constant 0 : i32
      %dma_start3A_285 = tpu.memref_slice %arg8[%dma_start3A_283, %dma_start3A_284] : memref<10240x128xf32, #tpu.memory_space<vmem_shared>> -> memref<10240x128xf32, #tpu.memory_space<vmem_shared>>
      tpu.enqueue_indirect_dma source(%dma_start3A_279 : memref<64x128xf32, #tpu.memory_space<vmem>>) target(%dma_start3A_285 : memref<10240x128xf32, #tpu.memory_space<vmem_shared>>) offsets(%dma_start3A_282 : memref<64xi32, #tpu.memory_space<vmem>>) semaphore(%arg15 : memref<!tpu.dma_semaphore, #tpu.memory_space<semaphore_mem>>) {add = true}
      %ge3A_286 = arith.constant 2 : i32
      %ge3A_287 = arith.cmpi sge, %add3A_256, %ge3A_286 : i32
      %convert_element_type3A_288 = arith.extui %ge3A_287 : i1 to i32
      %cond3A_289 = arith.constant 0 : i32
      %cond3A_290 = arith.cmpi ne, %convert_element_type3A_288, %cond3A_289 : i32
      scf.if %cond3A_290 {
        %dma_wait3A_439 = arith.constant 4 : i32
        %dma_wait3A_440 = arith.constant 4 : i32
        %dma_wait3A_441 = arith.constant 0 : i32
        %dma_wait3A_442 = arith.constant 0 : i32
        %dma_wait3A_443 = tpu.memref_slice %arg7[%dma_wait3A_439, %dma_wait3A_441, %dma_wait3A_442] : memref<5x64x128xf32, #tpu.memory_space<vmem>> -> memref<1x64x128xf32, #tpu.memory_space<vmem>>
        %dma_wait3A_444 = tpu.memref_squeeze %dma_wait3A_443 : memref<1x64x128xf32, #tpu.memory_space<vmem>> -> memref<64x128xf32, #tpu.memory_space<vmem>>
        %dma_wait3A_445 = arith.constant 0 : i32
        %dma_wait3A_446 = tpu.memref_slice %arg6[%dma_wait3A_440, %dma_wait3A_445] : memref<5x64xi32, #tpu.memory_space<vmem>> -> memref<1x64xi32, #tpu.memory_space<vmem>>
        %dma_wait3A_447 = tpu.memref_squeeze %dma_wait3A_446 : memref<1x64xi32, #tpu.memory_space<vmem>> -> memref<64xi32, #tpu.memory_space<vmem>>
        %dma_wait3A_448 = arith.constant 0 : i32
        %dma_wait3A_449 = arith.constant 0 : i32
        %dma_wait3A_450 = tpu.memref_slice %arg8[%dma_wait3A_448, %dma_wait3A_449] : memref<10240x128xf32, #tpu.memory_space<vmem_shared>> -> memref<10240x128xf32, #tpu.memory_space<vmem_shared>>
        tpu.wait_indirect_dma semaphore(%arg18 : memref<!tpu.dma_semaphore, #tpu.memory_space<semaphore_mem>>) src(%dma_wait3A_444 : memref<64x128xf32, #tpu.memory_space<vmem>>) dst(%dma_wait3A_450 : memref<10240x128xf32, #tpu.memory_space<vmem_shared>>)
        %lt3A_451 = arith.constant 157 : i32
        %lt3A_452 = arith.cmpi slt, %add3A_256, %lt3A_451 : i32
        %convert_element_type3A_453 = arith.extui %lt3A_452 : i1 to i32
        %cond3A_454 = arith.constant 0 : i32
        %cond3A_455 = arith.cmpi ne, %convert_element_type3A_453, %cond3A_454 : i32
        scf.if %cond3A_455 {
          %add3A_456 = arith.constant 3 : i32
          %add3A_457 = arith.addi %add3A_256, %add3A_456 : i32
          %add3A_458 = arith.addi %mul3A_2, %add3A_457 : i32
          %dma_start3A_459 = arith.constant 1 : i32
          %dma_start3A_460 = arith.constant 4 : i32
          %dma_start3A_461 = arith.constant 0 : i32
          %dma_start3A_462 = tpu.memref_slice %arg6[%dma_start3A_460, %dma_start3A_461] : memref<5x64xi32, #tpu.memory_space<vmem>> -> memref<1x64xi32, #tpu.memory_space<vmem>>
          %dma_start3A_463 = tpu.memref_squeeze %dma_start3A_462 : memref<1x64xi32, #tpu.memory_space<vmem>> -> memref<64xi32, #tpu.memory_space<vmem>>
          %dma_start3A_464 = arith.constant 0 : i32
          %dma_start3A_465 = tpu.memref_slice %arg3[%dma_start3A_459, %add3A_458, %dma_start3A_464] : memref<2x5120x64xi32, #tpu.memory_space<hbm>> -> memref<1x1x64xi32, #tpu.memory_space<hbm>>
          %dma_start3A_466 = tpu.memref_squeeze %dma_start3A_465 : memref<1x1x64xi32, #tpu.memory_space<hbm>> -> memref<64xi32, #tpu.memory_space<hbm>>
          %dma_start3A_467 = arith.constant 0 : i32
          %dma_start3A_468 = tpu.memref_slice %arg6[%dma_start3A_460, %dma_start3A_467] : memref<5x64xi32, #tpu.memory_space<vmem>> -> memref<1x64xi32, #tpu.memory_space<vmem>>
          %dma_start3A_469 = tpu.memref_squeeze %dma_start3A_468 : memref<1x64xi32, #tpu.memory_space<vmem>> -> memref<64xi32, #tpu.memory_space<vmem>>
          %dma_start3A_470 = arith.constant 0 : i32
          %dma_start3A_471 = tpu.memref_slice %arg3[%dma_start3A_459, %add3A_458, %dma_start3A_470] : memref<2x5120x64xi32, #tpu.memory_space<hbm>> -> memref<1x1x64xi32, #tpu.memory_space<hbm>>
          %dma_start3A_472 = tpu.memref_squeeze %dma_start3A_471 : memref<1x1x64xi32, #tpu.memory_space<hbm>> -> memref<64xi32, #tpu.memory_space<hbm>>
          tpu.enqueue_dma source(%dma_start3A_472 : memref<64xi32, #tpu.memory_space<hbm>>) target(%dma_start3A_469 : memref<64xi32, #tpu.memory_space<vmem>>) target_semaphore(%arg28 : memref<!tpu.dma_semaphore, #tpu.memory_space<semaphore_mem>>)
        } else {
        }
      } else {
      }
      %lt3A_291 = arith.constant 157 : i32
      %lt3A_292 = arith.cmpi slt, %add3A_256, %lt3A_291 : i32
      %convert_element_type3A_293 = arith.extui %lt3A_292 : i1 to i32
      %cond3A_294 = arith.constant 0 : i32
      %cond3A_295 = arith.cmpi ne, %convert_element_type3A_293, %cond3A_294 : i32
      scf.if %cond3A_295 {
        %add3A_439 = arith.constant 3 : i32
        %add3A_440 = arith.addi %add3A_256, %add3A_439 : i32
        %add3A_441 = arith.addi %mul3A_2, %add3A_440 : i32
        %dma_wait3A_442 = arith.constant 0 : i32
        %dma_wait3A_443 = arith.constant 4 : i32
        %dma_wait3A_444 = arith.constant 0 : i32
        %dma_wait3A_445 = tpu.memref_slice %arg5[%dma_wait3A_443, %dma_wait3A_444] : memref<5x64xi32, #tpu.memory_space<vmem>> -> memref<1x64xi32, #tpu.memory_space<vmem>>
        %dma_wait3A_446 = tpu.memref_squeeze %dma_wait3A_445 : memref<1x64xi32, #tpu.memory_space<vmem>> -> memref<64xi32, #tpu.memory_space<vmem>>
        %dma_wait3A_447 = arith.constant 0 : i32
        %dma_wait3A_448 = tpu.memref_slice %arg3[%dma_wait3A_442, %add3A_441, %dma_wait3A_447] : memref<2x5120x64xi32, #tpu.memory_space<hbm>> -> memref<1x1x64xi32, #tpu.memory_space<hbm>>
        %dma_wait3A_449 = tpu.memref_squeeze %dma_wait3A_448 : memref<1x1x64xi32, #tpu.memory_space<hbm>> -> memref<64xi32, #tpu.memory_space<hbm>>
        %dma_wait3A_450 = arith.constant 0 : i32
        %dma_wait3A_451 = tpu.memref_slice %arg5[%dma_wait3A_443, %dma_wait3A_450] : memref<5x64xi32, #tpu.memory_space<vmem>> -> memref<1x64xi32, #tpu.memory_space<vmem>>
        %dma_wait3A_452 = tpu.memref_squeeze %dma_wait3A_451 : memref<1x64xi32, #tpu.memory_space<vmem>> -> memref<64xi32, #tpu.memory_space<vmem>>
        %dma_wait3A_453 = arith.constant 0 : i32
        %dma_wait3A_454 = tpu.memref_slice %arg3[%dma_wait3A_442, %add3A_441, %dma_wait3A_453] : memref<2x5120x64xi32, #tpu.memory_space<hbm>> -> memref<1x1x64xi32, #tpu.memory_space<hbm>>
        %dma_wait3A_455 = tpu.memref_squeeze %dma_wait3A_454 : memref<1x1x64xi32, #tpu.memory_space<hbm>> -> memref<64xi32, #tpu.memory_space<hbm>>
        tpu.wait_dma2 semaphore(%arg23 : memref<!tpu.dma_semaphore, #tpu.memory_space<semaphore_mem>>) src(%dma_wait3A_455 : memref<64xi32, #tpu.memory_space<hbm>>) dst(%dma_wait3A_452 : memref<64xi32, #tpu.memory_space<vmem>>)
        %dma_start3A_456 = arith.constant 4 : i32
        %dma_start3A_457 = arith.constant 4 : i32
        %dma_start3A_458 = arith.constant 0 : i32
        %dma_start3A_459 = arith.constant 0 : i32
        %dma_start3A_460 = tpu.memref_slice %arg7[%dma_start3A_457, %dma_start3A_458, %dma_start3A_459] : memref<5x64x128xf32, #tpu.memory_space<vmem>> -> memref<1x64x128xf32, #tpu.memory_space<vmem>>
        %dma_start3A_461 = tpu.memref_squeeze %dma_start3A_460 : memref<1x64x128xf32, #tpu.memory_space<vmem>> -> memref<64x128xf32, #tpu.memory_space<vmem>>
        %dma_start3A_462 = arith.constant 0 : i32
        %dma_start3A_463 = tpu.memref_slice %arg5[%dma_start3A_456, %dma_start3A_462] : memref<5x64xi32, #tpu.memory_space<vmem>> -> memref<1x64xi32, #tpu.memory_space<vmem>>
        %dma_start3A_464 = tpu.memref_squeeze %dma_start3A_463 : memref<1x64xi32, #tpu.memory_space<vmem>> -> memref<64xi32, #tpu.memory_space<vmem>>
        %dma_start3A_465 = arith.constant 0 : i32
        %dma_start3A_466 = arith.constant 0 : i32
        %dma_start3A_467 = tpu.memref_slice %arg2[%dma_start3A_465, %dma_start3A_466] : memref<10000x128xf32, #tpu.memory_space<hbm>> -> memref<10000x128xf32, #tpu.memory_space<hbm>>
        tpu.enqueue_indirect_dma source(%dma_start3A_467 : memref<10000x128xf32, #tpu.memory_space<hbm>>) target(%dma_start3A_461 : memref<64x128xf32, #tpu.memory_space<vmem>>) offsets(%dma_start3A_464 : memref<64xi32, #tpu.memory_space<vmem>>) semaphore(%arg13 : memref<!tpu.dma_semaphore, #tpu.memory_space<semaphore_mem>>)
      } else {
      }
      %lt3A_296 = arith.constant 156 : i32
      %lt3A_297 = arith.cmpi slt, %add3A_256, %lt3A_296 : i32
      %convert_element_type3A_298 = arith.extui %lt3A_297 : i1 to i32
      %cond3A_299 = arith.constant 0 : i32
      %cond3A_300 = arith.cmpi ne, %convert_element_type3A_298, %cond3A_299 : i32
      scf.if %cond3A_300 {
        %add3A_439 = arith.constant 3 : i32
        %add3A_440 = arith.addi %add3A_256, %add3A_439 : i32
        %add3A_441 = arith.constant 1 : i32
        %add3A_442 = arith.addi %add3A_440, %add3A_441 : i32
        %add3A_443 = arith.addi %mul3A_2, %add3A_442 : i32
        %dma_start3A_444 = arith.constant 0 : i32
        %dma_start3A_445 = arith.constant 0 : i32
        %dma_start3A_446 = arith.constant 0 : i32
        %dma_start3A_447 = tpu.memref_slice %arg5[%dma_start3A_445, %dma_start3A_446] : memref<5x64xi32, #tpu.memory_space<vmem>> -> memref<1x64xi32, #tpu.memory_space<vmem>>
        %dma_start3A_448 = tpu.memref_squeeze %dma_start3A_447 : memref<1x64xi32, #tpu.memory_space<vmem>> -> memref<64xi32, #tpu.memory_space<vmem>>
        %dma_start3A_449 = arith.constant 0 : i32
        %dma_start3A_450 = tpu.memref_slice %arg3[%dma_start3A_444, %add3A_443, %dma_start3A_449] : memref<2x5120x64xi32, #tpu.memory_space<hbm>> -> memref<1x1x64xi32, #tpu.memory_space<hbm>>
        %dma_start3A_451 = tpu.memref_squeeze %dma_start3A_450 : memref<1x1x64xi32, #tpu.memory_space<hbm>> -> memref<64xi32, #tpu.memory_space<hbm>>
        %dma_start3A_452 = arith.constant 0 : i32
        %dma_start3A_453 = tpu.memref_slice %arg5[%dma_start3A_445, %dma_start3A_452] : memref<5x64xi32, #tpu.memory_space<vmem>> -> memref<1x64xi32, #tpu.memory_space<vmem>>
        %dma_start3A_454 = tpu.memref_squeeze %dma_start3A_453 : memref<1x64xi32, #tpu.memory_space<vmem>> -> memref<64xi32, #tpu.memory_space<vmem>>
        %dma_start3A_455 = arith.constant 0 : i32
        %dma_start3A_456 = tpu.memref_slice %arg3[%dma_start3A_444, %add3A_443, %dma_start3A_455] : memref<2x5120x64xi32, #tpu.memory_space<hbm>> -> memref<1x1x64xi32, #tpu.memory_space<hbm>>
        %dma_start3A_457 = tpu.memref_squeeze %dma_start3A_456 : memref<1x1x64xi32, #tpu.memory_space<hbm>> -> memref<64xi32, #tpu.memory_space<hbm>>
        tpu.enqueue_dma source(%dma_start3A_457 : memref<64xi32, #tpu.memory_space<hbm>>) target(%dma_start3A_454 : memref<64xi32, #tpu.memory_space<vmem>>) target_semaphore(%arg19 : memref<!tpu.dma_semaphore, #tpu.memory_space<semaphore_mem>>)
      } else {
      }
      %add3A_301 = arith.constant 2 : i32
      %add3A_302 = arith.addi %add3A_212, %add3A_301 : i32
      %dma_wait3A_303 = arith.constant 2 : i32
      %dma_wait3A_304 = arith.constant 2 : i32
      %dma_wait3A_305 = arith.constant 0 : i32
      %dma_wait3A_306 = arith.constant 0 : i32
      %dma_wait3A_307 = tpu.memref_slice %arg7[%dma_wait3A_304, %dma_wait3A_305, %dma_wait3A_306] : memref<5x64x128xf32, #tpu.memory_space<vmem>> -> memref<1x64x128xf32, #tpu.memory_space<vmem>>
      %dma_wait3A_308 = tpu.memref_squeeze %dma_wait3A_307 : memref<1x64x128xf32, #tpu.memory_space<vmem>> -> memref<64x128xf32, #tpu.memory_space<vmem>>
      %dma_wait3A_309 = arith.constant 0 : i32
      %dma_wait3A_310 = tpu.memref_slice %arg5[%dma_wait3A_303, %dma_wait3A_309] : memref<5x64xi32, #tpu.memory_space<vmem>> -> memref<1x64xi32, #tpu.memory_space<vmem>>
      %dma_wait3A_311 = tpu.memref_squeeze %dma_wait3A_310 : memref<1x64xi32, #tpu.memory_space<vmem>> -> memref<64xi32, #tpu.memory_space<vmem>>
      %dma_wait3A_312 = arith.constant 0 : i32
      %dma_wait3A_313 = arith.constant 0 : i32
      %dma_wait3A_314 = tpu.memref_slice %arg2[%dma_wait3A_312, %dma_wait3A_313] : memref<10000x128xf32, #tpu.memory_space<hbm>> -> memref<10000x128xf32, #tpu.memory_space<hbm>>
      tpu.wait_indirect_dma semaphore(%arg11 : memref<!tpu.dma_semaphore, #tpu.memory_space<semaphore_mem>>) src(%dma_wait3A_314 : memref<10000x128xf32, #tpu.memory_space<hbm>>) dst(%dma_wait3A_308 : memref<64x128xf32, #tpu.memory_space<vmem>>)
      %ge3A_315 = arith.constant 2 : i32
      %ge3A_316 = arith.cmpi sge, %add3A_302, %ge3A_315 : i32
      %convert_element_type3A_317 = arith.extui %ge3A_316 : i1 to i32
      %cond3A_318 = arith.constant 0 : i32
      %cond3A_319 = arith.cmpi ne, %convert_element_type3A_317, %cond3A_318 : i32
      scf.if %cond3A_319 {
        %add3A_439 = arith.addi %mul3A_2, %add3A_302 : i32
        %dma_wait3A_440 = arith.constant 1 : i32
        %dma_wait3A_441 = arith.constant 2 : i32
        %dma_wait3A_442 = arith.constant 0 : i32
        %dma_wait3A_443 = tpu.memref_slice %arg6[%dma_wait3A_441, %dma_wait3A_442] : memref<5x64xi32, #tpu.memory_space<vmem>> -> memref<1x64xi32, #tpu.memory_space<vmem>>
        %dma_wait3A_444 = tpu.memref_squeeze %dma_wait3A_443 : memref<1x64xi32, #tpu.memory_space<vmem>> -> memref<64xi32, #tpu.memory_space<vmem>>
        %dma_wait3A_445 = arith.constant 0 : i32
        %dma_wait3A_446 = tpu.memref_slice %arg3[%dma_wait3A_440, %add3A_439, %dma_wait3A_445] : memref<2x5120x64xi32, #tpu.memory_space<hbm>> -> memref<1x1x64xi32, #tpu.memory_space<hbm>>
        %dma_wait3A_447 = tpu.memref_squeeze %dma_wait3A_446 : memref<1x1x64xi32, #tpu.memory_space<hbm>> -> memref<64xi32, #tpu.memory_space<hbm>>
        %dma_wait3A_448 = arith.constant 0 : i32
        %dma_wait3A_449 = tpu.memref_slice %arg6[%dma_wait3A_441, %dma_wait3A_448] : memref<5x64xi32, #tpu.memory_space<vmem>> -> memref<1x64xi32, #tpu.memory_space<vmem>>
        %dma_wait3A_450 = tpu.memref_squeeze %dma_wait3A_449 : memref<1x64xi32, #tpu.memory_space<vmem>> -> memref<64xi32, #tpu.memory_space<vmem>>
        %dma_wait3A_451 = arith.constant 0 : i32
        %dma_wait3A_452 = tpu.memref_slice %arg3[%dma_wait3A_440, %add3A_439, %dma_wait3A_451] : memref<2x5120x64xi32, #tpu.memory_space<hbm>> -> memref<1x1x64xi32, #tpu.memory_space<hbm>>
        %dma_wait3A_453 = tpu.memref_squeeze %dma_wait3A_452 : memref<1x1x64xi32, #tpu.memory_space<hbm>> -> memref<64xi32, #tpu.memory_space<hbm>>
        tpu.wait_dma2 semaphore(%arg26 : memref<!tpu.dma_semaphore, #tpu.memory_space<semaphore_mem>>) src(%dma_wait3A_453 : memref<64xi32, #tpu.memory_space<hbm>>) dst(%dma_wait3A_450 : memref<64xi32, #tpu.memory_space<vmem>>)
      } else {
      }
      %dma_start3A_320 = arith.constant 2 : i32
      %dma_start3A_321 = arith.constant 2 : i32
      %dma_start3A_322 = arith.constant 0 : i32
      %dma_start3A_323 = arith.constant 0 : i32
      %dma_start3A_324 = tpu.memref_slice %arg7[%dma_start3A_320, %dma_start3A_322, %dma_start3A_323] : memref<5x64x128xf32, #tpu.memory_space<vmem>> -> memref<1x64x128xf32, #tpu.memory_space<vmem>>
      %dma_start3A_325 = tpu.memref_squeeze %dma_start3A_324 : memref<1x64x128xf32, #tpu.memory_space<vmem>> -> memref<64x128xf32, #tpu.memory_space<vmem>>
      %dma_start3A_326 = arith.constant 0 : i32
      %dma_start3A_327 = tpu.memref_slice %arg6[%dma_start3A_321, %dma_start3A_326] : memref<5x64xi32, #tpu.memory_space<vmem>> -> memref<1x64xi32, #tpu.memory_space<vmem>>
      %dma_start3A_328 = tpu.memref_squeeze %dma_start3A_327 : memref<1x64xi32, #tpu.memory_space<vmem>> -> memref<64xi32, #tpu.memory_space<vmem>>
      %dma_start3A_329 = arith.constant 0 : i32
      %dma_start3A_330 = arith.constant 0 : i32
      %dma_start3A_331 = tpu.memref_slice %arg8[%dma_start3A_329, %dma_start3A_330] : memref<10240x128xf32, #tpu.memory_space<vmem_shared>> -> memref<10240x128xf32, #tpu.memory_space<vmem_shared>>
      tpu.enqueue_indirect_dma source(%dma_start3A_325 : memref<64x128xf32, #tpu.memory_space<vmem>>) target(%dma_start3A_331 : memref<10240x128xf32, #tpu.memory_space<vmem_shared>>) offsets(%dma_start3A_328 : memref<64xi32, #tpu.memory_space<vmem>>) semaphore(%arg16 : memref<!tpu.dma_semaphore, #tpu.memory_space<semaphore_mem>>) {add = true}
      %ge3A_332 = arith.constant 2 : i32
      %ge3A_333 = arith.cmpi sge, %add3A_302, %ge3A_332 : i32
      %convert_element_type3A_334 = arith.extui %ge3A_333 : i1 to i32
      %cond3A_335 = arith.constant 0 : i32
      %cond3A_336 = arith.cmpi ne, %convert_element_type3A_334, %cond3A_335 : i32
      scf.if %cond3A_336 {
        %dma_wait3A_439 = arith.constant 0 : i32
        %dma_wait3A_440 = arith.constant 0 : i32
        %dma_wait3A_441 = arith.constant 0 : i32
        %dma_wait3A_442 = arith.constant 0 : i32
        %dma_wait3A_443 = tpu.memref_slice %arg7[%dma_wait3A_439, %dma_wait3A_441, %dma_wait3A_442] : memref<5x64x128xf32, #tpu.memory_space<vmem>> -> memref<1x64x128xf32, #tpu.memory_space<vmem>>
        %dma_wait3A_444 = tpu.memref_squeeze %dma_wait3A_443 : memref<1x64x128xf32, #tpu.memory_space<vmem>> -> memref<64x128xf32, #tpu.memory_space<vmem>>
        %dma_wait3A_445 = arith.constant 0 : i32
        %dma_wait3A_446 = tpu.memref_slice %arg6[%dma_wait3A_440, %dma_wait3A_445] : memref<5x64xi32, #tpu.memory_space<vmem>> -> memref<1x64xi32, #tpu.memory_space<vmem>>
        %dma_wait3A_447 = tpu.memref_squeeze %dma_wait3A_446 : memref<1x64xi32, #tpu.memory_space<vmem>> -> memref<64xi32, #tpu.memory_space<vmem>>
        %dma_wait3A_448 = arith.constant 0 : i32
        %dma_wait3A_449 = arith.constant 0 : i32
        %dma_wait3A_450 = tpu.memref_slice %arg8[%dma_wait3A_448, %dma_wait3A_449] : memref<10240x128xf32, #tpu.memory_space<vmem_shared>> -> memref<10240x128xf32, #tpu.memory_space<vmem_shared>>
        tpu.wait_indirect_dma semaphore(%arg14 : memref<!tpu.dma_semaphore, #tpu.memory_space<semaphore_mem>>) src(%dma_wait3A_444 : memref<64x128xf32, #tpu.memory_space<vmem>>) dst(%dma_wait3A_450 : memref<10240x128xf32, #tpu.memory_space<vmem_shared>>)
        %lt3A_451 = arith.constant 157 : i32
        %lt3A_452 = arith.cmpi slt, %add3A_302, %lt3A_451 : i32
        %convert_element_type3A_453 = arith.extui %lt3A_452 : i1 to i32
        %cond3A_454 = arith.constant 0 : i32
        %cond3A_455 = arith.cmpi ne, %convert_element_type3A_453, %cond3A_454 : i32
        scf.if %cond3A_455 {
          %add3A_456 = arith.constant 3 : i32
          %add3A_457 = arith.addi %add3A_302, %add3A_456 : i32
          %add3A_458 = arith.addi %mul3A_2, %add3A_457 : i32
          %dma_start3A_459 = arith.constant 1 : i32
          %dma_start3A_460 = arith.constant 0 : i32
          %dma_start3A_461 = arith.constant 0 : i32
          %dma_start3A_462 = tpu.memref_slice %arg6[%dma_start3A_460, %dma_start3A_461] : memref<5x64xi32, #tpu.memory_space<vmem>> -> memref<1x64xi32, #tpu.memory_space<vmem>>
          %dma_start3A_463 = tpu.memref_squeeze %dma_start3A_462 : memref<1x64xi32, #tpu.memory_space<vmem>> -> memref<64xi32, #tpu.memory_space<vmem>>
          %dma_start3A_464 = arith.constant 0 : i32
          %dma_start3A_465 = tpu.memref_slice %arg3[%dma_start3A_459, %add3A_458, %dma_start3A_464] : memref<2x5120x64xi32, #tpu.memory_space<hbm>> -> memref<1x1x64xi32, #tpu.memory_space<hbm>>
          %dma_start3A_466 = tpu.memref_squeeze %dma_start3A_465 : memref<1x1x64xi32, #tpu.memory_space<hbm>> -> memref<64xi32, #tpu.memory_space<hbm>>
          %dma_start3A_467 = arith.constant 0 : i32
          %dma_start3A_468 = tpu.memref_slice %arg6[%dma_start3A_460, %dma_start3A_467] : memref<5x64xi32, #tpu.memory_space<vmem>> -> memref<1x64xi32, #tpu.memory_space<vmem>>
          %dma_start3A_469 = tpu.memref_squeeze %dma_start3A_468 : memref<1x64xi32, #tpu.memory_space<vmem>> -> memref<64xi32, #tpu.memory_space<vmem>>
          %dma_start3A_470 = arith.constant 0 : i32
          %dma_start3A_471 = tpu.memref_slice %arg3[%dma_start3A_459, %add3A_458, %dma_start3A_470] : memref<2x5120x64xi32, #tpu.memory_space<hbm>> -> memref<1x1x64xi32, #tpu.memory_space<hbm>>
          %dma_start3A_472 = tpu.memref_squeeze %dma_start3A_471 : memref<1x1x64xi32, #tpu.memory_space<hbm>> -> memref<64xi32, #tpu.memory_space<hbm>>
          tpu.enqueue_dma source(%dma_start3A_472 : memref<64xi32, #tpu.memory_space<hbm>>) target(%dma_start3A_469 : memref<64xi32, #tpu.memory_space<vmem>>) target_semaphore(%arg24 : memref<!tpu.dma_semaphore, #tpu.memory_space<semaphore_mem>>)
        } else {
        }
      } else {
      }
      %lt3A_337 = arith.constant 157 : i32
      %lt3A_338 = arith.cmpi slt, %add3A_302, %lt3A_337 : i32
      %convert_element_type3A_339 = arith.extui %lt3A_338 : i1 to i32
      %cond3A_340 = arith.constant 0 : i32
      %cond3A_341 = arith.cmpi ne, %convert_element_type3A_339, %cond3A_340 : i32
      scf.if %cond3A_341 {
        %add3A_439 = arith.constant 3 : i32
        %add3A_440 = arith.addi %add3A_302, %add3A_439 : i32
        %add3A_441 = arith.addi %mul3A_2, %add3A_440 : i32
        %dma_wait3A_442 = arith.constant 0 : i32
        %dma_wait3A_443 = arith.constant 0 : i32
        %dma_wait3A_444 = arith.constant 0 : i32
        %dma_wait3A_445 = tpu.memref_slice %arg5[%dma_wait3A_443, %dma_wait3A_444] : memref<5x64xi32, #tpu.memory_space<vmem>> -> memref<1x64xi32, #tpu.memory_space<vmem>>
        %dma_wait3A_446 = tpu.memref_squeeze %dma_wait3A_445 : memref<1x64xi32, #tpu.memory_space<vmem>> -> memref<64xi32, #tpu.memory_space<vmem>>
        %dma_wait3A_447 = arith.constant 0 : i32
        %dma_wait3A_448 = tpu.memref_slice %arg3[%dma_wait3A_442, %add3A_441, %dma_wait3A_447] : memref<2x5120x64xi32, #tpu.memory_space<hbm>> -> memref<1x1x64xi32, #tpu.memory_space<hbm>>
        %dma_wait3A_449 = tpu.memref_squeeze %dma_wait3A_448 : memref<1x1x64xi32, #tpu.memory_space<hbm>> -> memref<64xi32, #tpu.memory_space<hbm>>
        %dma_wait3A_450 = arith.constant 0 : i32
        %dma_wait3A_451 = tpu.memref_slice %arg5[%dma_wait3A_443, %dma_wait3A_450] : memref<5x64xi32, #tpu.memory_space<vmem>> -> memref<1x64xi32, #tpu.memory_space<vmem>>
        %dma_wait3A_452 = tpu.memref_squeeze %dma_wait3A_451 : memref<1x64xi32, #tpu.memory_space<vmem>> -> memref<64xi32, #tpu.memory_space<vmem>>
        %dma_wait3A_453 = arith.constant 0 : i32
        %dma_wait3A_454 = tpu.memref_slice %arg3[%dma_wait3A_442, %add3A_441, %dma_wait3A_453] : memref<2x5120x64xi32, #tpu.memory_space<hbm>> -> memref<1x1x64xi32, #tpu.memory_space<hbm>>
        %dma_wait3A_455 = tpu.memref_squeeze %dma_wait3A_454 : memref<1x1x64xi32, #tpu.memory_space<hbm>> -> memref<64xi32, #tpu.memory_space<hbm>>
        tpu.wait_dma2 semaphore(%arg19 : memref<!tpu.dma_semaphore, #tpu.memory_space<semaphore_mem>>) src(%dma_wait3A_455 : memref<64xi32, #tpu.memory_space<hbm>>) dst(%dma_wait3A_452 : memref<64xi32, #tpu.memory_space<vmem>>)
        %dma_start3A_456 = arith.constant 0 : i32
        %dma_start3A_457 = arith.constant 0 : i32
        %dma_start3A_458 = arith.constant 0 : i32
        %dma_start3A_459 = arith.constant 0 : i32
        %dma_start3A_460 = tpu.memref_slice %arg7[%dma_start3A_457, %dma_start3A_458, %dma_start3A_459] : memref<5x64x128xf32, #tpu.memory_space<vmem>> -> memref<1x64x128xf32, #tpu.memory_space<vmem>>
        %dma_start3A_461 = tpu.memref_squeeze %dma_start3A_460 : memref<1x64x128xf32, #tpu.memory_space<vmem>> -> memref<64x128xf32, #tpu.memory_space<vmem>>
        %dma_start3A_462 = arith.constant 0 : i32
        %dma_start3A_463 = tpu.memref_slice %arg5[%dma_start3A_456, %dma_start3A_462] : memref<5x64xi32, #tpu.memory_space<vmem>> -> memref<1x64xi32, #tpu.memory_space<vmem>>
        %dma_start3A_464 = tpu.memref_squeeze %dma_start3A_463 : memref<1x64xi32, #tpu.memory_space<vmem>> -> memref<64xi32, #tpu.memory_space<vmem>>
        %dma_start3A_465 = arith.constant 0 : i32
        %dma_start3A_466 = arith.constant 0 : i32
        %dma_start3A_467 = tpu.memref_slice %arg2[%dma_start3A_465, %dma_start3A_466] : memref<10000x128xf32, #tpu.memory_space<hbm>> -> memref<10000x128xf32, #tpu.memory_space<hbm>>
        tpu.enqueue_indirect_dma source(%dma_start3A_467 : memref<10000x128xf32, #tpu.memory_space<hbm>>) target(%dma_start3A_461 : memref<64x128xf32, #tpu.memory_space<vmem>>) offsets(%dma_start3A_464 : memref<64xi32, #tpu.memory_space<vmem>>) semaphore(%arg9 : memref<!tpu.dma_semaphore, #tpu.memory_space<semaphore_mem>>)
      } else {
      }
      %lt3A_342 = arith.constant 156 : i32
      %lt3A_343 = arith.cmpi slt, %add3A_302, %lt3A_342 : i32
      %convert_element_type3A_344 = arith.extui %lt3A_343 : i1 to i32
      %cond3A_345 = arith.constant 0 : i32
      %cond3A_346 = arith.cmpi ne, %convert_element_type3A_344, %cond3A_345 : i32
      scf.if %cond3A_346 {
        %add3A_439 = arith.constant 3 : i32
        %add3A_440 = arith.addi %add3A_302, %add3A_439 : i32
        %add3A_441 = arith.constant 1 : i32
        %add3A_442 = arith.addi %add3A_440, %add3A_441 : i32
        %add3A_443 = arith.addi %mul3A_2, %add3A_442 : i32
        %dma_start3A_444 = arith.constant 0 : i32
        %dma_start3A_445 = arith.constant 1 : i32
        %dma_start3A_446 = arith.constant 0 : i32
        %dma_start3A_447 = tpu.memref_slice %arg5[%dma_start3A_445, %dma_start3A_446] : memref<5x64xi32, #tpu.memory_space<vmem>> -> memref<1x64xi32, #tpu.memory_space<vmem>>
        %dma_start3A_448 = tpu.memref_squeeze %dma_start3A_447 : memref<1x64xi32, #tpu.memory_space<vmem>> -> memref<64xi32, #tpu.memory_space<vmem>>
        %dma_start3A_449 = arith.constant 0 : i32
        %dma_start3A_450 = tpu.memref_slice %arg3[%dma_start3A_444, %add3A_443, %dma_start3A_449] : memref<2x5120x64xi32, #tpu.memory_space<hbm>> -> memref<1x1x64xi32, #tpu.memory_space<hbm>>
        %dma_start3A_451 = tpu.memref_squeeze %dma_start3A_450 : memref<1x1x64xi32, #tpu.memory_space<hbm>> -> memref<64xi32, #tpu.memory_space<hbm>>
        %dma_start3A_452 = arith.constant 0 : i32
        %dma_start3A_453 = tpu.memref_slice %arg5[%dma_start3A_445, %dma_start3A_452] : memref<5x64xi32, #tpu.memory_space<vmem>> -> memref<1x64xi32, #tpu.memory_space<vmem>>
        %dma_start3A_454 = tpu.memref_squeeze %dma_start3A_453 : memref<1x64xi32, #tpu.memory_space<vmem>> -> memref<64xi32, #tpu.memory_space<vmem>>
        %dma_start3A_455 = arith.constant 0 : i32
        %dma_start3A_456 = tpu.memref_slice %arg3[%dma_start3A_444, %add3A_443, %dma_start3A_455] : memref<2x5120x64xi32, #tpu.memory_space<hbm>> -> memref<1x1x64xi32, #tpu.memory_space<hbm>>
        %dma_start3A_457 = tpu.memref_squeeze %dma_start3A_456 : memref<1x1x64xi32, #tpu.memory_space<hbm>> -> memref<64xi32, #tpu.memory_space<hbm>>
        tpu.enqueue_dma source(%dma_start3A_457 : memref<64xi32, #tpu.memory_space<hbm>>) target(%dma_start3A_454 : memref<64xi32, #tpu.memory_space<vmem>>) target_semaphore(%arg20 : memref<!tpu.dma_semaphore, #tpu.memory_space<semaphore_mem>>)
      } else {
      }
      %add3A_347 = arith.constant 3 : i32
      %add3A_348 = arith.addi %add3A_212, %add3A_347 : i32
      %dma_wait3A_349 = arith.constant 3 : i32
      %dma_wait3A_350 = arith.constant 3 : i32
      %dma_wait3A_351 = arith.constant 0 : i32
      %dma_wait3A_352 = arith.constant 0 : i32
      %dma_wait3A_353 = tpu.memref_slice %arg7[%dma_wait3A_350, %dma_wait3A_351, %dma_wait3A_352] : memref<5x64x128xf32, #tpu.memory_space<vmem>> -> memref<1x64x128xf32, #tpu.memory_space<vmem>>
      %dma_wait3A_354 = tpu.memref_squeeze %dma_wait3A_353 : memref<1x64x128xf32, #tpu.memory_space<vmem>> -> memref<64x128xf32, #tpu.memory_space<vmem>>
      %dma_wait3A_355 = arith.constant 0 : i32
      %dma_wait3A_356 = tpu.memref_slice %arg5[%dma_wait3A_349, %dma_wait3A_355] : memref<5x64xi32, #tpu.memory_space<vmem>> -> memref<1x64xi32, #tpu.memory_space<vmem>>
      %dma_wait3A_357 = tpu.memref_squeeze %dma_wait3A_356 : memref<1x64xi32, #tpu.memory_space<vmem>> -> memref<64xi32, #tpu.memory_space<vmem>>
      %dma_wait3A_358 = arith.constant 0 : i32
      %dma_wait3A_359 = arith.constant 0 : i32
      %dma_wait3A_360 = tpu.memref_slice %arg2[%dma_wait3A_358, %dma_wait3A_359] : memref<10000x128xf32, #tpu.memory_space<hbm>> -> memref<10000x128xf32, #tpu.memory_space<hbm>>
      tpu.wait_indirect_dma semaphore(%arg12 : memref<!tpu.dma_semaphore, #tpu.memory_space<semaphore_mem>>) src(%dma_wait3A_360 : memref<10000x128xf32, #tpu.memory_space<hbm>>) dst(%dma_wait3A_354 : memref<64x128xf32, #tpu.memory_space<vmem>>)
      %ge3A_361 = arith.constant 2 : i32
      %ge3A_362 = arith.cmpi sge, %add3A_348, %ge3A_361 : i32
      %convert_element_type3A_363 = arith.extui %ge3A_362 : i1 to i32
      %cond3A_364 = arith.constant 0 : i32
      %cond3A_365 = arith.cmpi ne, %convert_element_type3A_363, %cond3A_364 : i32
      scf.if %cond3A_365 {
        %add3A_439 = arith.addi %mul3A_2, %add3A_348 : i32
        %dma_wait3A_440 = arith.constant 1 : i32
        %dma_wait3A_441 = arith.constant 3 : i32
        %dma_wait3A_442 = arith.constant 0 : i32
        %dma_wait3A_443 = tpu.memref_slice %arg6[%dma_wait3A_441, %dma_wait3A_442] : memref<5x64xi32, #tpu.memory_space<vmem>> -> memref<1x64xi32, #tpu.memory_space<vmem>>
        %dma_wait3A_444 = tpu.memref_squeeze %dma_wait3A_443 : memref<1x64xi32, #tpu.memory_space<vmem>> -> memref<64xi32, #tpu.memory_space<vmem>>
        %dma_wait3A_445 = arith.constant 0 : i32
        %dma_wait3A_446 = tpu.memref_slice %arg3[%dma_wait3A_440, %add3A_439, %dma_wait3A_445] : memref<2x5120x64xi32, #tpu.memory_space<hbm>> -> memref<1x1x64xi32, #tpu.memory_space<hbm>>
        %dma_wait3A_447 = tpu.memref_squeeze %dma_wait3A_446 : memref<1x1x64xi32, #tpu.memory_space<hbm>> -> memref<64xi32, #tpu.memory_space<hbm>>
        %dma_wait3A_448 = arith.constant 0 : i32
        %dma_wait3A_449 = tpu.memref_slice %arg6[%dma_wait3A_441, %dma_wait3A_448] : memref<5x64xi32, #tpu.memory_space<vmem>> -> memref<1x64xi32, #tpu.memory_space<vmem>>
        %dma_wait3A_450 = tpu.memref_squeeze %dma_wait3A_449 : memref<1x64xi32, #tpu.memory_space<vmem>> -> memref<64xi32, #tpu.memory_space<vmem>>
        %dma_wait3A_451 = arith.constant 0 : i32
        %dma_wait3A_452 = tpu.memref_slice %arg3[%dma_wait3A_440, %add3A_439, %dma_wait3A_451] : memref<2x5120x64xi32, #tpu.memory_space<hbm>> -> memref<1x1x64xi32, #tpu.memory_space<hbm>>
        %dma_wait3A_453 = tpu.memref_squeeze %dma_wait3A_452 : memref<1x1x64xi32, #tpu.memory_space<hbm>> -> memref<64xi32, #tpu.memory_space<hbm>>
        tpu.wait_dma2 semaphore(%arg27 : memref<!tpu.dma_semaphore, #tpu.memory_space<semaphore_mem>>) src(%dma_wait3A_453 : memref<64xi32, #tpu.memory_space<hbm>>) dst(%dma_wait3A_450 : memref<64xi32, #tpu.memory_space<vmem>>)
      } else {
      }
      %dma_start3A_366 = arith.constant 3 : i32
      %dma_start3A_367 = arith.constant 3 : i32
      %dma_start3A_368 = arith.constant 0 : i32
      %dma_start3A_369 = arith.constant 0 : i32
      %dma_start3A_370 = tpu.memref_slice %arg7[%dma_start3A_366, %dma_start3A_368, %dma_start3A_369] : memref<5x64x128xf32, #tpu.memory_space<vmem>> -> memref<1x64x128xf32, #tpu.memory_space<vmem>>
      %dma_start3A_371 = tpu.memref_squeeze %dma_start3A_370 : memref<1x64x128xf32, #tpu.memory_space<vmem>> -> memref<64x128xf32, #tpu.memory_space<vmem>>
      %dma_start3A_372 = arith.constant 0 : i32
      %dma_start3A_373 = tpu.memref_slice %arg6[%dma_start3A_367, %dma_start3A_372] : memref<5x64xi32, #tpu.memory_space<vmem>> -> memref<1x64xi32, #tpu.memory_space<vmem>>
      %dma_start3A_374 = tpu.memref_squeeze %dma_start3A_373 : memref<1x64xi32, #tpu.memory_space<vmem>> -> memref<64xi32, #tpu.memory_space<vmem>>
      %dma_start3A_375 = arith.constant 0 : i32
      %dma_start3A_376 = arith.constant 0 : i32
      %dma_start3A_377 = tpu.memref_slice %arg8[%dma_start3A_375, %dma_start3A_376] : memref<10240x128xf32, #tpu.memory_space<vmem_shared>> -> memref<10240x128xf32, #tpu.memory_space<vmem_shared>>
      tpu.enqueue_indirect_dma source(%dma_start3A_371 : memref<64x128xf32, #tpu.memory_space<vmem>>) target(%dma_start3A_377 : memref<10240x128xf32, #tpu.memory_space<vmem_shared>>) offsets(%dma_start3A_374 : memref<64xi32, #tpu.memory_space<vmem>>) semaphore(%arg17 : memref<!tpu.dma_semaphore, #tpu.memory_space<semaphore_mem>>) {add = true}
      %ge3A_378 = arith.constant 2 : i32
      %ge3A_379 = arith.cmpi sge, %add3A_348, %ge3A_378 : i32
      %convert_element_type3A_380 = arith.extui %ge3A_379 : i1 to i32
      %cond3A_381 = arith.constant 0 : i32
      %cond3A_382 = arith.cmpi ne, %convert_element_type3A_380, %cond3A_381 : i32
      scf.if %cond3A_382 {
        %dma_wait3A_439 = arith.constant 1 : i32
        %dma_wait3A_440 = arith.constant 1 : i32
        %dma_wait3A_441 = arith.constant 0 : i32
        %dma_wait3A_442 = arith.constant 0 : i32
        %dma_wait3A_443 = tpu.memref_slice %arg7[%dma_wait3A_439, %dma_wait3A_441, %dma_wait3A_442] : memref<5x64x128xf32, #tpu.memory_space<vmem>> -> memref<1x64x128xf32, #tpu.memory_space<vmem>>
        %dma_wait3A_444 = tpu.memref_squeeze %dma_wait3A_443 : memref<1x64x128xf32, #tpu.memory_space<vmem>> -> memref<64x128xf32, #tpu.memory_space<vmem>>
        %dma_wait3A_445 = arith.constant 0 : i32
        %dma_wait3A_446 = tpu.memref_slice %arg6[%dma_wait3A_440, %dma_wait3A_445] : memref<5x64xi32, #tpu.memory_space<vmem>> -> memref<1x64xi32, #tpu.memory_space<vmem>>
        %dma_wait3A_447 = tpu.memref_squeeze %dma_wait3A_446 : memref<1x64xi32, #tpu.memory_space<vmem>> -> memref<64xi32, #tpu.memory_space<vmem>>
        %dma_wait3A_448 = arith.constant 0 : i32
        %dma_wait3A_449 = arith.constant 0 : i32
        %dma_wait3A_450 = tpu.memref_slice %arg8[%dma_wait3A_448, %dma_wait3A_449] : memref<10240x128xf32, #tpu.memory_space<vmem_shared>> -> memref<10240x128xf32, #tpu.memory_space<vmem_shared>>
        tpu.wait_indirect_dma semaphore(%arg15 : memref<!tpu.dma_semaphore, #tpu.memory_space<semaphore_mem>>) src(%dma_wait3A_444 : memref<64x128xf32, #tpu.memory_space<vmem>>) dst(%dma_wait3A_450 : memref<10240x128xf32, #tpu.memory_space<vmem_shared>>)
        %lt3A_451 = arith.constant 157 : i32
        %lt3A_452 = arith.cmpi slt, %add3A_348, %lt3A_451 : i32
        %convert_element_type3A_453 = arith.extui %lt3A_452 : i1 to i32
        %cond3A_454 = arith.constant 0 : i32
        %cond3A_455 = arith.cmpi ne, %convert_element_type3A_453, %cond3A_454 : i32
        scf.if %cond3A_455 {
          %add3A_456 = arith.constant 3 : i32
          %add3A_457 = arith.addi %add3A_348, %add3A_456 : i32
          %add3A_458 = arith.addi %mul3A_2, %add3A_457 : i32
          %dma_start3A_459 = arith.constant 1 : i32
          %dma_start3A_460 = arith.constant 1 : i32
          %dma_start3A_461 = arith.constant 0 : i32
          %dma_start3A_462 = tpu.memref_slice %arg6[%dma_start3A_460, %dma_start3A_461] : memref<5x64xi32, #tpu.memory_space<vmem>> -> memref<1x64xi32, #tpu.memory_space<vmem>>
          %dma_start3A_463 = tpu.memref_squeeze %dma_start3A_462 : memref<1x64xi32, #tpu.memory_space<vmem>> -> memref<64xi32, #tpu.memory_space<vmem>>
          %dma_start3A_464 = arith.constant 0 : i32
          %dma_start3A_465 = tpu.memref_slice %arg3[%dma_start3A_459, %add3A_458, %dma_start3A_464] : memref<2x5120x64xi32, #tpu.memory_space<hbm>> -> memref<1x1x64xi32, #tpu.memory_space<hbm>>
          %dma_start3A_466 = tpu.memref_squeeze %dma_start3A_465 : memref<1x1x64xi32, #tpu.memory_space<hbm>> -> memref<64xi32, #tpu.memory_space<hbm>>
          %dma_start3A_467 = arith.constant 0 : i32
          %dma_start3A_468 = tpu.memref_slice %arg6[%dma_start3A_460, %dma_start3A_467] : memref<5x64xi32, #tpu.memory_space<vmem>> -> memref<1x64xi32, #tpu.memory_space<vmem>>
          %dma_start3A_469 = tpu.memref_squeeze %dma_start3A_468 : memref<1x64xi32, #tpu.memory_space<vmem>> -> memref<64xi32, #tpu.memory_space<vmem>>
          %dma_start3A_470 = arith.constant 0 : i32
          %dma_start3A_471 = tpu.memref_slice %arg3[%dma_start3A_459, %add3A_458, %dma_start3A_470] : memref<2x5120x64xi32, #tpu.memory_space<hbm>> -> memref<1x1x64xi32, #tpu.memory_space<hbm>>
          %dma_start3A_472 = tpu.memref_squeeze %dma_start3A_471 : memref<1x1x64xi32, #tpu.memory_space<hbm>> -> memref<64xi32, #tpu.memory_space<hbm>>
          tpu.enqueue_dma source(%dma_start3A_472 : memref<64xi32, #tpu.memory_space<hbm>>) target(%dma_start3A_469 : memref<64xi32, #tpu.memory_space<vmem>>) target_semaphore(%arg25 : memref<!tpu.dma_semaphore, #tpu.memory_space<semaphore_mem>>)
        } else {
        }
      } else {
      }
      %lt3A_383 = arith.constant 157 : i32
      %lt3A_384 = arith.cmpi slt, %add3A_348, %lt3A_383 : i32
      %convert_element_type3A_385 = arith.extui %lt3A_384 : i1 to i32
      %cond3A_386 = arith.constant 0 : i32
      %cond3A_387 = arith.cmpi ne, %convert_element_type3A_385, %cond3A_386 : i32
      scf.if %cond3A_387 {
        %add3A_439 = arith.constant 3 : i32
        %add3A_440 = arith.addi %add3A_348, %add3A_439 : i32
        %add3A_441 = arith.addi %mul3A_2, %add3A_440 : i32
        %dma_wait3A_442 = arith.constant 0 : i32
        %dma_wait3A_443 = arith.constant 1 : i32
        %dma_wait3A_444 = arith.constant 0 : i32
        %dma_wait3A_445 = tpu.memref_slice %arg5[%dma_wait3A_443, %dma_wait3A_444] : memref<5x64xi32, #tpu.memory_space<vmem>> -> memref<1x64xi32, #tpu.memory_space<vmem>>
        %dma_wait3A_446 = tpu.memref_squeeze %dma_wait3A_445 : memref<1x64xi32, #tpu.memory_space<vmem>> -> memref<64xi32, #tpu.memory_space<vmem>>
        %dma_wait3A_447 = arith.constant 0 : i32
        %dma_wait3A_448 = tpu.memref_slice %arg3[%dma_wait3A_442, %add3A_441, %dma_wait3A_447] : memref<2x5120x64xi32, #tpu.memory_space<hbm>> -> memref<1x1x64xi32, #tpu.memory_space<hbm>>
        %dma_wait3A_449 = tpu.memref_squeeze %dma_wait3A_448 : memref<1x1x64xi32, #tpu.memory_space<hbm>> -> memref<64xi32, #tpu.memory_space<hbm>>
        %dma_wait3A_450 = arith.constant 0 : i32
        %dma_wait3A_451 = tpu.memref_slice %arg5[%dma_wait3A_443, %dma_wait3A_450] : memref<5x64xi32, #tpu.memory_space<vmem>> -> memref<1x64xi32, #tpu.memory_space<vmem>>
        %dma_wait3A_452 = tpu.memref_squeeze %dma_wait3A_451 : memref<1x64xi32, #tpu.memory_space<vmem>> -> memref<64xi32, #tpu.memory_space<vmem>>
        %dma_wait3A_453 = arith.constant 0 : i32
        %dma_wait3A_454 = tpu.memref_slice %arg3[%dma_wait3A_442, %add3A_441, %dma_wait3A_453] : memref<2x5120x64xi32, #tpu.memory_space<hbm>> -> memref<1x1x64xi32, #tpu.memory_space<hbm>>
        %dma_wait3A_455 = tpu.memref_squeeze %dma_wait3A_454 : memref<1x1x64xi32, #tpu.memory_space<hbm>> -> memref<64xi32, #tpu.memory_space<hbm>>
        tpu.wait_dma2 semaphore(%arg20 : memref<!tpu.dma_semaphore, #tpu.memory_space<semaphore_mem>>) src(%dma_wait3A_455 : memref<64xi32, #tpu.memory_space<hbm>>) dst(%dma_wait3A_452 : memref<64xi32, #tpu.memory_space<vmem>>)
        %dma_start3A_456 = arith.constant 1 : i32
        %dma_start3A_457 = arith.constant 1 : i32
        %dma_start3A_458 = arith.constant 0 : i32
        %dma_start3A_459 = arith.constant 0 : i32
        %dma_start3A_460 = tpu.memref_slice %arg7[%dma_start3A_457, %dma_start3A_458, %dma_start3A_459] : memref<5x64x128xf32, #tpu.memory_space<vmem>> -> memref<1x64x128xf32, #tpu.memory_space<vmem>>
        %dma_start3A_461 = tpu.memref_squeeze %dma_start3A_460 : memref<1x64x128xf32, #tpu.memory_space<vmem>> -> memref<64x128xf32, #tpu.memory_space<vmem>>
        %dma_start3A_462 = arith.constant 0 : i32
        %dma_start3A_463 = tpu.memref_slice %arg5[%dma_start3A_456, %dma_start3A_462] : memref<5x64xi32, #tpu.memory_space<vmem>> -> memref<1x64xi32, #tpu.memory_space<vmem>>
        %dma_start3A_464 = tpu.memref_squeeze %dma_start3A_463 : memref<1x64xi32, #tpu.memory_space<vmem>> -> memref<64xi32, #tpu.memory_space<vmem>>
        %dma_start3A_465 = arith.constant 0 : i32
        %dma_start3A_466 = arith.constant 0 : i32
        %dma_start3A_467 = tpu.memref_slice %arg2[%dma_start3A_465, %dma_start3A_466] : memref<10000x128xf32, #tpu.memory_space<hbm>> -> memref<10000x128xf32, #tpu.memory_space<hbm>>
        tpu.enqueue_indirect_dma source(%dma_start3A_467 : memref<10000x128xf32, #tpu.memory_space<hbm>>) target(%dma_start3A_461 : memref<64x128xf32, #tpu.memory_space<vmem>>) offsets(%dma_start3A_464 : memref<64xi32, #tpu.memory_space<vmem>>) semaphore(%arg10 : memref<!tpu.dma_semaphore, #tpu.memory_space<semaphore_mem>>)
      } else {
      }
      %lt3A_388 = arith.constant 156 : i32
      %lt3A_389 = arith.cmpi slt, %add3A_348, %lt3A_388 : i32
      %convert_element_type3A_390 = arith.extui %lt3A_389 : i1 to i32
      %cond3A_391 = arith.constant 0 : i32
      %cond3A_392 = arith.cmpi ne, %convert_element_type3A_390, %cond3A_391 : i32
      scf.if %cond3A_392 {
        %add3A_439 = arith.constant 3 : i32
        %add3A_440 = arith.addi %add3A_348, %add3A_439 : i32
        %add3A_441 = arith.constant 1 : i32
        %add3A_442 = arith.addi %add3A_440, %add3A_441 : i32
        %add3A_443 = arith.addi %mul3A_2, %add3A_442 : i32
        %dma_start3A_444 = arith.constant 0 : i32
        %dma_start3A_445 = arith.constant 2 : i32
        %dma_start3A_446 = arith.constant 0 : i32
        %dma_start3A_447 = tpu.memref_slice %arg5[%dma_start3A_445, %dma_start3A_446] : memref<5x64xi32, #tpu.memory_space<vmem>> -> memref<1x64xi32, #tpu.memory_space<vmem>>
        %dma_start3A_448 = tpu.memref_squeeze %dma_start3A_447 : memref<1x64xi32, #tpu.memory_space<vmem>> -> memref<64xi32, #tpu.memory_space<vmem>>
        %dma_start3A_449 = arith.constant 0 : i32
        %dma_start3A_450 = tpu.memref_slice %arg3[%dma_start3A_444, %add3A_443, %dma_start3A_449] : memref<2x5120x64xi32, #tpu.memory_space<hbm>> -> memref<1x1x64xi32, #tpu.memory_space<hbm>>
        %dma_start3A_451 = tpu.memref_squeeze %dma_start3A_450 : memref<1x1x64xi32, #tpu.memory_space<hbm>> -> memref<64xi32, #tpu.memory_space<hbm>>
        %dma_start3A_452 = arith.constant 0 : i32
        %dma_start3A_453 = tpu.memref_slice %arg5[%dma_start3A_445, %dma_start3A_452] : memref<5x64xi32, #tpu.memory_space<vmem>> -> memref<1x64xi32, #tpu.memory_space<vmem>>
        %dma_start3A_454 = tpu.memref_squeeze %dma_start3A_453 : memref<1x64xi32, #tpu.memory_space<vmem>> -> memref<64xi32, #tpu.memory_space<vmem>>
        %dma_start3A_455 = arith.constant 0 : i32
        %dma_start3A_456 = tpu.memref_slice %arg3[%dma_start3A_444, %add3A_443, %dma_start3A_455] : memref<2x5120x64xi32, #tpu.memory_space<hbm>> -> memref<1x1x64xi32, #tpu.memory_space<hbm>>
        %dma_start3A_457 = tpu.memref_squeeze %dma_start3A_456 : memref<1x1x64xi32, #tpu.memory_space<hbm>> -> memref<64xi32, #tpu.memory_space<hbm>>
        tpu.enqueue_dma source(%dma_start3A_457 : memref<64xi32, #tpu.memory_space<hbm>>) target(%dma_start3A_454 : memref<64xi32, #tpu.memory_space<vmem>>) target_semaphore(%arg21 : memref<!tpu.dma_semaphore, #tpu.memory_space<semaphore_mem>>)
      } else {
      }
      %add3A_393 = arith.constant 4 : i32
      %add3A_394 = arith.addi %add3A_212, %add3A_393 : i32
      %dma_wait3A_395 = arith.constant 4 : i32
      %dma_wait3A_396 = arith.constant 4 : i32
      %dma_wait3A_397 = arith.constant 0 : i32
      %dma_wait3A_398 = arith.constant 0 : i32
      %dma_wait3A_399 = tpu.memref_slice %arg7[%dma_wait3A_396, %dma_wait3A_397, %dma_wait3A_398] : memref<5x64x128xf32, #tpu.memory_space<vmem>> -> memref<1x64x128xf32, #tpu.memory_space<vmem>>
      %dma_wait3A_400 = tpu.memref_squeeze %dma_wait3A_399 : memref<1x64x128xf32, #tpu.memory_space<vmem>> -> memref<64x128xf32, #tpu.memory_space<vmem>>
      %dma_wait3A_401 = arith.constant 0 : i32
      %dma_wait3A_402 = tpu.memref_slice %arg5[%dma_wait3A_395, %dma_wait3A_401] : memref<5x64xi32, #tpu.memory_space<vmem>> -> memref<1x64xi32, #tpu.memory_space<vmem>>
      %dma_wait3A_403 = tpu.memref_squeeze %dma_wait3A_402 : memref<1x64xi32, #tpu.memory_space<vmem>> -> memref<64xi32, #tpu.memory_space<vmem>>
      %dma_wait3A_404 = arith.constant 0 : i32
      %dma_wait3A_405 = arith.constant 0 : i32
      %dma_wait3A_406 = tpu.memref_slice %arg2[%dma_wait3A_404, %dma_wait3A_405] : memref<10000x128xf32, #tpu.memory_space<hbm>> -> memref<10000x128xf32, #tpu.memory_space<hbm>>
      tpu.wait_indirect_dma semaphore(%arg13 : memref<!tpu.dma_semaphore, #tpu.memory_space<semaphore_mem>>) src(%dma_wait3A_406 : memref<10000x128xf32, #tpu.memory_space<hbm>>) dst(%dma_wait3A_400 : memref<64x128xf32, #tpu.memory_space<vmem>>)
      %ge3A_407 = arith.constant 2 : i32
      %ge3A_408 = arith.cmpi sge, %add3A_394, %ge3A_407 : i32
      %convert_element_type3A_409 = arith.extui %ge3A_408 : i1 to i32
      %cond3A_410 = arith.constant 0 : i32
      %cond3A_411 = arith.cmpi ne, %convert_element_type3A_409, %cond3A_410 : i32
      scf.if %cond3A_411 {
        %add3A_439 = arith.addi %mul3A_2, %add3A_394 : i32
        %dma_wait3A_440 = arith.constant 1 : i32
        %dma_wait3A_441 = arith.constant 4 : i32
        %dma_wait3A_442 = arith.constant 0 : i32
        %dma_wait3A_443 = tpu.memref_slice %arg6[%dma_wait3A_441, %dma_wait3A_442] : memref<5x64xi32, #tpu.memory_space<vmem>> -> memref<1x64xi32, #tpu.memory_space<vmem>>
        %dma_wait3A_444 = tpu.memref_squeeze %dma_wait3A_443 : memref<1x64xi32, #tpu.memory_space<vmem>> -> memref<64xi32, #tpu.memory_space<vmem>>
        %dma_wait3A_445 = arith.constant 0 : i32
        %dma_wait3A_446 = tpu.memref_slice %arg3[%dma_wait3A_440, %add3A_439, %dma_wait3A_445] : memref<2x5120x64xi32, #tpu.memory_space<hbm>> -> memref<1x1x64xi32, #tpu.memory_space<hbm>>
        %dma_wait3A_447 = tpu.memref_squeeze %dma_wait3A_446 : memref<1x1x64xi32, #tpu.memory_space<hbm>> -> memref<64xi32, #tpu.memory_space<hbm>>
        %dma_wait3A_448 = arith.constant 0 : i32
        %dma_wait3A_449 = tpu.memref_slice %arg6[%dma_wait3A_441, %dma_wait3A_448] : memref<5x64xi32, #tpu.memory_space<vmem>> -> memref<1x64xi32, #tpu.memory_space<vmem>>
        %dma_wait3A_450 = tpu.memref_squeeze %dma_wait3A_449 : memref<1x64xi32, #tpu.memory_space<vmem>> -> memref<64xi32, #tpu.memory_space<vmem>>
        %dma_wait3A_451 = arith.constant 0 : i32
        %dma_wait3A_452 = tpu.memref_slice %arg3[%dma_wait3A_440, %add3A_439, %dma_wait3A_451] : memref<2x5120x64xi32, #tpu.memory_space<hbm>> -> memref<1x1x64xi32, #tpu.memory_space<hbm>>
        %dma_wait3A_453 = tpu.memref_squeeze %dma_wait3A_452 : memref<1x1x64xi32, #tpu.memory_space<hbm>> -> memref<64xi32, #tpu.memory_space<hbm>>
        tpu.wait_dma2 semaphore(%arg28 : memref<!tpu.dma_semaphore, #tpu.memory_space<semaphore_mem>>) src(%dma_wait3A_453 : memref<64xi32, #tpu.memory_space<hbm>>) dst(%dma_wait3A_450 : memref<64xi32, #tpu.memory_space<vmem>>)
      } else {
      }
      %dma_start3A_412 = arith.constant 4 : i32
      %dma_start3A_413 = arith.constant 4 : i32
      %dma_start3A_414 = arith.constant 0 : i32
      %dma_start3A_415 = arith.constant 0 : i32
      %dma_start3A_416 = tpu.memref_slice %arg7[%dma_start3A_412, %dma_start3A_414, %dma_start3A_415] : memref<5x64x128xf32, #tpu.memory_space<vmem>> -> memref<1x64x128xf32, #tpu.memory_space<vmem>>
      %dma_start3A_417 = tpu.memref_squeeze %dma_start3A_416 : memref<1x64x128xf32, #tpu.memory_space<vmem>> -> memref<64x128xf32, #tpu.memory_space<vmem>>
      %dma_start3A_418 = arith.constant 0 : i32
      %dma_start3A_419 = tpu.memref_slice %arg6[%dma_start3A_413, %dma_start3A_418] : memref<5x64xi32, #tpu.memory_space<vmem>> -> memref<1x64xi32, #tpu.memory_space<vmem>>
      %dma_start3A_420 = tpu.memref_squeeze %dma_start3A_419 : memref<1x64xi32, #tpu.memory_space<vmem>> -> memref<64xi32, #tpu.memory_space<vmem>>
      %dma_start3A_421 = arith.constant 0 : i32
      %dma_start3A_422 = arith.constant 0 : i32
      %dma_start3A_423 = tpu.memref_slice %arg8[%dma_start3A_421, %dma_start3A_422] : memref<10240x128xf32, #tpu.memory_space<vmem_shared>> -> memref<10240x128xf32, #tpu.memory_space<vmem_shared>>
      tpu.enqueue_indirect_dma source(%dma_start3A_417 : memref<64x128xf32, #tpu.memory_space<vmem>>) target(%dma_start3A_423 : memref<10240x128xf32, #tpu.memory_space<vmem_shared>>) offsets(%dma_start3A_420 : memref<64xi32, #tpu.memory_space<vmem>>) semaphore(%arg18 : memref<!tpu.dma_semaphore, #tpu.memory_space<semaphore_mem>>) {add = true}
      %ge3A_424 = arith.constant 2 : i32
      %ge3A_425 = arith.cmpi sge, %add3A_394, %ge3A_424 : i32
      %convert_element_type3A_426 = arith.extui %ge3A_425 : i1 to i32
      %cond3A_427 = arith.constant 0 : i32
      %cond3A_428 = arith.cmpi ne, %convert_element_type3A_426, %cond3A_427 : i32
      scf.if %cond3A_428 {
        %dma_wait3A_439 = arith.constant 2 : i32
        %dma_wait3A_440 = arith.constant 2 : i32
        %dma_wait3A_441 = arith.constant 0 : i32
        %dma_wait3A_442 = arith.constant 0 : i32
        %dma_wait3A_443 = tpu.memref_slice %arg7[%dma_wait3A_439, %dma_wait3A_441, %dma_wait3A_442] : memref<5x64x128xf32, #tpu.memory_space<vmem>> -> memref<1x64x128xf32, #tpu.memory_space<vmem>>
        %dma_wait3A_444 = tpu.memref_squeeze %dma_wait3A_443 : memref<1x64x128xf32, #tpu.memory_space<vmem>> -> memref<64x128xf32, #tpu.memory_space<vmem>>
        %dma_wait3A_445 = arith.constant 0 : i32
        %dma_wait3A_446 = tpu.memref_slice %arg6[%dma_wait3A_440, %dma_wait3A_445] : memref<5x64xi32, #tpu.memory_space<vmem>> -> memref<1x64xi32, #tpu.memory_space<vmem>>
        %dma_wait3A_447 = tpu.memref_squeeze %dma_wait3A_446 : memref<1x64xi32, #tpu.memory_space<vmem>> -> memref<64xi32, #tpu.memory_space<vmem>>
        %dma_wait3A_448 = arith.constant 0 : i32
        %dma_wait3A_449 = arith.constant 0 : i32
        %dma_wait3A_450 = tpu.memref_slice %arg8[%dma_wait3A_448, %dma_wait3A_449] : memref<10240x128xf32, #tpu.memory_space<vmem_shared>> -> memref<10240x128xf32, #tpu.memory_space<vmem_shared>>
        tpu.wait_indirect_dma semaphore(%arg16 : memref<!tpu.dma_semaphore, #tpu.memory_space<semaphore_mem>>) src(%dma_wait3A_444 : memref<64x128xf32, #tpu.memory_space<vmem>>) dst(%dma_wait3A_450 : memref<10240x128xf32, #tpu.memory_space<vmem_shared>>)
        %lt3A_451 = arith.constant 157 : i32
        %lt3A_452 = arith.cmpi slt, %add3A_394, %lt3A_451 : i32
        %convert_element_type3A_453 = arith.extui %lt3A_452 : i1 to i32
        %cond3A_454 = arith.constant 0 : i32
        %cond3A_455 = arith.cmpi ne, %convert_element_type3A_453, %cond3A_454 : i32
        scf.if %cond3A_455 {
          %add3A_456 = arith.constant 3 : i32
          %add3A_457 = arith.addi %add3A_394, %add3A_456 : i32
          %add3A_458 = arith.addi %mul3A_2, %add3A_457 : i32
          %dma_start3A_459 = arith.constant 1 : i32
          %dma_start3A_460 = arith.constant 2 : i32
          %dma_start3A_461 = arith.constant 0 : i32
          %dma_start3A_462 = tpu.memref_slice %arg6[%dma_start3A_460, %dma_start3A_461] : memref<5x64xi32, #tpu.memory_space<vmem>> -> memref<1x64xi32, #tpu.memory_space<vmem>>
          %dma_start3A_463 = tpu.memref_squeeze %dma_start3A_462 : memref<1x64xi32, #tpu.memory_space<vmem>> -> memref<64xi32, #tpu.memory_space<vmem>>
          %dma_start3A_464 = arith.constant 0 : i32
          %dma_start3A_465 = tpu.memref_slice %arg3[%dma_start3A_459, %add3A_458, %dma_start3A_464] : memref<2x5120x64xi32, #tpu.memory_space<hbm>> -> memref<1x1x64xi32, #tpu.memory_space<hbm>>
          %dma_start3A_466 = tpu.memref_squeeze %dma_start3A_465 : memref<1x1x64xi32, #tpu.memory_space<hbm>> -> memref<64xi32, #tpu.memory_space<hbm>>
          %dma_start3A_467 = arith.constant 0 : i32
          %dma_start3A_468 = tpu.memref_slice %arg6[%dma_start3A_460, %dma_start3A_467] : memref<5x64xi32, #tpu.memory_space<vmem>> -> memref<1x64xi32, #tpu.memory_space<vmem>>
          %dma_start3A_469 = tpu.memref_squeeze %dma_start3A_468 : memref<1x64xi32, #tpu.memory_space<vmem>> -> memref<64xi32, #tpu.memory_space<vmem>>
          %dma_start3A_470 = arith.constant 0 : i32
          %dma_start3A_471 = tpu.memref_slice %arg3[%dma_start3A_459, %add3A_458, %dma_start3A_470] : memref<2x5120x64xi32, #tpu.memory_space<hbm>> -> memref<1x1x64xi32, #tpu.memory_space<hbm>>
          %dma_start3A_472 = tpu.memref_squeeze %dma_start3A_471 : memref<1x1x64xi32, #tpu.memory_space<hbm>> -> memref<64xi32, #tpu.memory_space<hbm>>
          tpu.enqueue_dma source(%dma_start3A_472 : memref<64xi32, #tpu.memory_space<hbm>>) target(%dma_start3A_469 : memref<64xi32, #tpu.memory_space<vmem>>) target_semaphore(%arg26 : memref<!tpu.dma_semaphore, #tpu.memory_space<semaphore_mem>>)
        } else {
        }
      } else {
      }
      %lt3A_429 = arith.constant 157 : i32
      %lt3A_430 = arith.cmpi slt, %add3A_394, %lt3A_429 : i32
      %convert_element_type3A_431 = arith.extui %lt3A_430 : i1 to i32
      %cond3A_432 = arith.constant 0 : i32
      %cond3A_433 = arith.cmpi ne, %convert_element_type3A_431, %cond3A_432 : i32
      scf.if %cond3A_433 {
        %add3A_439 = arith.constant 3 : i32
        %add3A_440 = arith.addi %add3A_394, %add3A_439 : i32
        %add3A_441 = arith.addi %mul3A_2, %add3A_440 : i32
        %dma_wait3A_442 = arith.constant 0 : i32
        %dma_wait3A_443 = arith.constant 2 : i32
        %dma_wait3A_444 = arith.constant 0 : i32
        %dma_wait3A_445 = tpu.memref_slice %arg5[%dma_wait3A_443, %dma_wait3A_444] : memref<5x64xi32, #tpu.memory_space<vmem>> -> memref<1x64xi32, #tpu.memory_space<vmem>>
        %dma_wait3A_446 = tpu.memref_squeeze %dma_wait3A_445 : memref<1x64xi32, #tpu.memory_space<vmem>> -> memref<64xi32, #tpu.memory_space<vmem>>
        %dma_wait3A_447 = arith.constant 0 : i32
        %dma_wait3A_448 = tpu.memref_slice %arg3[%dma_wait3A_442, %add3A_441, %dma_wait3A_447] : memref<2x5120x64xi32, #tpu.memory_space<hbm>> -> memref<1x1x64xi32, #tpu.memory_space<hbm>>
        %dma_wait3A_449 = tpu.memref_squeeze %dma_wait3A_448 : memref<1x1x64xi32, #tpu.memory_space<hbm>> -> memref<64xi32, #tpu.memory_space<hbm>>
        %dma_wait3A_450 = arith.constant 0 : i32
        %dma_wait3A_451 = tpu.memref_slice %arg5[%dma_wait3A_443, %dma_wait3A_450] : memref<5x64xi32, #tpu.memory_space<vmem>> -> memref<1x64xi32, #tpu.memory_space<vmem>>
        %dma_wait3A_452 = tpu.memref_squeeze %dma_wait3A_451 : memref<1x64xi32, #tpu.memory_space<vmem>> -> memref<64xi32, #tpu.memory_space<vmem>>
        %dma_wait3A_453 = arith.constant 0 : i32
        %dma_wait3A_454 = tpu.memref_slice %arg3[%dma_wait3A_442, %add3A_441, %dma_wait3A_453] : memref<2x5120x64xi32, #tpu.memory_space<hbm>> -> memref<1x1x64xi32, #tpu.memory_space<hbm>>
        %dma_wait3A_455 = tpu.memref_squeeze %dma_wait3A_454 : memref<1x1x64xi32, #tpu.memory_space<hbm>> -> memref<64xi32, #tpu.memory_space<hbm>>
        tpu.wait_dma2 semaphore(%arg21 : memref<!tpu.dma_semaphore, #tpu.memory_space<semaphore_mem>>) src(%dma_wait3A_455 : memref<64xi32, #tpu.memory_space<hbm>>) dst(%dma_wait3A_452 : memref<64xi32, #tpu.memory_space<vmem>>)
        %dma_start3A_456 = arith.constant 2 : i32
        %dma_start3A_457 = arith.constant 2 : i32
        %dma_start3A_458 = arith.constant 0 : i32
        %dma_start3A_459 = arith.constant 0 : i32
        %dma_start3A_460 = tpu.memref_slice %arg7[%dma_start3A_457, %dma_start3A_458, %dma_start3A_459] : memref<5x64x128xf32, #tpu.memory_space<vmem>> -> memref<1x64x128xf32, #tpu.memory_space<vmem>>
        %dma_start3A_461 = tpu.memref_squeeze %dma_start3A_460 : memref<1x64x128xf32, #tpu.memory_space<vmem>> -> memref<64x128xf32, #tpu.memory_space<vmem>>
        %dma_start3A_462 = arith.constant 0 : i32
        %dma_start3A_463 = tpu.memref_slice %arg5[%dma_start3A_456, %dma_start3A_462] : memref<5x64xi32, #tpu.memory_space<vmem>> -> memref<1x64xi32, #tpu.memory_space<vmem>>
        %dma_start3A_464 = tpu.memref_squeeze %dma_start3A_463 : memref<1x64xi32, #tpu.memory_space<vmem>> -> memref<64xi32, #tpu.memory_space<vmem>>
        %dma_start3A_465 = arith.constant 0 : i32
        %dma_start3A_466 = arith.constant 0 : i32
        %dma_start3A_467 = tpu.memref_slice %arg2[%dma_start3A_465, %dma_start3A_466] : memref<10000x128xf32, #tpu.memory_space<hbm>> -> memref<10000x128xf32, #tpu.memory_space<hbm>>
        tpu.enqueue_indirect_dma source(%dma_start3A_467 : memref<10000x128xf32, #tpu.memory_space<hbm>>) target(%dma_start3A_461 : memref<64x128xf32, #tpu.memory_space<vmem>>) offsets(%dma_start3A_464 : memref<64xi32, #tpu.memory_space<vmem>>) semaphore(%arg11 : memref<!tpu.dma_semaphore, #tpu.memory_space<semaphore_mem>>)
      } else {
      }
      %lt3A_434 = arith.constant 156 : i32
      %lt3A_435 = arith.cmpi slt, %add3A_394, %lt3A_434 : i32
      %convert_element_type3A_436 = arith.extui %lt3A_435 : i1 to i32
      %cond3A_437 = arith.constant 0 : i32
      %cond3A_438 = arith.cmpi ne, %convert_element_type3A_436, %cond3A_437 : i32
      scf.if %cond3A_438 {
        %add3A_439 = arith.constant 3 : i32
        %add3A_440 = arith.addi %add3A_394, %add3A_439 : i32
        %add3A_441 = arith.constant 1 : i32
        %add3A_442 = arith.addi %add3A_440, %add3A_441 : i32
        %add3A_443 = arith.addi %mul3A_2, %add3A_442 : i32
        %dma_start3A_444 = arith.constant 0 : i32
        %dma_start3A_445 = arith.constant 3 : i32
        %dma_start3A_446 = arith.constant 0 : i32
        %dma_start3A_447 = tpu.memref_slice %arg5[%dma_start3A_445, %dma_start3A_446] : memref<5x64xi32, #tpu.memory_space<vmem>> -> memref<1x64xi32, #tpu.memory_space<vmem>>
        %dma_start3A_448 = tpu.memref_squeeze %dma_start3A_447 : memref<1x64xi32, #tpu.memory_space<vmem>> -> memref<64xi32, #tpu.memory_space<vmem>>
        %dma_start3A_449 = arith.constant 0 : i32
        %dma_start3A_450 = tpu.memref_slice %arg3[%dma_start3A_444, %add3A_443, %dma_start3A_449] : memref<2x5120x64xi32, #tpu.memory_space<hbm>> -> memref<1x1x64xi32, #tpu.memory_space<hbm>>
        %dma_start3A_451 = tpu.memref_squeeze %dma_start3A_450 : memref<1x1x64xi32, #tpu.memory_space<hbm>> -> memref<64xi32, #tpu.memory_space<hbm>>
        %dma_start3A_452 = arith.constant 0 : i32
        %dma_start3A_453 = tpu.memref_slice %arg5[%dma_start3A_445, %dma_start3A_452] : memref<5x64xi32, #tpu.memory_space<vmem>> -> memref<1x64xi32, #tpu.memory_space<vmem>>
        %dma_start3A_454 = tpu.memref_squeeze %dma_start3A_453 : memref<1x64xi32, #tpu.memory_space<vmem>> -> memref<64xi32, #tpu.memory_space<vmem>>
        %dma_start3A_455 = arith.constant 0 : i32
        %dma_start3A_456 = tpu.memref_slice %arg3[%dma_start3A_444, %add3A_443, %dma_start3A_455] : memref<2x5120x64xi32, #tpu.memory_space<hbm>> -> memref<1x1x64xi32, #tpu.memory_space<hbm>>
        %dma_start3A_457 = tpu.memref_squeeze %dma_start3A_456 : memref<1x1x64xi32, #tpu.memory_space<hbm>> -> memref<64xi32, #tpu.memory_space<hbm>>
        tpu.enqueue_dma source(%dma_start3A_457 : memref<64xi32, #tpu.memory_space<hbm>>) target(%dma_start3A_454 : memref<64xi32, #tpu.memory_space<vmem>>) target_semaphore(%arg22 : memref<!tpu.dma_semaphore, #tpu.memory_space<semaphore_mem>>)
      } else {
      }
    }
    %scan3A_179 = arith.constant 32 : i32
    %dma_wait3A = arith.constant 3 : i32
    %dma_wait3A_180 = arith.constant 3 : i32
    %dma_wait3A_181 = arith.constant 0 : i32
    %dma_wait3A_182 = arith.constant 0 : i32
    %dma_wait3A_183 = tpu.memref_slice %arg7[%dma_wait3A, %dma_wait3A_181, %dma_wait3A_182] : memref<5x64x128xf32, #tpu.memory_space<vmem>> -> memref<1x64x128xf32, #tpu.memory_space<vmem>>
    %dma_wait3A_184 = tpu.memref_squeeze %dma_wait3A_183 : memref<1x64x128xf32, #tpu.memory_space<vmem>> -> memref<64x128xf32, #tpu.memory_space<vmem>>
    %dma_wait3A_185 = arith.constant 0 : i32
    %dma_wait3A_186 = tpu.memref_slice %arg6[%dma_wait3A_180, %dma_wait3A_185] : memref<5x64xi32, #tpu.memory_space<vmem>> -> memref<1x64xi32, #tpu.memory_space<vmem>>
    %dma_wait3A_187 = tpu.memref_squeeze %dma_wait3A_186 : memref<1x64xi32, #tpu.memory_space<vmem>> -> memref<64xi32, #tpu.memory_space<vmem>>
    %dma_wait3A_188 = arith.constant 0 : i32
    %dma_wait3A_189 = arith.constant 0 : i32
    %dma_wait3A_190 = tpu.memref_slice %arg8[%dma_wait3A_188, %dma_wait3A_189] : memref<10240x128xf32, #tpu.memory_space<vmem_shared>> -> memref<10240x128xf32, #tpu.memory_space<vmem_shared>>
    tpu.wait_indirect_dma semaphore(%arg17 : memref<!tpu.dma_semaphore, #tpu.memory_space<semaphore_mem>>) src(%dma_wait3A_184 : memref<64x128xf32, #tpu.memory_space<vmem>>) dst(%dma_wait3A_190 : memref<10240x128xf32, #tpu.memory_space<vmem_shared>>)
    %dma_wait3A_191 = arith.constant 4 : i32
    %dma_wait3A_192 = arith.constant 4 : i32
    %dma_wait3A_193 = arith.constant 0 : i32
    %dma_wait3A_194 = arith.constant 0 : i32
    %dma_wait3A_195 = tpu.memref_slice %arg7[%dma_wait3A_191, %dma_wait3A_193, %dma_wait3A_194] : memref<5x64x128xf32, #tpu.memory_space<vmem>> -> memref<1x64x128xf32, #tpu.memory_space<vmem>>
    %dma_wait3A_196 = tpu.memref_squeeze %dma_wait3A_195 : memref<1x64x128xf32, #tpu.memory_space<vmem>> -> memref<64x128xf32, #tpu.memory_space<vmem>>
    %dma_wait3A_197 = arith.constant 0 : i32
    %dma_wait3A_198 = tpu.memref_slice %arg6[%dma_wait3A_192, %dma_wait3A_197] : memref<5x64xi32, #tpu.memory_space<vmem>> -> memref<1x64xi32, #tpu.memory_space<vmem>>
    %dma_wait3A_199 = tpu.memref_squeeze %dma_wait3A_198 : memref<1x64xi32, #tpu.memory_space<vmem>> -> memref<64xi32, #tpu.memory_space<vmem>>
    %dma_wait3A_200 = arith.constant 0 : i32
    %dma_wait3A_201 = arith.constant 0 : i32
    %dma_wait3A_202 = tpu.memref_slice %arg8[%dma_wait3A_200, %dma_wait3A_201] : memref<10240x128xf32, #tpu.memory_space<vmem_shared>> -> memref<10240x128xf32, #tpu.memory_space<vmem_shared>>
    tpu.wait_indirect_dma semaphore(%arg18 : memref<!tpu.dma_semaphore, #tpu.memory_space<semaphore_mem>>) src(%dma_wait3A_196 : memref<64x128xf32, #tpu.memory_space<vmem>>) dst(%dma_wait3A_202 : memref<10240x128xf32, #tpu.memory_space<vmem_shared>>)
    %barrier3A_203 = arith.constant 0 : index
    tpu.barrier barrier_id(%barrier3A_203)
    %mul3A_204 = arith.constant 640 : i32
    %mul3A_205 = arith.muli %arg1, %mul3A_204 : i32
    %mul3A_206 = arith.constant 640 : i32
    %mul3A_207 = arith.muli %arg1, %mul3A_206 : i32
    "tpu.region"() ({
      %run_scoped3A_208 = tpu.sem_alloc : memref<!tpu.dma_semaphore, #tpu.memory_space<semaphore_mem>>
      %dma_start3A_209 = arith.constant 0 : i32
      %dma_start3A_210 = tpu.memref_slice %arg4[%arg0, %mul3A_207, %dma_start3A_209] : memref<2x10240x128xf32, #tpu.memory_space<hbm>> -> memref<1x640x128xf32, #tpu.memory_space<hbm>>
      %dma_start3A_211 = tpu.memref_squeeze %dma_start3A_210 : memref<1x640x128xf32, #tpu.memory_space<hbm>> -> memref<640x128xf32, #tpu.memory_space<hbm>>
      %dma_start3A_212 = arith.constant 0 : i32
      %dma_start3A_213 = tpu.memref_slice %arg8[%mul3A_205, %dma_start3A_212] : memref<10240x128xf32, #tpu.memory_space<vmem_shared>> -> memref<640x128xf32, #tpu.memory_space<vmem_shared>>
      tpu.enqueue_dma source(%dma_start3A_213 : memref<640x128xf32, #tpu.memory_space<vmem_shared>>) target(%dma_start3A_211 : memref<640x128xf32, #tpu.memory_space<hbm>>) target_semaphore(%run_scoped3A_208 : memref<!tpu.dma_semaphore, #tpu.memory_space<semaphore_mem>>)
      %dma_wait3A_214 = arith.constant 0 : i32
      %dma_wait3A_215 = tpu.memref_slice %arg4[%arg0, %mul3A_207, %dma_wait3A_214] : memref<2x10240x128xf32, #tpu.memory_space<hbm>> -> memref<1x640x128xf32, #tpu.memory_space<hbm>>
      %dma_wait3A_216 = tpu.memref_squeeze %dma_wait3A_215 : memref<1x640x128xf32, #tpu.memory_space<hbm>> -> memref<640x128xf32, #tpu.memory_space<hbm>>
      %dma_wait3A_217 = arith.constant 0 : i32
      %dma_wait3A_218 = tpu.memref_slice %arg8[%mul3A_205, %dma_wait3A_217] : memref<10240x128xf32, #tpu.memory_space<vmem_shared>> -> memref<640x128xf32, #tpu.memory_space<vmem_shared>>
      tpu.wait_dma2 semaphore(%run_scoped3A_208 : memref<!tpu.dma_semaphore, #tpu.memory_space<semaphore_mem>>) src(%dma_wait3A_218 : memref<640x128xf32, #tpu.memory_space<vmem_shared>>) dst(%dma_wait3A_216 : memref<640x128xf32, #tpu.memory_space<hbm>>)
      tpu.yield
    }) : () -> ()
    return
  }
}

module attributes {stable_mosaic.version = 14 : i64} {
  func.func @body(%arg0: i32, %arg1: memref<1x2000x128xf32, #tpu.memory_space<vmem>>, %arg2: memref<1x2000x128xf32, #tpu.memory_space<vmem>>, %arg3: memref<2000x128xf32, #tpu.memory_space<vmem>>, %arg4: memref<2000x8xf32, #tpu.memory_space<vmem>>, %arg5: memref<128x128xf32, #tpu.memory_space<vmem>>, %arg6: memref<128x128xf32, #tpu.memory_space<vmem>>, %arg7: memref<1x128xf32, #tpu.memory_space<vmem>>, %arg8: memref<2000x128xf32, #tpu.memory_space<vmem>>) attributes {dimension_semantics = [#tpu.dimension_semantics<arbitrary>], iteration_bounds = array<i64: 5>, scalar_prefetch = 0 : i64, scratch_operands = 0 : i64, tpu.core_type = #tpu.core_type<tc>, window_params = [{transform_indices = @transform_0, window_bounds = array<i64: 1, 2000, 128>}, {transform_indices = @transform_1, window_bounds = array<i64: 1, 2000, 128>}, {transform_indices = @transform_2, window_bounds = array<i64: 2000, 128>}, {transform_indices = @transform_3, window_bounds = array<i64: 2000, 8>}, {pipeline_mode = #tpu.pipeline_mode<synchronous>, transform_indices = @transform_4, window_bounds = array<i64: 128, 128>}, {pipeline_mode = #tpu.pipeline_mode<synchronous>, transform_indices = @transform_5, window_bounds = array<i64: 128, 128>}, {pipeline_mode = #tpu.pipeline_mode<synchronous>, transform_indices = @transform_6, window_bounds = array<i64: 1, 128>}, {transform_indices = @transform_7, window_bounds = array<i64: 2000, 128>}]} {
    %get3A = arith.constant 0 : index
    %get3A_0 = arith.constant 0 : index
    %get3A_1 = arith.constant 0 : index
    %get3A_2 = vector.load %arg1[%get3A, %get3A_0, %get3A_1] : memref<1x2000x128xf32, #tpu.memory_space<vmem>>, vector<1x2000x128xf32>
    %get3A_3 = vector.shape_cast %get3A_2 : vector<1x2000x128xf32> to vector<2000x128xf32>
    %get3A_4 = arith.constant 0 : index
    %get3A_5 = arith.constant 0 : index
    %get3A_6 = arith.constant 0 : index
    %get3A_7 = vector.load %arg2[%get3A_4, %get3A_5, %get3A_6] : memref<1x2000x128xf32, #tpu.memory_space<vmem>>, vector<1x2000x128xf32>
    %get3A_8 = vector.shape_cast %get3A_7 : vector<1x2000x128xf32> to vector<2000x128xf32>
    %add3A = arith.addf %get3A_3, %get3A_8 : vector<2000x128xf32>
    %get3A_9 = arith.constant 0 : index
    %get3A_10 = arith.constant 0 : index
    %get3A_11 = vector.load %arg4[%get3A_9, %get3A_10] : memref<2000x8xf32, #tpu.memory_space<vmem>>, vector<2000x8xf32>
    %slice3A = vector.extract_strided_slice %get3A_11 {offsets = [0, 0], sizes = [2000, 1], strides = [1, 1]} : vector<2000x8xf32> to vector<2000x1xf32>
    %mul3A = vector.broadcast %slice3A : vector<2000x1xf32> to vector<2000x128xf32>
    %mul3A_12 = arith.mulf %add3A, %mul3A : vector<2000x128xf32>
    %get3A_13 = arith.constant 0 : index
    %get3A_14 = arith.constant 0 : index
    %get3A_15 = vector.load %arg5[%get3A_13, %get3A_14] : memref<128x128xf32, #tpu.memory_space<vmem>>, vector<128x128xf32>
    %dot_general3A = arith.constant dense<0.000000e+00> : vector<2000x128xf32>
    %dot_general3A_16 = tpu.matmul %mul3A_12, %get3A_15, %dot_general3A {dimension_numbers = #tpu.dot_dimension_numbers<[1], [0], [0], [1], [0, 0, 1, 1], [], []>, precision = #tpu.contract_precision<fp32>, transpose_lhs_hint = false} : vector<2000x128xf32>, vector<128x128xf32>, vector<2000x128xf32> -> vector<2000x128xf32>
    %get3A_17 = arith.constant 0 : index
    %get3A_18 = arith.constant 0 : index
    %get3A_19 = vector.load %arg7[%get3A_17, %get3A_18] : memref<1x128xf32, #tpu.memory_space<vmem>>, vector<1x128xf32>
    %add3A_20 = vector.broadcast %get3A_19 : vector<1x128xf32> to vector<2000x128xf32>
    %add3A_21 = arith.addf %dot_general3A_16, %add3A_20 : vector<2000x128xf32>
    %get3A_22 = arith.constant 0 : index
    %get3A_23 = arith.constant 0 : index
    %get3A_24 = vector.load %arg3[%get3A_22, %get3A_23] : memref<2000x128xf32, #tpu.memory_space<vmem>>, vector<2000x128xf32>
    %get3A_25 = arith.constant 0 : index
    %get3A_26 = arith.constant 0 : index
    %get3A_27 = vector.load %arg6[%get3A_25, %get3A_26] : memref<128x128xf32, #tpu.memory_space<vmem>>, vector<128x128xf32>
    %dot_general3A_28 = arith.constant dense<0.000000e+00> : vector<2000x128xf32>
    %dot_general3A_29 = tpu.matmul %get3A_24, %get3A_27, %dot_general3A_28 {dimension_numbers = #tpu.dot_dimension_numbers<[1], [0], [0], [1], [0, 0, 1, 1], [], []>, precision = #tpu.contract_precision<fp32>, transpose_lhs_hint = false} : vector<2000x128xf32>, vector<128x128xf32>, vector<2000x128xf32> -> vector<2000x128xf32>
    %add3A_30 = arith.addf %add3A_21, %dot_general3A_29 : vector<2000x128xf32>
    %max3A = arith.constant 0.000000e+00 : f32
    %max3A_31 = vector.broadcast %max3A : f32 to vector<2000x128xf32>
    %max3A_32 = arith.maximumf %add3A_30, %max3A_31 : vector<2000x128xf32>
    %swap3A = arith.constant 0 : index
    %swap3A_33 = arith.constant 0 : index
    %swap3A_34 = vector.load %arg8[%swap3A, %swap3A_33] : memref<2000x128xf32, #tpu.memory_space<vmem>>, vector<2000x128xf32>
    tpu.vector_store %arg8[%swap3A, %swap3A_33], %max3A_32 {strides = array<i32>} : memref<2000x128xf32, #tpu.memory_space<vmem>>, vector<2000x128xf32>,
    return
  }
  func.func @transform_0(%arg0: i32) -> (i32, i32, i32) {
    %c0_i32 = arith.constant 0 : i32
    %c0_i32_0 = arith.constant 0 : i32
    %c0_i32_1 = arith.constant 0 : i32
    return %c0_i32, %arg0, %c0_i32_0 : i32, i32, i32
  }
  func.func @transform_1(%arg0: i32) -> (i32, i32, i32) {
    %c1_i32 = arith.constant 1 : i32
    %c0_i32 = arith.constant 0 : i32
    %c0_i32_0 = arith.constant 0 : i32
    return %c1_i32, %arg0, %c0_i32 : i32, i32, i32
  }
  func.func @transform_2(%arg0: i32) -> (i32, i32) {
    %c0_i32 = arith.constant 0 : i32
    %c0_i32_0 = arith.constant 0 : i32
    return %arg0, %c0_i32 : i32, i32
  }
  func.func @transform_3(%arg0: i32) -> (i32, i32) {
    %c0_i32 = arith.constant 0 : i32
    %c0_i32_0 = arith.constant 0 : i32
    return %arg0, %c0_i32 : i32, i32
  }
  func.func @transform_4(%arg0: i32) -> (i32, i32) {
    %c0_i32 = arith.constant 0 : i32
    %c0_i32_0 = arith.constant 0 : i32
    %c0_i32_1 = arith.constant 0 : i32
    return %c0_i32, %c0_i32_0 : i32, i32
  }
  func.func @transform_5(%arg0: i32) -> (i32, i32) {
    %c0_i32 = arith.constant 0 : i32
    %c0_i32_0 = arith.constant 0 : i32
    %c0_i32_1 = arith.constant 0 : i32
    return %c0_i32, %c0_i32_0 : i32, i32
  }
  func.func @transform_6(%arg0: i32) -> (i32, i32) {
    %c0_i32 = arith.constant 0 : i32
    %c0_i32_0 = arith.constant 0 : i32
    %c0_i32_1 = arith.constant 0 : i32
    return %c0_i32, %c0_i32_0 : i32, i32
  }
  func.func @transform_7(%arg0: i32) -> (i32, i32) {
    %c0_i32 = arith.constant 0 : i32
    %c0_i32_0 = arith.constant 0 : i32
    return %arg0, %c0_i32 : i32, i32
  }
}

module attributes {stable_mosaic.version = 14 : i64} {
  func.func @body(%arg0: i32, %arg1: memref<1x2000x128xf32, #tpu.memory_space<vmem>>, %arg2: memref<1x2000x128xf32, #tpu.memory_space<vmem>>, %arg3: memref<1x2000x16xf32, #tpu.memory_space<vmem>>, %arg4: memref<1x2000x16xf32, #tpu.memory_space<vmem>>, %arg5: memref<2000x128xf32, #tpu.memory_space<vmem>>, %arg6: memref<128x128xf32, #tpu.memory_space<vmem>>, %arg7: memref<128x128xf32, #tpu.memory_space<vmem>>, %arg8: memref<1x128xf32, #tpu.memory_space<vmem>>, %arg9: memref<2000x128xf32, #tpu.memory_space<vmem>>, %arg10: memref<2000x8xf32, #tpu.memory_space<vmem>>) attributes {dimension_semantics = [#tpu.dimension_semantics<arbitrary>], iteration_bounds = array<i64: 5>, scalar_prefetch = 0 : i64, scratch_operands = 0 : i64, tpu.core_type = #tpu.core_type<tc>, window_params = [{transform_indices = @transform_0, window_bounds = array<i64: 1, 2000, 128>}, {transform_indices = @transform_1, window_bounds = array<i64: 1, 2000, 128>}, {transform_indices = @transform_2, window_bounds = array<i64: 1, 2000, 16>}, {transform_indices = @transform_3, window_bounds = array<i64: 1, 2000, 16>}, {transform_indices = @transform_4, window_bounds = array<i64: 2000, 128>}, {pipeline_mode = #tpu.pipeline_mode<synchronous>, transform_indices = @transform_5, window_bounds = array<i64: 128, 128>}, {pipeline_mode = #tpu.pipeline_mode<synchronous>, transform_indices = @transform_6, window_bounds = array<i64: 128, 128>}, {pipeline_mode = #tpu.pipeline_mode<synchronous>, transform_indices = @transform_7, window_bounds = array<i64: 1, 128>}, {transform_indices = @transform_8, window_bounds = array<i64: 2000, 128>}, {transform_indices = @transform_9, window_bounds = array<i64: 2000, 8>}]} {
    %get3A = arith.constant 0 : index
    %get3A_0 = arith.constant 0 : index
    %get3A_1 = arith.constant 0 : index
    %get3A_2 = vector.load %arg1[%get3A, %get3A_0, %get3A_1] : memref<1x2000x128xf32, #tpu.memory_space<vmem>>, vector<1x2000x128xf32>
    %get3A_3 = vector.shape_cast %get3A_2 : vector<1x2000x128xf32> to vector<2000x128xf32>
    %get3A_4 = arith.constant 0 : index
    %get3A_5 = arith.constant 0 : index
    %get3A_6 = arith.constant 0 : index
    %get3A_7 = vector.load %arg2[%get3A_4, %get3A_5, %get3A_6] : memref<1x2000x128xf32, #tpu.memory_space<vmem>>, vector<1x2000x128xf32>
    %get3A_8 = vector.shape_cast %get3A_7 : vector<1x2000x128xf32> to vector<2000x128xf32>
    %add3A = arith.addf %get3A_3, %get3A_8 : vector<2000x128xf32>
    %get3A_9 = arith.constant 0 : index
    %get3A_10 = arith.constant 0 : index
    %get3A_11 = arith.constant 0 : index
    %get3A_12 = vector.load %arg3[%get3A_9, %get3A_10, %get3A_11] : memref<1x2000x16xf32, #tpu.memory_space<vmem>>, vector<1x2000x16xf32>
    %get3A_13 = vector.shape_cast %get3A_12 : vector<1x2000x16xf32> to vector<2000x16xf32>
    %get3A_14 = arith.constant 0 : index
    %get3A_15 = arith.constant 0 : index
    %get3A_16 = arith.constant 0 : index
    %get3A_17 = vector.load %arg4[%get3A_14, %get3A_15, %get3A_16] : memref<1x2000x16xf32, #tpu.memory_space<vmem>>, vector<1x2000x16xf32>
    %get3A_18 = vector.shape_cast %get3A_17 : vector<1x2000x16xf32> to vector<2000x16xf32>
    %add3A_19 = arith.addf %get3A_13, %get3A_18 : vector<2000x16xf32>
    %slice3A = vector.extract_strided_slice %add3A_19 {offsets = [0, 0], sizes = [2000, 1], strides = [1, 1]} : vector<2000x16xf32> to vector<2000x1xf32>
    %max3A = arith.constant 1.000000e+00 : f32
    %max3A_20 = vector.broadcast %max3A : f32 to vector<2000x1xf32>
    %max3A_21 = arith.maximumf %slice3A, %max3A_20 : vector<2000x1xf32>
    %div3A = arith.constant 1.000000e+00 : f32
    %div3A_22 = vector.broadcast %div3A : f32 to vector<2000x1xf32>
    %div3A_23 = arith.divf %div3A_22, %max3A_21 : vector<2000x1xf32>
    %mul3A = vector.broadcast %div3A_23 : vector<2000x1xf32> to vector<2000x128xf32>
    %mul3A_24 = arith.mulf %add3A, %mul3A : vector<2000x128xf32>
    %get3A_25 = arith.constant 0 : index
    %get3A_26 = arith.constant 0 : index
    %get3A_27 = vector.load %arg6[%get3A_25, %get3A_26] : memref<128x128xf32, #tpu.memory_space<vmem>>, vector<128x128xf32>
    %dot_general3A = arith.constant dense<0.000000e+00> : vector<2000x128xf32>
    %dot_general3A_28 = tpu.matmul %mul3A_24, %get3A_27, %dot_general3A {dimension_numbers = #tpu.dot_dimension_numbers<[1], [0], [0], [1], [0, 0, 1, 1], [], []>, precision = #tpu.contract_precision<fp32>, transpose_lhs_hint = false} : vector<2000x128xf32>, vector<128x128xf32>, vector<2000x128xf32> -> vector<2000x128xf32>
    %get3A_29 = arith.constant 0 : index
    %get3A_30 = arith.constant 0 : index
    %get3A_31 = vector.load %arg8[%get3A_29, %get3A_30] : memref<1x128xf32, #tpu.memory_space<vmem>>, vector<1x128xf32>
    %add3A_32 = vector.broadcast %get3A_31 : vector<1x128xf32> to vector<2000x128xf32>
    %add3A_33 = arith.addf %dot_general3A_28, %add3A_32 : vector<2000x128xf32>
    %get3A_34 = arith.constant 0 : index
    %get3A_35 = arith.constant 0 : index
    %get3A_36 = vector.load %arg5[%get3A_34, %get3A_35] : memref<2000x128xf32, #tpu.memory_space<vmem>>, vector<2000x128xf32>
    %get3A_37 = arith.constant 0 : index
    %get3A_38 = arith.constant 0 : index
    %get3A_39 = vector.load %arg7[%get3A_37, %get3A_38] : memref<128x128xf32, #tpu.memory_space<vmem>>, vector<128x128xf32>
    %dot_general3A_40 = arith.constant dense<0.000000e+00> : vector<2000x128xf32>
    %dot_general3A_41 = tpu.matmul %get3A_36, %get3A_39, %dot_general3A_40 {dimension_numbers = #tpu.dot_dimension_numbers<[1], [0], [0], [1], [0, 0, 1, 1], [], []>, precision = #tpu.contract_precision<fp32>, transpose_lhs_hint = false} : vector<2000x128xf32>, vector<128x128xf32>, vector<2000x128xf32> -> vector<2000x128xf32>
    %add3A_42 = arith.addf %add3A_33, %dot_general3A_41 : vector<2000x128xf32>
    %max3A_43 = arith.constant 0.000000e+00 : f32
    %max3A_44 = vector.broadcast %max3A_43 : f32 to vector<2000x128xf32>
    %max3A_45 = arith.maximumf %add3A_42, %max3A_44 : vector<2000x128xf32>
    %swap3A = arith.constant 0 : index
    %swap3A_46 = arith.constant 0 : index
    %swap3A_47 = vector.load %arg9[%swap3A, %swap3A_46] : memref<2000x128xf32, #tpu.memory_space<vmem>>, vector<2000x128xf32>
    tpu.vector_store %arg9[%swap3A, %swap3A_46], %max3A_45 {strides = array<i32>} : memref<2000x128xf32, #tpu.memory_space<vmem>>, vector<2000x128xf32>,
    %broadcast_in_dim3A = vector.shape_cast %div3A_23 : vector<2000x1xf32> to vector<2000x1xf32>
    %broadcast_in_dim3A_48 = vector.broadcast %broadcast_in_dim3A : vector<2000x1xf32> to vector<2000x8xf32>
    %swap3A_49 = arith.constant 0 : index
    %swap3A_50 = arith.constant 0 : index
    %swap3A_51 = vector.load %arg10[%swap3A_49, %swap3A_50] : memref<2000x8xf32, #tpu.memory_space<vmem>>, vector<2000x8xf32>
    tpu.vector_store %arg10[%swap3A_49, %swap3A_50], %broadcast_in_dim3A_48 {strides = array<i32>} : memref<2000x8xf32, #tpu.memory_space<vmem>>, vector<2000x8xf32>,
    return
  }
  func.func @transform_0(%arg0: i32) -> (i32, i32, i32) {
    %c0_i32 = arith.constant 0 : i32
    %c0_i32_0 = arith.constant 0 : i32
    %c0_i32_1 = arith.constant 0 : i32
    return %c0_i32, %arg0, %c0_i32_0 : i32, i32, i32
  }
  func.func @transform_1(%arg0: i32) -> (i32, i32, i32) {
    %c1_i32 = arith.constant 1 : i32
    %c0_i32 = arith.constant 0 : i32
    %c0_i32_0 = arith.constant 0 : i32
    return %c1_i32, %arg0, %c0_i32 : i32, i32, i32
  }
  func.func @transform_2(%arg0: i32) -> (i32, i32, i32) {
    %c0_i32 = arith.constant 0 : i32
    %c0_i32_0 = arith.constant 0 : i32
    %c0_i32_1 = arith.constant 0 : i32
    return %c0_i32, %arg0, %c0_i32_0 : i32, i32, i32
  }
  func.func @transform_3(%arg0: i32) -> (i32, i32, i32) {
    %c1_i32 = arith.constant 1 : i32
    %c0_i32 = arith.constant 0 : i32
    %c0_i32_0 = arith.constant 0 : i32
    return %c1_i32, %arg0, %c0_i32 : i32, i32, i32
  }
  func.func @transform_4(%arg0: i32) -> (i32, i32) {
    %c0_i32 = arith.constant 0 : i32
    %c0_i32_0 = arith.constant 0 : i32
    return %arg0, %c0_i32 : i32, i32
  }
  func.func @transform_5(%arg0: i32) -> (i32, i32) {
    %c0_i32 = arith.constant 0 : i32
    %c0_i32_0 = arith.constant 0 : i32
    %c0_i32_1 = arith.constant 0 : i32
    return %c0_i32, %c0_i32_0 : i32, i32
  }
  func.func @transform_6(%arg0: i32) -> (i32, i32) {
    %c0_i32 = arith.constant 0 : i32
    %c0_i32_0 = arith.constant 0 : i32
    %c0_i32_1 = arith.constant 0 : i32
    return %c0_i32, %c0_i32_0 : i32, i32
  }
  func.func @transform_7(%arg0: i32) -> (i32, i32) {
    %c0_i32 = arith.constant 0 : i32
    %c0_i32_0 = arith.constant 0 : i32
    %c0_i32_1 = arith.constant 0 : i32
    return %c0_i32, %c0_i32_0 : i32, i32
  }
  func.func @transform_8(%arg0: i32) -> (i32, i32) {
    %c0_i32 = arith.constant 0 : i32
    %c0_i32_0 = arith.constant 0 : i32
    return %arg0, %c0_i32 : i32, i32
  }
  func.func @transform_9(%arg0: i32) -> (i32, i32) {
    %c0_i32 = arith.constant 0 : i32
    %c0_i32_0 = arith.constant 0 : i32
    return %arg0, %c0_i32 : i32, i32
  }
}

</mosaic_0001>

<sc_bundles>
// kernel: kernel.6.cloned.1.call-start
scs
__scs_entry_jumppad:
0x0: {  	(pc) =	sbr.rel $0x88, $3  }
0x1: {  	(tag) =	ssettag $0x0;
	lr =	simm.s32 $0x1  }
0x2: {  	[smem:$0x3F99] =	sst lr;
	_ =	strace $0xD0000000  }
0x3: {  	_ = 	snop  }
0x4: {  	_ = 	snop  }
0x5: {  	_ = 	snop  }
0x6: {  	_ = 	snop  }
0x7: {  	_ = 	snop  }
__scs_overlays_trampoline_lowered:
0x8: {  	[smem:$0x3FA8] =	sst s0  }
0x9: {  	[smem:$0x3FA9] =	sst s1  }
0xa: {  	[smem:$0x3FAA] =	sst s2  }
0xb: {  	[smem:$0x3FAB] =	sst s3  }
0xc: {  	[smem:$0x3FAC] =	sst s4  }
0xd: {  	[smem:$0x3FAD] =	sst s5  }
0xe: {  	[smem:$0x3FAE] =	sst s6  }
0xf: {  	[smem:$0x3FAF] =	sst s7  }
0x10: {  	[smem:$0x3FB0] =	sst s8  }
0x11: {  	[smem:$0x3FB1] =	sst s9;
	s0 =	simm.s32 @!p0 $0x0  }
0x12: {  	s1 =	sld [smem:$0x3F97];
	s0 =	simm.s32 @p0 $0x1  }
0x13: {  	[smem:$0x3FB2] =	sst s0;
	s0 =	simm.s32 @!p1 $0x0  }
0x14: {  	s2 =	sld [smem:$0x3F96];
	s0 =	simm.s32 @p1 $0x1  }
0x15: {  	[smem:$0x3FB3] =	sst s0;
	s0 =	simm.s32 @!p2 $0x0  }
0x16: {  	s3 =	sld [smem:$0x3FDB];
	s0 =	simm.s32 @p2 $0x1  }
0x17: {  	s4 =	simm.s32 $0x1BF5;
	[smem:$0x3FB5] =	sst s0  }
0x18: {  	s0 =	sld [smem:$0x3F98];
	_ =	swait.ge [sflag:s4], $0x0  }
0x19: {  	s7 =	sld [smem:$0x3F99]  }
0x1a: {  	s8 =	sadd.s32 $0xFFFFE003, lr  }
0x1b: {  	s9 =	sadd.s32 $0xFFFFFEF7, lr;
	s5 =	simm.s32 $0xFFFFFFFF;
	p2 =	slt.u32 s8, $0xFFFFF086  }
0x1c: {  	p1 =	slt.u32 s9, $0xF7A;
	s5 =	simm.s32 @!p2 $0x0  }
0x1d: {  	s5 =	simm.s32 @p1 $0x1;
	p0 =	seq.s32 s7, s2  }
0x1e: {  	s7 =	smul.u32 @!p0 $0xF7A, s2;
	p2 =	seq.s32 @!p0 s5, $0x0  }
0x1f: {  	s9 =	smul.u32 $0xF7A, s1;
	s8 =	simm.s32 @!p0 $0x1BF5;
	p2 =	por !p2, p0  }
0x20: {  	[sflag:s8] =	ssyncset.s32 @!p0 $0xFFFFF086;
	s6 =	sadd.s32 @!p0 s3, s7;
	s7 =	simm.s32 @!p0 $0x108  }
0x21: {  	s3 =	sadd.s32 s3, s9;
	s6 =	sadd.s32 @!p0 $0x88, s6;
	s7 =	simm.s32 @p2 $0x1082  }
0x22: {  	[simem:s7], [sflag:s8] =	dma.local @!p0 [hbm:s6], $0xF7A  }
0x23: {  	s9 =	sor.u32 $0xD0000000, s2;
	s6 =	simm.s32 $0x108;
	_ =	swait.ge @!p0 [sflag:s8], $0x0  }
0x24: {  	s3 =	sadd.s32 $0x88, s3;
	s6 =	simm.s32 @!p1 $0x1082;
	[sflag:s4] =	ssyncset.s32 $0xFFFFF086  }
0x25: {  	[simem:s6], [sflag:s4] =	dma.local [hbm:s3], $0xF7A  }
0x26: {  	[smem:$0x3F99] =	sst s1;
	(tag) =	ssettag s2;
	_ =	strace s9  }
0x27: {  	s1 =	sld [smem:$0x3FA9]  }
0x28: {  	s2 =	sld [smem:$0x3FAA]  }
0x29: {  	s4 =	sld [smem:$0x3FAC]  }
0x2a: {  	p0 =	seq.s32 s5, $0x0;
	s5 =	sld [smem:$0x3FAD]  }
0x2b: {  	s6 =	sld [smem:$0x3FAE]  }
0x2c: {  	s7 =	sld [smem:$0x3FAF]  }
0x2d: {  	s3 =	simm.s32 $0x108;
	s8 =	sld [smem:$0x3FB0]  }
0x2e: {  	s3 =	simm.s32 @!p0 $0x1082;
	s9 =	sld [smem:$0x3FB1]  }
0x2f: {  	lr =	sadd.s32 s0, s3;
	s0 =	sld [smem:$0x3FA8]  }
0x30: {  	s3 =	sld [smem:$0x3FAB]  }
0x31: {  	[smem:$0x3FB4] =	sst s10  }
0x32: {  	s10 =	sld [smem:$0x3FB2];
	_ =	sdelay $0x3  }
0x33: {  	p0 =	seq.s32 s10, $0x1;
	s10 =	sld [smem:$0x3FB4];
	_ =	sdelay $0x3  }
0x34: {  	[smem:$0x3FB4] =	sst s10  }
0x35: {  	s10 =	sld [smem:$0x3FB3];
	_ =	sdelay $0x3  }
0x36: {  	p1 =	seq.s32 s10, $0x1;
	s10 =	sld [smem:$0x3FB4];
	_ =	sdelay $0x3  }
0x37: {  	[smem:$0x3FB4] =	sst s10  }
0x38: {  	s10 =	sld [smem:$0x3FB5]  }
0x39: {  	_ = 	snop;
	(pc) =	sbr.ind lr, $3  }
0x3a: {  	_ = 	snop  }
0x3b: {  	_ = 	snop  }
0x3c: {  	p2 =	seq.s32 s10, $0x1;
	s10 =	sld [smem:$0x3FB4]  }
0x3d: {  	_ =	shalt  }
0x3e: {  	_ =	shalt  }
0x3f: {  	_ =	shalt  }
0x40: {  	_ =	shalt  }
0x41: {  	_ =	shalt  }
0x42: {  	_ =	shalt  }
0x43: {  	_ =	shalt  }
0x44: {  	_ =	shalt  }
0x45: {  	_ =	shalt  }
0x46: {  	_ =	shalt  }
0x47: {  	_ =	shalt  }
0x48: {  	_ =	shalt  }
0x49: {  	_ =	shalt  }
0x4a: {  	_ =	shalt  }
0x4b: {  	_ =	shalt  }
0x4c: {  	_ =	shalt  }
0x4d: {  	_ =	shalt  }
0x4e: {  	_ =	shalt  }
0x4f: {  	_ =	shalt  }
0x50: {  	_ =	shalt  }
0x51: {  	_ =	shalt  }
0x52: {  	_ =	shalt  }
0x53: {  	_ =	shalt  }
0x54: {  	_ =	shalt  }
0x55: {  	_ =	shalt  }
0x56: {  	_ =	shalt  }
0x57: {  	_ =	shalt  }
0x58: {  	_ =	shalt  }
0x59: {  	_ =	shalt  }
0x5a: {  	_ =	shalt  }
0x5b: {  	_ =	shalt  }
0x5c: {  	_ =	shalt  }
0x5d: {  	_ =	shalt  }
0x5e: {  	_ =	shalt  }
0x5f: {  	_ =	shalt  }
0x60: {  	_ =	shalt  }
0x61: {  	_ =	shalt  }
0x62: {  	_ =	shalt  }
0x63: {  	_ =	shalt  }
0x64: {  	_ =	shalt  }
0x65: {  	_ =	shalt  }
0x66: {  	_ =	shalt  }
0x67: {  	_ =	shalt  }
0x68: {  	_ =	shalt  }
0x69: {  	_ =	shalt  }
0x6a: {  	_ =	shalt  }
0x6b: {  	_ =	shalt  }
0x6c: {  	_ =	shalt  }
0x6d: {  	_ =	shalt  }
0x6e: {  	_ =	shalt  }
0x6f: {  	_ =	shalt  }
0x70: {  	_ =	shalt  }
0x71: {  	_ =	shalt  }
0x72: {  	_ =	shalt  }
0x73: {  	_ =	shalt  }
0x74: {  	_ =	shalt  }
0x75: {  	_ =	shalt  }
0x76: {  	_ =	shalt  }
0x77: {  	_ =	shalt  }
0x78: {  	_ =	shalt  }
0x79: {  	_ =	shalt  }
0x7a: {  	_ =	shalt  }
0x7b: {  	_ =	shalt  }
0x7c: {  	_ =	shalt  }
0x7d: {  	_ =	shalt  }
0x7e: {  	_ =	shalt  }
0x7f: {  	_ =	shalt  }
0x80: {  	_ =	shalt  }
0x81: {  	_ =	shalt  }
0x82: {  	_ =	shalt  }
0x83: {  	_ =	shalt  }
0x84: {  	_ =	shalt  }
0x85: {  	_ =	shalt  }
0x86: {  	_ =	shalt  }
0x87: {  	_ =	shalt  }
.Lfunc_end0:
.L_simem_size_0:
called_computation_lowered:
.L_overlay_start_0:
0x88: {  	s2 =	sld [smem:$0x3FD9]  }
0x89: {  	s3 =	sld [smem:$0x3FFE];
	_ =	sdelay $0x1  }
0x8a: {  	s1 =	srdreg.scid  }
0x8b: {  	s0 =	sand.u32 $0x1, s1  }
0x8c: {  	s17 =	sshll.u32 s0, $0xA;
	s2 =	sadd.s32 s3, s2  }
0x8d: {  	s2 =	sadd.s32 s2, s17  }
0x8e: {  	[smem:$0x3FC0] =	sst s2  }
0x8f: {  	_ = 	snop  }
0x90: {  	s2 =	sld [smem:$0x3FD0];
	(tm) =	ssettm $0x1  }
0x91: {  	s18 =	sld [smem:$0x3FFB];
	_ =	sdelay $0x3  }
0x92: {  	_ =	strace s18  }
0x93: {  	s3 =	sld [smem:$0x3FFC];
	_ =	sdelay $0x3  }
0x94: {  	_ =	strace s3  }
0x95: {  	s3 =	sld [smem:$0x3FFD];
	_ =	sdelay $0x3  }
0x96: {  	_ =	strace s3  }
0x97: {  	_ =	strace $0x8FFFFFFF  }
0x98: {  	s19 =	sld [smem:$0x3FDB];
	_ =	sdelay $0x1  }
0x99: {  	s4 =	simm.s32 $_scs_section_size  }
0x9a: {  	s5 =	simm.s32 $_size__tile_overlayer_lowered;
	s6 =	simm.s32 $_tile_overlayer_lowered  }
0x9b: {  	s22 =	simm.s32 $0x1BFF;
	s21 =	sshll.u32 s6, $0x1;
	s3 =	sadd.s32 s4, s19  }
0x9c: {  	s7 =	simm.s32 $0x0;
	s20 =	sshll.u32 s5, $0x1;
	s5 =	sadd.s32 s21, s3  }
0x9d: {  	[timem:s7], [sflag:s22] =	dma.local [hbm:s5], s20  }
0x9e: {  	_ =	swait.ge [sflag:s22], s20  }
0x9f: {  	s4 =	ssub.s32 $0x0, s20;
	[sflag:s22] =	ssyncset.done $0x0  }
0xa0: {  	[sflag:s22] =	ssyncadd.s32 s4;
	_ =	sdelay $0x1  }
0xa1: {  	s23 =	simm.s32 $0x1B8B  }
0xa2: {  	_ =	swait.ge [sflag:s23], $0x1  }
0xa3: {  	[sflag:s23] =	ssyncset.done $0x0  }
0xa4: {  	s25 =	simm.s32 $0x1B8E;
	s24 =	sld [smem:$0x3FFE];
	[sflag:s23] =	ssyncadd.s32 $0xFFFFFFFF  }
0xa5: {  	s26 =	simm.s32 $execute0_lowered;
	[smem:$0x3FD2] =	sst s25  }
0xa6: {  	s5 =	sshll.u32 s26, $0x1;
	_ =	strace $0x80000046;
	[dreg:$0x1] =	wrdreg $0xFFFFFFFF  }
0xa7: {  	s28 =	simm.s32 $_size_execute0_lowered;
	s3 =	sadd.s32 s3, s5;
	[dreg:$0x0] =	wrdreg $0x0  }
0xa8: {  	s5 =	sshll.u32 s28, $0x1;
	[dreg:$0x2] =	wrdreg s3  }
0xa9: {  	[dreg:$0x3] =	wrdreg s5  }
0xaa: {  	[dreg:$0x4] =	wrdreg $0xC0  }
0xab: {  	_ =	task [dreg:s7], $0x5FFFF  }
0xac: {  	[dreg:$0x1] =	wrdreg $0xFFFFFFFF  }
0xad: {  	[dreg:$0x0] =	wrdreg $0x60  }
0xae: {  	[dreg:$0x2] =	wrdreg s24  }
0xaf: {  	[dreg:$0x3] =	wrdreg s2  }
0xb0: {  	[dreg:$0x4] =	wrdreg $0x92000  }
0xb1: {  	[dreg:$0x5] =	wrdreg $0x9  }
0xb2: {  	_ =	task.clear_ibuf [dreg:s7], $0x6FFFF;
	_ =	strace $0x90000046  }
0xb3: {  	s29 =	simm.s32 $0x9;
	_ =	strace $0x80000048  }
0xb4: {  	_ =	swait.ge [sflag:s29], $0x1  }
0xb5: {  	[sflag:s29] =	ssyncadd.s32 $0xFFFFFFFF  }
0xb6: {  	_ =	strace $0x90000048  }
0xb7: {  	_ =	sfence  }
0xb8: {  	s30 =	sld [smem:$0x0];
	_ =	sdelay $0x2  }
0xb9: {  	s31 =	sshll.u32 s1, $0xD;
	s1 =	sshrl.u32 s1, $0x2  }
0xba: {  	s3 =	sand.u32 $0x4000, s31;
	s1 =	sadd.s32 s1, s30  }
0xbb: {  	s0 =	sor.u32 s3, s0;
	s1 =	sshll.u32 s1, $0x11  }
0xbc: {  	s0 =	sor.u32 s1, s0  }
0xbd: {  	s0 =	sadd.s32 $0x8F2B, s0  }
0xbe: {  	[sflag:s0] =	ssyncadd.remote.s32 $0x1  }
0xbf: {  	_ =	sfence.sel $0xFFFF  }
0xc0: {  	[dreg:$0x0] =	wrdreg $0xFFFFFFFF;
	(pc) =	sbr.abs _section_cstart, $3  }
0xc1: {  	[dreg:$0x1] =	wrdreg $0xFFFFFFFF  }
0xc2: {  	_ =	task.clear_ibuf [dreg:s7], $0x2FFFF;
	_ =	strace $0x9FFFFFFF  }
0xc3: {  	(tm) =	ssettm $0x7FFFFFFF  }
tec
execute0_lowered:
.L_overlay_start_1:
0x0: {  	(tag) =	ssettag $0x1  }
0x1: {  	s0 =	rddreg [dreg:$0x0]  }
0x2: {  	s1 =	rddreg [dreg:$0x1];
	s11 =	stileid.u32  }
0x3: {  	s3 =	srdreg.scid;
	s5 =	smul.u32 $0x14000, s11  }
0x4: {  	s2 =	rddreg [dreg:$0x2];
	s28 =	simm.s32 $0x10;
	s8 =	smul.u32 $0x5A000, s11  }
0x5: {  	s29 =	simm.s32 $0x7;
	s6 =	sand.u32 $0x1, s3;
	s16 =	smul.u32 $0x2800, s11  }
0x6: {  	s3 =	simm.s32 $0x0;
	s10 =	sshll.u32 s11, $0x1;
	s4 =	smul.u32 $0x140000, s6  }
0x7: {  	[smem:$0x7FF] =	sst s3;
	s20 =	ssub.s32 $0x2, s6;
	s31 =	smul.u32 $0x28000, s6  }
0x8: {  	s21 =	sor.u32 s6, s10;
	s6 =	smul.u32 $0x500, s6;
	s8 =	sshrl.u32 s8, $0x2  }
0x9: {  	s10 =	simm.s32 $0x4A00;
	_ =	strace $0x80000047;
	s13 =	sadd.s32 s8, s2  }
0xa: {  	s9 =	sshrl.u32 s20, $0x1;
	s8 =	sadd.s32 $0x2400, s13;
	[dreg:$0x4] =	wrdreg s13  }
0xb: {  	s23 =	smul.u32 $0x2800, s21;
	s22 =	sadd.s32 $0x4800, s13;
	[dreg:$0x5] =	wrdreg s8  }
0xc: {  	s5 =	sadd.s32 s5, s4;
	s24 =	sadd.s32 $0x6C00, s13;
	[dreg:$0x6] =	wrdreg s22  }
0xd: {  	s4 =	sadd.s32 $0x16800, s0;
	s25 =	sadd.s32 $0x9000, s13;
	[dreg:$0x7] =	wrdreg s24  }
0xe: {  	s7 =	sshrl.u32 s5, $0x3;
	s26 =	sadd.s32 $0xB400, s13;
	[dreg:$0x8] =	wrdreg s25  }
0xf: {  	s5 =	sadd.s32 $0x2800, s0;
	s30 =	sadd.s32 $0xD800, s13;
	[dreg:$0x9] =	wrdreg s26  }
0x10: {  	s14 =	sadd.s32 $0xFC00, s13;
	s12 =	sadd.s32 $0x12000, s13;
	[dreg:$0xa] =	wrdreg s30  }
0x11: {  	s17 =	sadd.s32 $0x14400, s13;
	s0 =	sadd.s32 s7, s0;
	[dreg:$0xb] =	wrdreg s14  }
0x12: {  	s7 =	ssub.s32 s20, s9;
	s8 =	sshrl.u32 s23, $0x3;
	[dreg:$0xd] =	wrdreg s12  }
0x13: {  	[dreg:$0xe] =	wrdreg s17;
	s20 =	smul.u32 $0xA00, s11;
	s24 =	sadd.s32 $0x80, s13  }
0x14: {  	s9 =	simm.s32 $0x2600;
	s11 =	simm.s32 $0xC0;
	s0 =	sadd.s32 $0x42800, s0  }
0x15: {  	s12 =	simm.s32 $0x180;
	s25 =	smax.u32 s7, $0x1;
	[dreg:$0x14] =	wrdreg s0  }
0x16: {  	s17 =	simm.s32 $0x6E00;
	s15 =	sadd.s32 s5, s8;
	[dreg:$0x16] =	wrdreg s25  }
0x17: {  	s14 =	simm.s32 $0xB;
	s18 =	sadd.s32 $0x8, s15;
	[dreg:$0xc] =	wrdreg s15  }
0x18: {  	s8 =	sadd.s32 s16, s31;
	s19 =	sadd.s32 $0x10, s15;
	[dreg:$0xf] =	wrdreg s18  }
0x19: {  	s16 =	simm.s32 $0xC;
	s21 =	sadd.s32 $0xA000, s15;
	[dreg:$0x10] =	wrdreg s19  }
0x1a: {  	s7 =	simm.s32 $0x0;
	s22 =	sadd.s32 $0xA008, s15;
	[dreg:$0x11] =	wrdreg s21  }
0x1b: {  	s8 =	sshrl.u32 s8, $0x3;
	s23 =	sadd.s32 s6, s20;
	[dreg:$0x13] =	wrdreg s22  }
0x1c: {  	s0 =	sshrl.u32 s24, $0x3;
	s26 =	sadd.s32 $0x18, s15;
	[dreg:$0x15] =	wrdreg s23  }
0x1d: {  	s30 =	sadd.s32 $0xA010, s15;
	s31 =	sadd.s32 $0xA018, s15;
	[dreg:$0x17] =	wrdreg s0  }
0x1e: {  	s15 =	simm.s32 $0x1;
	s20 =	simm.s32 $0x5;
	[dreg:$0x18] =	wrdreg s26  }
0x1f: {  	s24 =	simm.s32 $0xF;
	s25 =	simm.s32 $0x6;
	[dreg:$0x19] =	wrdreg s30  }
0x20: {  	s1 =	sadd.s32 s1, s8;
	[dreg:$0x1a] =	wrdreg s31;
	s0 =	simm.s32 $0x40  }
0x21: {  	s8 =	simm.s32 $0x140;
	s18 =	simm.s32 $0x2;
	s19 =	simm.s32 $0xE  }
0x22: {  	s21 =	simm.s32 $0x9;
	s22 =	simm.s32 $0x3;
	s23 =	simm.s32 $0xA  }
0x23: {  	v0 =	vimm.f32 $0.0e+00;
	s26 =	simm.s32 $0x4;
	[dreg:$0x12] =	wrdreg s1;
	s1 =	simm.s32 $0x80  }
.LBB2_1:
0x24: {  	[dreg:$0x1b] =	wrdreg s7;
	s6 =	simm.s32 $0x0;
	s7 =	simm.s32 $0x240  }
.LBB2_2:
0x25: {  	p0 =	sne.s32 s7, $0x8DC0;
	[tilespmem:s6+$0x280] =	vst v0  }
0x26: {  	[tilespmem:s6+$0x200] =	vst v0  }
0x27: {  	[tilespmem:s6+$0x210] =	vst v0  }
0x28: {  	[tilespmem:s6+$0x220] =	vst v0  }
.Ltmp0:
0x29: {  	[tilespmem:s6+$0x230] =	vst v0;
	(pc) =	sbr.rel @p0 .LBB2_2-.Ltmp0, $4  }
0x2a: {  	[tilespmem:s6+$0x240] =	vst v0  }
0x2b: {  	[tilespmem:s6+$0x250] =	vst v0  }
0x2c: {  	[tilespmem:s6+$0x260] =	vst v0  }
0x2d: {  	[tilespmem:s6+$0x270] =	vst v0;
	s6 =	sshra.s32 s7, $0x2;
	s7 =	sadd.s32 $0x240, s7  }
0x2e: {  	[tilespmem:s6+$0x280] =	vst v0  }
0x2f: {  	[tilespmem:s6+$0x200] =	vst v0  }
0x30: {  	[tilespmem:s6+$0x210] =	vst v0  }
0x31: {  	[tilespmem:s6+$0x220] =	vst v0  }
0x32: {  	[tilespmem:s6+$0x230] =	vst v0  }
0x33: {  	[tilespmem:s6+$0x240] =	vst v0  }
0x34: {  	[tilespmem:s6+$0x250] =	vst v0  }
0x35: {  	[tilespmem:s6+$0x260] =	vst v0  }
0x36: {  	[tilespmem:s6+$0x270] =	vst v0;
	s31 =	rddreg [dreg:$0x4];
	s30 =	simm.s32 $0x200;
	s13 =	simm.s32 $0x11  }
0x37: {  	[spmem:s31] =	stream.linear.scatter [tilespmem:s30], [sflag:$0x11], $0x2400, $0x38;
	[tilespmem:$0x1FA00] =	vst v63  }
0x38: {  	_ =	swait.ge [sflag:s13], $0x2400  }
0x39: {  	[sflag:s13] =	ssyncset.done $0x0  }
0x3a: {  	s7 =	rddreg [dreg:$0x5];
	[sflag:s13] =	ssyncadd.s32 $0xFFFFDC00  }
0x3b: {  	[spmem:s7] =	stream.linear.scatter [tilespmem:s30], [sflag:$0x11], $0x2400, $0x38;
	[tilespmem:$0x1FA00] =	vst v63  }
0x3c: {  	_ =	swait.ge [sflag:s13], $0x2400  }
0x3d: {  	[sflag:s13] =	ssyncset.done $0x0  }
0x3e: {  	s31 =	rddreg [dreg:$0x6];
	[sflag:s13] =	ssyncadd.s32 $0xFFFFDC00  }
0x3f: {  	[spmem:s31] =	stream.linear.scatter [tilespmem:s30], [sflag:$0x11], $0x2400, $0x38;
	[tilespmem:$0x1FA00] =	vst v63  }
0x40: {  	_ =	swait.ge [sflag:s13], $0x2400  }
0x41: {  	[sflag:s13] =	ssyncset.done $0x0  }
0x42: {  	s7 =	rddreg [dreg:$0x7];
	[sflag:s13] =	ssyncadd.s32 $0xFFFFDC00  }
0x43: {  	[spmem:s7] =	stream.linear.scatter [tilespmem:s30], [sflag:$0x11], $0x2400, $0x38;
	[tilespmem:$0x1FA00] =	vst v63  }
0x44: {  	_ =	swait.ge [sflag:s13], $0x2400  }
0x45: {  	[sflag:s13] =	ssyncset.done $0x0  }
0x46: {  	s31 =	rddreg [dreg:$0x8];
	[sflag:s13] =	ssyncadd.s32 $0xFFFFDC00  }
0x47: {  	[spmem:s31] =	stream.linear.scatter [tilespmem:s30], [sflag:$0x11], $0x2400, $0x38;
	[tilespmem:$0x1FA00] =	vst v63  }
0x48: {  	_ =	swait.ge [sflag:s13], $0x2400  }
0x49: {  	[sflag:s13] =	ssyncset.done $0x0  }
0x4a: {  	s7 =	rddreg [dreg:$0x9];
	[sflag:s13] =	ssyncadd.s32 $0xFFFFDC00  }
0x4b: {  	[spmem:s7] =	stream.linear.scatter [tilespmem:s30], [sflag:$0x11], $0x2400, $0x38;
	[tilespmem:$0x1FA00] =	vst v63  }
0x4c: {  	_ =	swait.ge [sflag:s13], $0x2400  }
0x4d: {  	[sflag:s13] =	ssyncset.done $0x0  }
0x4e: {  	s31 =	rddreg [dreg:$0xa];
	[sflag:s13] =	ssyncadd.s32 $0xFFFFDC00  }
0x4f: {  	[spmem:s31] =	stream.linear.scatter [tilespmem:s30], [sflag:$0x11], $0x2400, $0x38;
	[tilespmem:$0x1FA00] =	vst v63  }
0x50: {  	_ =	swait.ge [sflag:s13], $0x2400  }
0x51: {  	[sflag:s13] =	ssyncset.done $0x0  }
0x52: {  	s7 =	rddreg [dreg:$0xb];
	[sflag:s13] =	ssyncadd.s32 $0xFFFFDC00  }
0x53: {  	[spmem:s7] =	stream.linear.scatter [tilespmem:s30], [sflag:$0x11], $0x2400, $0x38;
	[tilespmem:$0x1FA00] =	vst v63  }
0x54: {  	_ =	swait.ge [sflag:s13], $0x2400  }
0x55: {  	[sflag:s13] =	ssyncset.done $0x0  }
0x56: {  	s31 =	rddreg [dreg:$0xd];
	[sflag:s13] =	ssyncadd.s32 $0xFFFFDC00  }
0x57: {  	[spmem:s31] =	stream.linear.scatter [tilespmem:s30], [sflag:$0x11], $0x2400, $0x38;
	[tilespmem:$0x1FA00] =	vst v63  }
0x58: {  	_ =	swait.ge [sflag:s13], $0x2400  }
0x59: {  	[sflag:s13] =	ssyncset.done $0x0  }
0x5a: {  	s7 =	rddreg [dreg:$0xe];
	[sflag:s13] =	ssyncadd.s32 $0xFFFFDC00  }
0x5b: {  	[spmem:s7] =	stream.linear.scatter [tilespmem:s30], [sflag:$0x11], $0x2400, $0x38;
	[tilespmem:$0x1FA00] =	vst v63  }
0x5c: {  	_ =	swait.ge [sflag:s13], $0x2400  }
0x5d: {  	[sflag:s13] =	ssyncset.done $0x0  }
0x5e: {  	[sflag:s13] =	ssyncadd.s32 $0xFFFFDC00  }
0x5f: {  	[bflag:$0x0] =	sbarrier.arrive $0xFFFF  }
0x60: {  	s6 =	simm.s32 $0x0;
	s7 =	rddreg [dreg:$0xc]  }
0x61: {  	[tilespmem:s6], [sflag:$0x11] =	stream.linear.gather [hbm4b:s7+s6], $0x40, $0x38;
	[tilespmem:$0x1FA00] =	vst v63  }
0x62: {  	_ =	swait.ge [sflag:s13], $0x40  }
0x63: {  	[sflag:s13] =	ssyncset.done $0x0  }
0x64: {  	s31 =	rddreg [dreg:$0xf];
	[sflag:s13] =	ssyncadd.s32 $0xFFFFFFC0  }
0x65: {  	[tilespmem:s0], [sflag:$0x11] =	stream.linear.gather [hbm4b:s31+s6], $0x40, $0x38;
	[tilespmem:$0x1FA00] =	vst v63  }
0x66: {  	_ =	swait.ge [sflag:s13], $0x40  }
0x67: {  	[sflag:s13] =	ssyncset.done $0x0  }
0x68: {  	s31 =	rddreg [dreg:$0x10];
	[sflag:s13] =	ssyncadd.s32 $0xFFFFFFC0  }
0x69: {  	[tilespmem:s1], [sflag:$0x11] =	stream.linear.gather [hbm4b:s31+s6], $0x40, $0x38;
	[tilespmem:$0x1FA00] =	vst v63  }
0x6a: {  	_ =	swait.ge [sflag:s13], $0x40  }
0x6b: {  	[sflag:s13] =	ssyncset.done $0x0  }
0x6c: {  	s31 =	simm.s32 $0x100;
	s7 =	rddreg [dreg:$0x11];
	[sflag:s13] =	ssyncadd.s32 $0xFFFFFFC0  }
0x6d: {  	[tilespmem:s31], [sflag:$0x11] =	stream.linear.gather [hbm4b:s7+s6], $0x40, $0x38;
	[tilespmem:$0x1FA00] =	vst v63  }
0x6e: {  	_ =	swait.ge [sflag:s13], $0x40  }
0x6f: {  	[sflag:s13] =	ssyncset.done $0x0  }
0x70: {  	s31 =	rddreg [dreg:$0x13];
	[sflag:s13] =	ssyncadd.s32 $0xFFFFFFC0  }
0x71: {  	[tilespmem:s8], [sflag:$0x11] =	stream.linear.gather [hbm4b:s31+s6], $0x40, $0x38;
	[tilespmem:$0x1FA00] =	vst v63  }
0x72: {  	_ =	swait.ge [sflag:s13], $0x40  }
0x73: {  	[sflag:s13] =	ssyncset.done $0x0  }
0x74: {  	[sflag:s13] =	ssyncadd.s32 $0xFFFFFFC0  }
0x75: {  	[tilespmem:s30], [sflag:$0x1] =	stream.indirect.gather [hbm4b:s4+s0], $0x90, s6, s0, $0xb8;
	[tilespmem:$0x1FA00] =	vst v63  }
0x76: {  	_ = 	snop  }
0x77: {  	[tilespmem:s9], [sflag:$0x2] =	stream.indirect.gather [hbm4b:s4+s0], $0x90, s0, s0, $0xb8;
	[tilespmem:$0x1FA00] =	vst v63  }
0x78: {  	_ = 	snop  }
0x79: {  	[tilespmem:s10], [sflag:$0x3] =	stream.indirect.gather [hbm4b:s4+s0], $0x90, s1, s0, $0xb8;
	[tilespmem:$0x1FA00] =	vst v63  }
0x7a: {  	s31 =	rddreg [dreg:$0x18]  }
0x7b: {  	[tilespmem:s11], [sflag:$0xC] =	stream.linear.gather [hbm4b:s31+s6], $0x40, $0x38;
	[tilespmem:$0x1FA00] =	vst v63  }
.Ltmp1:
0x7c: {  	s7 =	rddreg [dreg:$0x15];
	(pc) =	sbr.rel .LBB2_4-.Ltmp1, $4  }
0x7d: {  	s13 =	rddreg [dreg:$0x19]  }
0x7e: {  	[tilespmem:s12], [sflag:$0xF] =	stream.linear.gather [hbm4b:s13+s6], $0x40, $0x38;
	[tilespmem:$0x1FA00] =	vst v63  }
0x7f: {  	s30 =	rddreg [dreg:$0x1a];
	s31 =	simm.s32 $0x1C0  }
0x80: {  	[tilespmem:s31], [sflag:$0x10] =	stream.linear.gather [hbm4b:s30+s6], $0x40, $0x38;
	[tilespmem:$0x1FA00] =	vst v63  }
.LBB2_17:
0x81: {  	s13 =	sadd.s32 $0xA030, s30  }
0x82: {  	[tilespmem:s12], [sflag:$0xF] =	stream.linear.gather [hbm4b:s13+s3], $0x40, $0x38;
	[tilespmem:$0x1FA00] =	vst v63  }
0x83: {  	_ =	swait.ge [sflag:s14], $0x40  }
0x84: {  	[sflag:s14] =	ssyncset.done $0x0  }
0x85: {  	[sflag:s14] =	ssyncadd.s32 $0xFFFFFFC0  }
0x86: {  	[tilespmem:s10], [sflag:$0x3] =	stream.indirect.gather [hbm4b:s4+s0], $0x90, s1, s0, $0xb8;
	[tilespmem:$0x1FA00] =	vst v63  }
.LBB2_19:
0x87: {  	s13 =	sadd.s32 $0x38, s7  }
0x88: {  	s13 =	sand.u32 $0x1FFFFFF8, s13  }
0x89: {  	s6 =	sadd.s32 $0x1, s6;
	s7 =	sadd.s32 $0x20, s7;
	s13 =	sadd.s32 s5, s13  }
0x8a: {  	[tilespmem:s11], [sflag:$0xC] =	stream.linear.gather [hbm4b:s13+s3], $0x40, $0x38;
	[tilespmem:$0x1FA00] =	vst v63  }
.LBB2_4:
0x8b: {  	_ =	swait.ge [sflag:s15], $0x2400  }
0x8c: {  	p0 =	sne.s32 s6, $0x0;
	[sflag:s15] =	ssyncset.done $0x0  }
0x8d: {  	s30 =	simm.s32 @p0 $0xD;
	[sflag:s15] =	ssyncadd.s32 $0xFFFFDC00  }
0x8e: {  	_ =	swait.ge @p0 [sflag:s30], $0x40  }
0x8f: {  	s31 =	simm.s32 @p0 $0x100;
	[sflag:s30] =	ssyncset.done @p0 $0x0  }
0x90: {  	s13 =	simm.s32 @p0 $0x200;
	[sflag:s30] =	ssyncadd.s32 @p0 $0xFFFFFFC0;
	s30 =	simm.s32 @p0 $0x40  }
0x91: {  	[spmem:s2] =	stream.indirect.scatter.add.f32 @p0 [tilespmem:s13], [sflag:$0x5], $0x90, s31, s30, $0xb8;
	[tilespmem:$0x1FA00] =	vst v63  }
0x92: {  	s13 =	simm.s32 @p0 $0x8  }
0x93: {  	_ =	swait.ge @p0 [sflag:s13], $0x2400  }
0x94: {  	[sflag:s13] =	ssyncset.done @p0 $0x0  }
0x95: {  	[sflag:s13] =	ssyncadd.s32 @p0 $0xFFFFDC00;
	s13 =	sadd.s32 @p0 s7, s5  }
0x96: {  	s30 =	simm.s32 @p0 $0x0;
	s31 =	simm.s32 @p0 $0x1C0;
	s13 =	sadd.s32 @p0 $0xA018, s13  }
0x97: {  	[tilespmem:s31], [sflag:$0x10] =	stream.linear.gather @p0 [hbm4b:s13+s30], $0x40, $0x38;
	[tilespmem:$0x1FA00] =	vst v63  }
0x98: {  	s13 =	simm.s32 @!p0 $0x40;
	s30 =	simm.s32 @!p0 $0x100;
	s31 =	simm.s32 @!p0 $0x200  }
0x99: {  	[spmem:s2] =	stream.indirect.scatter.add.f32 @!p0 [tilespmem:s31], [sflag:$0x5], $0x90, s30, s13, $0xb8;
	[tilespmem:$0x1FA00] =	vst v63  }
0x9a: {  	p0 =	sne.s32 s6, $0x27  }
.Ltmp2:
0x9b: {  	_ = 	snop;
	(pc) =	sbr.rel @p0 .LBB2_6-.Ltmp2, $4  }
0x9c: {  	_ =	swait.ge [sflag:s16], $0x40  }
0x9d: {  	[sflag:s16] =	ssyncset.done $0x0  }
0x9e: {  	[sflag:s16] =	ssyncadd.s32 $0xFFFFFFC0  }
0x9f: {  	[tilespmem:s17], [sflag:$0x4] =	stream.indirect.gather [hbm4b:s4+s0], $0x90, s11, s0, $0xb8;
	[tilespmem:$0x1FA00] =	vst v63  }
.Ltmp3:
0xa0: {  	(pc) =	sbr.rel .LBB2_7-.Ltmp3, $4  }
0xa1: {  	_ = 	snop  }
0xa2: {  	_ =	swait.ge [sflag:s18], $0x2400  }
0xa3: {  	[sflag:s18] =	ssyncset.done $0x0  }
0xa4: {  	[sflag:s18] =	ssyncadd.s32 $0xFFFFDC00  }
.LBB2_6:
0xa5: {  	s13 =	sadd.s32 $0x20, s7  }
0xa6: {  	p0 =	seq.s32 s6, $0x0;
	s13 =	sand.u32 $0x1FFFFFE0, s13  }
.Ltmp4:
0xa7: {  	s13 =	sadd.s32 s5, s13;
	(pc) =	sbr.rel @p0 .LBB2_8-.Ltmp4, $4  }
0xa8: {  	[tilespmem:s3], [sflag:$0x9] =	stream.linear.gather [hbm4b:s13+s3], $0x40, $0x38;
	[tilespmem:$0x1FA00] =	vst v63  }
0xa9: {  	_ =	swait.ge [sflag:s18], $0x2400  }
0xaa: {  	[sflag:s18] =	ssyncset.done $0x0  }
0xab: {  	[sflag:s18] =	ssyncadd.s32 $0xFFFFDC00  }
.LBB2_7:
0xac: {  	_ =	swait.ge [sflag:s19], $0x40  }
0xad: {  	[sflag:s19] =	ssyncset.done $0x0  }
0xae: {  	[sflag:s19] =	ssyncadd.s32 $0xFFFFFFC0  }
.LBB2_8:
0xaf: {  	p0 =	sgt.u32 s6, $0x26  }
.Ltmp5:
0xb0: {  	_ = 	snop;
	(pc) =	sbr.rel @p0 .LBB2_10-.Ltmp5, $4  }
0xb1: {  	[spmem:s2] =	stream.indirect.scatter.add.f32 [tilespmem:s9], [sflag:$0x6], $0x90, s8, s0, $0xb8;
	[tilespmem:$0x1FA00] =	vst v63  }
0xb2: {  	_ =	swait.ge [sflag:s20], $0x2400  }
0xb3: {  	[sflag:s20] =	ssyncset.done $0x0  }
0xb4: {  	s30 =	sadd.s32 s7, s5;
	[sflag:s20] =	ssyncadd.s32 $0xFFFFDC00  }
0xb5: {  	s13 =	sadd.s32 $0xA020, s30;
	s31 =	simm.s32 $0x100  }
0xb6: {  	[tilespmem:s31], [sflag:$0xD] =	stream.linear.gather [hbm4b:s13+s3], $0x40, $0x38;
	[tilespmem:$0x1FA00] =	vst v63  }
.Ltmp6:
0xb7: {  	_ = 	snop;
	(pc) =	sbr.rel .LBB2_11-.Ltmp6, $4  }
0xb8: {  	_ =	swait.ge [sflag:s21], $0x40  }
0xb9: {  	[sflag:s21] =	ssyncset.done $0x0  }
0xba: {  	s31 =	simm.s32 $0x200;
	[sflag:s21] =	ssyncadd.s32 $0xFFFFFFC0  }
0xbb: {  	[tilespmem:s31], [sflag:$0x1] =	stream.indirect.gather [hbm4b:s4+s0], $0x90, s3, s0, $0xb8;
	[tilespmem:$0x1FA00] =	vst v63  }
.LBB2_10:
0xbc: {  	p1 =	seq.s32 s6, $0x27  }
.Ltmp7:
0xbd: {  	_ = 	snop;
	(pc) =	sbr.rel @p1 .LBB2_12-.Ltmp7, $1  }
0xbe: {  	_ =	sdelay $0x3  }
.LBB2_11:
0xbf: {  	s13 =	sadd.s32 $0x28, s7  }
0xc0: {  	s13 =	sand.u32 $0x1FFFFFE8, s13  }
0xc1: {  	s13 =	sadd.s32 s5, s13  }
0xc2: {  	[tilespmem:s0], [sflag:$0xA] =	stream.linear.gather [hbm4b:s13+s3], $0x40, $0x38;
	[tilespmem:$0x1FA00] =	vst v63  }
.LBB2_12:
0xc3: {  	_ =	swait.ge [sflag:s22], $0x2400  }
0xc4: {  	[sflag:s22] =	ssyncset.done $0x0  }
0xc5: {  	[sflag:s22] =	ssyncadd.s32 $0xFFFFDC00  }
0xc6: {  	_ =	swait.ge [sflag:s24], $0x40  }
0xc7: {  	[sflag:s24] =	ssyncset.done $0x0  }
.Ltmp8:
0xc8: {  	[sflag:s24] =	ssyncadd.s32 $0xFFFFFFC0;
	(pc) =	sbr.rel @p0 .LBB2_14-.Ltmp8, $4  }
0xc9: {  	[spmem:s2] =	stream.indirect.scatter.add.f32 [tilespmem:s10], [sflag:$0x7], $0x90, s12, s0, $0xb8;
	[tilespmem:$0x1FA00] =	vst v63  }
0xca: {  	_ =	swait.ge [sflag:s25], $0x2400  }
0xcb: {  	[sflag:s25] =	ssyncset.done $0x0  }
0xcc: {  	[sflag:s25] =	ssyncadd.s32 $0xFFFFDC00  }
0xcd: {  	s13 =	sadd.s32 $0xA028, s30  }
0xce: {  	[tilespmem:s8], [sflag:$0xE] =	stream.linear.gather [hbm4b:s13+s3], $0x40, $0x38;
	[tilespmem:$0x1FA00] =	vst v63  }
.Ltmp9:
0xcf: {  	_ = 	snop;
	(pc) =	sbr.rel .LBB2_15-.Ltmp9, $4  }
0xd0: {  	_ =	swait.ge [sflag:s23], $0x40  }
0xd1: {  	[sflag:s23] =	ssyncset.done $0x0  }
0xd2: {  	[sflag:s23] =	ssyncadd.s32 $0xFFFFFFC0  }
0xd3: {  	[tilespmem:s9], [sflag:$0x2] =	stream.indirect.gather [hbm4b:s4+s0], $0x90, s0, s0, $0xb8;
	[tilespmem:$0x1FA00] =	vst v63  }
.LBB2_14:
0xd4: {  	p1 =	seq.s32 s6, $0x27  }
.Ltmp10:
0xd5: {  	_ = 	snop;
	(pc) =	sbr.rel @p1 .LBB2_16-.Ltmp10, $1  }
0xd6: {  	_ =	sdelay $0x3  }
.LBB2_15:
0xd7: {  	s13 =	sadd.s32 $0x30, s7  }
0xd8: {  	s13 =	sand.u32 $0x1FFFFFF0, s13  }
0xd9: {  	s13 =	sadd.s32 s5, s13  }
0xda: {  	[tilespmem:s1], [sflag:$0xB] =	stream.linear.gather [hbm4b:s13+s3], $0x40, $0x38;
	[tilespmem:$0x1FA00] =	vst v63  }
.LBB2_16:
0xdb: {  	_ =	swait.ge [sflag:s26], $0x2400  }
0xdc: {  	[sflag:s26] =	ssyncset.done $0x0  }
0xdd: {  	[sflag:s26] =	ssyncadd.s32 $0xFFFFDC00  }
0xde: {  	_ =	swait.ge [sflag:s28], $0x40  }
0xdf: {  	[sflag:s28] =	ssyncset.done $0x0  }
.Ltmp11:
0xe0: {  	s13 =	simm.s32 $0x1C0;
	[sflag:s28] =	ssyncadd.s32 $0xFFFFFFC0;
	(pc) =	sbr.rel @!p0 .LBB2_17-.Ltmp11, $4  }
0xe1: {  	[spmem:s2] =	stream.indirect.scatter.add.f32 [tilespmem:s17], [sflag:$0x8], $0x90, s13, s0, $0xb8;
	[tilespmem:$0x1FA00] =	vst v63  }
0xe2: {  	_ =	swait.ge [sflag:s29], $0x2400  }
0xe3: {  	[sflag:s29] =	ssyncset.done $0x0  }
0xe4: {  	[sflag:s29] =	ssyncadd.s32 $0xFFFFDC00  }
0xe5: {  	p0 =	seq.s32 s6, $0x27  }
.Ltmp12:
0xe6: {  	_ = 	snop;
	(pc) =	sbr.rel @!p0 .LBB2_19-.Ltmp12, $1  }
0xe7: {  	_ =	sdelay $0x3  }
0xe8: {  	s6 =	simm.s32 $0x8  }
0xe9: {  	_ =	swait.ge [sflag:s6], $0x2400  }
0xea: {  	[sflag:s6] =	ssyncset.done $0x0  }
0xeb: {  	[sflag:s6] =	ssyncadd.s32 $0xFFFFDC00  }
0xec: {  	s7 =	stileid.u32;
	s13 =	simm.s32 $0x12;
	[bflag:$0x0] =	sbarrier.arrive $0xFFFF  }
0xed: {  	s31 =	simm.s32 $0x11;
	s6 =	sshll.u32 s7, $0x6;
	s7 =	rddreg [dreg:$0x4]  }
0xee: {  	s6 =	sor.u32 $0x1C11, s6;
	s30 =	rddreg [dreg:$0x14];
	s7 =	sshrl.u32 s7, $0x3  }
0xef: {  	[hbm:s30@s28], [sflag:s6] =	dma.strided [spmem:s7@s13], $0x2800, s15, $0x10   }
0xf0: {  	_ =	swait.ge [sflag:s31], $0x2800  }
0xf1: {  	[sflag:s31] =	ssyncset.done $0x0;
	s7 =	rddreg [dreg:$0x12]  }
0xf2: {  	s30 =	rddreg [dreg:$0x17];
	[sflag:s31] =	ssyncadd.s32 $0xFFFFD800  }
0xf3: {  	[hbm:s7@s18], [sflag:s6] =	dma.strided [spmem:s30@s13], $0x500, s15, $0x2   }
0xf4: {  	_ =	swait.ge [sflag:s31], $0x500  }
0xf5: {  	s13 =	rddreg [dreg:$0x1b]  }
0xf6: {  	s30 =	rddreg [dreg:$0x16];
	s7 =	sadd.s32 $0x1, s13  }
0xf7: {  	p0 =	sne.s32 s7, s30  }
.Ltmp13:
0xf8: {  	_ = 	snop;
	(pc) =	sbr.rel @p0 .LBB2_1-.Ltmp13, $3  }
0xf9: {  	_ =	sdelay $0x1  }
0xfa: {  	[sflag:s31] =	ssyncset.done $0x0  }
0xfb: {  	[sflag:s31] =	ssyncadd.s32 $0xFFFFFB00  }
0xfc: {  	_ =	sfence.sel $0x180000  }
0xfd: {  	[bflag:$0x0] =	sbarrier.arrive $0xFFFF  }
0xfe: {  	_ =	strace $0x90000047  }
0xff: {  	s0 =	stileid.u32;
	[bflag:$0x2] =	sbarrier.arrive $0xFFFF  }
0x100: {  	p0 =	sne.s32 s0, $0x0;
	s0 =	rddreg [dreg:$0x3]  }
0x101: {  	s0 =	sadd.s32 @!p0 $0x100000, s0  }
0x102: {  	[sflag:s0] =	ssyncadd.tile.s32 @!p0 $0x1;
	_ =	shalt  }
.Lfunc_end2:
_tile_overlayer_lowered:
.L_overlay_start_2:
0x103: {  	(tag) =	ssettag $0x2  }
0x104: {  	s0 =	rddreg [dreg:$0x0];
	s2 =	stileid.u32  }
0x105: {  	s1 =	rddreg [dreg:$0x1];
	p0 =	sne.s32 s2, $0x0  }
0x106: {  	s3 =	rddreg [dreg:$0x2];
	[bflag:$0x3] =	sbarrier.arrive $0xFFFF;
	s2 =	simm.s32 @!p0 $0x1C11  }
0x107: {  	[timem:s3], [sflag:s2] =	dma.local @!p0 [hbm:s0], s1  }
0x108: {  	s0 =	simm.s32 @!p0 $0x11  }
0x109: {  	_ =	swait.ge @!p0 [sflag:s0], s1  }
0x10a: {  	s1 =	ssub.s32 @!p0 $0x0, s1;
	[sflag:s0] =	ssyncset.done @!p0 $0x0  }
0x10b: {  	[sflag:s0] =	ssyncadd.s32 @!p0 s1  }
0x10c: {  	[bflag:$0x3] =	sbarrier.arrive $0xFFFF  }
0x10d: {  	_ =	shalt  }

// kernel: kernel.9.cloned.1.call-start
scs
__scs_entry_jumppad:
0x0: {  	(pc) =	sbr.rel $0x88, $3  }
0x1: {  	(tag) =	ssettag $0x0;
	lr =	simm.s32 $0x1  }
0x2: {  	[smem:$0x3F99] =	sst lr;
	_ =	strace $0xD0000000  }
0x3: {  	_ = 	snop  }
0x4: {  	_ = 	snop  }
0x5: {  	_ = 	snop  }
0x6: {  	_ = 	snop  }
0x7: {  	_ = 	snop  }
__scs_overlays_trampoline_lowered:
0x8: {  	[smem:$0x3FA8] =	sst s0  }
0x9: {  	[smem:$0x3FA9] =	sst s1  }
0xa: {  	[smem:$0x3FAA] =	sst s2  }
0xb: {  	[smem:$0x3FAB] =	sst s3  }
0xc: {  	[smem:$0x3FAC] =	sst s4  }
0xd: {  	[smem:$0x3FAD] =	sst s5  }
0xe: {  	[smem:$0x3FAE] =	sst s6  }
0xf: {  	[smem:$0x3FAF] =	sst s7  }
0x10: {  	[smem:$0x3FB0] =	sst s8  }
0x11: {  	[smem:$0x3FB1] =	sst s9;
	s0 =	simm.s32 @!p0 $0x0  }
0x12: {  	s1 =	sld [smem:$0x3F97];
	s0 =	simm.s32 @p0 $0x1  }
0x13: {  	[smem:$0x3FB2] =	sst s0;
	s0 =	simm.s32 @!p1 $0x0  }
0x14: {  	s2 =	sld [smem:$0x3F96];
	s0 =	simm.s32 @p1 $0x1  }
0x15: {  	[smem:$0x3FB3] =	sst s0;
	s0 =	simm.s32 @!p2 $0x0  }
0x16: {  	s3 =	sld [smem:$0x3FDB];
	s0 =	simm.s32 @p2 $0x1  }
0x17: {  	s4 =	simm.s32 $0x1BF5;
	[smem:$0x3FB5] =	sst s0  }
0x18: {  	s0 =	sld [smem:$0x3F98];
	_ =	swait.ge [sflag:s4], $0x0  }
0x19: {  	s7 =	sld [smem:$0x3F99]  }
0x1a: {  	s8 =	sadd.s32 $0xFFFFE003, lr  }
0x1b: {  	s9 =	sadd.s32 $0xFFFFFEF7, lr;
	s5 =	simm.s32 $0xFFFFFFFF;
	p2 =	slt.u32 s8, $0xFFFFF086  }
0x1c: {  	p1 =	slt.u32 s9, $0xF7A;
	s5 =	simm.s32 @!p2 $0x0  }
0x1d: {  	s5 =	simm.s32 @p1 $0x1;
	p0 =	seq.s32 s7, s2  }
0x1e: {  	s7 =	smul.u32 @!p0 $0xF7A, s2;
	p2 =	seq.s32 @!p0 s5, $0x0  }
0x1f: {  	s9 =	smul.u32 $0xF7A, s1;
	s8 =	simm.s32 @!p0 $0x1BF5;
	p2 =	por !p2, p0  }
0x20: {  	[sflag:s8] =	ssyncset.s32 @!p0 $0xFFFFF086;
	s6 =	sadd.s32 @!p0 s3, s7;
	s7 =	simm.s32 @!p0 $0x108  }
0x21: {  	s3 =	sadd.s32 s3, s9;
	s6 =	sadd.s32 @!p0 $0x88, s6;
	s7 =	simm.s32 @p2 $0x1082  }
0x22: {  	[simem:s7], [sflag:s8] =	dma.local @!p0 [hbm:s6], $0xF7A  }
0x23: {  	s9 =	sor.u32 $0xD0000000, s2;
	s6 =	simm.s32 $0x108;
	_ =	swait.ge @!p0 [sflag:s8], $0x0  }
0x24: {  	s3 =	sadd.s32 $0x88, s3;
	s6 =	simm.s32 @!p1 $0x1082;
	[sflag:s4] =	ssyncset.s32 $0xFFFFF086  }
0x25: {  	[simem:s6], [sflag:s4] =	dma.local [hbm:s3], $0xF7A  }
0x26: {  	[smem:$0x3F99] =	sst s1;
	(tag) =	ssettag s2;
	_ =	strace s9  }
0x27: {  	s1 =	sld [smem:$0x3FA9]  }
0x28: {  	s2 =	sld [smem:$0x3FAA]  }
0x29: {  	s4 =	sld [smem:$0x3FAC]  }
0x2a: {  	p0 =	seq.s32 s5, $0x0;
	s5 =	sld [smem:$0x3FAD]  }
0x2b: {  	s6 =	sld [smem:$0x3FAE]  }
0x2c: {  	s7 =	sld [smem:$0x3FAF]  }
0x2d: {  	s3 =	simm.s32 $0x108;
	s8 =	sld [smem:$0x3FB0]  }
0x2e: {  	s3 =	simm.s32 @!p0 $0x1082;
	s9 =	sld [smem:$0x3FB1]  }
0x2f: {  	lr =	sadd.s32 s0, s3;
	s0 =	sld [smem:$0x3FA8]  }
0x30: {  	s3 =	sld [smem:$0x3FAB]  }
0x31: {  	[smem:$0x3FB4] =	sst s10  }
0x32: {  	s10 =	sld [smem:$0x3FB2];
	_ =	sdelay $0x3  }
0x33: {  	p0 =	seq.s32 s10, $0x1;
	s10 =	sld [smem:$0x3FB4];
	_ =	sdelay $0x3  }
0x34: {  	[smem:$0x3FB4] =	sst s10  }
0x35: {  	s10 =	sld [smem:$0x3FB3];
	_ =	sdelay $0x3  }
0x36: {  	p1 =	seq.s32 s10, $0x1;
	s10 =	sld [smem:$0x3FB4];
	_ =	sdelay $0x3  }
0x37: {  	[smem:$0x3FB4] =	sst s10  }
0x38: {  	s10 =	sld [smem:$0x3FB5]  }
0x39: {  	_ = 	snop;
	(pc) =	sbr.ind lr, $3  }
0x3a: {  	_ = 	snop  }
0x3b: {  	_ = 	snop  }
0x3c: {  	p2 =	seq.s32 s10, $0x1;
	s10 =	sld [smem:$0x3FB4]  }
0x3d: {  	_ =	shalt  }
0x3e: {  	_ =	shalt  }
0x3f: {  	_ =	shalt  }
0x40: {  	_ =	shalt  }
0x41: {  	_ =	shalt  }
0x42: {  	_ =	shalt  }
0x43: {  	_ =	shalt  }
0x44: {  	_ =	shalt  }
0x45: {  	_ =	shalt  }
0x46: {  	_ =	shalt  }
0x47: {  	_ =	shalt  }
0x48: {  	_ =	shalt  }
0x49: {  	_ =	shalt  }
0x4a: {  	_ =	shalt  }
0x4b: {  	_ =	shalt  }
0x4c: {  	_ =	shalt  }
0x4d: {  	_ =	shalt  }
0x4e: {  	_ =	shalt  }
0x4f: {  	_ =	shalt  }
0x50: {  	_ =	shalt  }
0x51: {  	_ =	shalt  }
0x52: {  	_ =	shalt  }
0x53: {  	_ =	shalt  }
0x54: {  	_ =	shalt  }
0x55: {  	_ =	shalt  }
0x56: {  	_ =	shalt  }
0x57: {  	_ =	shalt  }
0x58: {  	_ =	shalt  }
0x59: {  	_ =	shalt  }
0x5a: {  	_ =	shalt  }
0x5b: {  	_ =	shalt  }
0x5c: {  	_ =	shalt  }
0x5d: {  	_ =	shalt  }
0x5e: {  	_ =	shalt  }
0x5f: {  	_ =	shalt  }
0x60: {  	_ =	shalt  }
0x61: {  	_ =	shalt  }
0x62: {  	_ =	shalt  }
0x63: {  	_ =	shalt  }
0x64: {  	_ =	shalt  }
0x65: {  	_ =	shalt  }
0x66: {  	_ =	shalt  }
0x67: {  	_ =	shalt  }
0x68: {  	_ =	shalt  }
0x69: {  	_ =	shalt  }
0x6a: {  	_ =	shalt  }
0x6b: {  	_ =	shalt  }
0x6c: {  	_ =	shalt  }
0x6d: {  	_ =	shalt  }
0x6e: {  	_ =	shalt  }
0x6f: {  	_ =	shalt  }
0x70: {  	_ =	shalt  }
0x71: {  	_ =	shalt  }
0x72: {  	_ =	shalt  }
0x73: {  	_ =	shalt  }
0x74: {  	_ =	shalt  }
0x75: {  	_ =	shalt  }
0x76: {  	_ =	shalt  }
0x77: {  	_ =	shalt  }
0x78: {  	_ =	shalt  }
0x79: {  	_ =	shalt  }
0x7a: {  	_ =	shalt  }
0x7b: {  	_ =	shalt  }
0x7c: {  	_ =	shalt  }
0x7d: {  	_ =	shalt  }
0x7e: {  	_ =	shalt  }
0x7f: {  	_ =	shalt  }
0x80: {  	_ =	shalt  }
0x81: {  	_ =	shalt  }
0x82: {  	_ =	shalt  }
0x83: {  	_ =	shalt  }
0x84: {  	_ =	shalt  }
0x85: {  	_ =	shalt  }
0x86: {  	_ =	shalt  }
0x87: {  	_ =	shalt  }
.Lfunc_end0:
.L_simem_size_0:
called_computation.1_lowered:
.L_overlay_start_0:
0x88: {  	s2 =	sld [smem:$0x3FD9]  }
0x89: {  	s3 =	sld [smem:$0x3FFE];
	_ =	sdelay $0x1  }
0x8a: {  	s1 =	srdreg.scid  }
0x8b: {  	s0 =	sand.u32 $0x1, s1  }
0x8c: {  	s17 =	sshll.u32 s0, $0xA;
	s2 =	sadd.s32 s3, s2  }
0x8d: {  	s2 =	sadd.s32 s2, s17  }
0x8e: {  	[smem:$0x3FC0] =	sst s2  }
0x8f: {  	_ = 	snop  }
0x90: {  	s2 =	sld [smem:$0x3FD0];
	(tm) =	ssettm $0x1  }
0x91: {  	s18 =	sld [smem:$0x3FFB];
	_ =	sdelay $0x3  }
0x92: {  	_ =	strace s18  }
0x93: {  	s3 =	sld [smem:$0x3FFC];
	_ =	sdelay $0x3  }
0x94: {  	_ =	strace s3  }
0x95: {  	s3 =	sld [smem:$0x3FFD];
	_ =	sdelay $0x3  }
0x96: {  	_ =	strace s3  }
0x97: {  	_ =	strace $0x8FFFFFFF  }
0x98: {  	s19 =	sld [smem:$0x3FDB];
	_ =	sdelay $0x1  }
0x99: {  	s4 =	simm.s32 $_scs_section_size  }
0x9a: {  	s5 =	simm.s32 $_size__tile_overlayer_lowered;
	s6 =	simm.s32 $_tile_overlayer_lowered  }
0x9b: {  	s22 =	simm.s32 $0x1BFF;
	s21 =	sshll.u32 s6, $0x1;
	s3 =	sadd.s32 s4, s19  }
0x9c: {  	s7 =	simm.s32 $0x0;
	s20 =	sshll.u32 s5, $0x1;
	s5 =	sadd.s32 s21, s3  }
0x9d: {  	[timem:s7], [sflag:s22] =	dma.local [hbm:s5], s20  }
0x9e: {  	_ =	swait.ge [sflag:s22], s20  }
0x9f: {  	s4 =	ssub.s32 $0x0, s20;
	[sflag:s22] =	ssyncset.done $0x0  }
0xa0: {  	[sflag:s22] =	ssyncadd.s32 s4;
	_ =	sdelay $0x1  }
0xa1: {  	s23 =	simm.s32 $0x1B8B  }
0xa2: {  	_ =	swait.ge [sflag:s23], $0x1  }
0xa3: {  	[sflag:s23] =	ssyncset.done $0x0  }
0xa4: {  	s25 =	simm.s32 $0x1B8E;
	s24 =	sld [smem:$0x3FFE];
	[sflag:s23] =	ssyncadd.s32 $0xFFFFFFFF  }
0xa5: {  	s26 =	simm.s32 $execute0_lowered;
	[smem:$0x3FD2] =	sst s25  }
0xa6: {  	s5 =	sshll.u32 s26, $0x1;
	_ =	strace $0x80000049;
	[dreg:$0x1] =	wrdreg $0xFFFFFFFF  }
0xa7: {  	s28 =	simm.s32 $_size_execute0_lowered;
	s3 =	sadd.s32 s3, s5;
	[dreg:$0x0] =	wrdreg $0x0  }
0xa8: {  	s5 =	sshll.u32 s28, $0x1;
	[dreg:$0x2] =	wrdreg s3  }
0xa9: {  	[dreg:$0x3] =	wrdreg s5  }
0xaa: {  	[dreg:$0x4] =	wrdreg $0xC0  }
0xab: {  	_ =	task [dreg:s7], $0x5FFFF  }
0xac: {  	[dreg:$0x1] =	wrdreg $0xFFFFFFFF  }
0xad: {  	[dreg:$0x0] =	wrdreg $0x60  }
0xae: {  	[dreg:$0x2] =	wrdreg s2  }
0xaf: {  	[dreg:$0x3] =	wrdreg s24  }
0xb0: {  	[dreg:$0x4] =	wrdreg $0xA2800  }
0xb1: {  	[dreg:$0x5] =	wrdreg $0x9  }
0xb2: {  	_ =	task.clear_ibuf [dreg:s7], $0x6FFFF;
	_ =	strace $0x90000049  }
0xb3: {  	s29 =	simm.s32 $0x9;
	_ =	strace $0x8000004B  }
0xb4: {  	_ =	swait.ge [sflag:s29], $0x1  }
0xb5: {  	[sflag:s29] =	ssyncadd.s32 $0xFFFFFFFF  }
0xb6: {  	_ =	strace $0x9000004B  }
0xb7: {  	_ =	sfence  }
0xb8: {  	s30 =	sld [smem:$0x0];
	_ =	sdelay $0x2  }
0xb9: {  	s31 =	sshll.u32 s1, $0xD;
	s1 =	sshrl.u32 s1, $0x2  }
0xba: {  	s3 =	sand.u32 $0x4000, s31;
	s1 =	sadd.s32 s1, s30  }
0xbb: {  	s0 =	sor.u32 s3, s0;
	s1 =	sshll.u32 s1, $0x11  }
0xbc: {  	s0 =	sor.u32 s1, s0  }
0xbd: {  	s0 =	sadd.s32 $0x8F2B, s0  }
0xbe: {  	[sflag:s0] =	ssyncadd.remote.s32 $0x1  }
0xbf: {  	_ =	sfence.sel $0xFFFF  }
0xc0: {  	[dreg:$0x0] =	wrdreg $0xFFFFFFFF;
	(pc) =	sbr.abs _section_cstart, $3  }
0xc1: {  	[dreg:$0x1] =	wrdreg $0xFFFFFFFF  }
0xc2: {  	_ =	task.clear_ibuf [dreg:s7], $0x2FFFF;
	_ =	strace $0x9FFFFFFF  }
0xc3: {  	(tm) =	ssettm $0x7FFFFFFF  }
tec
execute0_lowered:
.L_overlay_start_1:
0x0: {  	(tag) =	ssettag $0x1  }
0x1: {  	s1 =	rddreg [dreg:$0x0]  }
0x2: {  	s0 =	rddreg [dreg:$0x1]  }
0x3: {  	s2 =	srdreg.scid;
	s10 =	stileid.u32  }
0x4: {  	s3 =	rddreg [dreg:$0x2];
	s4 =	simm.s32 $0x0;
	s5 =	smul.u32 $0x14000, s10  }
0x5: {  	s31 =	simm.s32 $0x40;
	s28 =	simm.s32 $0x8;
	s7 =	smul.u32 $0x50000, s10  }
0x6: {  	s2 =	sand.u32 $0x1, s2;
	[smem:$0x7FF] =	sst s4;
	s15 =	smul.u32 $0x140, s10  }
0x7: {  	s8 =	sadd.s32 $0x2800, s0;
	s23 =	sshll.u32 s10, $0x1;
	s21 =	smul.u32 $0xA00, s10  }
0x8: {  	s6 =	smul.u32 $0x140000, s2;
	_ =	strace $0x8000004A;
	s7 =	sshrl.u32 s7, $0x2  }
0x9: {  	s9 =	ssub.s32 $0x2, s2;
	s11 =	sadd.s32 s5, s3;
	s7 =	sadd.s32 s7, s3  }
0xa: {  	s17 =	smul.u32 $0xA0, s2;
	[dreg:$0x4] =	wrdreg s11;
	s24 =	sadd.s32 $0x2000, s7  }
0xb: {  	s22 =	sshrl.u32 s9, $0x1;
	s25 =	sadd.s32 $0x4000, s7;
	[dreg:$0x5] =	wrdreg s24  }
0xc: {  	s6 =	sadd.s32 s5, s6;
	s26 =	sadd.s32 $0x6000, s7;
	[dreg:$0x6] =	wrdreg s25  }
0xd: {  	s6 =	sshrl.u32 s6, $0x3;
	s30 =	sadd.s32 $0x8000, s7;
	[dreg:$0x7] =	wrdreg s26  }
0xe: {  	s12 =	sadd.s32 $0xA000, s7;
	s13 =	sadd.s32 $0xC000, s7;
	[dreg:$0x8] =	wrdreg s30  }
0xf: {  	s14 =	sadd.s32 $0xE000, s7;
	s0 =	sadd.s32 s6, s0;
	[dreg:$0x9] =	wrdreg s12  }
0x10: {  	s6 =	ssub.s32 s9, s22;
	s9 =	sor.u32 s2, s23;
	[dreg:$0xa] =	wrdreg s13  }
0x11: {  	[dreg:$0xb] =	wrdreg s14;
	s12 =	sadd.s32 $0x10000, s7;
	s7 =	sadd.s32 $0x12000, s7  }
0x12: {  	s2 =	smul.u32 $0x500, s2;
	s23 =	sadd.s32 s21, s8;
	s13 =	simm.s32 $0xE  }
0x13: {  	s21 =	simm.s32 $0x4;
	s14 =	simm.s32 $0xC;
	[dreg:$0xc] =	wrdreg s12  }
0x14: {  	s29 =	smul.u32 $0x2800, s9;
	[dreg:$0xe] =	wrdreg s7;
	s0 =	sadd.s32 $0x16800, s0  }
0x15: {  	s26 =	smax.u32 s6, $0x1;
	s7 =	simm.s32 $0x15;
	s12 =	simm.s32 $0x1  }
0x16: {  	s6 =	simm.s32 $0x0;
	[dreg:$0x15] =	wrdreg s0;
	s5 =	sshrl.u32 s29, $0x3  }
0x17: {  	[dreg:$0x16] =	wrdreg s26;
	s26 =	simm.s32 $0x14;
	s16 =	sadd.s32 s8, s5  }
0x18: {  	s5 =	sadd.s32 s17, s15;
	s18 =	sadd.s32 $0x8, s16;
	[dreg:$0xd] =	wrdreg s16  }
0x19: {  	s15 =	simm.s32 $0x6280;
	s19 =	sadd.s32 $0x10, s16;
	[dreg:$0xf] =	wrdreg s18  }
0x1a: {  	s17 =	simm.s32 $0x2;
	s20 =	sadd.s32 $0xA000, s16;
	[dreg:$0x10] =	wrdreg s19  }
0x1b: {  	s22 =	sadd.s32 $0xA008, s16;
	s5 =	sshll.u32 s5, $0x3;
	[dreg:$0x11] =	wrdreg s20  }
0x1c: {  	s24 =	sadd.s32 $0x18, s16;
	s25 =	sadd.s32 $0xA010, s16;
	[dreg:$0x12] =	wrdreg s22  }
0x1d: {  	s29 =	sadd.s32 $0xA018, s16;
	s30 =	sadd.s32 $0xA020, s16;
	[dreg:$0x13] =	wrdreg s24  }
.Ltmp0:
0x1e: {  	s16 =	simm.s32 $0x100;
	[dreg:$0x14] =	wrdreg s25;
	(pc) =	sbr.rel .LBB2_1-.Ltmp0, $4  }
0x1f: {  	s20 =	sadd.s32 s5, s8;
	s22 =	sadd.s32 s2, s23;
	[dreg:$0x17] =	wrdreg s29  }
0x20: {  	[dreg:$0x18] =	wrdreg s30;
	s2 =	simm.s32 $0x80;
	s8 =	simm.s32 $0xC0  }
0x21: {  	s18 =	simm.s32 $0xF;
	s19 =	simm.s32 $0x8280;
	s23 =	simm.s32 $0x13  }
0x22: {  	v0 =	vimm.f32 $0.0e+00;
	s24 =	simm.s32 $0x7;
	s25 =	simm.s32 $0x5;
	s5 =	simm.s32 $0xD  }
.LBB2_6:
0x23: {  	_ =	swait.ge [sflag:s25], $0x2000  }
0x24: {  	[sflag:s25] =	ssyncset.done $0x0  }
0x25: {  	[sflag:s25] =	ssyncadd.s32 $0xFFFFE000  }
0x26: {  	_ =	swait.ge [sflag:s26], $0x40  }
0x27: {  	[sflag:s26] =	ssyncset.done $0x0  }
0x28: {  	s0 =	simm.s32 $0x240;
	[sflag:s26] =	ssyncadd.s32 $0xFFFFFFC0  }
0x29: {  	[spmem:s3] =	stream.indirect.scatter.add.f32 [tilespmem:s19], [sflag:$0xA], $0x80, s0, s31, $0xb8;
	[tilespmem:$0x1E280] =	vst v63  }
0x2a: {  	_ =	swait.ge [sflag:s28], $0x2000  }
0x2b: {  	[sflag:s28] =	ssyncset.done $0x0  }
0x2c: {  	s9 =	simm.s32 $0x9;
	[sflag:s28] =	ssyncadd.s32 $0xFFFFE000  }
0x2d: {  	_ =	swait.ge [sflag:s9], $0x2000  }
0x2e: {  	[sflag:s9] =	ssyncset.done $0x0  }
0x2f: {  	s10 =	simm.s32 $0xA;
	[sflag:s9] =	ssyncadd.s32 $0xFFFFE000  }
0x30: {  	_ =	swait.ge [sflag:s10], $0x2000  }
0x31: {  	[sflag:s10] =	ssyncset.done $0x0  }
0x32: {  	[sflag:s10] =	ssyncadd.s32 $0xFFFFE000  }
0x33: {  	s11 =	stileid.u32;
	[bflag:$0x0] =	sbarrier.arrive $0xFFFF  }
0x34: {  	s0 =	sshll.u32 s11, $0x6;
	s11 =	rddreg [dreg:$0x4]  }
0x35: {  	s0 =	sor.u32 $0x1C15, s0;
	s7 =	rddreg [dreg:$0x15];
	s6 =	sshrl.u32 s11, $0x3  }
0x36: {  	[hbm:s7], [sflag:s0] =	dma.local [spmem:s6], $0x2800  }
0x37: {  	s7 =	simm.s32 $0x15  }
0x38: {  	_ =	swait.ge [sflag:s7], $0x2800  }
0x39: {  	s29 =	rddreg [dreg:$0x19]  }
0x3a: {  	s30 =	rddreg [dreg:$0x16];
	s6 =	sadd.s32 $0x1, s29  }
0x3b: {  	p0 =	sne.s32 s6, s30  }
.Ltmp1:
0x3c: {  	_ = 	snop;
	(pc) =	sbr.rel @!p0 .LBB2_7-.Ltmp1, $3  }
0x3d: {  	_ =	sdelay $0x1  }
0x3e: {  	[sflag:s7] =	ssyncset.done $0x0  }
0x3f: {  	[sflag:s7] =	ssyncadd.s32 $0xFFFFD800  }
.LBB2_1:
0x40: {  	[dreg:$0x19] =	wrdreg s6;
	s0 =	simm.s32 $0x0;
	s29 =	simm.s32 $0x200  }
.LBB2_2:
0x41: {  	p0 =	sne.s32 s29, $0x7E00;
	[tilespmem:s0+$0x2F0] =	vst v0  }
0x42: {  	[tilespmem:s0+$0x280] =	vst v0  }
0x43: {  	[tilespmem:s0+$0x290] =	vst v0  }
.Ltmp2:
0x44: {  	[tilespmem:s0+$0x2A0] =	vst v0;
	(pc) =	sbr.rel @p0 .LBB2_2-.Ltmp2, $4  }
0x45: {  	[tilespmem:s0+$0x2B0] =	vst v0  }
0x46: {  	[tilespmem:s0+$0x2C0] =	vst v0  }
0x47: {  	[tilespmem:s0+$0x2D0] =	vst v0  }
0x48: {  	[tilespmem:s0+$0x2E0] =	vst v0;
	s0 =	sshra.s32 s29, $0x2;
	s29 =	sadd.s32 $0x200, s29  }
0x49: {  	[tilespmem:s0+$0x2F0] =	vst v0  }
0x4a: {  	[tilespmem:s0+$0x280] =	vst v0  }
0x4b: {  	[tilespmem:s0+$0x290] =	vst v0  }
0x4c: {  	[tilespmem:s0+$0x2A0] =	vst v0  }
0x4d: {  	[tilespmem:s0+$0x2B0] =	vst v0  }
0x4e: {  	[tilespmem:s0+$0x2C0] =	vst v0  }
0x4f: {  	[tilespmem:s0+$0x2D0] =	vst v0  }
0x50: {  	[tilespmem:s0+$0x2E0] =	vst v0;
	s6 =	simm.s32 $0x280  }
0x51: {  	[spmem:s11] =	stream.linear.scatter [tilespmem:s6], [sflag:$0x15], $0x2000, $0x38;
	[tilespmem:$0x1E280] =	vst v63  }
0x52: {  	_ =	swait.ge [sflag:s7], $0x2000  }
0x53: {  	[sflag:s7] =	ssyncset.done $0x0  }
0x54: {  	s10 =	rddreg [dreg:$0x5];
	[sflag:s7] =	ssyncadd.s32 $0xFFFFE000  }
0x55: {  	[spmem:s10] =	stream.linear.scatter [tilespmem:s6], [sflag:$0x15], $0x2000, $0x38;
	[tilespmem:$0x1E280] =	vst v63  }
0x56: {  	_ =	swait.ge [sflag:s7], $0x2000  }
0x57: {  	[sflag:s7] =	ssyncset.done $0x0  }
0x58: {  	s11 =	rddreg [dreg:$0x6];
	[sflag:s7] =	ssyncadd.s32 $0xFFFFE000  }
0x59: {  	[spmem:s11] =	stream.linear.scatter [tilespmem:s6], [sflag:$0x15], $0x2000, $0x38;
	[tilespmem:$0x1E280] =	vst v63  }
0x5a: {  	_ =	swait.ge [sflag:s7], $0x2000  }
0x5b: {  	[sflag:s7] =	ssyncset.done $0x0  }
0x5c: {  	s30 =	rddreg [dreg:$0x7];
	[sflag:s7] =	ssyncadd.s32 $0xFFFFE000  }
0x5d: {  	[spmem:s30] =	stream.linear.scatter [tilespmem:s6], [sflag:$0x15], $0x2000, $0x38;
	[tilespmem:$0x1E280] =	vst v63  }
0x5e: {  	_ =	swait.ge [sflag:s7], $0x2000  }
0x5f: {  	[sflag:s7] =	ssyncset.done $0x0  }
0x60: {  	s9 =	rddreg [dreg:$0x8];
	[sflag:s7] =	ssyncadd.s32 $0xFFFFE000  }
0x61: {  	[spmem:s9] =	stream.linear.scatter [tilespmem:s6], [sflag:$0x15], $0x2000, $0x38;
	[tilespmem:$0x1E280] =	vst v63  }
0x62: {  	_ =	swait.ge [sflag:s7], $0x2000  }
0x63: {  	[sflag:s7] =	ssyncset.done $0x0  }
0x64: {  	s10 =	rddreg [dreg:$0x9];
	[sflag:s7] =	ssyncadd.s32 $0xFFFFE000  }
0x65: {  	[spmem:s10] =	stream.linear.scatter [tilespmem:s6], [sflag:$0x15], $0x2000, $0x38;
	[tilespmem:$0x1E280] =	vst v63  }
0x66: {  	_ =	swait.ge [sflag:s7], $0x2000  }
0x67: {  	[sflag:s7] =	ssyncset.done $0x0  }
0x68: {  	s11 =	rddreg [dreg:$0xa];
	[sflag:s7] =	ssyncadd.s32 $0xFFFFE000  }
0x69: {  	[spmem:s11] =	stream.linear.scatter [tilespmem:s6], [sflag:$0x15], $0x2000, $0x38;
	[tilespmem:$0x1E280] =	vst v63  }
0x6a: {  	_ =	swait.ge [sflag:s7], $0x2000  }
0x6b: {  	[sflag:s7] =	ssyncset.done $0x0  }
0x6c: {  	s30 =	rddreg [dreg:$0xb];
	[sflag:s7] =	ssyncadd.s32 $0xFFFFE000  }
0x6d: {  	[spmem:s30] =	stream.linear.scatter [tilespmem:s6], [sflag:$0x15], $0x2000, $0x38;
	[tilespmem:$0x1E280] =	vst v63  }
0x6e: {  	_ =	swait.ge [sflag:s7], $0x2000  }
0x6f: {  	[sflag:s7] =	ssyncset.done $0x0  }
0x70: {  	s9 =	rddreg [dreg:$0xc];
	[sflag:s7] =	ssyncadd.s32 $0xFFFFE000  }
0x71: {  	[spmem:s9] =	stream.linear.scatter [tilespmem:s6], [sflag:$0x15], $0x2000, $0x38;
	[tilespmem:$0x1E280] =	vst v63  }
0x72: {  	_ =	swait.ge [sflag:s7], $0x2000  }
0x73: {  	[sflag:s7] =	ssyncset.done $0x0  }
0x74: {  	s10 =	rddreg [dreg:$0xe];
	[sflag:s7] =	ssyncadd.s32 $0xFFFFE000  }
0x75: {  	[spmem:s10] =	stream.linear.scatter [tilespmem:s6], [sflag:$0x15], $0x2000, $0x38;
	[tilespmem:$0x1E280] =	vst v63  }
0x76: {  	_ =	swait.ge [sflag:s7], $0x2000  }
0x77: {  	[sflag:s7] =	ssyncset.done $0x0  }
0x78: {  	[sflag:s7] =	ssyncadd.s32 $0xFFFFE000  }
0x79: {  	[bflag:$0x0] =	sbarrier.arrive $0xFFFF  }
0x7a: {  	s29 =	simm.s32 $0x0;
	s11 =	rddreg [dreg:$0xd]  }
0x7b: {  	[tilespmem:s29], [sflag:$0x15] =	stream.linear.gather [hbm4b:s11+s29], $0x40, $0x38;
	[tilespmem:$0x1E280] =	vst v63  }
0x7c: {  	_ =	swait.ge [sflag:s7], $0x40  }
0x7d: {  	[sflag:s7] =	ssyncset.done $0x0  }
0x7e: {  	s30 =	rddreg [dreg:$0xf];
	[sflag:s7] =	ssyncadd.s32 $0xFFFFFFC0  }
0x7f: {  	[tilespmem:s31], [sflag:$0x15] =	stream.linear.gather [hbm4b:s30+s29], $0x40, $0x38;
	[tilespmem:$0x1E280] =	vst v63  }
0x80: {  	_ =	swait.ge [sflag:s7], $0x40  }
0x81: {  	[sflag:s7] =	ssyncset.done $0x0  }
0x82: {  	s9 =	rddreg [dreg:$0x10];
	[sflag:s7] =	ssyncadd.s32 $0xFFFFFFC0  }
0x83: {  	[tilespmem:s2], [sflag:$0x15] =	stream.linear.gather [hbm4b:s9+s29], $0x40, $0x38;
	[tilespmem:$0x1E280] =	vst v63  }
0x84: {  	_ =	swait.ge [sflag:s7], $0x40  }
0x85: {  	[sflag:s7] =	ssyncset.done $0x0  }
0x86: {  	s9 =	simm.s32 $0x140;
	s10 =	rddreg [dreg:$0x11];
	[sflag:s7] =	ssyncadd.s32 $0xFFFFFFC0  }
0x87: {  	[tilespmem:s9], [sflag:$0x15] =	stream.linear.gather [hbm4b:s10+s29], $0x40, $0x38;
	[tilespmem:$0x1E280] =	vst v63  }
0x88: {  	_ =	swait.ge [sflag:s7], $0x40  }
0x89: {  	[sflag:s7] =	ssyncset.done $0x0  }
0x8a: {  	s30 =	simm.s32 $0x180;
	s11 =	rddreg [dreg:$0x12];
	[sflag:s7] =	ssyncadd.s32 $0xFFFFFFC0  }
0x8b: {  	[tilespmem:s30], [sflag:$0x15] =	stream.linear.gather [hbm4b:s11+s29], $0x40, $0x38;
	[tilespmem:$0x1E280] =	vst v63  }
0x8c: {  	_ =	swait.ge [sflag:s7], $0x40  }
0x8d: {  	[sflag:s7] =	ssyncset.done $0x0  }
0x8e: {  	[sflag:s7] =	ssyncadd.s32 $0xFFFFFFC0  }
0x8f: {  	[tilespmem:s6], [sflag:$0x1] =	stream.indirect.gather [hbm4b:s1+s31], $0x80, s29, s31, $0xb8;
	[tilespmem:$0x1E280] =	vst v63  }
0x90: {  	s10 =	simm.s32 $0x2280  }
0x91: {  	[tilespmem:s10], [sflag:$0x2] =	stream.indirect.gather [hbm4b:s1+s31], $0x80, s31, s31, $0xb8;
	[tilespmem:$0x1E280] =	vst v63  }
0x92: {  	s11 =	simm.s32 $0x4280  }
0x93: {  	[tilespmem:s11], [sflag:$0x3] =	stream.indirect.gather [hbm4b:s1+s31], $0x80, s2, s31, $0xb8;
	[tilespmem:$0x1E280] =	vst v63  }
0x94: {  	s30 =	rddreg [dreg:$0x13]  }
0x95: {  	[tilespmem:s8], [sflag:$0xE] =	stream.linear.gather [hbm4b:s30+s29], $0x40, $0x38;
	[tilespmem:$0x1E280] =	vst v63  }
0x96: {  	s7 =	simm.s32 $0x1C0;
	s6 =	rddreg [dreg:$0x14]  }
0x97: {  	[tilespmem:s7], [sflag:$0x12] =	stream.linear.gather [hbm4b:s6+s29], $0x40, $0x38;
	[tilespmem:$0x1E280] =	vst v63  }
0x98: {  	s9 =	rddreg [dreg:$0x17];
	s10 =	simm.s32 $0x200  }
0x99: {  	[tilespmem:s10], [sflag:$0x13] =	stream.linear.gather [hbm4b:s9+s29], $0x40, $0x38;
	[tilespmem:$0x1E280] =	vst v63  }
0x9a: {  	s11 =	rddreg [dreg:$0x18];
	s30 =	simm.s32 $0x240  }
0x9b: {  	[tilespmem:s30], [sflag:$0x14] =	stream.linear.gather [hbm4b:s11+s29], $0x40, $0x38;
	[tilespmem:$0x1E280] =	vst v63  }
.LBB2_4:
0x9c: {  	_ =	swait.ge [sflag:s12], $0x2000;
	p0 =	seq.s32 s29, $0x0  }
0x9d: {  	[sflag:s12] =	ssyncset.done $0x0;
	s6 =	simm.s32 @p0 $0x40  }
0x9e: {  	s0 =	simm.s32 @p0 $0x140;
	s7 =	simm.s32 @p0 $0x280;
	[sflag:s12] =	ssyncadd.s32 $0xFFFFE000  }
0x9f: {  	[spmem:s3] =	stream.indirect.scatter.add.f32 @p0 [tilespmem:s7], [sflag:$0x6], $0x80, s0, s6, $0xb8;
	[tilespmem:$0x1E280] =	vst v63  }
0xa0: {  	s0 =	simm.s32 @!p0 $0x10  }
0xa1: {  	_ =	swait.ge @!p0 [sflag:s0], $0x40  }
0xa2: {  	s9 =	simm.s32 @!p0 $0x280;
	[sflag:s0] =	ssyncset.done @!p0 $0x0  }
0xa3: {  	s7 =	simm.s32 @!p0 $0x40;
	[sflag:s0] =	ssyncadd.s32 @!p0 $0xFFFFFFC0;
	s0 =	simm.s32 @!p0 $0x140  }
0xa4: {  	[spmem:s3] =	stream.indirect.scatter.add.f32 @!p0 [tilespmem:s9], [sflag:$0x6], $0x80, s0, s7, $0xb8;
	[tilespmem:$0x1E280] =	vst v63  }
0xa5: {  	s0 =	simm.s32 @!p0 $0x9  }
0xa6: {  	_ =	swait.ge @!p0 [sflag:s0], $0x2000  }
0xa7: {  	s10 =	simm.s32 @!p0 $0x0;
	s9 =	sadd.s32 @!p0 s29, s22;
	[sflag:s0] =	ssyncset.done @!p0 $0x0  }
0xa8: {  	s11 =	simm.s32 @!p0 $0x200;
	[sflag:s0] =	ssyncadd.s32 @!p0 $0xFFFFE000;
	s0 =	sadd.s32 @!p0 $0xA018, s9  }
0xa9: {  	[tilespmem:s11], [sflag:$0x13] =	stream.linear.gather @!p0 [hbm4b:s0+s10], $0x40, $0x38;
	[tilespmem:$0x1E280] =	vst v63  }
0xaa: {  	_ =	swait.ge [sflag:s13], $0x40  }
0xab: {  	[sflag:s13] =	ssyncset.done $0x0  }
0xac: {  	s0 =	sadd.s32 s29, s20;
	[sflag:s13] =	ssyncadd.s32 $0xFFFFFFC0  }
0xad: {  	[tilespmem:s15], [sflag:$0x4] =	stream.indirect.gather [hbm4b:s1+s31], $0x80, s8, s31, $0xb8;
	[tilespmem:$0x1E280] =	vst v63  }
0xae: {  	s30 =	sadd.s32 $0x20, s0  }
0xaf: {  	[tilespmem:s16], [sflag:$0xF] =	stream.linear.gather [hbm4b:s30+s4], $0x40, $0x38;
	[tilespmem:$0x1E280] =	vst v63  }
0xb0: {  	_ =	swait.ge [sflag:s17], $0x2000  }
0xb1: {  	[sflag:s17] =	ssyncset.done $0x0  }
0xb2: {  	s11 =	simm.s32 @p0 $0x180;
	s30 =	simm.s32 @p0 $0x2280;
	[sflag:s17] =	ssyncadd.s32 $0xFFFFE000  }
0xb3: {  	[spmem:s3] =	stream.indirect.scatter.add.f32 @p0 [tilespmem:s30], [sflag:$0x7], $0x80, s11, s6, $0xb8;
	[tilespmem:$0x1E280] =	vst v63  }
0xb4: {  	s6 =	simm.s32 @!p0 $0x11  }
0xb5: {  	_ =	swait.ge @!p0 [sflag:s6], $0x40  }
0xb6: {  	[sflag:s6] =	ssyncset.done @!p0 $0x0  }
0xb7: {  	s11 =	simm.s32 @!p0 $0x2280;
	[sflag:s6] =	ssyncadd.s32 @!p0 $0xFFFFFFC0;
	s6 =	simm.s32 @!p0 $0x180  }
0xb8: {  	[spmem:s3] =	stream.indirect.scatter.add.f32 @!p0 [tilespmem:s11], [sflag:$0x7], $0x80, s6, s7, $0xb8;
	[tilespmem:$0x1E280] =	vst v63  }
0xb9: {  	s6 =	simm.s32 @!p0 $0xA  }
0xba: {  	_ =	swait.ge @!p0 [sflag:s6], $0x2000  }
0xbb: {  	[sflag:s6] =	ssyncset.done @!p0 $0x0  }
0xbc: {  	s7 =	simm.s32 @!p0 $0x240;
	[sflag:s6] =	ssyncadd.s32 @!p0 $0xFFFFE000;
	s6 =	sadd.s32 @!p0 $0xA020, s9  }
0xbd: {  	[tilespmem:s7], [sflag:$0x14] =	stream.linear.gather @!p0 [hbm4b:s6+s10], $0x40, $0x38;
	[tilespmem:$0x1E280] =	vst v63  }
0xbe: {  	_ =	swait.ge [sflag:s18], $0x40  }
0xbf: {  	p0 =	seq.s32 s29, $0x4D8;
	[sflag:s18] =	ssyncset.done $0x0  }
0xc0: {  	s6 =	simm.s32 @p0 $0x3;
	[sflag:s18] =	ssyncadd.s32 $0xFFFFFFC0  }
0xc1: {  	[tilespmem:s19], [sflag:$0x5] =	stream.indirect.gather [hbm4b:s1+s31], $0x80, s16, s31, $0xb8;
	[tilespmem:$0x1E280] =	vst v63  }
0xc2: {  	_ =	swait.ge @p0 [sflag:s6], $0x2000  }
0xc3: {  	[sflag:s6] =	ssyncset.done @p0 $0x0  }
0xc4: {  	[sflag:s6] =	ssyncadd.s32 @p0 $0xFFFFE000;
	s6 =	simm.s32 @p0 $0x12  }
0xc5: {  	_ =	swait.ge @p0 [sflag:s6], $0x40  }
0xc6: {  	s7 =	simm.s32 @p0 $0x1C0;
	[sflag:s6] =	ssyncset.done @p0 $0x0  }
0xc7: {  	s9 =	simm.s32 @p0 $0x4280;
	[sflag:s6] =	ssyncadd.s32 @p0 $0xFFFFFFC0;
	s6 =	simm.s32 @p0 $0x40  }
0xc8: {  	[spmem:s3] =	stream.indirect.scatter.add.f32 @p0 [tilespmem:s9], [sflag:$0x8], $0x80, s7, s6, $0xb8;
	[tilespmem:$0x1E280] =	vst v63  }
0xc9: {  	s6 =	simm.s32 @p0 $0x6  }
0xca: {  	_ =	swait.ge @p0 [sflag:s6], $0x2000  }
0xcb: {  	s7 =	sadd.s32 @!p0 s29, s20;
	[sflag:s6] =	ssyncset.done @p0 $0x0  }
0xcc: {  	s9 =	simm.s32 @!p0 $0x0;
	[sflag:s6] =	ssyncadd.s32 @p0 $0xFFFFE000;
	s6 =	sadd.s32 @!p0 $0x28, s7  }
0xcd: {  	[tilespmem:s9], [sflag:$0xB] =	stream.linear.gather @!p0 [hbm4b:s6+s9], $0x40, $0x38;
	[tilespmem:$0x1E280] =	vst v63  }
0xce: {  	s6 =	simm.s32 @!p0 $0x3  }
0xcf: {  	_ =	swait.ge @!p0 [sflag:s6], $0x2000  }
0xd0: {  	[sflag:s6] =	ssyncset.done @!p0 $0x0  }
0xd1: {  	[sflag:s6] =	ssyncadd.s32 @!p0 $0xFFFFE000;
	s6 =	simm.s32 @!p0 $0x12  }
0xd2: {  	_ =	swait.ge @!p0 [sflag:s6], $0x40  }
0xd3: {  	s10 =	simm.s32 @!p0 $0x1C0;
	[sflag:s6] =	ssyncset.done @!p0 $0x0  }
0xd4: {  	s11 =	simm.s32 @!p0 $0x4280;
	[sflag:s6] =	ssyncadd.s32 @!p0 $0xFFFFFFC0;
	s6 =	simm.s32 @!p0 $0x40  }
0xd5: {  	[spmem:s3] =	stream.indirect.scatter.add.f32 @!p0 [tilespmem:s11], [sflag:$0x8], $0x80, s10, s6, $0xb8;
	[tilespmem:$0x1E280] =	vst v63  }
0xd6: {  	s10 =	simm.s32 @!p0 $0x6  }
0xd7: {  	_ =	swait.ge @!p0 [sflag:s10], $0x2000  }
0xd8: {  	s11 =	sadd.s32 @!p0 s29, s22;
	[sflag:s10] =	ssyncset.done @!p0 $0x0  }
0xd9: {  	[sflag:s10] =	ssyncadd.s32 @!p0 $0xFFFFE000;
	s10 =	sadd.s32 @!p0 $0xA028, s11;
	s11 =	simm.s32 @!p0 $0x140  }
0xda: {  	[tilespmem:s11], [sflag:$0x10] =	stream.linear.gather @!p0 [hbm4b:s10+s9], $0x40, $0x38;
	[tilespmem:$0x1E280] =	vst v63  }
0xdb: {  	s10 =	simm.s32 @!p0 $0xB  }
0xdc: {  	_ =	swait.ge @!p0 [sflag:s10], $0x40  }
0xdd: {  	[sflag:s10] =	ssyncset.done @!p0 $0x0  }
0xde: {  	[sflag:s10] =	ssyncadd.s32 @!p0 $0xFFFFFFC0;
	s10 =	simm.s32 @!p0 $0x280  }
0xdf: {  	[tilespmem:s10], [sflag:$0x1] =	stream.indirect.gather @!p0 [hbm4b:s1+s6], $0x80, s9, s6, $0xb8;
	[tilespmem:$0x1E280] =	vst v63  }
0xe0: {  	s7 =	sadd.s32 @!p0 $0x30, s7  }
0xe1: {  	[tilespmem:s6], [sflag:$0xC] =	stream.linear.gather @!p0 [hbm4b:s7+s9], $0x40, $0x38;
	[tilespmem:$0x1E280] =	vst v63  }
0xe2: {  	_ =	swait.ge [sflag:s21], $0x2000  }
0xe3: {  	[sflag:s21] =	ssyncset.done $0x0  }
0xe4: {  	[sflag:s21] =	ssyncadd.s32 $0xFFFFE000  }
0xe5: {  	_ =	swait.ge [sflag:s23], $0x40  }
0xe6: {  	[sflag:s23] =	ssyncset.done $0x0  }
.Ltmp3:
0xe7: {  	s30 =	simm.s32 $0x200;
	[sflag:s23] =	ssyncadd.s32 $0xFFFFFFC0;
	(pc) =	sbr.rel @p0 .LBB2_6-.Ltmp3, $4  }
0xe8: {  	[spmem:s3] =	stream.indirect.scatter.add.f32 [tilespmem:s15], [sflag:$0x9], $0x80, s30, s31, $0xb8;
	[tilespmem:$0x1E280] =	vst v63  }
0xe9: {  	_ =	swait.ge [sflag:s24], $0x2000  }
0xea: {  	[sflag:s24] =	ssyncset.done $0x0  }
0xeb: {  	[sflag:s24] =	ssyncadd.s32 $0xFFFFE000  }
0xec: {  	s6 =	sadd.s32 s29, s22  }
0xed: {  	s9 =	simm.s32 $0x180;
	s7 =	sadd.s32 $0xA030, s6  }
0xee: {  	[tilespmem:s9], [sflag:$0x11] =	stream.linear.gather [hbm4b:s7+s4], $0x40, $0x38;
	[tilespmem:$0x1E280] =	vst v63  }
0xef: {  	_ =	swait.ge [sflag:s14], $0x40  }
0xf0: {  	[sflag:s14] =	ssyncset.done $0x0  }
0xf1: {  	s11 =	simm.s32 $0x2280;
	[sflag:s14] =	ssyncadd.s32 $0xFFFFFFC0  }
0xf2: {  	[tilespmem:s11], [sflag:$0x2] =	stream.indirect.gather [hbm4b:s1+s31], $0x80, s31, s31, $0xb8;
	[tilespmem:$0x1E280] =	vst v63  }
0xf3: {  	s30 =	sadd.s32 $0x38, s0  }
0xf4: {  	[tilespmem:s2], [sflag:$0xD] =	stream.linear.gather [hbm4b:s30+s4], $0x40, $0x38;
	[tilespmem:$0x1E280] =	vst v63  }
0xf5: {  	_ =	swait.ge [sflag:s25], $0x2000  }
0xf6: {  	[sflag:s25] =	ssyncset.done $0x0  }
0xf7: {  	[sflag:s25] =	ssyncadd.s32 $0xFFFFE000  }
0xf8: {  	_ =	swait.ge [sflag:s26], $0x40  }
0xf9: {  	[sflag:s26] =	ssyncset.done $0x0  }
0xfa: {  	s9 =	simm.s32 $0x240;
	[sflag:s26] =	ssyncadd.s32 $0xFFFFFFC0  }
0xfb: {  	[spmem:s3] =	stream.indirect.scatter.add.f32 [tilespmem:s19], [sflag:$0xA], $0x80, s9, s31, $0xb8;
	[tilespmem:$0x1E280] =	vst v63  }
0xfc: {  	_ =	swait.ge [sflag:s28], $0x2000  }
0xfd: {  	[sflag:s28] =	ssyncset.done $0x0  }
0xfe: {  	s10 =	simm.s32 $0x1C0;
	s6 =	sadd.s32 $0xA038, s6;
	[sflag:s28] =	ssyncadd.s32 $0xFFFFE000  }
0xff: {  	[tilespmem:s10], [sflag:$0x12] =	stream.linear.gather [hbm4b:s6+s4], $0x40, $0x38;
	[tilespmem:$0x1E280] =	vst v63  }
0x100: {  	_ =	swait.ge [sflag:s5], $0x40  }
.Ltmp4:
0x101: {  	[sflag:s5] =	ssyncset.done $0x0;
	(pc) =	sbr.rel .LBB2_4-.Ltmp4, $4  }
0x102: {  	s11 =	simm.s32 $0x4280;
	[sflag:s5] =	ssyncadd.s32 $0xFFFFFFC0  }
0x103: {  	[tilespmem:s11], [sflag:$0x3] =	stream.indirect.gather [hbm4b:s1+s31], $0x80, s2, s31, $0xb8;
	[tilespmem:$0x1E280] =	vst v63  }
0x104: {  	s29 =	sadd.s32 $0x28, s29;
	s30 =	sadd.s32 $0x40, s0  }
0x105: {  	[tilespmem:s8], [sflag:$0xE] =	stream.linear.gather [hbm4b:s30+s4], $0x40, $0x38;
	[tilespmem:$0x1E280] =	vst v63  }
.LBB2_7:
0x106: {  	_ =	sfence.sel $0x180000  }
0x107: {  	[bflag:$0x0] =	sbarrier.arrive $0xFFFF  }
0x108: {  	_ =	strace $0x9000004A  }
0x109: {  	s0 =	stileid.u32;
	[bflag:$0x2] =	sbarrier.arrive $0xFFFF  }
0x10a: {  	p0 =	sne.s32 s0, $0x0;
	s0 =	rddreg [dreg:$0x3]  }
0x10b: {  	s0 =	sadd.s32 @!p0 $0x100000, s0  }
0x10c: {  	[sflag:s0] =	ssyncadd.tile.s32 @!p0 $0x1;
	_ =	shalt  }
.Lfunc_end2:
_tile_overlayer_lowered:
.L_overlay_start_2:
0x10d: {  	(tag) =	ssettag $0x2  }
0x10e: {  	s0 =	rddreg [dreg:$0x0];
	s2 =	stileid.u32  }
0x10f: {  	s1 =	rddreg [dreg:$0x1];
	p0 =	sne.s32 s2, $0x0  }
0x110: {  	s3 =	rddreg [dreg:$0x2];
	[bflag:$0x3] =	sbarrier.arrive $0xFFFF;
	s2 =	simm.s32 @!p0 $0x1C15  }
0x111: {  	[timem:s3], [sflag:s2] =	dma.local @!p0 [hbm:s0], s1  }
0x112: {  	s0 =	simm.s32 @!p0 $0x15  }
0x113: {  	_ =	swait.ge @!p0 [sflag:s0], s1  }
0x114: {  	s1 =	ssub.s32 @!p0 $0x0, s1;
	[sflag:s0] =	ssyncset.done @!p0 $0x0  }
0x115: {  	[sflag:s0] =	ssyncadd.s32 @!p0 s1  }
0x116: {  	[bflag:$0x3] =	sbarrier.arrive $0xFFFF  }
0x117: {  	_ =	shalt  }

</sc_bundles>
